<compile_context>
chip_gen: v7x
topology: tpu7x:2x2x1
jax: 0.10.2.dev20260603
libtpu: 0.0.44.dev20260713+nightly
codegen_flags: <defaults>
</compile_context>

<pallas_src>
import functools

import jax
import jax.numpy as jnp
from jax import lax
from jax.experimental import pallas as pl
from jax.experimental.pallas import tpu as pltpu
from jax.experimental.pallas import tpu_sc as plsc

N_NODES = 10000
N_EDGES = 160000
D = 256
DQ = D // 2
NC = 2
NS = 16
EDGES_PER_TILE = N_EDGES // NS
CHUNK = 125
NCHUNK = EDGES_PER_TILE // CHUNK
HALF = NCHUNK // 2
ROWS_PER_TILE = 624
TAIL_ROWS = N_NODES - NS * ROWS_PER_TILE
TAIL_OFF = NS * ROWS_PER_TILE


def _sc_body(x_all, src4, dst4, zeros, out0, out1,
             src_vm, dst_vm, rows0, rows1, agg_sh, gsem0, gsem1):
    c = lax.axis_index("c")
    s = lax.axis_index("s")
    r0 = s * ROWS_PER_TILE

    def zero_agg():
        pltpu.sync_copy(zeros, agg_sh.at[pl.ds(r0, ROWS_PER_TILE)])
        pl.when(s == 0)(lambda: pltpu.sync_copy(
            zeros.at[pl.ds(0, TAIL_ROWS)],
            agg_sh.at[pl.ds(TAIL_OFF, TAIL_ROWS)]))

    def accumulate(col0):
        table = x_all.at[:, pl.ds(col0, DQ)]
        bufs = ((rows0, gsem0), (rows1, gsem1))
        for h in range(NCHUNK // HALF):
            pltpu.sync_copy(src4.at[s, pl.ds(h * HALF, HALF)], src_vm)
            pltpu.sync_copy(dst4.at[s, pl.ds(h * HALF, HALF)], dst_vm)
            for b, (buf, gsem) in enumerate(bufs):
                pltpu.async_copy(table.at[src_vm.at[b]], buf, gsem)

            def outer(j, carry):
                for b, (buf, gsem) in enumerate(bufs):
                    jj = 2 * j + b
                    pltpu.make_async_copy(
                        table.at[src_vm.at[jj]], buf, gsem).wait()
                    pltpu.sync_copy(buf, agg_sh.at[dst_vm.at[jj]], add=True)
                    @pl.when(jj + 2 < HALF)
                    def _(buf=buf, gsem=gsem, jj=jj):
                        pltpu.async_copy(table.at[src_vm.at[jj + 2]], buf, gsem)
                return carry
            lax.fori_loop(0, HALF // 2, outer, 0)

    def writeout(out_ref):
        pltpu.sync_copy(agg_sh.at[pl.ds(r0, ROWS_PER_TILE)],
                        out_ref.at[pl.ds(r0, ROWS_PER_TILE)])
        pl.when(s == 0)(lambda: pltpu.sync_copy(
            agg_sh.at[pl.ds(TAIL_OFF, TAIL_ROWS)],
            out_ref.at[pl.ds(TAIL_OFF, TAIL_ROWS)]))

    zero_agg()
    plsc.subcore_barrier()

    accumulate(c * DQ)
    plsc.subcore_barrier()
    pl.when(c == 0)(lambda: writeout(out0))
    pl.when(c == 1)(lambda: writeout(out1))


_quarter = jax.ShapeDtypeStruct((N_NODES, DQ), jnp.float32)
_sc_scatter = functools.partial(
    pl.kernel,
    out_type=(_quarter, _quarter),
    mesh=plsc.VectorSubcoreMesh(core_axis_name="c", subcore_axis_name="s",
                                num_cores=NC, num_subcores=NS),
    scratch_types=[
        pltpu.VMEM((HALF, CHUNK), jnp.int32),
        pltpu.VMEM((HALF, CHUNK), jnp.int32),
        pltpu.VMEM((CHUNK, DQ), jnp.float32),
        pltpu.VMEM((CHUNK, DQ), jnp.float32),
        pltpu.VMEM_SHARED((N_NODES, DQ), jnp.float32),
        pltpu.SemaphoreType.DMA,
        pltpu.SemaphoreType.DMA,
    ],
)(_sc_body)


def _mlp_body(x_ref, a0_ref, a1_ref,
              w1_ref, b1_ref, w2_ref, b2_ref, o_ref):
    h = x_ref[...] + jnp.concatenate([a0_ref[...], a1_ref[...]], axis=1)
    h = jnp.dot(h, w1_ref[...], preferred_element_type=jnp.float32) + b1_ref[...]
    h = jnp.maximum(h, 0.0)
    o_ref[...] = (jnp.dot(h, w2_ref[...], preferred_element_type=jnp.float32)
                  + b2_ref[...])


BLK = 1000


def _mlp(x, aggs, w1, b1, w2, b2):
    return pl.pallas_call(
        _mlp_body,
        grid=(N_NODES // BLK,),
        in_specs=[
            pl.BlockSpec((BLK, D), lambda i: (i, 0)),
            pl.BlockSpec((BLK, DQ), lambda i: (i, 0)),
            pl.BlockSpec((BLK, DQ), lambda i: (i, 0)),
            pl.BlockSpec((D, D), lambda i: (0, 0)),
            pl.BlockSpec((1, D), lambda i: (0, 0)),
            pl.BlockSpec((D, D), lambda i: (0, 0)),
            pl.BlockSpec((1, D), lambda i: (0, 0)),
        ],
        out_specs=pl.BlockSpec((BLK, D), lambda i: (i, 0)),
        out_shape=jax.ShapeDtypeStruct((N_NODES, D), jnp.float32),
    )(x, *aggs, w1, b1.reshape(1, D), w2, b2.reshape(1, D))


def kernel(x, edge_index, W1, b1, W2, b2):
    ei = edge_index.astype(jnp.int32).reshape(2, NS, NCHUNK, CHUNK)
    zeros = jnp.zeros((ROWS_PER_TILE, DQ), jnp.float32)
    aggs = _sc_scatter(x, ei[0], ei[1], zeros)
    return _mlp(x, aggs, W1, b1, W2, b2)

# --- scband reference (transcript-rebuilt; emitter-appended) ---
"""Pipeline reference for scband-ginmodel-61538291417127 (READ-ONLY COPY).

The authoritative reference and input builder live on the scoring server;
editing this copy changes nothing except your own understanding.
"""

import jax, jax.numpy as jnp
import numpy as np

N_NODES = 10000
N_EDGES = 160000
D = 256
EPS = 0.0


def setup_inputs(seed: int = 0) -> dict:
    key = jax.random.key(seed)
    k_x, k_ei, k_w1, k_b1, k_w2, k_b2 = jax.random.split(key, 6)
    x = jax.random.normal(k_x, (N_NODES, D), dtype=jnp.float32)
    edge_index = jax.random.randint(k_ei, (2, N_EDGES), 0, N_NODES, dtype=jnp.int64)
    # MLP parameters for the GIN update network: Linear(256,256) -> ReLU -> Linear(256,256)
    W1 = jax.random.normal(k_w1, (D, D), dtype=jnp.float32) * (1.0 / np.sqrt(D))
    b1 = jnp.zeros((D,), dtype=jnp.float32)
    W2 = jax.random.normal(k_w2, (D, D), dtype=jnp.float32) * (1.0 / np.sqrt(D))
    b2 = jnp.zeros((D,), dtype=jnp.float32)
    return {"x": x, "edge_index": edge_index, "W1": W1, "b1": b1, "W2": W2, "b2": b2}


def reference(x, edge_index, W1, b1, W2, b2):
    # GINConv: out = nn((1 + eps) * x + sum_{j in N(i)} x_j)
    src = edge_index[0]
    dst = edge_index[1]
    msgs = jnp.take(x, src, axis=0)                      # gather source node features [E, D]
    agg = jax.ops.segment_sum(msgs, dst, num_segments=N_NODES)  # scatter-add at dst [N, D]
    h = (1.0 + EPS) * x + agg
    h = jnp.maximum(h @ W1 + b1, 0.0)                    # Linear + ReLU
    out = h @ W2 + b2                                    # Linear
    return out

if __name__ == "__main__":
    import jax
    _d = setup_inputs()
    print(jax.jit(kernel)(*tuple(_d.values())))

</pallas_src>

<mosaic_0001>
#map = affine_map<(d0, d1) -> (0, 0)>
#map1 = affine_map<(d0, d1) -> (0, 0, 0)>
module attributes {stable_mosaic.version = 14 : i64} {
  func.func @_sc_body(%arg0: i32, %arg1: i32, %arg2: memref<10000x256xf32, #tpu.memory_space<hbm>>, %arg3: memref<16x80x125xi32, #tpu.memory_space<hbm>>, %arg4: memref<16x80x125xi32, #tpu.memory_space<hbm>>, %arg5: memref<624x128xf32, #tpu.memory_space<hbm>>, %arg6: memref<10000x128xf32, #tpu.memory_space<hbm>>, %arg7: memref<10000x128xf32, #tpu.memory_space<hbm>>, %arg8: memref<40x125xi32, #tpu.memory_space<vmem>>, %arg9: memref<40x125xi32, #tpu.memory_space<vmem>>, %arg10: memref<125x128xf32, #tpu.memory_space<vmem>>, %arg11: memref<125x128xf32, #tpu.memory_space<vmem>>, %arg12: memref<10000x128xf32, #tpu.memory_space<vmem_shared>>, %arg13: memref<!tpu.dma_semaphore, #tpu.memory_space<semaphore_mem>>, %arg14: memref<!tpu.dma_semaphore, #tpu.memory_space<semaphore_mem>>) attributes {dimension_semantics = [#tpu.dimension_semantics<core_parallel>, #tpu.dimension_semantics<subcore_parallel>], iteration_bounds = array<i64: 2, 16>, scalar_prefetch = 0 : i64, scratch_operands = 7 : i64, tpu.core_type = #tpu.core_type<sc_vector_subcore>, window_params = [{transform_indices = #map}, {transform_indices = #map1}, {transform_indices = #map1}, {transform_indices = #map}, {transform_indices = #map}, {transform_indices = #map}]} {
    %mul3A = arith.constant 624 : i32
    %mul3A_0 = arith.muli %arg1, %mul3A : i32
    "tpu.region"() ({
      %run_scoped3A = tpu.sem_alloc : memref<!tpu.dma_semaphore, #tpu.memory_space<semaphore_mem>>
      %dma_start3A_62 = arith.constant 0 : i32
      %dma_start3A_63 = tpu.memref_slice %arg12[%mul3A_0, %dma_start3A_62] : memref<10000x128xf32, #tpu.memory_space<vmem_shared>> -> memref<624x128xf32, #tpu.memory_space<vmem_shared>>
      tpu.enqueue_dma source(%arg5 : memref<624x128xf32, #tpu.memory_space<hbm>>) target(%dma_start3A_63 : memref<624x128xf32, #tpu.memory_space<vmem_shared>>) target_semaphore(%run_scoped3A : memref<!tpu.dma_semaphore, #tpu.memory_space<semaphore_mem>>)
      %dma_wait3A = arith.constant 0 : i32
      %dma_wait3A_64 = tpu.memref_slice %arg12[%mul3A_0, %dma_wait3A] : memref<10000x128xf32, #tpu.memory_space<vmem_shared>> -> memref<624x128xf32, #tpu.memory_space<vmem_shared>>
      tpu.wait_dma2 semaphore(%run_scoped3A : memref<!tpu.dma_semaphore, #tpu.memory_space<semaphore_mem>>) src(%arg5 : memref<624x128xf32, #tpu.memory_space<hbm>>) dst(%dma_wait3A_64 : memref<624x128xf32, #tpu.memory_space<vmem_shared>>)
      tpu.yield
    }) : () -> ()
    %eq3A = arith.constant 0 : i32
    %eq3A_1 = arith.cmpi eq, %arg1, %eq3A : i32
    %convert_element_type3A = arith.extui %eq3A_1 : i1 to i32
    %cond3A = arith.constant 0 : i32
    %cond3A_2 = arith.cmpi ne, %convert_element_type3A, %cond3A : i32
    scf.if %cond3A_2 {
      "tpu.region"() ({
        %run_scoped3A = tpu.sem_alloc : memref<!tpu.dma_semaphore, #tpu.memory_space<semaphore_mem>>
        %dma_start3A_62 = arith.constant 9984 : i32
        %dma_start3A_63 = arith.constant 0 : i32
        %dma_start3A_64 = tpu.memref_slice %arg12[%dma_start3A_62, %dma_start3A_63] : memref<10000x128xf32, #tpu.memory_space<vmem_shared>> -> memref<16x128xf32, #tpu.memory_space<vmem_shared>>
        %dma_start3A_65 = arith.constant 0 : i32
        %dma_start3A_66 = arith.constant 0 : i32
        %dma_start3A_67 = tpu.memref_slice %arg5[%dma_start3A_65, %dma_start3A_66] : memref<624x128xf32, #tpu.memory_space<hbm>> -> memref<16x128xf32, #tpu.memory_space<hbm>>
        tpu.enqueue_dma source(%dma_start3A_67 : memref<16x128xf32, #tpu.memory_space<hbm>>) target(%dma_start3A_64 : memref<16x128xf32, #tpu.memory_space<vmem_shared>>) target_semaphore(%run_scoped3A : memref<!tpu.dma_semaphore, #tpu.memory_space<semaphore_mem>>)
        %dma_wait3A = arith.constant 9984 : i32
        %dma_wait3A_68 = arith.constant 0 : i32
        %dma_wait3A_69 = tpu.memref_slice %arg12[%dma_wait3A, %dma_wait3A_68] : memref<10000x128xf32, #tpu.memory_space<vmem_shared>> -> memref<16x128xf32, #tpu.memory_space<vmem_shared>>
        %dma_wait3A_70 = arith.constant 0 : i32
        %dma_wait3A_71 = arith.constant 0 : i32
        %dma_wait3A_72 = tpu.memref_slice %arg5[%dma_wait3A_70, %dma_wait3A_71] : memref<624x128xf32, #tpu.memory_space<hbm>> -> memref<16x128xf32, #tpu.memory_space<hbm>>
        tpu.wait_dma2 semaphore(%run_scoped3A : memref<!tpu.dma_semaphore, #tpu.memory_space<semaphore_mem>>) src(%dma_wait3A_72 : memref<16x128xf32, #tpu.memory_space<hbm>>) dst(%dma_wait3A_69 : memref<16x128xf32, #tpu.memory_space<vmem_shared>>)
        tpu.yield
      }) : () -> ()
    } else {
    }
    %barrier3A = arith.constant 0 : index
    tpu.barrier barrier_id(%barrier3A)
    %mul3A_3 = arith.constant 128 : i32
    %mul3A_4 = arith.muli %arg0, %mul3A_3 : i32
    "tpu.region"() ({
      %run_scoped3A = tpu.sem_alloc : memref<!tpu.dma_semaphore, #tpu.memory_space<semaphore_mem>>
      %dma_start3A_62 = arith.constant 0 : i32
      %dma_start3A_63 = arith.constant 0 : i32
      %dma_start3A_64 = tpu.memref_slice %arg3[%arg1, %dma_start3A_62, %dma_start3A_63] : memref<16x80x125xi32, #tpu.memory_space<hbm>> -> memref<1x40x125xi32, #tpu.memory_space<hbm>>
      %dma_start3A_65 = tpu.memref_squeeze %dma_start3A_64 : memref<1x40x125xi32, #tpu.memory_space<hbm>> -> memref<40x125xi32, #tpu.memory_space<hbm>>
      %dma_start3A_66 = arith.constant 0 : i32
      %dma_start3A_67 = arith.constant 0 : i32
      %dma_start3A_68 = tpu.memref_slice %arg3[%arg1, %dma_start3A_66, %dma_start3A_67] : memref<16x80x125xi32, #tpu.memory_space<hbm>> -> memref<1x40x125xi32, #tpu.memory_space<hbm>>
      %dma_start3A_69 = tpu.memref_squeeze %dma_start3A_68 : memref<1x40x125xi32, #tpu.memory_space<hbm>> -> memref<40x125xi32, #tpu.memory_space<hbm>>
      tpu.enqueue_dma source(%dma_start3A_69 : memref<40x125xi32, #tpu.memory_space<hbm>>) target(%arg8 : memref<40x125xi32, #tpu.memory_space<vmem>>) target_semaphore(%run_scoped3A : memref<!tpu.dma_semaphore, #tpu.memory_space<semaphore_mem>>)
      %dma_wait3A = arith.constant 0 : i32
      %dma_wait3A_70 = arith.constant 0 : i32
      %dma_wait3A_71 = tpu.memref_slice %arg3[%arg1, %dma_wait3A, %dma_wait3A_70] : memref<16x80x125xi32, #tpu.memory_space<hbm>> -> memref<1x40x125xi32, #tpu.memory_space<hbm>>
      %dma_wait3A_72 = tpu.memref_squeeze %dma_wait3A_71 : memref<1x40x125xi32, #tpu.memory_space<hbm>> -> memref<40x125xi32, #tpu.memory_space<hbm>>
      %dma_wait3A_73 = arith.constant 0 : i32
      %dma_wait3A_74 = arith.constant 0 : i32
      %dma_wait3A_75 = tpu.memref_slice %arg3[%arg1, %dma_wait3A_73, %dma_wait3A_74] : memref<16x80x125xi32, #tpu.memory_space<hbm>> -> memref<1x40x125xi32, #tpu.memory_space<hbm>>
      %dma_wait3A_76 = tpu.memref_squeeze %dma_wait3A_75 : memref<1x40x125xi32, #tpu.memory_space<hbm>> -> memref<40x125xi32, #tpu.memory_space<hbm>>
      tpu.wait_dma2 semaphore(%run_scoped3A : memref<!tpu.dma_semaphore, #tpu.memory_space<semaphore_mem>>) src(%dma_wait3A_76 : memref<40x125xi32, #tpu.memory_space<hbm>>) dst(%arg8 : memref<40x125xi32, #tpu.memory_space<vmem>>)
      tpu.yield
    }) : () -> ()
    "tpu.region"() ({
      %run_scoped3A = tpu.sem_alloc : memref<!tpu.dma_semaphore, #tpu.memory_space<semaphore_mem>>
      %dma_start3A_62 = arith.constant 0 : i32
      %dma_start3A_63 = arith.constant 0 : i32
      %dma_start3A_64 = tpu.memref_slice %arg4[%arg1, %dma_start3A_62, %dma_start3A_63] : memref<16x80x125xi32, #tpu.memory_space<hbm>> -> memref<1x40x125xi32, #tpu.memory_space<hbm>>
      %dma_start3A_65 = tpu.memref_squeeze %dma_start3A_64 : memref<1x40x125xi32, #tpu.memory_space<hbm>> -> memref<40x125xi32, #tpu.memory_space<hbm>>
      %dma_start3A_66 = arith.constant 0 : i32
      %dma_start3A_67 = arith.constant 0 : i32
      %dma_start3A_68 = tpu.memref_slice %arg4[%arg1, %dma_start3A_66, %dma_start3A_67] : memref<16x80x125xi32, #tpu.memory_space<hbm>> -> memref<1x40x125xi32, #tpu.memory_space<hbm>>
      %dma_start3A_69 = tpu.memref_squeeze %dma_start3A_68 : memref<1x40x125xi32, #tpu.memory_space<hbm>> -> memref<40x125xi32, #tpu.memory_space<hbm>>
      tpu.enqueue_dma source(%dma_start3A_69 : memref<40x125xi32, #tpu.memory_space<hbm>>) target(%arg9 : memref<40x125xi32, #tpu.memory_space<vmem>>) target_semaphore(%run_scoped3A : memref<!tpu.dma_semaphore, #tpu.memory_space<semaphore_mem>>)
      %dma_wait3A = arith.constant 0 : i32
      %dma_wait3A_70 = arith.constant 0 : i32
      %dma_wait3A_71 = tpu.memref_slice %arg4[%arg1, %dma_wait3A, %dma_wait3A_70] : memref<16x80x125xi32, #tpu.memory_space<hbm>> -> memref<1x40x125xi32, #tpu.memory_space<hbm>>
      %dma_wait3A_72 = tpu.memref_squeeze %dma_wait3A_71 : memref<1x40x125xi32, #tpu.memory_space<hbm>> -> memref<40x125xi32, #tpu.memory_space<hbm>>
      %dma_wait3A_73 = arith.constant 0 : i32
      %dma_wait3A_74 = arith.constant 0 : i32
      %dma_wait3A_75 = tpu.memref_slice %arg4[%arg1, %dma_wait3A_73, %dma_wait3A_74] : memref<16x80x125xi32, #tpu.memory_space<hbm>> -> memref<1x40x125xi32, #tpu.memory_space<hbm>>
      %dma_wait3A_76 = tpu.memref_squeeze %dma_wait3A_75 : memref<1x40x125xi32, #tpu.memory_space<hbm>> -> memref<40x125xi32, #tpu.memory_space<hbm>>
      tpu.wait_dma2 semaphore(%run_scoped3A : memref<!tpu.dma_semaphore, #tpu.memory_space<semaphore_mem>>) src(%dma_wait3A_76 : memref<40x125xi32, #tpu.memory_space<hbm>>) dst(%arg9 : memref<40x125xi32, #tpu.memory_space<vmem>>)
      tpu.yield
    }) : () -> ()
    %dma_start3A = arith.constant 0 : i32
    %dma_start3A_5 = arith.constant 0 : i32
    %dma_start3A_6 = tpu.memref_slice %arg8[%dma_start3A, %dma_start3A_5] : memref<40x125xi32, #tpu.memory_space<vmem>> -> memref<1x125xi32, #tpu.memory_space<vmem>>
    %dma_start3A_7 = tpu.memref_squeeze %dma_start3A_6 : memref<1x125xi32, #tpu.memory_space<vmem>> -> memref<125xi32, #tpu.memory_space<vmem>>
    %dma_start3A_8 = arith.constant 0 : i32
    %dma_start3A_9 = tpu.memref_slice %arg2[%dma_start3A_8, %mul3A_4] : memref<10000x256xf32, #tpu.memory_space<hbm>> -> memref<10000x128xf32, #tpu.memory_space<hbm>>
    %dma_start3A_10 = arith.constant 0 : i32
    %dma_start3A_11 = arith.constant 0 : i32
    %dma_start3A_12 = tpu.memref_slice %dma_start3A_9[%dma_start3A_10, %dma_start3A_11] : memref<10000x128xf32, #tpu.memory_space<hbm>> -> memref<10000x128xf32, #tpu.memory_space<hbm>>
    tpu.enqueue_indirect_dma source(%dma_start3A_12 : memref<10000x128xf32, #tpu.memory_space<hbm>>) target(%arg10 : memref<125x128xf32, #tpu.memory_space<vmem>>) offsets(%dma_start3A_7 : memref<125xi32, #tpu.memory_space<vmem>>) semaphore(%arg13 : memref<!tpu.dma_semaphore, #tpu.memory_space<semaphore_mem>>)
    %dma_start3A_13 = arith.constant 1 : i32
    %dma_start3A_14 = arith.constant 0 : i32
    %dma_start3A_15 = tpu.memref_slice %arg8[%dma_start3A_13, %dma_start3A_14] : memref<40x125xi32, #tpu.memory_space<vmem>> -> memref<1x125xi32, #tpu.memory_space<vmem>>
    %dma_start3A_16 = tpu.memref_squeeze %dma_start3A_15 : memref<1x125xi32, #tpu.memory_space<vmem>> -> memref<125xi32, #tpu.memory_space<vmem>>
    %dma_start3A_17 = arith.constant 0 : i32
    %dma_start3A_18 = tpu.memref_slice %arg2[%dma_start3A_17, %mul3A_4] : memref<10000x256xf32, #tpu.memory_space<hbm>> -> memref<10000x128xf32, #tpu.memory_space<hbm>>
    %dma_start3A_19 = arith.constant 0 : i32
    %dma_start3A_20 = arith.constant 0 : i32
    %dma_start3A_21 = tpu.memref_slice %dma_start3A_18[%dma_start3A_19, %dma_start3A_20] : memref<10000x128xf32, #tpu.memory_space<hbm>> -> memref<10000x128xf32, #tpu.memory_space<hbm>>
    tpu.enqueue_indirect_dma source(%dma_start3A_21 : memref<10000x128xf32, #tpu.memory_space<hbm>>) target(%arg11 : memref<125x128xf32, #tpu.memory_space<vmem>>) offsets(%dma_start3A_16 : memref<125xi32, #tpu.memory_space<vmem>>) semaphore(%arg14 : memref<!tpu.dma_semaphore, #tpu.memory_space<semaphore_mem>>)
    %scan3A = arith.constant 0 : i32
    %scan3A_22 = arith.constant 0 : i32
    %scan3A_23 = arith.constant 20 : i32
    %scan3A_24 = arith.addi %scan3A_22, %scan3A_23 : i32
    %scan3A_25 = arith.constant 1 : i32
    scf.for %scan3A_62 = %scan3A_22 to %scan3A_24 step %scan3A_25  : i32 {
      %mul3A_63 = arith.constant 2 : i32
      %mul3A_64 = arith.muli %mul3A_63, %scan3A_62 : i32
      %add3A = arith.constant 0 : i32
      %add3A_65 = arith.addi %mul3A_64, %add3A : i32
      %dma_wait3A = arith.constant 0 : i32
      %dma_wait3A_66 = tpu.memref_slice %arg8[%add3A_65, %dma_wait3A] : memref<40x125xi32, #tpu.memory_space<vmem>> -> memref<1x125xi32, #tpu.memory_space<vmem>>
      %dma_wait3A_67 = tpu.memref_squeeze %dma_wait3A_66 : memref<1x125xi32, #tpu.memory_space<vmem>> -> memref<125xi32, #tpu.memory_space<vmem>>
      %dma_wait3A_68 = arith.constant 0 : i32
      %dma_wait3A_69 = tpu.memref_slice %arg2[%dma_wait3A_68, %mul3A_4] : memref<10000x256xf32, #tpu.memory_space<hbm>> -> memref<10000x128xf32, #tpu.memory_space<hbm>>
      %dma_wait3A_70 = arith.constant 0 : i32
      %dma_wait3A_71 = arith.constant 0 : i32
      %dma_wait3A_72 = tpu.memref_slice %dma_wait3A_69[%dma_wait3A_70, %dma_wait3A_71] : memref<10000x128xf32, #tpu.memory_space<hbm>> -> memref<10000x128xf32, #tpu.memory_space<hbm>>
      tpu.wait_indirect_dma semaphore(%arg13 : memref<!tpu.dma_semaphore, #tpu.memory_space<semaphore_mem>>) src(%dma_wait3A_72 : memref<10000x128xf32, #tpu.memory_space<hbm>>) dst(%arg10 : memref<125x128xf32, #tpu.memory_space<vmem>>)
      "tpu.region"() ({
        %run_scoped3A = tpu.sem_alloc : memref<!tpu.dma_semaphore, #tpu.memory_space<semaphore_mem>>
        %dma_start3A_98 = arith.constant 0 : i32
        %dma_start3A_99 = tpu.memref_slice %arg9[%add3A_65, %dma_start3A_98] : memref<40x125xi32, #tpu.memory_space<vmem>> -> memref<1x125xi32, #tpu.memory_space<vmem>>
        %dma_start3A_100 = tpu.memref_squeeze %dma_start3A_99 : memref<1x125xi32, #tpu.memory_space<vmem>> -> memref<125xi32, #tpu.memory_space<vmem>>
        %dma_start3A_101 = arith.constant 0 : i32
        %dma_start3A_102 = arith.constant 0 : i32
        %dma_start3A_103 = tpu.memref_slice %arg12[%dma_start3A_101, %dma_start3A_102] : memref<10000x128xf32, #tpu.memory_space<vmem_shared>> -> memref<10000x128xf32, #tpu.memory_space<vmem_shared>>
        tpu.enqueue_indirect_dma source(%arg10 : memref<125x128xf32, #tpu.memory_space<vmem>>) target(%dma_start3A_103 : memref<10000x128xf32, #tpu.memory_space<vmem_shared>>) offsets(%dma_start3A_100 : memref<125xi32, #tpu.memory_space<vmem>>) semaphore(%run_scoped3A : memref<!tpu.dma_semaphore, #tpu.memory_space<semaphore_mem>>) {add = true}
        %dma_wait3A_104 = arith.constant 0 : i32
        %dma_wait3A_105 = tpu.memref_slice %arg9[%add3A_65, %dma_wait3A_104] : memref<40x125xi32, #tpu.memory_space<vmem>> -> memref<1x125xi32, #tpu.memory_space<vmem>>
        %dma_wait3A_106 = tpu.memref_squeeze %dma_wait3A_105 : memref<1x125xi32, #tpu.memory_space<vmem>> -> memref<125xi32, #tpu.memory_space<vmem>>
        %dma_wait3A_107 = arith.constant 0 : i32
        %dma_wait3A_108 = arith.constant 0 : i32
        %dma_wait3A_109 = tpu.memref_slice %arg12[%dma_wait3A_107, %dma_wait3A_108] : memref<10000x128xf32, #tpu.memory_space<vmem_shared>> -> memref<10000x128xf32, #tpu.memory_space<vmem_shared>>
        tpu.wait_indirect_dma semaphore(%run_scoped3A : memref<!tpu.dma_semaphore, #tpu.memory_space<semaphore_mem>>) src(%arg10 : memref<125x128xf32, #tpu.memory_space<vmem>>) dst(%dma_wait3A_109 : memref<10000x128xf32, #tpu.memory_space<vmem_shared>>)
        tpu.yield
      }) : () -> ()
      %add3A_73 = arith.constant 2 : i32
      %add3A_74 = arith.addi %add3A_65, %add3A_73 : i32
      %lt3A = arith.constant 40 : i32
      %lt3A_75 = arith.cmpi slt, %add3A_74, %lt3A : i32
      %convert_element_type3A_76 = arith.extui %lt3A_75 : i1 to i32
      %cond3A_77 = arith.constant 0 : i32
      %cond3A_78 = arith.cmpi ne, %convert_element_type3A_76, %cond3A_77 : i32
      scf.if %cond3A_78 {
        %add3A_98 = arith.constant 2 : i32
        %add3A_99 = arith.addi %add3A_65, %add3A_98 : i32
        %dma_start3A_100 = arith.constant 0 : i32
        %dma_start3A_101 = tpu.memref_slice %arg8[%add3A_99, %dma_start3A_100] : memref<40x125xi32, #tpu.memory_space<vmem>> -> memref<1x125xi32, #tpu.memory_space<vmem>>
        %dma_start3A_102 = tpu.memref_squeeze %dma_start3A_101 : memref<1x125xi32, #tpu.memory_space<vmem>> -> memref<125xi32, #tpu.memory_space<vmem>>
        %dma_start3A_103 = arith.constant 0 : i32
        %dma_start3A_104 = tpu.memref_slice %arg2[%dma_start3A_103, %mul3A_4] : memref<10000x256xf32, #tpu.memory_space<hbm>> -> memref<10000x128xf32, #tpu.memory_space<hbm>>
        %dma_start3A_105 = arith.constant 0 : i32
        %dma_start3A_106 = arith.constant 0 : i32
        %dma_start3A_107 = tpu.memref_slice %dma_start3A_104[%dma_start3A_105, %dma_start3A_106] : memref<10000x128xf32, #tpu.memory_space<hbm>> -> memref<10000x128xf32, #tpu.memory_space<hbm>>
        tpu.enqueue_indirect_dma source(%dma_start3A_107 : memref<10000x128xf32, #tpu.memory_space<hbm>>) target(%arg10 : memref<125x128xf32, #tpu.memory_space<vmem>>) offsets(%dma_start3A_102 : memref<125xi32, #tpu.memory_space<vmem>>) semaphore(%arg13 : memref<!tpu.dma_semaphore, #tpu.memory_space<semaphore_mem>>)
      } else {
      }
      %mul3A_79 = arith.constant 2 : i32
      %mul3A_80 = arith.muli %mul3A_79, %scan3A_62 : i32
      %add3A_81 = arith.constant 1 : i32
      %add3A_82 = arith.addi %mul3A_80, %add3A_81 : i32
      %dma_wait3A_83 = arith.constant 0 : i32
      %dma_wait3A_84 = tpu.memref_slice %arg8[%add3A_82, %dma_wait3A_83] : memref<40x125xi32, #tpu.memory_space<vmem>> -> memref<1x125xi32, #tpu.memory_space<vmem>>
      %dma_wait3A_85 = tpu.memref_squeeze %dma_wait3A_84 : memref<1x125xi32, #tpu.memory_space<vmem>> -> memref<125xi32, #tpu.memory_space<vmem>>
      %dma_wait3A_86 = arith.constant 0 : i32
      %dma_wait3A_87 = tpu.memref_slice %arg2[%dma_wait3A_86, %mul3A_4] : memref<10000x256xf32, #tpu.memory_space<hbm>> -> memref<10000x128xf32, #tpu.memory_space<hbm>>
      %dma_wait3A_88 = arith.constant 0 : i32
      %dma_wait3A_89 = arith.constant 0 : i32
      %dma_wait3A_90 = tpu.memref_slice %dma_wait3A_87[%dma_wait3A_88, %dma_wait3A_89] : memref<10000x128xf32, #tpu.memory_space<hbm>> -> memref<10000x128xf32, #tpu.memory_space<hbm>>
      tpu.wait_indirect_dma semaphore(%arg14 : memref<!tpu.dma_semaphore, #tpu.memory_space<semaphore_mem>>) src(%dma_wait3A_90 : memref<10000x128xf32, #tpu.memory_space<hbm>>) dst(%arg11 : memref<125x128xf32, #tpu.memory_space<vmem>>)
      "tpu.region"() ({
        %run_scoped3A = tpu.sem_alloc : memref<!tpu.dma_semaphore, #tpu.memory_space<semaphore_mem>>
        %dma_start3A_98 = arith.constant 0 : i32
        %dma_start3A_99 = tpu.memref_slice %arg9[%add3A_82, %dma_start3A_98] : memref<40x125xi32, #tpu.memory_space<vmem>> -> memref<1x125xi32, #tpu.memory_space<vmem>>
        %dma_start3A_100 = tpu.memref_squeeze %dma_start3A_99 : memref<1x125xi32, #tpu.memory_space<vmem>> -> memref<125xi32, #tpu.memory_space<vmem>>
        %dma_start3A_101 = arith.constant 0 : i32
        %dma_start3A_102 = arith.constant 0 : i32
        %dma_start3A_103 = tpu.memref_slice %arg12[%dma_start3A_101, %dma_start3A_102] : memref<10000x128xf32, #tpu.memory_space<vmem_shared>> -> memref<10000x128xf32, #tpu.memory_space<vmem_shared>>
        tpu.enqueue_indirect_dma source(%arg11 : memref<125x128xf32, #tpu.memory_space<vmem>>) target(%dma_start3A_103 : memref<10000x128xf32, #tpu.memory_space<vmem_shared>>) offsets(%dma_start3A_100 : memref<125xi32, #tpu.memory_space<vmem>>) semaphore(%run_scoped3A : memref<!tpu.dma_semaphore, #tpu.memory_space<semaphore_mem>>) {add = true}
        %dma_wait3A_104 = arith.constant 0 : i32
        %dma_wait3A_105 = tpu.memref_slice %arg9[%add3A_82, %dma_wait3A_104] : memref<40x125xi32, #tpu.memory_space<vmem>> -> memref<1x125xi32, #tpu.memory_space<vmem>>
        %dma_wait3A_106 = tpu.memref_squeeze %dma_wait3A_105 : memref<1x125xi32, #tpu.memory_space<vmem>> -> memref<125xi32, #tpu.memory_space<vmem>>
        %dma_wait3A_107 = arith.constant 0 : i32
        %dma_wait3A_108 = arith.constant 0 : i32
        %dma_wait3A_109 = tpu.memref_slice %arg12[%dma_wait3A_107, %dma_wait3A_108] : memref<10000x128xf32, #tpu.memory_space<vmem_shared>> -> memref<10000x128xf32, #tpu.memory_space<vmem_shared>>
        tpu.wait_indirect_dma semaphore(%run_scoped3A : memref<!tpu.dma_semaphore, #tpu.memory_space<semaphore_mem>>) src(%arg11 : memref<125x128xf32, #tpu.memory_space<vmem>>) dst(%dma_wait3A_109 : memref<10000x128xf32, #tpu.memory_space<vmem_shared>>)
        tpu.yield
      }) : () -> ()
      %add3A_91 = arith.constant 2 : i32
      %add3A_92 = arith.addi %add3A_82, %add3A_91 : i32
      %lt3A_93 = arith.constant 40 : i32
      %lt3A_94 = arith.cmpi slt, %add3A_92, %lt3A_93 : i32
      %convert_element_type3A_95 = arith.extui %lt3A_94 : i1 to i32
      %cond3A_96 = arith.constant 0 : i32
      %cond3A_97 = arith.cmpi ne, %convert_element_type3A_95, %cond3A_96 : i32
      scf.if %cond3A_97 {
        %add3A_98 = arith.constant 2 : i32
        %add3A_99 = arith.addi %add3A_82, %add3A_98 : i32
        %dma_start3A_100 = arith.constant 0 : i32
        %dma_start3A_101 = tpu.memref_slice %arg8[%add3A_99, %dma_start3A_100] : memref<40x125xi32, #tpu.memory_space<vmem>> -> memref<1x125xi32, #tpu.memory_space<vmem>>
        %dma_start3A_102 = tpu.memref_squeeze %dma_start3A_101 : memref<1x125xi32, #tpu.memory_space<vmem>> -> memref<125xi32, #tpu.memory_space<vmem>>
        %dma_start3A_103 = arith.constant 0 : i32
        %dma_start3A_104 = tpu.memref_slice %arg2[%dma_start3A_103, %mul3A_4] : memref<10000x256xf32, #tpu.memory_space<hbm>> -> memref<10000x128xf32, #tpu.memory_space<hbm>>
        %dma_start3A_105 = arith.constant 0 : i32
        %dma_start3A_106 = arith.constant 0 : i32
        %dma_start3A_107 = tpu.memref_slice %dma_start3A_104[%dma_start3A_105, %dma_start3A_106] : memref<10000x128xf32, #tpu.memory_space<hbm>> -> memref<10000x128xf32, #tpu.memory_space<hbm>>
        tpu.enqueue_indirect_dma source(%dma_start3A_107 : memref<10000x128xf32, #tpu.memory_space<hbm>>) target(%arg11 : memref<125x128xf32, #tpu.memory_space<vmem>>) offsets(%dma_start3A_102 : memref<125xi32, #tpu.memory_space<vmem>>) semaphore(%arg14 : memref<!tpu.dma_semaphore, #tpu.memory_space<semaphore_mem>>)
      } else {
      }
    }
    %scan3A_26 = arith.constant 20 : i32
    "tpu.region"() ({
      %run_scoped3A = tpu.sem_alloc : memref<!tpu.dma_semaphore, #tpu.memory_space<semaphore_mem>>
      %dma_start3A_62 = arith.constant 40 : i32
      %dma_start3A_63 = arith.constant 0 : i32
      %dma_start3A_64 = tpu.memref_slice %arg3[%arg1, %dma_start3A_62, %dma_start3A_63] : memref<16x80x125xi32, #tpu.memory_space<hbm>> -> memref<1x40x125xi32, #tpu.memory_space<hbm>>
      %dma_start3A_65 = tpu.memref_squeeze %dma_start3A_64 : memref<1x40x125xi32, #tpu.memory_space<hbm>> -> memref<40x125xi32, #tpu.memory_space<hbm>>
      %dma_start3A_66 = arith.constant 40 : i32
      %dma_start3A_67 = arith.constant 0 : i32
      %dma_start3A_68 = tpu.memref_slice %arg3[%arg1, %dma_start3A_66, %dma_start3A_67] : memref<16x80x125xi32, #tpu.memory_space<hbm>> -> memref<1x40x125xi32, #tpu.memory_space<hbm>>
      %dma_start3A_69 = tpu.memref_squeeze %dma_start3A_68 : memref<1x40x125xi32, #tpu.memory_space<hbm>> -> memref<40x125xi32, #tpu.memory_space<hbm>>
      tpu.enqueue_dma source(%dma_start3A_69 : memref<40x125xi32, #tpu.memory_space<hbm>>) target(%arg8 : memref<40x125xi32, #tpu.memory_space<vmem>>) target_semaphore(%run_scoped3A : memref<!tpu.dma_semaphore, #tpu.memory_space<semaphore_mem>>)
      %dma_wait3A = arith.constant 40 : i32
      %dma_wait3A_70 = arith.constant 0 : i32
      %dma_wait3A_71 = tpu.memref_slice %arg3[%arg1, %dma_wait3A, %dma_wait3A_70] : memref<16x80x125xi32, #tpu.memory_space<hbm>> -> memref<1x40x125xi32, #tpu.memory_space<hbm>>
      %dma_wait3A_72 = tpu.memref_squeeze %dma_wait3A_71 : memref<1x40x125xi32, #tpu.memory_space<hbm>> -> memref<40x125xi32, #tpu.memory_space<hbm>>
      %dma_wait3A_73 = arith.constant 40 : i32
      %dma_wait3A_74 = arith.constant 0 : i32
      %dma_wait3A_75 = tpu.memref_slice %arg3[%arg1, %dma_wait3A_73, %dma_wait3A_74] : memref<16x80x125xi32, #tpu.memory_space<hbm>> -> memref<1x40x125xi32, #tpu.memory_space<hbm>>
      %dma_wait3A_76 = tpu.memref_squeeze %dma_wait3A_75 : memref<1x40x125xi32, #tpu.memory_space<hbm>> -> memref<40x125xi32, #tpu.memory_space<hbm>>
      tpu.wait_dma2 semaphore(%run_scoped3A : memref<!tpu.dma_semaphore, #tpu.memory_space<semaphore_mem>>) src(%dma_wait3A_76 : memref<40x125xi32, #tpu.memory_space<hbm>>) dst(%arg8 : memref<40x125xi32, #tpu.memory_space<vmem>>)
      tpu.yield
    }) : () -> ()
    "tpu.region"() ({
      %run_scoped3A = tpu.sem_alloc : memref<!tpu.dma_semaphore, #tpu.memory_space<semaphore_mem>>
      %dma_start3A_62 = arith.constant 40 : i32
      %dma_start3A_63 = arith.constant 0 : i32
      %dma_start3A_64 = tpu.memref_slice %arg4[%arg1, %dma_start3A_62, %dma_start3A_63] : memref<16x80x125xi32, #tpu.memory_space<hbm>> -> memref<1x40x125xi32, #tpu.memory_space<hbm>>
      %dma_start3A_65 = tpu.memref_squeeze %dma_start3A_64 : memref<1x40x125xi32, #tpu.memory_space<hbm>> -> memref<40x125xi32, #tpu.memory_space<hbm>>
      %dma_start3A_66 = arith.constant 40 : i32
      %dma_start3A_67 = arith.constant 0 : i32
      %dma_start3A_68 = tpu.memref_slice %arg4[%arg1, %dma_start3A_66, %dma_start3A_67] : memref<16x80x125xi32, #tpu.memory_space<hbm>> -> memref<1x40x125xi32, #tpu.memory_space<hbm>>
      %dma_start3A_69 = tpu.memref_squeeze %dma_start3A_68 : memref<1x40x125xi32, #tpu.memory_space<hbm>> -> memref<40x125xi32, #tpu.memory_space<hbm>>
      tpu.enqueue_dma source(%dma_start3A_69 : memref<40x125xi32, #tpu.memory_space<hbm>>) target(%arg9 : memref<40x125xi32, #tpu.memory_space<vmem>>) target_semaphore(%run_scoped3A : memref<!tpu.dma_semaphore, #tpu.memory_space<semaphore_mem>>)
      %dma_wait3A = arith.constant 40 : i32
      %dma_wait3A_70 = arith.constant 0 : i32
      %dma_wait3A_71 = tpu.memref_slice %arg4[%arg1, %dma_wait3A, %dma_wait3A_70] : memref<16x80x125xi32, #tpu.memory_space<hbm>> -> memref<1x40x125xi32, #tpu.memory_space<hbm>>
      %dma_wait3A_72 = tpu.memref_squeeze %dma_wait3A_71 : memref<1x40x125xi32, #tpu.memory_space<hbm>> -> memref<40x125xi32, #tpu.memory_space<hbm>>
      %dma_wait3A_73 = arith.constant 40 : i32
      %dma_wait3A_74 = arith.constant 0 : i32
      %dma_wait3A_75 = tpu.memref_slice %arg4[%arg1, %dma_wait3A_73, %dma_wait3A_74] : memref<16x80x125xi32, #tpu.memory_space<hbm>> -> memref<1x40x125xi32, #tpu.memory_space<hbm>>
      %dma_wait3A_76 = tpu.memref_squeeze %dma_wait3A_75 : memref<1x40x125xi32, #tpu.memory_space<hbm>> -> memref<40x125xi32, #tpu.memory_space<hbm>>
      tpu.wait_dma2 semaphore(%run_scoped3A : memref<!tpu.dma_semaphore, #tpu.memory_space<semaphore_mem>>) src(%dma_wait3A_76 : memref<40x125xi32, #tpu.memory_space<hbm>>) dst(%arg9 : memref<40x125xi32, #tpu.memory_space<vmem>>)
      tpu.yield
    }) : () -> ()
    %dma_start3A_27 = arith.constant 0 : i32
    %dma_start3A_28 = arith.constant 0 : i32
    %dma_start3A_29 = tpu.memref_slice %arg8[%dma_start3A_27, %dma_start3A_28] : memref<40x125xi32, #tpu.memory_space<vmem>> -> memref<1x125xi32, #tpu.memory_space<vmem>>
    %dma_start3A_30 = tpu.memref_squeeze %dma_start3A_29 : memref<1x125xi32, #tpu.memory_space<vmem>> -> memref<125xi32, #tpu.memory_space<vmem>>
    %dma_start3A_31 = arith.constant 0 : i32
    %dma_start3A_32 = tpu.memref_slice %arg2[%dma_start3A_31, %mul3A_4] : memref<10000x256xf32, #tpu.memory_space<hbm>> -> memref<10000x128xf32, #tpu.memory_space<hbm>>
    %dma_start3A_33 = arith.constant 0 : i32
    %dma_start3A_34 = arith.constant 0 : i32
    %dma_start3A_35 = tpu.memref_slice %dma_start3A_32[%dma_start3A_33, %dma_start3A_34] : memref<10000x128xf32, #tpu.memory_space<hbm>> -> memref<10000x128xf32, #tpu.memory_space<hbm>>
    tpu.enqueue_indirect_dma source(%dma_start3A_35 : memref<10000x128xf32, #tpu.memory_space<hbm>>) target(%arg10 : memref<125x128xf32, #tpu.memory_space<vmem>>) offsets(%dma_start3A_30 : memref<125xi32, #tpu.memory_space<vmem>>) semaphore(%arg13 : memref<!tpu.dma_semaphore, #tpu.memory_space<semaphore_mem>>)
    %dma_start3A_36 = arith.constant 1 : i32
    %dma_start3A_37 = arith.constant 0 : i32
    %dma_start3A_38 = tpu.memref_slice %arg8[%dma_start3A_36, %dma_start3A_37] : memref<40x125xi32, #tpu.memory_space<vmem>> -> memref<1x125xi32, #tpu.memory_space<vmem>>
    %dma_start3A_39 = tpu.memref_squeeze %dma_start3A_38 : memref<1x125xi32, #tpu.memory_space<vmem>> -> memref<125xi32, #tpu.memory_space<vmem>>
    %dma_start3A_40 = arith.constant 0 : i32
    %dma_start3A_41 = tpu.memref_slice %arg2[%dma_start3A_40, %mul3A_4] : memref<10000x256xf32, #tpu.memory_space<hbm>> -> memref<10000x128xf32, #tpu.memory_space<hbm>>
    %dma_start3A_42 = arith.constant 0 : i32
    %dma_start3A_43 = arith.constant 0 : i32
    %dma_start3A_44 = tpu.memref_slice %dma_start3A_41[%dma_start3A_42, %dma_start3A_43] : memref<10000x128xf32, #tpu.memory_space<hbm>> -> memref<10000x128xf32, #tpu.memory_space<hbm>>
    tpu.enqueue_indirect_dma source(%dma_start3A_44 : memref<10000x128xf32, #tpu.memory_space<hbm>>) target(%arg11 : memref<125x128xf32, #tpu.memory_space<vmem>>) offsets(%dma_start3A_39 : memref<125xi32, #tpu.memory_space<vmem>>) semaphore(%arg14 : memref<!tpu.dma_semaphore, #tpu.memory_space<semaphore_mem>>)
    %scan3A_45 = arith.constant 0 : i32
    %scan3A_46 = arith.constant 0 : i32
    %scan3A_47 = arith.constant 20 : i32
    %scan3A_48 = arith.addi %scan3A_46, %scan3A_47 : i32
    %scan3A_49 = arith.constant 1 : i32
    scf.for %scan3A_62 = %scan3A_46 to %scan3A_48 step %scan3A_49  : i32 {
      %mul3A_63 = arith.constant 2 : i32
      %mul3A_64 = arith.muli %mul3A_63, %scan3A_62 : i32
      %add3A = arith.constant 0 : i32
      %add3A_65 = arith.addi %mul3A_64, %add3A : i32
      %dma_wait3A = arith.constant 0 : i32
      %dma_wait3A_66 = tpu.memref_slice %arg8[%add3A_65, %dma_wait3A] : memref<40x125xi32, #tpu.memory_space<vmem>> -> memref<1x125xi32, #tpu.memory_space<vmem>>
      %dma_wait3A_67 = tpu.memref_squeeze %dma_wait3A_66 : memref<1x125xi32, #tpu.memory_space<vmem>> -> memref<125xi32, #tpu.memory_space<vmem>>
      %dma_wait3A_68 = arith.constant 0 : i32
      %dma_wait3A_69 = tpu.memref_slice %arg2[%dma_wait3A_68, %mul3A_4] : memref<10000x256xf32, #tpu.memory_space<hbm>> -> memref<10000x128xf32, #tpu.memory_space<hbm>>
      %dma_wait3A_70 = arith.constant 0 : i32
      %dma_wait3A_71 = arith.constant 0 : i32
      %dma_wait3A_72 = tpu.memref_slice %dma_wait3A_69[%dma_wait3A_70, %dma_wait3A_71] : memref<10000x128xf32, #tpu.memory_space<hbm>> -> memref<10000x128xf32, #tpu.memory_space<hbm>>
      tpu.wait_indirect_dma semaphore(%arg13 : memref<!tpu.dma_semaphore, #tpu.memory_space<semaphore_mem>>) src(%dma_wait3A_72 : memref<10000x128xf32, #tpu.memory_space<hbm>>) dst(%arg10 : memref<125x128xf32, #tpu.memory_space<vmem>>)
      "tpu.region"() ({
        %run_scoped3A = tpu.sem_alloc : memref<!tpu.dma_semaphore, #tpu.memory_space<semaphore_mem>>
        %dma_start3A_98 = arith.constant 0 : i32
        %dma_start3A_99 = tpu.memref_slice %arg9[%add3A_65, %dma_start3A_98] : memref<40x125xi32, #tpu.memory_space<vmem>> -> memref<1x125xi32, #tpu.memory_space<vmem>>
        %dma_start3A_100 = tpu.memref_squeeze %dma_start3A_99 : memref<1x125xi32, #tpu.memory_space<vmem>> -> memref<125xi32, #tpu.memory_space<vmem>>
        %dma_start3A_101 = arith.constant 0 : i32
        %dma_start3A_102 = arith.constant 0 : i32
        %dma_start3A_103 = tpu.memref_slice %arg12[%dma_start3A_101, %dma_start3A_102] : memref<10000x128xf32, #tpu.memory_space<vmem_shared>> -> memref<10000x128xf32, #tpu.memory_space<vmem_shared>>
        tpu.enqueue_indirect_dma source(%arg10 : memref<125x128xf32, #tpu.memory_space<vmem>>) target(%dma_start3A_103 : memref<10000x128xf32, #tpu.memory_space<vmem_shared>>) offsets(%dma_start3A_100 : memref<125xi32, #tpu.memory_space<vmem>>) semaphore(%run_scoped3A : memref<!tpu.dma_semaphore, #tpu.memory_space<semaphore_mem>>) {add = true}
        %dma_wait3A_104 = arith.constant 0 : i32
        %dma_wait3A_105 = tpu.memref_slice %arg9[%add3A_65, %dma_wait3A_104] : memref<40x125xi32, #tpu.memory_space<vmem>> -> memref<1x125xi32, #tpu.memory_space<vmem>>
        %dma_wait3A_106 = tpu.memref_squeeze %dma_wait3A_105 : memref<1x125xi32, #tpu.memory_space<vmem>> -> memref<125xi32, #tpu.memory_space<vmem>>
        %dma_wait3A_107 = arith.constant 0 : i32
        %dma_wait3A_108 = arith.constant 0 : i32
        %dma_wait3A_109 = tpu.memref_slice %arg12[%dma_wait3A_107, %dma_wait3A_108] : memref<10000x128xf32, #tpu.memory_space<vmem_shared>> -> memref<10000x128xf32, #tpu.memory_space<vmem_shared>>
        tpu.wait_indirect_dma semaphore(%run_scoped3A : memref<!tpu.dma_semaphore, #tpu.memory_space<semaphore_mem>>) src(%arg10 : memref<125x128xf32, #tpu.memory_space<vmem>>) dst(%dma_wait3A_109 : memref<10000x128xf32, #tpu.memory_space<vmem_shared>>)
        tpu.yield
      }) : () -> ()
      %add3A_73 = arith.constant 2 : i32
      %add3A_74 = arith.addi %add3A_65, %add3A_73 : i32
      %lt3A = arith.constant 40 : i32
      %lt3A_75 = arith.cmpi slt, %add3A_74, %lt3A : i32
      %convert_element_type3A_76 = arith.extui %lt3A_75 : i1 to i32
      %cond3A_77 = arith.constant 0 : i32
      %cond3A_78 = arith.cmpi ne, %convert_element_type3A_76, %cond3A_77 : i32
      scf.if %cond3A_78 {
        %add3A_98 = arith.constant 2 : i32
        %add3A_99 = arith.addi %add3A_65, %add3A_98 : i32
        %dma_start3A_100 = arith.constant 0 : i32
        %dma_start3A_101 = tpu.memref_slice %arg8[%add3A_99, %dma_start3A_100] : memref<40x125xi32, #tpu.memory_space<vmem>> -> memref<1x125xi32, #tpu.memory_space<vmem>>
        %dma_start3A_102 = tpu.memref_squeeze %dma_start3A_101 : memref<1x125xi32, #tpu.memory_space<vmem>> -> memref<125xi32, #tpu.memory_space<vmem>>
        %dma_start3A_103 = arith.constant 0 : i32
        %dma_start3A_104 = tpu.memref_slice %arg2[%dma_start3A_103, %mul3A_4] : memref<10000x256xf32, #tpu.memory_space<hbm>> -> memref<10000x128xf32, #tpu.memory_space<hbm>>
        %dma_start3A_105 = arith.constant 0 : i32
        %dma_start3A_106 = arith.constant 0 : i32
        %dma_start3A_107 = tpu.memref_slice %dma_start3A_104[%dma_start3A_105, %dma_start3A_106] : memref<10000x128xf32, #tpu.memory_space<hbm>> -> memref<10000x128xf32, #tpu.memory_space<hbm>>
        tpu.enqueue_indirect_dma source(%dma_start3A_107 : memref<10000x128xf32, #tpu.memory_space<hbm>>) target(%arg10 : memref<125x128xf32, #tpu.memory_space<vmem>>) offsets(%dma_start3A_102 : memref<125xi32, #tpu.memory_space<vmem>>) semaphore(%arg13 : memref<!tpu.dma_semaphore, #tpu.memory_space<semaphore_mem>>)
      } else {
      }
      %mul3A_79 = arith.constant 2 : i32
      %mul3A_80 = arith.muli %mul3A_79, %scan3A_62 : i32
      %add3A_81 = arith.constant 1 : i32
      %add3A_82 = arith.addi %mul3A_80, %add3A_81 : i32
      %dma_wait3A_83 = arith.constant 0 : i32
      %dma_wait3A_84 = tpu.memref_slice %arg8[%add3A_82, %dma_wait3A_83] : memref<40x125xi32, #tpu.memory_space<vmem>> -> memref<1x125xi32, #tpu.memory_space<vmem>>
      %dma_wait3A_85 = tpu.memref_squeeze %dma_wait3A_84 : memref<1x125xi32, #tpu.memory_space<vmem>> -> memref<125xi32, #tpu.memory_space<vmem>>
      %dma_wait3A_86 = arith.constant 0 : i32
      %dma_wait3A_87 = tpu.memref_slice %arg2[%dma_wait3A_86, %mul3A_4] : memref<10000x256xf32, #tpu.memory_space<hbm>> -> memref<10000x128xf32, #tpu.memory_space<hbm>>
      %dma_wait3A_88 = arith.constant 0 : i32
      %dma_wait3A_89 = arith.constant 0 : i32
      %dma_wait3A_90 = tpu.memref_slice %dma_wait3A_87[%dma_wait3A_88, %dma_wait3A_89] : memref<10000x128xf32, #tpu.memory_space<hbm>> -> memref<10000x128xf32, #tpu.memory_space<hbm>>
      tpu.wait_indirect_dma semaphore(%arg14 : memref<!tpu.dma_semaphore, #tpu.memory_space<semaphore_mem>>) src(%dma_wait3A_90 : memref<10000x128xf32, #tpu.memory_space<hbm>>) dst(%arg11 : memref<125x128xf32, #tpu.memory_space<vmem>>)
      "tpu.region"() ({
        %run_scoped3A = tpu.sem_alloc : memref<!tpu.dma_semaphore, #tpu.memory_space<semaphore_mem>>
        %dma_start3A_98 = arith.constant 0 : i32
        %dma_start3A_99 = tpu.memref_slice %arg9[%add3A_82, %dma_start3A_98] : memref<40x125xi32, #tpu.memory_space<vmem>> -> memref<1x125xi32, #tpu.memory_space<vmem>>
        %dma_start3A_100 = tpu.memref_squeeze %dma_start3A_99 : memref<1x125xi32, #tpu.memory_space<vmem>> -> memref<125xi32, #tpu.memory_space<vmem>>
        %dma_start3A_101 = arith.constant 0 : i32
        %dma_start3A_102 = arith.constant 0 : i32
        %dma_start3A_103 = tpu.memref_slice %arg12[%dma_start3A_101, %dma_start3A_102] : memref<10000x128xf32, #tpu.memory_space<vmem_shared>> -> memref<10000x128xf32, #tpu.memory_space<vmem_shared>>
        tpu.enqueue_indirect_dma source(%arg11 : memref<125x128xf32, #tpu.memory_space<vmem>>) target(%dma_start3A_103 : memref<10000x128xf32, #tpu.memory_space<vmem_shared>>) offsets(%dma_start3A_100 : memref<125xi32, #tpu.memory_space<vmem>>) semaphore(%run_scoped3A : memref<!tpu.dma_semaphore, #tpu.memory_space<semaphore_mem>>) {add = true}
        %dma_wait3A_104 = arith.constant 0 : i32
        %dma_wait3A_105 = tpu.memref_slice %arg9[%add3A_82, %dma_wait3A_104] : memref<40x125xi32, #tpu.memory_space<vmem>> -> memref<1x125xi32, #tpu.memory_space<vmem>>
        %dma_wait3A_106 = tpu.memref_squeeze %dma_wait3A_105 : memref<1x125xi32, #tpu.memory_space<vmem>> -> memref<125xi32, #tpu.memory_space<vmem>>
        %dma_wait3A_107 = arith.constant 0 : i32
        %dma_wait3A_108 = arith.constant 0 : i32
        %dma_wait3A_109 = tpu.memref_slice %arg12[%dma_wait3A_107, %dma_wait3A_108] : memref<10000x128xf32, #tpu.memory_space<vmem_shared>> -> memref<10000x128xf32, #tpu.memory_space<vmem_shared>>
        tpu.wait_indirect_dma semaphore(%run_scoped3A : memref<!tpu.dma_semaphore, #tpu.memory_space<semaphore_mem>>) src(%arg11 : memref<125x128xf32, #tpu.memory_space<vmem>>) dst(%dma_wait3A_109 : memref<10000x128xf32, #tpu.memory_space<vmem_shared>>)
        tpu.yield
      }) : () -> ()
      %add3A_91 = arith.constant 2 : i32
      %add3A_92 = arith.addi %add3A_82, %add3A_91 : i32
      %lt3A_93 = arith.constant 40 : i32
      %lt3A_94 = arith.cmpi slt, %add3A_92, %lt3A_93 : i32
      %convert_element_type3A_95 = arith.extui %lt3A_94 : i1 to i32
      %cond3A_96 = arith.constant 0 : i32
      %cond3A_97 = arith.cmpi ne, %convert_element_type3A_95, %cond3A_96 : i32
      scf.if %cond3A_97 {
        %add3A_98 = arith.constant 2 : i32
        %add3A_99 = arith.addi %add3A_82, %add3A_98 : i32
        %dma_start3A_100 = arith.constant 0 : i32
        %dma_start3A_101 = tpu.memref_slice %arg8[%add3A_99, %dma_start3A_100] : memref<40x125xi32, #tpu.memory_space<vmem>> -> memref<1x125xi32, #tpu.memory_space<vmem>>
        %dma_start3A_102 = tpu.memref_squeeze %dma_start3A_101 : memref<1x125xi32, #tpu.memory_space<vmem>> -> memref<125xi32, #tpu.memory_space<vmem>>
        %dma_start3A_103 = arith.constant 0 : i32
        %dma_start3A_104 = tpu.memref_slice %arg2[%dma_start3A_103, %mul3A_4] : memref<10000x256xf32, #tpu.memory_space<hbm>> -> memref<10000x128xf32, #tpu.memory_space<hbm>>
        %dma_start3A_105 = arith.constant 0 : i32
        %dma_start3A_106 = arith.constant 0 : i32
        %dma_start3A_107 = tpu.memref_slice %dma_start3A_104[%dma_start3A_105, %dma_start3A_106] : memref<10000x128xf32, #tpu.memory_space<hbm>> -> memref<10000x128xf32, #tpu.memory_space<hbm>>
        tpu.enqueue_indirect_dma source(%dma_start3A_107 : memref<10000x128xf32, #tpu.memory_space<hbm>>) target(%arg11 : memref<125x128xf32, #tpu.memory_space<vmem>>) offsets(%dma_start3A_102 : memref<125xi32, #tpu.memory_space<vmem>>) semaphore(%arg14 : memref<!tpu.dma_semaphore, #tpu.memory_space<semaphore_mem>>)
      } else {
      }
    }
    %scan3A_50 = arith.constant 20 : i32
    %barrier3A_51 = arith.constant 0 : index
    tpu.barrier barrier_id(%barrier3A_51)
    %eq3A_52 = arith.constant 0 : i32
    %eq3A_53 = arith.cmpi eq, %arg0, %eq3A_52 : i32
    %convert_element_type3A_54 = arith.extui %eq3A_53 : i1 to i32
    %cond3A_55 = arith.constant 0 : i32
    %cond3A_56 = arith.cmpi ne, %convert_element_type3A_54, %cond3A_55 : i32
    scf.if %cond3A_56 {
      "tpu.region"() ({
        %run_scoped3A = tpu.sem_alloc : memref<!tpu.dma_semaphore, #tpu.memory_space<semaphore_mem>>
        %dma_start3A_67 = arith.constant 0 : i32
        %dma_start3A_68 = tpu.memref_slice %arg6[%mul3A_0, %dma_start3A_67] : memref<10000x128xf32, #tpu.memory_space<hbm>> -> memref<624x128xf32, #tpu.memory_space<hbm>>
        %dma_start3A_69 = arith.constant 0 : i32
        %dma_start3A_70 = tpu.memref_slice %arg12[%mul3A_0, %dma_start3A_69] : memref<10000x128xf32, #tpu.memory_space<vmem_shared>> -> memref<624x128xf32, #tpu.memory_space<vmem_shared>>
        tpu.enqueue_dma source(%dma_start3A_70 : memref<624x128xf32, #tpu.memory_space<vmem_shared>>) target(%dma_start3A_68 : memref<624x128xf32, #tpu.memory_space<hbm>>) target_semaphore(%run_scoped3A : memref<!tpu.dma_semaphore, #tpu.memory_space<semaphore_mem>>)
        %dma_wait3A = arith.constant 0 : i32
        %dma_wait3A_71 = tpu.memref_slice %arg6[%mul3A_0, %dma_wait3A] : memref<10000x128xf32, #tpu.memory_space<hbm>> -> memref<624x128xf32, #tpu.memory_space<hbm>>
        %dma_wait3A_72 = arith.constant 0 : i32
        %dma_wait3A_73 = tpu.memref_slice %arg12[%mul3A_0, %dma_wait3A_72] : memref<10000x128xf32, #tpu.memory_space<vmem_shared>> -> memref<624x128xf32, #tpu.memory_space<vmem_shared>>
        tpu.wait_dma2 semaphore(%run_scoped3A : memref<!tpu.dma_semaphore, #tpu.memory_space<semaphore_mem>>) src(%dma_wait3A_73 : memref<624x128xf32, #tpu.memory_space<vmem_shared>>) dst(%dma_wait3A_71 : memref<624x128xf32, #tpu.memory_space<hbm>>)
        tpu.yield
      }) : () -> ()
      %eq3A_62 = arith.constant 0 : i32
      %eq3A_63 = arith.cmpi eq, %arg1, %eq3A_62 : i32
      %convert_element_type3A_64 = arith.extui %eq3A_63 : i1 to i32
      %cond3A_65 = arith.constant 0 : i32
      %cond3A_66 = arith.cmpi ne, %convert_element_type3A_64, %cond3A_65 : i32
      scf.if %cond3A_66 {
        "tpu.region"() ({
          %run_scoped3A = tpu.sem_alloc : memref<!tpu.dma_semaphore, #tpu.memory_space<semaphore_mem>>
          %dma_start3A_67 = arith.constant 9984 : i32
          %dma_start3A_68 = arith.constant 0 : i32
          %dma_start3A_69 = tpu.memref_slice %arg6[%dma_start3A_67, %dma_start3A_68] : memref<10000x128xf32, #tpu.memory_space<hbm>> -> memref<16x128xf32, #tpu.memory_space<hbm>>
          %dma_start3A_70 = arith.constant 9984 : i32
          %dma_start3A_71 = arith.constant 0 : i32
          %dma_start3A_72 = tpu.memref_slice %arg12[%dma_start3A_70, %dma_start3A_71] : memref<10000x128xf32, #tpu.memory_space<vmem_shared>> -> memref<16x128xf32, #tpu.memory_space<vmem_shared>>
          tpu.enqueue_dma source(%dma_start3A_72 : memref<16x128xf32, #tpu.memory_space<vmem_shared>>) target(%dma_start3A_69 : memref<16x128xf32, #tpu.memory_space<hbm>>) target_semaphore(%run_scoped3A : memref<!tpu.dma_semaphore, #tpu.memory_space<semaphore_mem>>)
          %dma_wait3A = arith.constant 9984 : i32
          %dma_wait3A_73 = arith.constant 0 : i32
          %dma_wait3A_74 = tpu.memref_slice %arg6[%dma_wait3A, %dma_wait3A_73] : memref<10000x128xf32, #tpu.memory_space<hbm>> -> memref<16x128xf32, #tpu.memory_space<hbm>>
          %dma_wait3A_75 = arith.constant 9984 : i32
          %dma_wait3A_76 = arith.constant 0 : i32
          %dma_wait3A_77 = tpu.memref_slice %arg12[%dma_wait3A_75, %dma_wait3A_76] : memref<10000x128xf32, #tpu.memory_space<vmem_shared>> -> memref<16x128xf32, #tpu.memory_space<vmem_shared>>
          tpu.wait_dma2 semaphore(%run_scoped3A : memref<!tpu.dma_semaphore, #tpu.memory_space<semaphore_mem>>) src(%dma_wait3A_77 : memref<16x128xf32, #tpu.memory_space<vmem_shared>>) dst(%dma_wait3A_74 : memref<16x128xf32, #tpu.memory_space<hbm>>)
          tpu.yield
        }) : () -> ()
      } else {
      }
    } else {
    }
    %eq3A_57 = arith.constant 1 : i32
    %eq3A_58 = arith.cmpi eq, %arg0, %eq3A_57 : i32
    %convert_element_type3A_59 = arith.extui %eq3A_58 : i1 to i32
    %cond3A_60 = arith.constant 0 : i32
    %cond3A_61 = arith.cmpi ne, %convert_element_type3A_59, %cond3A_60 : i32
    scf.if %cond3A_61 {
      "tpu.region"() ({
        %run_scoped3A = tpu.sem_alloc : memref<!tpu.dma_semaphore, #tpu.memory_space<semaphore_mem>>
        %dma_start3A_67 = arith.constant 0 : i32
        %dma_start3A_68 = tpu.memref_slice %arg7[%mul3A_0, %dma_start3A_67] : memref<10000x128xf32, #tpu.memory_space<hbm>> -> memref<624x128xf32, #tpu.memory_space<hbm>>
        %dma_start3A_69 = arith.constant 0 : i32
        %dma_start3A_70 = tpu.memref_slice %arg12[%mul3A_0, %dma_start3A_69] : memref<10000x128xf32, #tpu.memory_space<vmem_shared>> -> memref<624x128xf32, #tpu.memory_space<vmem_shared>>
        tpu.enqueue_dma source(%dma_start3A_70 : memref<624x128xf32, #tpu.memory_space<vmem_shared>>) target(%dma_start3A_68 : memref<624x128xf32, #tpu.memory_space<hbm>>) target_semaphore(%run_scoped3A : memref<!tpu.dma_semaphore, #tpu.memory_space<semaphore_mem>>)
        %dma_wait3A = arith.constant 0 : i32
        %dma_wait3A_71 = tpu.memref_slice %arg7[%mul3A_0, %dma_wait3A] : memref<10000x128xf32, #tpu.memory_space<hbm>> -> memref<624x128xf32, #tpu.memory_space<hbm>>
        %dma_wait3A_72 = arith.constant 0 : i32
        %dma_wait3A_73 = tpu.memref_slice %arg12[%mul3A_0, %dma_wait3A_72] : memref<10000x128xf32, #tpu.memory_space<vmem_shared>> -> memref<624x128xf32, #tpu.memory_space<vmem_shared>>
        tpu.wait_dma2 semaphore(%run_scoped3A : memref<!tpu.dma_semaphore, #tpu.memory_space<semaphore_mem>>) src(%dma_wait3A_73 : memref<624x128xf32, #tpu.memory_space<vmem_shared>>) dst(%dma_wait3A_71 : memref<624x128xf32, #tpu.memory_space<hbm>>)
        tpu.yield
      }) : () -> ()
      %eq3A_62 = arith.constant 0 : i32
      %eq3A_63 = arith.cmpi eq, %arg1, %eq3A_62 : i32
      %convert_element_type3A_64 = arith.extui %eq3A_63 : i1 to i32
      %cond3A_65 = arith.constant 0 : i32
      %cond3A_66 = arith.cmpi ne, %convert_element_type3A_64, %cond3A_65 : i32
      scf.if %cond3A_66 {
        "tpu.region"() ({
          %run_scoped3A = tpu.sem_alloc : memref<!tpu.dma_semaphore, #tpu.memory_space<semaphore_mem>>
          %dma_start3A_67 = arith.constant 9984 : i32
          %dma_start3A_68 = arith.constant 0 : i32
          %dma_start3A_69 = tpu.memref_slice %arg7[%dma_start3A_67, %dma_start3A_68] : memref<10000x128xf32, #tpu.memory_space<hbm>> -> memref<16x128xf32, #tpu.memory_space<hbm>>
          %dma_start3A_70 = arith.constant 9984 : i32
          %dma_start3A_71 = arith.constant 0 : i32
          %dma_start3A_72 = tpu.memref_slice %arg12[%dma_start3A_70, %dma_start3A_71] : memref<10000x128xf32, #tpu.memory_space<vmem_shared>> -> memref<16x128xf32, #tpu.memory_space<vmem_shared>>
          tpu.enqueue_dma source(%dma_start3A_72 : memref<16x128xf32, #tpu.memory_space<vmem_shared>>) target(%dma_start3A_69 : memref<16x128xf32, #tpu.memory_space<hbm>>) target_semaphore(%run_scoped3A : memref<!tpu.dma_semaphore, #tpu.memory_space<semaphore_mem>>)
          %dma_wait3A = arith.constant 9984 : i32
          %dma_wait3A_73 = arith.constant 0 : i32
          %dma_wait3A_74 = tpu.memref_slice %arg7[%dma_wait3A, %dma_wait3A_73] : memref<10000x128xf32, #tpu.memory_space<hbm>> -> memref<16x128xf32, #tpu.memory_space<hbm>>
          %dma_wait3A_75 = arith.constant 9984 : i32
          %dma_wait3A_76 = arith.constant 0 : i32
          %dma_wait3A_77 = tpu.memref_slice %arg12[%dma_wait3A_75, %dma_wait3A_76] : memref<10000x128xf32, #tpu.memory_space<vmem_shared>> -> memref<16x128xf32, #tpu.memory_space<vmem_shared>>
          tpu.wait_dma2 semaphore(%run_scoped3A : memref<!tpu.dma_semaphore, #tpu.memory_space<semaphore_mem>>) src(%dma_wait3A_77 : memref<16x128xf32, #tpu.memory_space<vmem_shared>>) dst(%dma_wait3A_74 : memref<16x128xf32, #tpu.memory_space<hbm>>)
          tpu.yield
        }) : () -> ()
      } else {
      }
    } else {
    }
    return
  }
}

module attributes {stable_mosaic.version = 14 : i64} {
  func.func @_mlp_body(%arg0: i32, %arg1: memref<1000x256xf32, #tpu.memory_space<vmem>>, %arg2: memref<1000x128xf32, #tpu.memory_space<vmem>>, %arg3: memref<1000x128xf32, #tpu.memory_space<vmem>>, %arg4: memref<256x256xf32, #tpu.memory_space<vmem>>, %arg5: memref<1x256xf32, #tpu.memory_space<vmem>>, %arg6: memref<256x256xf32, #tpu.memory_space<vmem>>, %arg7: memref<1x256xf32, #tpu.memory_space<vmem>>, %arg8: memref<1000x256xf32, #tpu.memory_space<vmem>>) attributes {dimension_semantics = [#tpu.dimension_semantics<arbitrary>], iteration_bounds = array<i64: 10>, scalar_prefetch = 0 : i64, scratch_operands = 0 : i64, tpu.core_type = #tpu.core_type<tc>, window_params = [{transform_indices = @transform_0, window_bounds = array<i64: 1000, 256>}, {transform_indices = @transform_1, window_bounds = array<i64: 1000, 128>}, {transform_indices = @transform_2, window_bounds = array<i64: 1000, 128>}, {pipeline_mode = #tpu.pipeline_mode<synchronous>, transform_indices = @transform_3, window_bounds = array<i64: 256, 256>}, {pipeline_mode = #tpu.pipeline_mode<synchronous>, transform_indices = @transform_4, window_bounds = array<i64: 1, 256>}, {pipeline_mode = #tpu.pipeline_mode<synchronous>, transform_indices = @transform_5, window_bounds = array<i64: 256, 256>}, {pipeline_mode = #tpu.pipeline_mode<synchronous>, transform_indices = @transform_6, window_bounds = array<i64: 1, 256>}, {transform_indices = @transform_7, window_bounds = array<i64: 1000, 256>}]} {
    %get3A = arith.constant 0 : index
    %get3A_0 = arith.constant 0 : index
    %get3A_1 = vector.load %arg1[%get3A, %get3A_0] : memref<1000x256xf32, #tpu.memory_space<vmem>>, vector<1000x256xf32>
    %get3A_2 = arith.constant 0 : index
    %get3A_3 = arith.constant 0 : index
    %get3A_4 = vector.load %arg2[%get3A_2, %get3A_3] : memref<1000x128xf32, #tpu.memory_space<vmem>>, vector<1000x128xf32>
    %get3A_5 = arith.constant 0 : index
    %get3A_6 = arith.constant 0 : index
    %get3A_7 = vector.load %arg3[%get3A_5, %get3A_6] : memref<1000x128xf32, #tpu.memory_space<vmem>>, vector<1000x128xf32>
    %concatenate3A = tpu.concatenate %get3A_4, %get3A_7 in 1 : vector<1000x128xf32>, vector<1000x128xf32> -> vector<1000x256xf32>
    %add3A = arith.addf %get3A_1, %concatenate3A : vector<1000x256xf32>
    %get3A_8 = arith.constant 0 : index
    %get3A_9 = arith.constant 0 : index
    %get3A_10 = vector.load %arg4[%get3A_8, %get3A_9] : memref<256x256xf32, #tpu.memory_space<vmem>>, vector<256x256xf32>
    %dot_general3A = arith.constant dense<0.000000e+00> : vector<1000x256xf32>
    %dot_general3A_11 = tpu.matmul %add3A, %get3A_10, %dot_general3A {dimension_numbers = #tpu.dot_dimension_numbers<[1], [0], [0], [1], [0, 0, 1, 1], [], []>, transpose_lhs_hint = false} : vector<1000x256xf32>, vector<256x256xf32>, vector<1000x256xf32> -> vector<1000x256xf32>
    %get3A_12 = arith.constant 0 : index
    %get3A_13 = arith.constant 0 : index
    %get3A_14 = vector.load %arg5[%get3A_12, %get3A_13] : memref<1x256xf32, #tpu.memory_space<vmem>>, vector<1x256xf32>
    %add3A_15 = vector.broadcast %get3A_14 : vector<1x256xf32> to vector<1000x256xf32>
    %add3A_16 = arith.addf %dot_general3A_11, %add3A_15 : vector<1000x256xf32>
    %max3A = arith.constant 0.000000e+00 : f32
    %max3A_17 = vector.broadcast %max3A : f32 to vector<1000x256xf32>
    %max3A_18 = arith.maximumf %add3A_16, %max3A_17 : vector<1000x256xf32>
    %get3A_19 = arith.constant 0 : index
    %get3A_20 = arith.constant 0 : index
    %get3A_21 = vector.load %arg6[%get3A_19, %get3A_20] : memref<256x256xf32, #tpu.memory_space<vmem>>, vector<256x256xf32>
    %dot_general3A_22 = arith.constant dense<0.000000e+00> : vector<1000x256xf32>
    %dot_general3A_23 = tpu.matmul %max3A_18, %get3A_21, %dot_general3A_22 {dimension_numbers = #tpu.dot_dimension_numbers<[1], [0], [0], [1], [0, 0, 1, 1], [], []>, transpose_lhs_hint = false} : vector<1000x256xf32>, vector<256x256xf32>, vector<1000x256xf32> -> vector<1000x256xf32>
    %get3A_24 = arith.constant 0 : index
    %get3A_25 = arith.constant 0 : index
    %get3A_26 = vector.load %arg7[%get3A_24, %get3A_25] : memref<1x256xf32, #tpu.memory_space<vmem>>, vector<1x256xf32>
    %add3A_27 = vector.broadcast %get3A_26 : vector<1x256xf32> to vector<1000x256xf32>
    %add3A_28 = arith.addf %dot_general3A_23, %add3A_27 : vector<1000x256xf32>
    %swap3A = arith.constant 0 : index
    %swap3A_29 = arith.constant 0 : index
    %swap3A_30 = vector.load %arg8[%swap3A, %swap3A_29] : memref<1000x256xf32, #tpu.memory_space<vmem>>, vector<1000x256xf32>
    tpu.vector_store %arg8[%swap3A, %swap3A_29], %add3A_28 {strides = array<i32>} : memref<1000x256xf32, #tpu.memory_space<vmem>>, vector<1000x256xf32>,
    return
  }
  func.func @transform_0(%arg0: i32) -> (i32, i32) {
    %c0_i32 = arith.constant 0 : i32
    %c0_i32_0 = arith.constant 0 : i32
    return %arg0, %c0_i32 : i32, i32
  }
  func.func @transform_1(%arg0: i32) -> (i32, i32) {
    %c0_i32 = arith.constant 0 : i32
    %c0_i32_0 = arith.constant 0 : i32
    return %arg0, %c0_i32 : i32, i32
  }
  func.func @transform_2(%arg0: i32) -> (i32, i32) {
    %c0_i32 = arith.constant 0 : i32
    %c0_i32_0 = arith.constant 0 : i32
    return %arg0, %c0_i32 : i32, i32
  }
  func.func @transform_3(%arg0: i32) -> (i32, i32) {
    %c0_i32 = arith.constant 0 : i32
    %c0_i32_0 = arith.constant 0 : i32
    %c0_i32_1 = arith.constant 0 : i32
    return %c0_i32, %c0_i32_0 : i32, i32
  }
  func.func @transform_4(%arg0: i32) -> (i32, i32) {
    %c0_i32 = arith.constant 0 : i32
    %c0_i32_0 = arith.constant 0 : i32
    %c0_i32_1 = arith.constant 0 : i32
    return %c0_i32, %c0_i32_0 : i32, i32
  }
  func.func @transform_5(%arg0: i32) -> (i32, i32) {
    %c0_i32 = arith.constant 0 : i32
    %c0_i32_0 = arith.constant 0 : i32
    %c0_i32_1 = arith.constant 0 : i32
    return %c0_i32, %c0_i32_0 : i32, i32
  }
  func.func @transform_6(%arg0: i32) -> (i32, i32) {
    %c0_i32 = arith.constant 0 : i32
    %c0_i32_0 = arith.constant 0 : i32
    %c0_i32_1 = arith.constant 0 : i32
    return %c0_i32, %c0_i32_0 : i32, i32
  }
  func.func @transform_7(%arg0: i32) -> (i32, i32) {
    %c0_i32 = arith.constant 0 : i32
    %c0_i32_0 = arith.constant 0 : i32
    return %arg0, %c0_i32 : i32, i32
  }
}

</mosaic_0001>

<sc_bundles>
// kernel: kernel.4.cloned.1.call-start
scs
__scs_entry_jumppad:
0x0: {  	(pc) =	sbr.rel $0x88, $3  }
0x1: {  	(tag) =	ssettag $0x0;
	lr =	simm.s32 $0x1  }
0x2: {  	[smem:$0x3F9B] =	sst lr;
	_ =	strace $0xD0000000  }
0x3: {  	_ = 	snop  }
0x4: {  	_ = 	snop  }
0x5: {  	_ = 	snop  }
0x6: {  	_ = 	snop  }
0x7: {  	_ = 	snop  }
__scs_overlays_trampoline_lowered:
0x8: {  	[smem:$0x3FAA] =	sst s0  }
0x9: {  	[smem:$0x3FAB] =	sst s1  }
0xa: {  	[smem:$0x3FAC] =	sst s2  }
0xb: {  	[smem:$0x3FAD] =	sst s3  }
0xc: {  	[smem:$0x3FAE] =	sst s4  }
0xd: {  	[smem:$0x3FAF] =	sst s5  }
0xe: {  	[smem:$0x3FB0] =	sst s6  }
0xf: {  	[smem:$0x3FB1] =	sst s7  }
0x10: {  	[smem:$0x3FB2] =	sst s8  }
0x11: {  	[smem:$0x3FB3] =	sst s9;
	s0 =	simm.s32 @!p0 $0x0  }
0x12: {  	s1 =	sld [smem:$0x3F99];
	s0 =	simm.s32 @p0 $0x1  }
0x13: {  	[smem:$0x3FB4] =	sst s0;
	s0 =	simm.s32 @!p1 $0x0  }
0x14: {  	s2 =	sld [smem:$0x3F98];
	s0 =	simm.s32 @p1 $0x1  }
0x15: {  	[smem:$0x3FB5] =	sst s0;
	s0 =	simm.s32 @!p2 $0x0  }
0x16: {  	s3 =	sld [smem:$0x3FDB];
	s0 =	simm.s32 @p2 $0x1  }
0x17: {  	s4 =	simm.s32 $0x1BF5;
	[smem:$0x3FB7] =	sst s0  }
0x18: {  	s0 =	sld [smem:$0x3F9A];
	_ =	swait.ge [sflag:s4], $0x0  }
0x19: {  	s7 =	sld [smem:$0x3F9B]  }
0x1a: {  	s8 =	sadd.s32 $0xFFFFE003, lr  }
0x1b: {  	s9 =	sadd.s32 $0xFFFFFEF7, lr;
	s5 =	simm.s32 $0xFFFFFFFF;
	p2 =	slt.u32 s8, $0xFFFFF086  }
0x1c: {  	p1 =	slt.u32 s9, $0xF7A;
	s5 =	simm.s32 @!p2 $0x0  }
0x1d: {  	s5 =	simm.s32 @p1 $0x1;
	p0 =	seq.s32 s7, s2  }
0x1e: {  	s7 =	smul.u32 @!p0 $0xF7A, s2;
	p2 =	seq.s32 @!p0 s5, $0x0  }
0x1f: {  	s9 =	smul.u32 $0xF7A, s1;
	s8 =	simm.s32 @!p0 $0x1BF5;
	p2 =	por !p2, p0  }
0x20: {  	[sflag:s8] =	ssyncset.s32 @!p0 $0xFFFFF086;
	s6 =	sadd.s32 @!p0 s3, s7;
	s7 =	simm.s32 @!p0 $0x108  }
0x21: {  	s3 =	sadd.s32 s3, s9;
	s6 =	sadd.s32 @!p0 $0x88, s6;
	s7 =	simm.s32 @p2 $0x1082  }
0x22: {  	[simem:s7], [sflag:s8] =	dma.local @!p0 [hbm:s6], $0xF7A  }
0x23: {  	s9 =	sor.u32 $0xD0000000, s2;
	s6 =	simm.s32 $0x108;
	_ =	swait.ge @!p0 [sflag:s8], $0x0  }
0x24: {  	s3 =	sadd.s32 $0x88, s3;
	s6 =	simm.s32 @!p1 $0x1082;
	[sflag:s4] =	ssyncset.s32 $0xFFFFF086  }
0x25: {  	[simem:s6], [sflag:s4] =	dma.local [hbm:s3], $0xF7A  }
0x26: {  	[smem:$0x3F9B] =	sst s1;
	(tag) =	ssettag s2;
	_ =	strace s9  }
0x27: {  	s1 =	sld [smem:$0x3FAB]  }
0x28: {  	s2 =	sld [smem:$0x3FAC]  }
0x29: {  	s4 =	sld [smem:$0x3FAE]  }
0x2a: {  	p0 =	seq.s32 s5, $0x0;
	s5 =	sld [smem:$0x3FAF]  }
0x2b: {  	s6 =	sld [smem:$0x3FB0]  }
0x2c: {  	s7 =	sld [smem:$0x3FB1]  }
0x2d: {  	s3 =	simm.s32 $0x108;
	s8 =	sld [smem:$0x3FB2]  }
0x2e: {  	s3 =	simm.s32 @!p0 $0x1082;
	s9 =	sld [smem:$0x3FB3]  }
0x2f: {  	lr =	sadd.s32 s0, s3;
	s0 =	sld [smem:$0x3FAA]  }
0x30: {  	s3 =	sld [smem:$0x3FAD]  }
0x31: {  	[smem:$0x3FB6] =	sst s10  }
0x32: {  	s10 =	sld [smem:$0x3FB4];
	_ =	sdelay $0x3  }
0x33: {  	p0 =	seq.s32 s10, $0x1;
	s10 =	sld [smem:$0x3FB6];
	_ =	sdelay $0x3  }
0x34: {  	[smem:$0x3FB6] =	sst s10  }
0x35: {  	s10 =	sld [smem:$0x3FB5];
	_ =	sdelay $0x3  }
0x36: {  	p1 =	seq.s32 s10, $0x1;
	s10 =	sld [smem:$0x3FB6];
	_ =	sdelay $0x3  }
0x37: {  	[smem:$0x3FB6] =	sst s10  }
0x38: {  	s10 =	sld [smem:$0x3FB7]  }
0x39: {  	_ = 	snop;
	(pc) =	sbr.ind lr, $3  }
0x3a: {  	_ = 	snop  }
0x3b: {  	_ = 	snop  }
0x3c: {  	p2 =	seq.s32 s10, $0x1;
	s10 =	sld [smem:$0x3FB6]  }
0x3d: {  	_ =	shalt  }
0x3e: {  	_ =	shalt  }
0x3f: {  	_ =	shalt  }
0x40: {  	_ =	shalt  }
0x41: {  	_ =	shalt  }
0x42: {  	_ =	shalt  }
0x43: {  	_ =	shalt  }
0x44: {  	_ =	shalt  }
0x45: {  	_ =	shalt  }
0x46: {  	_ =	shalt  }
0x47: {  	_ =	shalt  }
0x48: {  	_ =	shalt  }
0x49: {  	_ =	shalt  }
0x4a: {  	_ =	shalt  }
0x4b: {  	_ =	shalt  }
0x4c: {  	_ =	shalt  }
0x4d: {  	_ =	shalt  }
0x4e: {  	_ =	shalt  }
0x4f: {  	_ =	shalt  }
0x50: {  	_ =	shalt  }
0x51: {  	_ =	shalt  }
0x52: {  	_ =	shalt  }
0x53: {  	_ =	shalt  }
0x54: {  	_ =	shalt  }
0x55: {  	_ =	shalt  }
0x56: {  	_ =	shalt  }
0x57: {  	_ =	shalt  }
0x58: {  	_ =	shalt  }
0x59: {  	_ =	shalt  }
0x5a: {  	_ =	shalt  }
0x5b: {  	_ =	shalt  }
0x5c: {  	_ =	shalt  }
0x5d: {  	_ =	shalt  }
0x5e: {  	_ =	shalt  }
0x5f: {  	_ =	shalt  }
0x60: {  	_ =	shalt  }
0x61: {  	_ =	shalt  }
0x62: {  	_ =	shalt  }
0x63: {  	_ =	shalt  }
0x64: {  	_ =	shalt  }
0x65: {  	_ =	shalt  }
0x66: {  	_ =	shalt  }
0x67: {  	_ =	shalt  }
0x68: {  	_ =	shalt  }
0x69: {  	_ =	shalt  }
0x6a: {  	_ =	shalt  }
0x6b: {  	_ =	shalt  }
0x6c: {  	_ =	shalt  }
0x6d: {  	_ =	shalt  }
0x6e: {  	_ =	shalt  }
0x6f: {  	_ =	shalt  }
0x70: {  	_ =	shalt  }
0x71: {  	_ =	shalt  }
0x72: {  	_ =	shalt  }
0x73: {  	_ =	shalt  }
0x74: {  	_ =	shalt  }
0x75: {  	_ =	shalt  }
0x76: {  	_ =	shalt  }
0x77: {  	_ =	shalt  }
0x78: {  	_ =	shalt  }
0x79: {  	_ =	shalt  }
0x7a: {  	_ =	shalt  }
0x7b: {  	_ =	shalt  }
0x7c: {  	_ =	shalt  }
0x7d: {  	_ =	shalt  }
0x7e: {  	_ =	shalt  }
0x7f: {  	_ =	shalt  }
0x80: {  	_ =	shalt  }
0x81: {  	_ =	shalt  }
0x82: {  	_ =	shalt  }
0x83: {  	_ =	shalt  }
0x84: {  	_ =	shalt  }
0x85: {  	_ =	shalt  }
0x86: {  	_ =	shalt  }
0x87: {  	_ =	shalt  }
.Lfunc_end0:
.L_simem_size_0:
called_computation_lowered:
.L_overlay_start_0:
0x88: {  	s2 =	sld [smem:$0x3FD9]  }
0x89: {  	s3 =	sld [smem:$0x3FFE];
	_ =	sdelay $0x1  }
0x8a: {  	s1 =	srdreg.scid  }
0x8b: {  	s0 =	sand.u32 $0x1, s1  }
0x8c: {  	s17 =	sshll.u32 s0, $0xA;
	s2 =	sadd.s32 s3, s2  }
0x8d: {  	s2 =	sadd.s32 s2, s17  }
0x8e: {  	[smem:$0x3FC2] =	sst s2  }
0x8f: {  	_ = 	snop  }
0x90: {  	s2 =	sld [smem:$0x3FC9]  }
0x91: {  	s18 =	sld [smem:$0x3FD0];
	(tm) =	ssettm $0x1  }
0x92: {  	s4 =	sld [smem:$0x3FFB];
	_ =	sdelay $0x3  }
0x93: {  	_ =	strace s4  }
0x94: {  	s4 =	sld [smem:$0x3FFC];
	_ =	sdelay $0x3  }
0x95: {  	_ =	strace s4  }
0x96: {  	s4 =	sld [smem:$0x3FFD];
	_ =	sdelay $0x3  }
0x97: {  	_ =	strace s4  }
0x98: {  	_ =	strace $0x8FFFFFFF  }
0x99: {  	s19 =	sld [smem:$0x3FDB];
	_ =	sdelay $0x1  }
0x9a: {  	s5 =	simm.s32 $_scs_section_size  }
0x9b: {  	s6 =	simm.s32 $_size__tile_overlayer_lowered;
	s7 =	simm.s32 $_tile_overlayer_lowered  }
0x9c: {  	s22 =	simm.s32 $0x1BFF;
	s21 =	sshll.u32 s7, $0x1;
	s4 =	sadd.s32 s5, s19  }
0x9d: {  	s8 =	simm.s32 $0x0;
	s20 =	sshll.u32 s6, $0x1;
	s6 =	sadd.s32 s21, s4  }
0x9e: {  	[timem:s8], [sflag:s22] =	dma.local [hbm:s6], s20  }
0x9f: {  	_ =	swait.ge [sflag:s22], s20  }
0xa0: {  	s5 =	ssub.s32 $0x0, s20;
	[sflag:s22] =	ssyncset.done $0x0  }
0xa1: {  	[sflag:s22] =	ssyncadd.s32 s5;
	_ =	sdelay $0x1  }
0xa2: {  	s23 =	simm.s32 $0x1B8B  }
0xa3: {  	_ =	swait.ge [sflag:s23], $0x1  }
0xa4: {  	[sflag:s23] =	ssyncset.done $0x0  }
0xa5: {  	s25 =	simm.s32 $0x1B8E;
	s24 =	sld [smem:$0x3FFE];
	[sflag:s23] =	ssyncadd.s32 $0xFFFFFFFF  }
0xa6: {  	s26 =	simm.s32 $execute0_lowered;
	[smem:$0x3FD2] =	sst s25  }
0xa7: {  	s6 =	sshll.u32 s26, $0x1;
	_ =	strace $0x80000046;
	[dreg:$0x1] =	wrdreg $0xFFFFFFFF  }
0xa8: {  	s28 =	simm.s32 $_size_execute0_lowered;
	s4 =	sadd.s32 s4, s6;
	[dreg:$0x0] =	wrdreg $0x0  }
0xa9: {  	s6 =	sshll.u32 s28, $0x1;
	[dreg:$0x2] =	wrdreg s4  }
0xaa: {  	[dreg:$0x3] =	wrdreg s6  }
0xab: {  	[dreg:$0x4] =	wrdreg $0xC0  }
0xac: {  	_ =	task [dreg:s8], $0x5FFFF  }
0xad: {  	[dreg:$0x1] =	wrdreg $0xFFFFFFFF  }
0xae: {  	[dreg:$0x0] =	wrdreg $0x60  }
0xaf: {  	[dreg:$0x2] =	wrdreg s2  }
0xb0: {  	[dreg:$0x3] =	wrdreg s24  }
0xb1: {  	[dreg:$0x4] =	wrdreg s18  }
0xb2: {  	[dreg:$0x5] =	wrdreg $0xA8000  }
0xb3: {  	[dreg:$0x6] =	wrdreg $0x9  }
0xb4: {  	_ =	task.clear_ibuf [dreg:s8], $0x7FFFF;
	_ =	strace $0x90000046  }
0xb5: {  	s29 =	simm.s32 $0x9;
	_ =	strace $0x80000048  }
0xb6: {  	_ =	swait.ge [sflag:s29], $0x1  }
0xb7: {  	[sflag:s29] =	ssyncadd.s32 $0xFFFFFFFF  }
0xb8: {  	_ =	strace $0x90000048  }
0xb9: {  	_ =	sfence  }
0xba: {  	s30 =	sld [smem:$0x0];
	_ =	sdelay $0x2  }
0xbb: {  	s31 =	sshll.u32 s1, $0xD;
	s1 =	sshrl.u32 s1, $0x2  }
0xbc: {  	s3 =	sand.u32 $0x4000, s31;
	s1 =	sadd.s32 s1, s30  }
0xbd: {  	s0 =	sor.u32 s3, s0;
	s1 =	sshll.u32 s1, $0x11  }
0xbe: {  	s0 =	sor.u32 s1, s0  }
0xbf: {  	s0 =	sadd.s32 $0x8F2B, s0  }
0xc0: {  	[sflag:s0] =	ssyncadd.remote.s32 $0x1  }
0xc1: {  	_ =	sfence.sel $0xFFFF  }
0xc2: {  	[dreg:$0x0] =	wrdreg $0xFFFFFFFF;
	(pc) =	sbr.abs _section_cstart, $3  }
0xc3: {  	[dreg:$0x1] =	wrdreg $0xFFFFFFFF  }
0xc4: {  	_ =	task.clear_ibuf [dreg:s8], $0x2FFFF;
	_ =	strace $0x9FFFFFFF  }
0xc5: {  	(tm) =	ssettm $0x7FFFFFFF  }
tec
execute0_lowered:
.L_overlay_start_1:
0x0: {  	(tag) =	ssettag $0x1  }
0x1: {  	s0 =	rddreg [dreg:$0x0]  }
0x2: {  	s1 =	rddreg [dreg:$0x1]  }
0x3: {  	s12 =	rddreg [dreg:$0x2]  }
0x4: {  	s2 =	rddreg [dreg:$0x3];
	s3 =	simm.s32 $0x0  }
0x5: {  	s5 =	srdreg.scid;
	s7 =	stileid.u32;
	s17 =	simm.s32 $0x3  }
0x6: {  	s15 =	simm.s32 $0x6800;
	[smem:$0x7FF] =	sst s3;
	s4 =	sadd.s32 $0x1C00, s1  }
0x7: {  	s6 =	sadd.s32 $0x6C00, s1;
	s5 =	sand.u32 $0x1, s5;
	s9 =	smul.u32 $0x4E000, s7  }
0x8: {  	s8 =	sadd.s32 $0xBC00, s1;
	s13 =	sadd.s32 $0xE400, s1;
	s10 =	smul.u32 $0x2800, s7  }
0x9: {  	s21 =	sshll.u32 s7, $0x6;
	s14 =	sadd.s32 $0x138000, s2;
	s11 =	smul.u32 $0x2700, s7  }
0xa: {  	p0 =	sne.s32 s7, $0x0;
	p2 =	seq.s32 s7, $0x0;
	_ =	strace $0x80000047  }
0xb: {  	[dreg:$0x5] =	wrdreg s8;
	s18 =	ssub.s32 $0x2, s5;
	s16 =	sor.u32 $0x1C03, s21  }
0xc: {  	s24 =	sshll.u32 s5, $0x7;
	p1 =	seq.s32 s5, $0x1;
	[dreg:$0x6] =	wrdreg s13  }
0xd: {  	[dreg:$0x8] =	wrdreg s14;
	s19 =	sshrl.u32 s18, $0x1;
	s20 =	sshrl.u32 s9, $0x2  }
0xe: {  	s22 =	sshrl.u32 s10, $0x3;
	s28 =	sadd.s32 s12, s11;
	[dreg:$0x7] =	wrdreg s16  }
0xf: {  	s29 =	sadd.s32 s13, s11;
	s12 =	simm.s32 $0x1;
	[dreg:$0xd] =	wrdreg s28  }
0x10: {  	s1 =	ssub.s32 s18, s19;
	s10 =	sadd.s32 s4, s22;
	[dreg:$0xe] =	wrdreg s29  }
0x11: {  	v0 =	vimm.s32 $0x7;
	s23 =	sadd.s32 s6, s22;
	s9 =	sadd.s32 $0x280, s22;
	[dreg:$0x9] =	wrdreg s10  }
0x12: {  	v1 =	vimm.s32 $0x1;
	v2 =	vimm.s32 $0x0;
	v3 =	vlaneseq.u32;
	s8 =	sadd.s32 s20, s2;
	[dreg:$0xa] =	wrdreg s23;
	s25 =	sadd.s32 s4, s9  }
.Ltmp0:
0x13: {  	vm0 =	vmmov $0x1;
	v4 =	vimm.s32 $0x2;
	v5 =	vimm.s32 $0x3;
	s26 =	sadd.s32 s6, s9;
	[dreg:$0xb] =	wrdreg s25;
	(pc) =	sbr.rel .LBB2_1-.Ltmp0, $4  }
0x14: {  	v6 =	vimm.s32 $0x4;
	v7 =	vimm.s32 $0x5;
	v8 =	vimm.s32 $0x6;
	s20 =	simm.s32 $0x2800;
	s30 =	smax.u32 s1, $0x1;
	[dreg:$0xc] =	wrdreg s26  }
0x15: {  	v9 =	vimm.s32 $0x8;
	v10 =	vimm.s32 $0x9;
	v11 =	vimm.s32 $0xA;
	s18 =	simm.s32 $0x7D;
	s31 =	sshrl.u32 s8, $0x3;
	[dreg:$0xf] =	wrdreg s30  }
0x16: {  	v12 =	vimm.s32 $0xB;
	v13 =	vimm.s32 $0xC;
	v14 =	vimm.s32 $0xD;
	s10 =	sadd.s32 s0, s24;
	s0 =	sshrl.u32 @!p0 s14, $0x3;
	[dreg:$0x10] =	wrdreg s31  }
0x17: {  	v15 =	vimm.s32 $0xE;
	v16 =	vimm.s32 $0xF;
	v3 =	vmul.u32 $0x8, v3;
	s19 =	simm.s32 $0x2;
	[dreg:$0x11] =	wrdreg s0;
	s0 =	simm.s32 $0x0  }
.LBB2_8:
0x18: {  	s6 =	rddreg [dreg:$0x8]  }
0x19: {  	s4 =	sadd.s32 $0x27000, s4;
	s6 =	sshrl.u32 s6, $0x3  }
0x1a: {  	[hbm:s4], [sflag:s16] =	dma.local [spmem:s6], $0x100  }
0x1b: {  	_ =	swait.ge [sflag:s17], $0x100  }
0x1c: {  	[sflag:s17] =	ssyncset.done $0x0  }
0x1d: {  	[sflag:s17] =	ssyncadd.s32 $0xFFFFFF00  }
.LBB2_9:
0x1e: {  	s0 =	sadd.s32 $0x1, s0;
	s4 =	rddreg [dreg:$0xf]  }
0x1f: {  	p3 =	sne.s32 s0, s4  }
.Ltmp1:
0x20: {  	_ = 	snop;
	(pc) =	sbr.rel @!p3 .LBB2_10-.Ltmp1, $1  }
0x21: {  	_ =	sdelay $0x3  }
.LBB2_1:
0x22: {  	[dreg:$0x12] =	wrdreg s0  }
0x23: {  	s4 =	rddreg [dreg:$0x5]  }
0x24: {  	s6 =	rddreg [dreg:$0x10]  }
0x25: {  	[spmem:s6], [sflag:s16] =	dma.local [hbm:s4], $0x2700  }
0x26: {  	_ =	swait.ge [sflag:s17], $0x2700  }
0x27: {  	[sflag:s17] =	ssyncset.done $0x0  }
0x28: {  	s6 =	rddreg [dreg:$0x11];
	[sflag:s17] =	ssyncadd.s32 $0xFFFFD900  }
0x29: {  	[spmem:s6], [sflag:s16] =	dma.local @!p0 [hbm:s4], $0x100  }
0x2a: {  	s4 =	simm.s32 @!p0 $0x3  }
0x2b: {  	_ =	swait.ge @!p0 [sflag:s4], $0x100  }
0x2c: {  	[sflag:s4] =	ssyncset.done @!p0 $0x0  }
0x2d: {  	[sflag:s4] =	ssyncadd.s32 @!p0 $0xFFFFFF00  }
0x2e: {  	[bflag:$0x0] =	sbarrier.arrive $0xFFFF  }
0x2f: {  	s13 =	rddreg [dreg:$0x9]  }
0x30: {  	[tilespmem:s3], [sflag:$0x3] =	stream.linear.gather [hbm4b:s13+s3], $0x1400, $0x38;
	[tilespmem:$0x1E080] =	vst v63  }
0x31: {  	_ =	swait.ge [sflag:s17], $0x1400  }
0x32: {  	[sflag:s17] =	ssyncset.done $0x0  }
0x33: {  	s6 =	simm.s32 $0x1400;
	s14 =	rddreg [dreg:$0xa];
	[sflag:s17] =	ssyncadd.s32 $0xFFFFEC00  }
0x34: {  	[tilespmem:s6], [sflag:$0x3] =	stream.linear.gather [hbm4b:s14+s3], $0x1400, $0x38;
	[tilespmem:$0x1E080] =	vst v63  }
0x35: {  	_ =	swait.ge [sflag:s17], $0x1400  }
0x36: {  	[sflag:s17] =	ssyncset.done $0x0  }
0x37: {  	[sflag:s17] =	ssyncadd.s32 $0xFFFFEC00  }
0x38: {  	v17 =	vld [tilespmem:$0x0];
	_ =	sdelay $0x4  }
0x39: {  	v18 =	vshll.u32 v17, $0x1  }
0x3a: {  	v17 =	vand.u32 $0x7, v17;
	v18 =	vand.u32 $0xFFFFFFF0, v18  }
0x3b: {  	v17 =	vor.u32 v17, v18  }
0x3c: {  	v18 =	vperm.xlane v17, v2;
	_ =	sdelay $0x1  }
0x3d: {  	v19 =	vperm.xlane v17, v1;
	v18 =	vadd.s32 v3, v18;
	_ =	sdelay $0x1  }
0x3e: {  	v20 =	vperm.xlane v17, v4;
	v19 =	vadd.s32 v3, v19;
	_ =	sdelay $0x1  }
0x3f: {  	v21 =	vperm.xlane v17, v5;
	v20 =	vadd.s32 v3, v20  }
0x40: {  	[tilespmem:s20], [sflag:$0x1] =	stream.indirect_vreg.gather [hbm4b:s10+s3], $0x80, v18, vm0, $0xb8;
	[tilespmem:$0x1E080] =	vst v63  }
0x41: {  	s21 =	simm.s32 $0x2880;
	v42 =	vperm.xlane v17, v6;
	v18 =	vadd.s32 v3, v21  }
0x42: {  	[tilespmem:s21], [sflag:$0x1] =	stream.indirect_vreg.gather [hbm4b:s10+s3], $0x80, v19, vm0, $0xb8;
	[tilespmem:$0x1E080] =	vst v63  }
0x43: {  	s22 =	simm.s32 $0x2900;
	v43 =	vperm.xlane v17, v7;
	v19 =	vadd.s32 v3, v42  }
0x44: {  	[tilespmem:s22], [sflag:$0x1] =	stream.indirect_vreg.gather [hbm4b:s10+s3], $0x80, v20, vm0, $0xb8;
	[tilespmem:$0x1E080] =	vst v63  }
0x45: {  	s23 =	simm.s32 $0x2980;
	v45 =	vperm.xlane v17, v8;
	v44 =	vadd.s32 v3, v43  }
0x46: {  	[tilespmem:s23], [sflag:$0x1] =	stream.indirect_vreg.gather [hbm4b:s10+s3], $0x80, v18, vm0, $0xb8;
	[tilespmem:$0x1E080] =	vst v63  }
0x47: {  	s24 =	simm.s32 $0x2A00;
	v46 =	vperm.xlane v17, v0;
	v18 =	vadd.s32 v3, v45  }
0x48: {  	[tilespmem:s24], [sflag:$0x1] =	stream.indirect_vreg.gather [hbm4b:s10+s3], $0x80, v19, vm0, $0xb8;
	[tilespmem:$0x1E080] =	vst v63  }
0x49: {  	s25 =	simm.s32 $0x2A80;
	v47 =	vperm.xlane v17, v9;
	v19 =	vadd.s32 v3, v46  }
0x4a: {  	[tilespmem:s25], [sflag:$0x1] =	stream.indirect_vreg.gather [hbm4b:s10+s3], $0x80, v44, vm0, $0xb8;
	[tilespmem:$0x1E080] =	vst v63  }
0x4b: {  	s26 =	simm.s32 $0x2B00;
	v49 =	vperm.xlane v17, v10;
	v48 =	vadd.s32 v3, v47  }
0x4c: {  	[tilespmem:s26], [sflag:$0x1] =	stream.indirect_vreg.gather [hbm4b:s10+s3], $0x80, v18, vm0, $0xb8;
	[tilespmem:$0x1E080] =	vst v63  }
0x4d: {  	s28 =	simm.s32 $0x2B80;
	v50 =	vperm.xlane v17, v11;
	v18 =	vadd.s32 v3, v49  }
0x4e: {  	[tilespmem:s28], [sflag:$0x1] =	stream.indirect_vreg.gather [hbm4b:s10+s3], $0x80, v19, vm0, $0xb8;
	[tilespmem:$0x1E080] =	vst v63  }
0x4f: {  	s29 =	simm.s32 $0x2C00;
	v51 =	vperm.xlane v17, v12;
	v19 =	vadd.s32 v3, v50  }
0x50: {  	[tilespmem:s29], [sflag:$0x1] =	stream.indirect_vreg.gather [hbm4b:s10+s3], $0x80, v48, vm0, $0xb8;
	[tilespmem:$0x1E080] =	vst v63  }
0x51: {  	s30 =	simm.s32 $0x2C80;
	v53 =	vperm.xlane v17, v13;
	v52 =	vadd.s32 v3, v51  }
0x52: {  	[tilespmem:s30], [sflag:$0x1] =	stream.indirect_vreg.gather [hbm4b:s10+s3], $0x80, v18, vm0, $0xb8;
	[tilespmem:$0x1E080] =	vst v63  }
0x53: {  	s31 =	simm.s32 $0x2D00;
	v54 =	vperm.xlane v17, v14;
	v18 =	vadd.s32 v3, v53  }
0x54: {  	[tilespmem:s31], [sflag:$0x1] =	stream.indirect_vreg.gather [hbm4b:s10+s3], $0x80, v19, vm0, $0xb8;
	[tilespmem:$0x1E080] =	vst v63  }
0x55: {  	s0 =	simm.s32 $0x2D80;
	v55 =	vperm.xlane v17, v15;
	v19 =	vadd.s32 v3, v54  }
0x56: {  	[tilespmem:s0], [sflag:$0x1] =	stream.indirect_vreg.gather [hbm4b:s10+s3], $0x80, v52, vm0, $0xb8;
	[tilespmem:$0x1E080] =	vst v63  }
0x57: {  	s1 =	simm.s32 $0x2E00;
	v17 =	vperm.xlane v17, v16;
	v56 =	vadd.s32 v3, v55  }
0x58: {  	[tilespmem:s1], [sflag:$0x1] =	stream.indirect_vreg.gather [hbm4b:s10+s3], $0x80, v18, vm0, $0xb8;
	[tilespmem:$0x1E080] =	vst v63  }
0x59: {  	s7 =	simm.s32 $0x2E80;
	v17 =	vadd.s32 v3, v17  }
0x5a: {  	[tilespmem:s7], [sflag:$0x1] =	stream.indirect_vreg.gather [hbm4b:s10+s3], $0x80, v19, vm0, $0xb8;
	[tilespmem:$0x1E080] =	vst v63  }
0x5b: {  	s13 =	simm.s32 $0x2F00  }
0x5c: {  	[tilespmem:s13], [sflag:$0x1] =	stream.indirect_vreg.gather [hbm4b:s10+s3], $0x80, v56, vm0, $0xb8;
	[tilespmem:$0x1E080] =	vst v63  }
0x5d: {  	s14 =	simm.s32 $0x2F80  }
0x5e: {  	[tilespmem:s14], [sflag:$0x1] =	stream.indirect_vreg.gather [hbm4b:s10+s3], $0x80, v17, vm0, $0xb8;
	[tilespmem:$0x1E080] =	vst v63  }
0x5f: {  	v17 =	vld [tilespmem:$0x10];
	_ =	sdelay $0x4  }
0x60: {  	v18 =	vshll.u32 v17, $0x1  }
0x61: {  	v17 =	vand.u32 $0x7, v17;
	v18 =	vand.u32 $0xFFFFFFF0, v18  }
0x62: {  	v17 =	vor.u32 v17, v18  }
0x63: {  	v18 =	vperm.xlane v17, v2;
	_ =	sdelay $0x1  }
0x64: {  	v19 =	vperm.xlane v17, v1;
	v18 =	vadd.s32 v3, v18;
	_ =	sdelay $0x1  }
0x65: {  	v57 =	vperm.xlane v17, v4;
	v19 =	vadd.s32 v3, v19;
	_ =	sdelay $0x1  }
0x66: {  	s5 =	simm.s32 $0x3000;
	v58 =	vperm.xlane v17, v5;
	v20 =	vadd.s32 v3, v57  }
0x67: {  	[tilespmem:s5], [sflag:$0x1] =	stream.indirect_vreg.gather [hbm4b:s10+s3], $0x80, v18, vm0, $0xb8;
	[tilespmem:$0x1E080] =	vst v63  }
0x68: {  	s8 =	simm.s32 $0x3080;
	v59 =	vperm.xlane v17, v6;
	v18 =	vadd.s32 v3, v58  }
0x69: {  	[tilespmem:s8], [sflag:$0x1] =	stream.indirect_vreg.gather [hbm4b:s10+s3], $0x80, v19, vm0, $0xb8;
	[tilespmem:$0x1E080] =	vst v63  }
0x6a: {  	s9 =	simm.s32 $0x3100;
	v60 =	vperm.xlane v17, v7;
	v19 =	vadd.s32 v3, v59  }
0x6b: {  	[tilespmem:s9], [sflag:$0x1] =	stream.indirect_vreg.gather [hbm4b:s10+s3], $0x80, v20, vm0, $0xb8;
	[tilespmem:$0x1E080] =	vst v63  }
0x6c: {  	s11 =	simm.s32 $0x3180;
	v62 =	vperm.xlane v17, v8;
	v61 =	vadd.s32 v3, v60  }
0x6d: {  	[tilespmem:s11], [sflag:$0x1] =	stream.indirect_vreg.gather [hbm4b:s10+s3], $0x80, v18, vm0, $0xb8;
	[tilespmem:$0x1E080] =	vst v63  }
0x6e: {  	s16 =	simm.s32 $0x3200;
	v63 =	vperm.xlane v17, v0;
	v18 =	vadd.s32 v3, v62  }
0x6f: {  	[tilespmem:s16], [sflag:$0x1] =	stream.indirect_vreg.gather [hbm4b:s10+s3], $0x80, v19, vm0, $0xb8;
	[tilespmem:$0x1E080] =	vst v63  }
0x70: {  	v24 =	vperm.xlane v17, v9;
	v19 =	vadd.s32 v3, v63;
	s16 =	simm.s32 $0x3280  }
0x71: {  	[tilespmem:s16], [sflag:$0x1] =	stream.indirect_vreg.gather [hbm4b:s10+s3], $0x80, v61, vm0, $0xb8;
	[tilespmem:$0x1E080] =	vst v63  }
0x72: {  	v26 =	vperm.xlane v17, v10;
	v25 =	vadd.s32 v3, v24;
	s16 =	simm.s32 $0x3300  }
0x73: {  	[tilespmem:s16], [sflag:$0x1] =	stream.indirect_vreg.gather [hbm4b:s10+s3], $0x80, v18, vm0, $0xb8;
	[tilespmem:$0x1E080] =	vst v63  }
0x74: {  	v27 =	vperm.xlane v17, v11;
	v18 =	vadd.s32 v3, v26;
	s16 =	simm.s32 $0x3380  }
0x75: {  	[tilespmem:s16], [sflag:$0x1] =	stream.indirect_vreg.gather [hbm4b:s10+s3], $0x80, v19, vm0, $0xb8;
	[tilespmem:$0x1E080] =	vst v63  }
0x76: {  	v28 =	vperm.xlane v17, v12;
	v19 =	vadd.s32 v3, v27;
	s16 =	simm.s32 $0x3400  }
0x77: {  	[tilespmem:s16], [sflag:$0x1] =	stream.indirect_vreg.gather [hbm4b:s10+s3], $0x80, v25, vm0, $0xb8;
	[tilespmem:$0x1E080] =	vst v63  }
0x78: {  	v30 =	vperm.xlane v17, v13;
	v29 =	vadd.s32 v3, v28;
	s16 =	simm.s32 $0x3480  }
0x79: {  	[tilespmem:s16], [sflag:$0x1] =	stream.indirect_vreg.gather [hbm4b:s10+s3], $0x80, v18, vm0, $0xb8;
	[tilespmem:$0x1E080] =	vst v63  }
0x7a: {  	v31 =	vperm.xlane v17, v14;
	v18 =	vadd.s32 v3, v30;
	s16 =	simm.s32 $0x3500  }
0x7b: {  	[tilespmem:s16], [sflag:$0x1] =	stream.indirect_vreg.gather [hbm4b:s10+s3], $0x80, v19, vm0, $0xb8;
	[tilespmem:$0x1E080] =	vst v63  }
0x7c: {  	v32 =	vperm.xlane v17, v15;
	v19 =	vadd.s32 v3, v31;
	s16 =	simm.s32 $0x3580  }
0x7d: {  	[tilespmem:s16], [sflag:$0x1] =	stream.indirect_vreg.gather [hbm4b:s10+s3], $0x80, v29, vm0, $0xb8;
	[tilespmem:$0x1E080] =	vst v63  }
0x7e: {  	v17 =	vperm.xlane v17, v16;
	v33 =	vadd.s32 v3, v32;
	s16 =	simm.s32 $0x3600  }
0x7f: {  	[tilespmem:s16], [sflag:$0x1] =	stream.indirect_vreg.gather [hbm4b:s10+s3], $0x80, v18, vm0, $0xb8;
	[tilespmem:$0x1E080] =	vst v63  }
0x80: {  	v17 =	vadd.s32 v3, v17;
	s16 =	simm.s32 $0x3680  }
0x81: {  	[tilespmem:s16], [sflag:$0x1] =	stream.indirect_vreg.gather [hbm4b:s10+s3], $0x80, v19, vm0, $0xb8;
	[tilespmem:$0x1E080] =	vst v63  }
0x82: {  	s16 =	simm.s32 $0x3700  }
0x83: {  	[tilespmem:s16], [sflag:$0x1] =	stream.indirect_vreg.gather [hbm4b:s10+s3], $0x80, v33, vm0, $0xb8;
	[tilespmem:$0x1E080] =	vst v63  }
0x84: {  	s16 =	simm.s32 $0x3780  }
0x85: {  	[tilespmem:s16], [sflag:$0x1] =	stream.indirect_vreg.gather [hbm4b:s10+s3], $0x80, v17, vm0, $0xb8;
	[tilespmem:$0x1E080] =	vst v63  }
0x86: {  	v17 =	vld [tilespmem:$0x20];
	_ =	sdelay $0x4  }
0x87: {  	v18 =	vshll.u32 v17, $0x1  }
0x88: {  	v17 =	vand.u32 $0x7, v17;
	v18 =	vand.u32 $0xFFFFFFF0, v18  }
0x89: {  	v17 =	vor.u32 v17, v18  }
0x8a: {  	v18 =	vperm.xlane v17, v2;
	_ =	sdelay $0x1  }
0x8b: {  	v19 =	vperm.xlane v17, v1;
	v18 =	vadd.s32 v3, v18;
	_ =	sdelay $0x1  }
0x8c: {  	v34 =	vperm.xlane v17, v4;
	v19 =	vadd.s32 v3, v19;
	_ =	sdelay $0x1  }
0x8d: {  	s16 =	simm.s32 $0x3800;
	v35 =	vperm.xlane v17, v5;
	v20 =	vadd.s32 v3, v34  }
0x8e: {  	[tilespmem:s16], [sflag:$0x1] =	stream.indirect_vreg.gather [hbm4b:s10+s3], $0x80, v18, vm0, $0xb8;
	[tilespmem:$0x1E080] =	vst v63  }
0x8f: {  	v36 =	vperm.xlane v17, v6;
	v18 =	vadd.s32 v3, v35;
	s16 =	simm.s32 $0x3880  }
0x90: {  	[tilespmem:s16], [sflag:$0x1] =	stream.indirect_vreg.gather [hbm4b:s10+s3], $0x80, v19, vm0, $0xb8;
	[tilespmem:$0x1E080] =	vst v63  }
0x91: {  	v37 =	vperm.xlane v17, v7;
	v19 =	vadd.s32 v3, v36;
	s16 =	simm.s32 $0x3900  }
0x92: {  	[tilespmem:s16], [sflag:$0x1] =	stream.indirect_vreg.gather [hbm4b:s10+s3], $0x80, v20, vm0, $0xb8;
	[tilespmem:$0x1E080] =	vst v63  }
0x93: {  	v39 =	vperm.xlane v17, v8;
	v38 =	vadd.s32 v3, v37;
	s16 =	simm.s32 $0x3980  }
0x94: {  	[tilespmem:s16], [sflag:$0x1] =	stream.indirect_vreg.gather [hbm4b:s10+s3], $0x80, v18, vm0, $0xb8;
	[tilespmem:$0x1E080] =	vst v63  }
0x95: {  	v40 =	vperm.xlane v17, v0;
	v18 =	vadd.s32 v3, v39;
	s16 =	simm.s32 $0x3A00  }
0x96: {  	[tilespmem:s16], [sflag:$0x1] =	stream.indirect_vreg.gather [hbm4b:s10+s3], $0x80, v19, vm0, $0xb8;
	[tilespmem:$0x1E080] =	vst v63  }
0x97: {  	v41 =	vperm.xlane v17, v9;
	v19 =	vadd.s32 v3, v40;
	s16 =	simm.s32 $0x3A80  }
0x98: {  	[tilespmem:s16], [sflag:$0x1] =	stream.indirect_vreg.gather [hbm4b:s10+s3], $0x80, v38, vm0, $0xb8;
	[tilespmem:$0x1E080] =	vst v63  }
0x99: {  	v43 =	vperm.xlane v17, v10;
	v42 =	vadd.s32 v3, v41;
	s16 =	simm.s32 $0x3B00  }
0x9a: {  	[tilespmem:s16], [sflag:$0x1] =	stream.indirect_vreg.gather [hbm4b:s10+s3], $0x80, v18, vm0, $0xb8;
	[tilespmem:$0x1E080] =	vst v63  }
0x9b: {  	v44 =	vperm.xlane v17, v11;
	v18 =	vadd.s32 v3, v43;
	s16 =	simm.s32 $0x3B80  }
0x9c: {  	[tilespmem:s16], [sflag:$0x1] =	stream.indirect_vreg.gather [hbm4b:s10+s3], $0x80, v19, vm0, $0xb8;
	[tilespmem:$0x1E080] =	vst v63  }
0x9d: {  	v45 =	vperm.xlane v17, v12;
	v19 =	vadd.s32 v3, v44;
	s16 =	simm.s32 $0x3C00  }
0x9e: {  	[tilespmem:s16], [sflag:$0x1] =	stream.indirect_vreg.gather [hbm4b:s10+s3], $0x80, v42, vm0, $0xb8;
	[tilespmem:$0x1E080] =	vst v63  }
0x9f: {  	v47 =	vperm.xlane v17, v13;
	v46 =	vadd.s32 v3, v45;
	s16 =	simm.s32 $0x3C80  }
0xa0: {  	[tilespmem:s16], [sflag:$0x1] =	stream.indirect_vreg.gather [hbm4b:s10+s3], $0x80, v18, vm0, $0xb8;
	[tilespmem:$0x1E080] =	vst v63  }
0xa1: {  	v48 =	vperm.xlane v17, v14;
	v18 =	vadd.s32 v3, v47;
	s16 =	simm.s32 $0x3D00  }
0xa2: {  	[tilespmem:s16], [sflag:$0x1] =	stream.indirect_vreg.gather [hbm4b:s10+s3], $0x80, v19, vm0, $0xb8;
	[tilespmem:$0x1E080] =	vst v63  }
0xa3: {  	v49 =	vperm.xlane v17, v15;
	v19 =	vadd.s32 v3, v48;
	s16 =	simm.s32 $0x3D80  }
0xa4: {  	[tilespmem:s16], [sflag:$0x1] =	stream.indirect_vreg.gather [hbm4b:s10+s3], $0x80, v46, vm0, $0xb8;
	[tilespmem:$0x1E080] =	vst v63  }
0xa5: {  	v17 =	vperm.xlane v17, v16;
	v50 =	vadd.s32 v3, v49;
	s16 =	simm.s32 $0x3E00  }
0xa6: {  	[tilespmem:s16], [sflag:$0x1] =	stream.indirect_vreg.gather [hbm4b:s10+s3], $0x80, v18, vm0, $0xb8;
	[tilespmem:$0x1E080] =	vst v63  }
0xa7: {  	v17 =	vadd.s32 v3, v17;
	s16 =	simm.s32 $0x3E80  }
0xa8: {  	[tilespmem:s16], [sflag:$0x1] =	stream.indirect_vreg.gather [hbm4b:s10+s3], $0x80, v19, vm0, $0xb8;
	[tilespmem:$0x1E080] =	vst v63  }
0xa9: {  	s16 =	simm.s32 $0x3F00  }
0xaa: {  	[tilespmem:s16], [sflag:$0x1] =	stream.indirect_vreg.gather [hbm4b:s10+s3], $0x80, v50, vm0, $0xb8;
	[tilespmem:$0x1E080] =	vst v63  }
0xab: {  	s16 =	simm.s32 $0x3F80  }
0xac: {  	[tilespmem:s16], [sflag:$0x1] =	stream.indirect_vreg.gather [hbm4b:s10+s3], $0x80, v17, vm0, $0xb8;
	[tilespmem:$0x1E080] =	vst v63  }
0xad: {  	v17 =	vld [tilespmem:$0x30];
	_ =	sdelay $0x4  }
0xae: {  	v18 =	vshll.u32 v17, $0x1  }
0xaf: {  	v17 =	vand.u32 $0x7, v17;
	v18 =	vand.u32 $0xFFFFFFF0, v18  }
0xb0: {  	v17 =	vor.u32 v17, v18  }
0xb1: {  	v18 =	vperm.xlane v17, v2;
	_ =	sdelay $0x1  }
0xb2: {  	v19 =	vperm.xlane v17, v1;
	v18 =	vadd.s32 v3, v18;
	_ =	sdelay $0x1  }
0xb3: {  	v51 =	vperm.xlane v17, v4;
	v19 =	vadd.s32 v3, v19;
	_ =	sdelay $0x1  }
0xb4: {  	s16 =	simm.s32 $0x4000;
	v52 =	vperm.xlane v17, v5;
	v20 =	vadd.s32 v3, v51  }
0xb5: {  	[tilespmem:s16], [sflag:$0x1] =	stream.indirect_vreg.gather [hbm4b:s10+s3], $0x80, v18, vm0, $0xb8;
	[tilespmem:$0x1E080] =	vst v63  }
0xb6: {  	v53 =	vperm.xlane v17, v6;
	v18 =	vadd.s32 v3, v52;
	s16 =	simm.s32 $0x4080  }
0xb7: {  	[tilespmem:s16], [sflag:$0x1] =	stream.indirect_vreg.gather [hbm4b:s10+s3], $0x80, v19, vm0, $0xb8;
	[tilespmem:$0x1E080] =	vst v63  }
0xb8: {  	v54 =	vperm.xlane v17, v7;
	v19 =	vadd.s32 v3, v53;
	s16 =	simm.s32 $0x4100  }
0xb9: {  	[tilespmem:s16], [sflag:$0x1] =	stream.indirect_vreg.gather [hbm4b:s10+s3], $0x80, v20, vm0, $0xb8;
	[tilespmem:$0x1E080] =	vst v63  }
0xba: {  	v56 =	vperm.xlane v17, v8;
	v55 =	vadd.s32 v3, v54;
	s16 =	simm.s32 $0x4180  }
0xbb: {  	[tilespmem:s16], [sflag:$0x1] =	stream.indirect_vreg.gather [hbm4b:s10+s3], $0x80, v18, vm0, $0xb8;
	[tilespmem:$0x1E080] =	vst v63  }
0xbc: {  	v57 =	vperm.xlane v17, v0;
	v18 =	vadd.s32 v3, v56;
	s16 =	simm.s32 $0x4200  }
0xbd: {  	[tilespmem:s16], [sflag:$0x1] =	stream.indirect_vreg.gather [hbm4b:s10+s3], $0x80, v19, vm0, $0xb8;
	[tilespmem:$0x1E080] =	vst v63  }
0xbe: {  	v58 =	vperm.xlane v17, v9;
	v19 =	vadd.s32 v3, v57;
	s16 =	simm.s32 $0x4280  }
0xbf: {  	[tilespmem:s16], [sflag:$0x1] =	stream.indirect_vreg.gather [hbm4b:s10+s3], $0x80, v55, vm0, $0xb8;
	[tilespmem:$0x1E080] =	vst v63  }
0xc0: {  	v60 =	vperm.xlane v17, v10;
	v59 =	vadd.s32 v3, v58;
	s16 =	simm.s32 $0x4300  }
0xc1: {  	[tilespmem:s16], [sflag:$0x1] =	stream.indirect_vreg.gather [hbm4b:s10+s3], $0x80, v18, vm0, $0xb8;
	[tilespmem:$0x1E080] =	vst v63  }
0xc2: {  	v61 =	vperm.xlane v17, v11;
	v18 =	vadd.s32 v3, v60;
	s16 =	simm.s32 $0x4380  }
0xc3: {  	[tilespmem:s16], [sflag:$0x1] =	stream.indirect_vreg.gather [hbm4b:s10+s3], $0x80, v19, vm0, $0xb8;
	[tilespmem:$0x1E080] =	vst v63  }
0xc4: {  	v62 =	vperm.xlane v17, v12;
	v19 =	vadd.s32 v3, v61;
	s16 =	simm.s32 $0x4400  }
0xc5: {  	[tilespmem:s16], [sflag:$0x1] =	stream.indirect_vreg.gather [hbm4b:s10+s3], $0x80, v59, vm0, $0xb8;
	[tilespmem:$0x1E080] =	vst v63  }
0xc6: {  	v24 =	vperm.xlane v17, v13;
	v63 =	vadd.s32 v3, v62;
	s16 =	simm.s32 $0x4480  }
0xc7: {  	[tilespmem:s16], [sflag:$0x1] =	stream.indirect_vreg.gather [hbm4b:s10+s3], $0x80, v18, vm0, $0xb8;
	[tilespmem:$0x1E080] =	vst v63  }
0xc8: {  	v25 =	vperm.xlane v17, v14;
	v18 =	vadd.s32 v3, v24;
	s16 =	simm.s32 $0x4500  }
0xc9: {  	[tilespmem:s16], [sflag:$0x1] =	stream.indirect_vreg.gather [hbm4b:s10+s3], $0x80, v19, vm0, $0xb8;
	[tilespmem:$0x1E080] =	vst v63  }
0xca: {  	v26 =	vperm.xlane v17, v15;
	v19 =	vadd.s32 v3, v25;
	s16 =	simm.s32 $0x4580  }
0xcb: {  	[tilespmem:s16], [sflag:$0x1] =	stream.indirect_vreg.gather [hbm4b:s10+s3], $0x80, v63, vm0, $0xb8;
	[tilespmem:$0x1E080] =	vst v63  }
0xcc: {  	v17 =	vperm.xlane v17, v16;
	v27 =	vadd.s32 v3, v26;
	s16 =	simm.s32 $0x4600  }
0xcd: {  	[tilespmem:s16], [sflag:$0x1] =	stream.indirect_vreg.gather [hbm4b:s10+s3], $0x80, v18, vm0, $0xb8;
	[tilespmem:$0x1E080] =	vst v63  }
0xce: {  	v17 =	vadd.s32 v3, v17;
	s16 =	simm.s32 $0x4680  }
0xcf: {  	[tilespmem:s16], [sflag:$0x1] =	stream.indirect_vreg.gather [hbm4b:s10+s3], $0x80, v19, vm0, $0xb8;
	[tilespmem:$0x1E080] =	vst v63  }
0xd0: {  	s16 =	simm.s32 $0x4700  }
0xd1: {  	[tilespmem:s16], [sflag:$0x1] =	stream.indirect_vreg.gather [hbm4b:s10+s3], $0x80, v27, vm0, $0xb8;
	[tilespmem:$0x1E080] =	vst v63  }
0xd2: {  	s16 =	simm.s32 $0x4780  }
0xd3: {  	[tilespmem:s16], [sflag:$0x1] =	stream.indirect_vreg.gather [hbm4b:s10+s3], $0x80, v17, vm0, $0xb8;
	[tilespmem:$0x1E080] =	vst v63  }
0xd4: {  	v17 =	vld [tilespmem:$0x40];
	_ =	sdelay $0x4  }
0xd5: {  	v18 =	vshll.u32 v17, $0x1  }
0xd6: {  	v17 =	vand.u32 $0x7, v17;
	v18 =	vand.u32 $0xFFFFFFF0, v18  }
0xd7: {  	v17 =	vor.u32 v17, v18  }
0xd8: {  	v18 =	vperm.xlane v17, v2;
	_ =	sdelay $0x1  }
0xd9: {  	v19 =	vperm.xlane v17, v1;
	v18 =	vadd.s32 v3, v18;
	_ =	sdelay $0x1  }
0xda: {  	v28 =	vperm.xlane v17, v4;
	v19 =	vadd.s32 v3, v19;
	_ =	sdelay $0x1  }
0xdb: {  	s16 =	simm.s32 $0x4800;
	v29 =	vperm.xlane v17, v5;
	v20 =	vadd.s32 v3, v28  }
0xdc: {  	[tilespmem:s16], [sflag:$0x1] =	stream.indirect_vreg.gather [hbm4b:s10+s3], $0x80, v18, vm0, $0xb8;
	[tilespmem:$0x1E080] =	vst v63  }
0xdd: {  	v30 =	vperm.xlane v17, v6;
	v18 =	vadd.s32 v3, v29;
	s16 =	simm.s32 $0x4880  }
0xde: {  	[tilespmem:s16], [sflag:$0x1] =	stream.indirect_vreg.gather [hbm4b:s10+s3], $0x80, v19, vm0, $0xb8;
	[tilespmem:$0x1E080] =	vst v63  }
0xdf: {  	v31 =	vperm.xlane v17, v7;
	v19 =	vadd.s32 v3, v30;
	s16 =	simm.s32 $0x4900  }
0xe0: {  	[tilespmem:s16], [sflag:$0x1] =	stream.indirect_vreg.gather [hbm4b:s10+s3], $0x80, v20, vm0, $0xb8;
	[tilespmem:$0x1E080] =	vst v63  }
0xe1: {  	v33 =	vperm.xlane v17, v8;
	v32 =	vadd.s32 v3, v31;
	s16 =	simm.s32 $0x4980  }
0xe2: {  	[tilespmem:s16], [sflag:$0x1] =	stream.indirect_vreg.gather [hbm4b:s10+s3], $0x80, v18, vm0, $0xb8;
	[tilespmem:$0x1E080] =	vst v63  }
0xe3: {  	v34 =	vperm.xlane v17, v0;
	v18 =	vadd.s32 v3, v33;
	s16 =	simm.s32 $0x4A00  }
0xe4: {  	[tilespmem:s16], [sflag:$0x1] =	stream.indirect_vreg.gather [hbm4b:s10+s3], $0x80, v19, vm0, $0xb8;
	[tilespmem:$0x1E080] =	vst v63  }
0xe5: {  	v35 =	vperm.xlane v17, v9;
	v19 =	vadd.s32 v3, v34;
	s16 =	simm.s32 $0x4A80  }
0xe6: {  	[tilespmem:s16], [sflag:$0x1] =	stream.indirect_vreg.gather [hbm4b:s10+s3], $0x80, v32, vm0, $0xb8;
	[tilespmem:$0x1E080] =	vst v63  }
0xe7: {  	v37 =	vperm.xlane v17, v10;
	v36 =	vadd.s32 v3, v35;
	s16 =	simm.s32 $0x4B00  }
0xe8: {  	[tilespmem:s16], [sflag:$0x1] =	stream.indirect_vreg.gather [hbm4b:s10+s3], $0x80, v18, vm0, $0xb8;
	[tilespmem:$0x1E080] =	vst v63  }
0xe9: {  	v38 =	vperm.xlane v17, v11;
	v18 =	vadd.s32 v3, v37;
	s16 =	simm.s32 $0x4B80  }
0xea: {  	[tilespmem:s16], [sflag:$0x1] =	stream.indirect_vreg.gather [hbm4b:s10+s3], $0x80, v19, vm0, $0xb8;
	[tilespmem:$0x1E080] =	vst v63  }
0xeb: {  	v39 =	vperm.xlane v17, v12;
	v19 =	vadd.s32 v3, v38;
	s16 =	simm.s32 $0x4C00  }
0xec: {  	[tilespmem:s16], [sflag:$0x1] =	stream.indirect_vreg.gather [hbm4b:s10+s3], $0x80, v36, vm0, $0xb8;
	[tilespmem:$0x1E080] =	vst v63  }
0xed: {  	v41 =	vperm.xlane v17, v13;
	v40 =	vadd.s32 v3, v39;
	s16 =	simm.s32 $0x4C80  }
0xee: {  	[tilespmem:s16], [sflag:$0x1] =	stream.indirect_vreg.gather [hbm4b:s10+s3], $0x80, v18, vm0, $0xb8;
	[tilespmem:$0x1E080] =	vst v63  }
0xef: {  	v42 =	vperm.xlane v17, v14;
	v18 =	vadd.s32 v3, v41;
	s16 =	simm.s32 $0x4D00  }
0xf0: {  	[tilespmem:s16], [sflag:$0x1] =	stream.indirect_vreg.gather [hbm4b:s10+s3], $0x80, v19, vm0, $0xb8;
	[tilespmem:$0x1E080] =	vst v63  }
0xf1: {  	v43 =	vperm.xlane v17, v15;
	v19 =	vadd.s32 v3, v42;
	s16 =	simm.s32 $0x4D80  }
0xf2: {  	[tilespmem:s16], [sflag:$0x1] =	stream.indirect_vreg.gather [hbm4b:s10+s3], $0x80, v40, vm0, $0xb8;
	[tilespmem:$0x1E080] =	vst v63  }
0xf3: {  	v17 =	vperm.xlane v17, v16;
	v44 =	vadd.s32 v3, v43;
	s16 =	simm.s32 $0x4E00  }
0xf4: {  	[tilespmem:s16], [sflag:$0x1] =	stream.indirect_vreg.gather [hbm4b:s10+s3], $0x80, v18, vm0, $0xb8;
	[tilespmem:$0x1E080] =	vst v63  }
0xf5: {  	v17 =	vadd.s32 v3, v17;
	s16 =	simm.s32 $0x4E80  }
0xf6: {  	[tilespmem:s16], [sflag:$0x1] =	stream.indirect_vreg.gather [hbm4b:s10+s3], $0x80, v19, vm0, $0xb8;
	[tilespmem:$0x1E080] =	vst v63  }
0xf7: {  	s16 =	simm.s32 $0x4F00  }
0xf8: {  	[tilespmem:s16], [sflag:$0x1] =	stream.indirect_vreg.gather [hbm4b:s10+s3], $0x80, v44, vm0, $0xb8;
	[tilespmem:$0x1E080] =	vst v63  }
0xf9: {  	s16 =	simm.s32 $0x4F80  }
0xfa: {  	[tilespmem:s16], [sflag:$0x1] =	stream.indirect_vreg.gather [hbm4b:s10+s3], $0x80, v17, vm0, $0xb8;
	[tilespmem:$0x1E080] =	vst v63  }
0xfb: {  	v17 =	vld [tilespmem:$0x50];
	_ =	sdelay $0x4  }
0xfc: {  	v18 =	vshll.u32 v17, $0x1  }
0xfd: {  	v17 =	vand.u32 $0x7, v17;
	v18 =	vand.u32 $0xFFFFFFF0, v18  }
0xfe: {  	v17 =	vor.u32 v17, v18  }
0xff: {  	v18 =	vperm.xlane v17, v2;
	_ =	sdelay $0x1  }
0x100: {  	v19 =	vperm.xlane v17, v1;
	v18 =	vadd.s32 v3, v18;
	_ =	sdelay $0x1  }
0x101: {  	v45 =	vperm.xlane v17, v4;
	v19 =	vadd.s32 v3, v19;
	_ =	sdelay $0x1  }
0x102: {  	s16 =	simm.s32 $0x5000;
	v46 =	vperm.xlane v17, v5;
	v20 =	vadd.s32 v3, v45  }
0x103: {  	[tilespmem:s16], [sflag:$0x1] =	stream.indirect_vreg.gather [hbm4b:s10+s3], $0x80, v18, vm0, $0xb8;
	[tilespmem:$0x1E080] =	vst v63  }
0x104: {  	v47 =	vperm.xlane v17, v6;
	v18 =	vadd.s32 v3, v46;
	s16 =	simm.s32 $0x5080  }
0x105: {  	[tilespmem:s16], [sflag:$0x1] =	stream.indirect_vreg.gather [hbm4b:s10+s3], $0x80, v19, vm0, $0xb8;
	[tilespmem:$0x1E080] =	vst v63  }
0x106: {  	v48 =	vperm.xlane v17, v7;
	v19 =	vadd.s32 v3, v47;
	s16 =	simm.s32 $0x5100  }
0x107: {  	[tilespmem:s16], [sflag:$0x1] =	stream.indirect_vreg.gather [hbm4b:s10+s3], $0x80, v20, vm0, $0xb8;
	[tilespmem:$0x1E080] =	vst v63  }
0x108: {  	v50 =	vperm.xlane v17, v8;
	v49 =	vadd.s32 v3, v48;
	s16 =	simm.s32 $0x5180  }
0x109: {  	[tilespmem:s16], [sflag:$0x1] =	stream.indirect_vreg.gather [hbm4b:s10+s3], $0x80, v18, vm0, $0xb8;
	[tilespmem:$0x1E080] =	vst v63  }
0x10a: {  	v51 =	vperm.xlane v17, v0;
	v18 =	vadd.s32 v3, v50;
	s16 =	simm.s32 $0x5200  }
0x10b: {  	[tilespmem:s16], [sflag:$0x1] =	stream.indirect_vreg.gather [hbm4b:s10+s3], $0x80, v19, vm0, $0xb8;
	[tilespmem:$0x1E080] =	vst v63  }
0x10c: {  	v52 =	vperm.xlane v17, v9;
	v19 =	vadd.s32 v3, v51;
	s16 =	simm.s32 $0x5280  }
0x10d: {  	[tilespmem:s16], [sflag:$0x1] =	stream.indirect_vreg.gather [hbm4b:s10+s3], $0x80, v49, vm0, $0xb8;
	[tilespmem:$0x1E080] =	vst v63  }
0x10e: {  	v54 =	vperm.xlane v17, v10;
	v53 =	vadd.s32 v3, v52;
	s16 =	simm.s32 $0x5300  }
0x10f: {  	[tilespmem:s16], [sflag:$0x1] =	stream.indirect_vreg.gather [hbm4b:s10+s3], $0x80, v18, vm0, $0xb8;
	[tilespmem:$0x1E080] =	vst v63  }
0x110: {  	v55 =	vperm.xlane v17, v11;
	v18 =	vadd.s32 v3, v54;
	s16 =	simm.s32 $0x5380  }
0x111: {  	[tilespmem:s16], [sflag:$0x1] =	stream.indirect_vreg.gather [hbm4b:s10+s3], $0x80, v19, vm0, $0xb8;
	[tilespmem:$0x1E080] =	vst v63  }
0x112: {  	v56 =	vperm.xlane v17, v12;
	v19 =	vadd.s32 v3, v55;
	s16 =	simm.s32 $0x5400  }
0x113: {  	[tilespmem:s16], [sflag:$0x1] =	stream.indirect_vreg.gather [hbm4b:s10+s3], $0x80, v53, vm0, $0xb8;
	[tilespmem:$0x1E080] =	vst v63  }
0x114: {  	v58 =	vperm.xlane v17, v13;
	v57 =	vadd.s32 v3, v56;
	s16 =	simm.s32 $0x5480  }
0x115: {  	[tilespmem:s16], [sflag:$0x1] =	stream.indirect_vreg.gather [hbm4b:s10+s3], $0x80, v18, vm0, $0xb8;
	[tilespmem:$0x1E080] =	vst v63  }
0x116: {  	v59 =	vperm.xlane v17, v14;
	v18 =	vadd.s32 v3, v58;
	s16 =	simm.s32 $0x5500  }
0x117: {  	[tilespmem:s16], [sflag:$0x1] =	stream.indirect_vreg.gather [hbm4b:s10+s3], $0x80, v19, vm0, $0xb8;
	[tilespmem:$0x1E080] =	vst v63  }
0x118: {  	v60 =	vperm.xlane v17, v15;
	v19 =	vadd.s32 v3, v59;
	s16 =	simm.s32 $0x5580  }
0x119: {  	[tilespmem:s16], [sflag:$0x1] =	stream.indirect_vreg.gather [hbm4b:s10+s3], $0x80, v57, vm0, $0xb8;
	[tilespmem:$0x1E080] =	vst v63  }
0x11a: {  	v17 =	vperm.xlane v17, v16;
	v61 =	vadd.s32 v3, v60;
	s16 =	simm.s32 $0x5600  }
0x11b: {  	[tilespmem:s16], [sflag:$0x1] =	stream.indirect_vreg.gather [hbm4b:s10+s3], $0x80, v18, vm0, $0xb8;
	[tilespmem:$0x1E080] =	vst v63  }
0x11c: {  	v17 =	vadd.s32 v3, v17;
	s16 =	simm.s32 $0x5680  }
0x11d: {  	[tilespmem:s16], [sflag:$0x1] =	stream.indirect_vreg.gather [hbm4b:s10+s3], $0x80, v19, vm0, $0xb8;
	[tilespmem:$0x1E080] =	vst v63  }
0x11e: {  	s16 =	simm.s32 $0x5700  }
0x11f: {  	[tilespmem:s16], [sflag:$0x1] =	stream.indirect_vreg.gather [hbm4b:s10+s3], $0x80, v61, vm0, $0xb8;
	[tilespmem:$0x1E080] =	vst v63  }
0x120: {  	s16 =	simm.s32 $0x5780  }
0x121: {  	[tilespmem:s16], [sflag:$0x1] =	stream.indirect_vreg.gather [hbm4b:s10+s3], $0x80, v17, vm0, $0xb8;
	[tilespmem:$0x1E080] =	vst v63  }
0x122: {  	v17 =	vld [tilespmem:$0x60];
	_ =	sdelay $0x4  }
0x123: {  	v18 =	vshll.u32 v17, $0x1  }
0x124: {  	v17 =	vand.u32 $0x7, v17;
	v18 =	vand.u32 $0xFFFFFFF0, v18  }
0x125: {  	v17 =	vor.u32 v17, v18  }
0x126: {  	v18 =	vperm.xlane v17, v2;
	_ =	sdelay $0x1  }
0x127: {  	v19 =	vperm.xlane v17, v1;
	v18 =	vadd.s32 v3, v18;
	_ =	sdelay $0x1  }
0x128: {  	v62 =	vperm.xlane v17, v4;
	v19 =	vadd.s32 v3, v19;
	_ =	sdelay $0x1  }
0x129: {  	s16 =	simm.s32 $0x5800;
	v63 =	vperm.xlane v17, v5;
	v20 =	vadd.s32 v3, v62  }
0x12a: {  	[tilespmem:s16], [sflag:$0x1] =	stream.indirect_vreg.gather [hbm4b:s10+s3], $0x80, v18, vm0, $0xb8;
	[tilespmem:$0x1E080] =	vst v63  }
0x12b: {  	v24 =	vperm.xlane v17, v6;
	v18 =	vadd.s32 v3, v63;
	s16 =	simm.s32 $0x5880  }
0x12c: {  	[tilespmem:s16], [sflag:$0x1] =	stream.indirect_vreg.gather [hbm4b:s10+s3], $0x80, v19, vm0, $0xb8;
	[tilespmem:$0x1E080] =	vst v63  }
0x12d: {  	v25 =	vperm.xlane v17, v7;
	v19 =	vadd.s32 v3, v24;
	s16 =	simm.s32 $0x5900  }
0x12e: {  	[tilespmem:s16], [sflag:$0x1] =	stream.indirect_vreg.gather [hbm4b:s10+s3], $0x80, v20, vm0, $0xb8;
	[tilespmem:$0x1E080] =	vst v63  }
0x12f: {  	v27 =	vperm.xlane v17, v8;
	v26 =	vadd.s32 v3, v25;
	s16 =	simm.s32 $0x5980  }
0x130: {  	[tilespmem:s16], [sflag:$0x1] =	stream.indirect_vreg.gather [hbm4b:s10+s3], $0x80, v18, vm0, $0xb8;
	[tilespmem:$0x1E080] =	vst v63  }
0x131: {  	v28 =	vperm.xlane v17, v0;
	v18 =	vadd.s32 v3, v27;
	s16 =	simm.s32 $0x5A00  }
0x132: {  	[tilespmem:s16], [sflag:$0x1] =	stream.indirect_vreg.gather [hbm4b:s10+s3], $0x80, v19, vm0, $0xb8;
	[tilespmem:$0x1E080] =	vst v63  }
0x133: {  	v29 =	vperm.xlane v17, v9;
	v19 =	vadd.s32 v3, v28;
	s16 =	simm.s32 $0x5A80  }
0x134: {  	[tilespmem:s16], [sflag:$0x1] =	stream.indirect_vreg.gather [hbm4b:s10+s3], $0x80, v26, vm0, $0xb8;
	[tilespmem:$0x1E080] =	vst v63  }
0x135: {  	v31 =	vperm.xlane v17, v10;
	v30 =	vadd.s32 v3, v29;
	s16 =	simm.s32 $0x5B00  }
0x136: {  	[tilespmem:s16], [sflag:$0x1] =	stream.indirect_vreg.gather [hbm4b:s10+s3], $0x80, v18, vm0, $0xb8;
	[tilespmem:$0x1E080] =	vst v63  }
0x137: {  	v32 =	vperm.xlane v17, v11;
	v18 =	vadd.s32 v3, v31;
	s16 =	simm.s32 $0x5B80  }
0x138: {  	[tilespmem:s16], [sflag:$0x1] =	stream.indirect_vreg.gather [hbm4b:s10+s3], $0x80, v19, vm0, $0xb8;
	[tilespmem:$0x1E080] =	vst v63  }
0x139: {  	v33 =	vperm.xlane v17, v12;
	v19 =	vadd.s32 v3, v32;
	s16 =	simm.s32 $0x5C00  }
0x13a: {  	[tilespmem:s16], [sflag:$0x1] =	stream.indirect_vreg.gather [hbm4b:s10+s3], $0x80, v30, vm0, $0xb8;
	[tilespmem:$0x1E080] =	vst v63  }
0x13b: {  	v35 =	vperm.xlane v17, v13;
	v34 =	vadd.s32 v3, v33;
	s16 =	simm.s32 $0x5C80  }
0x13c: {  	[tilespmem:s16], [sflag:$0x1] =	stream.indirect_vreg.gather [hbm4b:s10+s3], $0x80, v18, vm0, $0xb8;
	[tilespmem:$0x1E080] =	vst v63  }
0x13d: {  	v36 =	vperm.xlane v17, v14;
	v18 =	vadd.s32 v3, v35;
	s16 =	simm.s32 $0x5D00  }
0x13e: {  	[tilespmem:s16], [sflag:$0x1] =	stream.indirect_vreg.gather [hbm4b:s10+s3], $0x80, v19, vm0, $0xb8;
	[tilespmem:$0x1E080] =	vst v63  }
0x13f: {  	v37 =	vperm.xlane v17, v15;
	v19 =	vadd.s32 v3, v36;
	s16 =	simm.s32 $0x5D80  }
0x140: {  	[tilespmem:s16], [sflag:$0x1] =	stream.indirect_vreg.gather [hbm4b:s10+s3], $0x80, v34, vm0, $0xb8;
	[tilespmem:$0x1E080] =	vst v63  }
0x141: {  	v17 =	vperm.xlane v17, v16;
	v38 =	vadd.s32 v3, v37;
	s16 =	simm.s32 $0x5E00  }
0x142: {  	[tilespmem:s16], [sflag:$0x1] =	stream.indirect_vreg.gather [hbm4b:s10+s3], $0x80, v18, vm0, $0xb8;
	[tilespmem:$0x1E080] =	vst v63  }
0x143: {  	v17 =	vadd.s32 v3, v17;
	s16 =	simm.s32 $0x5E80  }
0x144: {  	[tilespmem:s16], [sflag:$0x1] =	stream.indirect_vreg.gather [hbm4b:s10+s3], $0x80, v19, vm0, $0xb8;
	[tilespmem:$0x1E080] =	vst v63  }
0x145: {  	s16 =	simm.s32 $0x5F00  }
0x146: {  	[tilespmem:s16], [sflag:$0x1] =	stream.indirect_vreg.gather [hbm4b:s10+s3], $0x80, v38, vm0, $0xb8;
	[tilespmem:$0x1E080] =	vst v63  }
0x147: {  	s16 =	simm.s32 $0x5F80  }
0x148: {  	[tilespmem:s16], [sflag:$0x1] =	stream.indirect_vreg.gather [hbm4b:s10+s3], $0x80, v17, vm0, $0xb8;
	[tilespmem:$0x1E080] =	vst v63  }
0x149: {  	v17 =	vld.msk [tilespmem:$0x70], $0x1fff;
	_ =	sdelay $0x4  }
0x14a: {  	v18 =	vshll.u32 v17, $0x1  }
0x14b: {  	v17 =	vand.u32 $0x7, v17;
	v18 =	vand.u32 $0xFFFFFFF0, v18  }
0x14c: {  	v17 =	vor.u32 v17, v18  }
0x14d: {  	v18 =	vperm.xlane v17, v2;
	_ =	sdelay $0x1  }
0x14e: {  	v19 =	vperm.xlane v17, v1;
	v18 =	vadd.s32 v3, v18;
	_ =	sdelay $0x1  }
0x14f: {  	v39 =	vperm.xlane v17, v4;
	v19 =	vadd.s32 v3, v19;
	_ =	sdelay $0x1  }
0x150: {  	s16 =	simm.s32 $0x6000;
	v40 =	vperm.xlane v17, v5;
	v20 =	vadd.s32 v3, v39  }
0x151: {  	[tilespmem:s16], [sflag:$0x1] =	stream.indirect_vreg.gather [hbm4b:s10+s3], $0x80, v18, vm0, $0xb8;
	[tilespmem:$0x1E080] =	vst v63  }
0x152: {  	v41 =	vperm.xlane v17, v6;
	v18 =	vadd.s32 v3, v40;
	s16 =	simm.s32 $0x6080  }
0x153: {  	[tilespmem:s16], [sflag:$0x1] =	stream.indirect_vreg.gather [hbm4b:s10+s3], $0x80, v19, vm0, $0xb8;
	[tilespmem:$0x1E080] =	vst v63  }
0x154: {  	v42 =	vperm.xlane v17, v7;
	v19 =	vadd.s32 v3, v41;
	s16 =	simm.s32 $0x6100  }
0x155: {  	[tilespmem:s16], [sflag:$0x1] =	stream.indirect_vreg.gather [hbm4b:s10+s3], $0x80, v20, vm0, $0xb8;
	[tilespmem:$0x1E080] =	vst v63  }
0x156: {  	v44 =	vperm.xlane v17, v8;
	v43 =	vadd.s32 v3, v42;
	s16 =	simm.s32 $0x6180  }
0x157: {  	[tilespmem:s16], [sflag:$0x1] =	stream.indirect_vreg.gather [hbm4b:s10+s3], $0x80, v18, vm0, $0xb8;
	[tilespmem:$0x1E080] =	vst v63  }
0x158: {  	v45 =	vperm.xlane v17, v0;
	v18 =	vadd.s32 v3, v44;
	s16 =	simm.s32 $0x6200  }
0x159: {  	[tilespmem:s16], [sflag:$0x1] =	stream.indirect_vreg.gather [hbm4b:s10+s3], $0x80, v19, vm0, $0xb8;
	[tilespmem:$0x1E080] =	vst v63  }
0x15a: {  	v46 =	vperm.xlane v17, v9;
	v19 =	vadd.s32 v3, v45;
	s16 =	simm.s32 $0x6280  }
0x15b: {  	[tilespmem:s16], [sflag:$0x1] =	stream.indirect_vreg.gather [hbm4b:s10+s3], $0x80, v43, vm0, $0xb8;
	[tilespmem:$0x1E080] =	vst v63  }
0x15c: {  	v48 =	vperm.xlane v17, v10;
	v47 =	vadd.s32 v3, v46;
	s16 =	simm.s32 $0x6300  }
0x15d: {  	[tilespmem:s16], [sflag:$0x1] =	stream.indirect_vreg.gather [hbm4b:s10+s3], $0x80, v18, vm0, $0xb8;
	[tilespmem:$0x1E080] =	vst v63  }
0x15e: {  	v49 =	vperm.xlane v17, v11;
	v18 =	vadd.s32 v3, v48;
	s16 =	simm.s32 $0x6380  }
0x15f: {  	[tilespmem:s16], [sflag:$0x1] =	stream.indirect_vreg.gather [hbm4b:s10+s3], $0x80, v19, vm0, $0xb8;
	[tilespmem:$0x1E080] =	vst v63  }
0x160: {  	v50 =	vperm.xlane v17, v12;
	v19 =	vadd.s32 v3, v49;
	s16 =	simm.s32 $0x6400  }
0x161: {  	[tilespmem:s16], [sflag:$0x1] =	stream.indirect_vreg.gather [hbm4b:s10+s3], $0x80, v47, vm0, $0xb8;
	[tilespmem:$0x1E080] =	vst v63  }
0x162: {  	v17 =	vperm.xlane v17, v13;
	v51 =	vadd.s32 v3, v50;
	s16 =	simm.s32 $0x6480  }
0x163: {  	[tilespmem:s16], [sflag:$0x1] =	stream.indirect_vreg.gather [hbm4b:s10+s3], $0x80, v18, vm0, $0xb8;
	[tilespmem:$0x1E080] =	vst v63  }
0x164: {  	v17 =	vadd.s32 v3, v17;
	s16 =	simm.s32 $0x6500  }
0x165: {  	[tilespmem:s16], [sflag:$0x1] =	stream.indirect_vreg.gather [hbm4b:s10+s3], $0x80, v19, vm0, $0xb8;
	[tilespmem:$0x1E080] =	vst v63  }
0x166: {  	s16 =	simm.s32 $0x6580  }
0x167: {  	[tilespmem:s16], [sflag:$0x1] =	stream.indirect_vreg.gather [hbm4b:s10+s3], $0x80, v51, vm0, $0xb8;
	[tilespmem:$0x1E080] =	vst v63  }
0x168: {  	s16 =	simm.s32 $0x6600  }
0x169: {  	[tilespmem:s16], [sflag:$0x1] =	stream.indirect_vreg.gather [hbm4b:s10+s3], $0x80, v17, vm0, $0xb8;
	[tilespmem:$0x1E080] =	vst v63  }
0x16a: {  	v17 =	vld [tilespmem:$0x80];
	_ =	sdelay $0x4  }
0x16b: {  	v18 =	vshll.u32 v17, $0x1  }
0x16c: {  	v17 =	vand.u32 $0x7, v17;
	v18 =	vand.u32 $0xFFFFFFF0, v18  }
0x16d: {  	v17 =	vor.u32 v17, v18  }
0x16e: {  	v18 =	vperm.xlane v17, v2;
	_ =	sdelay $0x1  }
0x16f: {  	v19 =	vperm.xlane v17, v1;
	v18 =	vadd.s32 v3, v18;
	_ =	sdelay $0x1  }
0x170: {  	v52 =	vperm.xlane v17, v4;
	v19 =	vadd.s32 v3, v19;
	_ =	sdelay $0x1  }
0x171: {  	v53 =	vperm.xlane v17, v5;
	v20 =	vadd.s32 v3, v52  }
0x172: {  	[tilespmem:s15], [sflag:$0x2] =	stream.indirect_vreg.gather [hbm4b:s10+s3], $0x80, v18, vm0, $0xb8;
	[tilespmem:$0x1E080] =	vst v63  }
0x173: {  	s16 =	simm.s32 $0x6880;
	v54 =	vperm.xlane v17, v6;
	v18 =	vadd.s32 v3, v53  }
0x174: {  	[tilespmem:s16], [sflag:$0x2] =	stream.indirect_vreg.gather [hbm4b:s10+s3], $0x80, v19, vm0, $0xb8;
	[tilespmem:$0x1E080] =	vst v63  }
0x175: {  	v55 =	vperm.xlane v17, v7;
	v19 =	vadd.s32 v3, v54;
	s16 =	simm.s32 $0x6900  }
0x176: {  	[tilespmem:s16], [sflag:$0x2] =	stream.indirect_vreg.gather [hbm4b:s10+s3], $0x80, v20, vm0, $0xb8;
	[tilespmem:$0x1E080] =	vst v63  }
0x177: {  	v57 =	vperm.xlane v17, v8;
	v56 =	vadd.s32 v3, v55;
	s16 =	simm.s32 $0x6980  }
0x178: {  	[tilespmem:s16], [sflag:$0x2] =	stream.indirect_vreg.gather [hbm4b:s10+s3], $0x80, v18, vm0, $0xb8;
	[tilespmem:$0x1E080] =	vst v63  }
0x179: {  	v58 =	vperm.xlane v17, v0;
	v18 =	vadd.s32 v3, v57;
	s16 =	simm.s32 $0x6A00  }
0x17a: {  	[tilespmem:s16], [sflag:$0x2] =	stream.indirect_vreg.gather [hbm4b:s10+s3], $0x80, v19, vm0, $0xb8;
	[tilespmem:$0x1E080] =	vst v63  }
0x17b: {  	v59 =	vperm.xlane v17, v9;
	v19 =	vadd.s32 v3, v58;
	s16 =	simm.s32 $0x6A80  }
0x17c: {  	[tilespmem:s16], [sflag:$0x2] =	stream.indirect_vreg.gather [hbm4b:s10+s3], $0x80, v56, vm0, $0xb8;
	[tilespmem:$0x1E080] =	vst v63  }
0x17d: {  	v61 =	vperm.xlane v17, v10;
	v60 =	vadd.s32 v3, v59;
	s16 =	simm.s32 $0x6B00  }
0x17e: {  	[tilespmem:s16], [sflag:$0x2] =	stream.indirect_vreg.gather [hbm4b:s10+s3], $0x80, v18, vm0, $0xb8;
	[tilespmem:$0x1E080] =	vst v63  }
0x17f: {  	v62 =	vperm.xlane v17, v11;
	v18 =	vadd.s32 v3, v61;
	s16 =	simm.s32 $0x6B80  }
0x180: {  	[tilespmem:s16], [sflag:$0x2] =	stream.indirect_vreg.gather [hbm4b:s10+s3], $0x80, v19, vm0, $0xb8;
	[tilespmem:$0x1E080] =	vst v63  }
0x181: {  	v63 =	vperm.xlane v17, v12;
	v19 =	vadd.s32 v3, v62;
	s16 =	simm.s32 $0x6C00  }
0x182: {  	[tilespmem:s16], [sflag:$0x2] =	stream.indirect_vreg.gather [hbm4b:s10+s3], $0x80, v60, vm0, $0xb8;
	[tilespmem:$0x1E080] =	vst v63  }
0x183: {  	v25 =	vperm.xlane v17, v13;
	v24 =	vadd.s32 v3, v63;
	s16 =	simm.s32 $0x6C80  }
0x184: {  	[tilespmem:s16], [sflag:$0x2] =	stream.indirect_vreg.gather [hbm4b:s10+s3], $0x80, v18, vm0, $0xb8;
	[tilespmem:$0x1E080] =	vst v63  }
0x185: {  	v26 =	vperm.xlane v17, v14;
	v18 =	vadd.s32 v3, v25;
	s16 =	simm.s32 $0x6D00  }
0x186: {  	[tilespmem:s16], [sflag:$0x2] =	stream.indirect_vreg.gather [hbm4b:s10+s3], $0x80, v19, vm0, $0xb8;
	[tilespmem:$0x1E080] =	vst v63  }
0x187: {  	v27 =	vperm.xlane v17, v15;
	v19 =	vadd.s32 v3, v26;
	s16 =	simm.s32 $0x6D80  }
0x188: {  	[tilespmem:s16], [sflag:$0x2] =	stream.indirect_vreg.gather [hbm4b:s10+s3], $0x80, v24, vm0, $0xb8;
	[tilespmem:$0x1E080] =	vst v63  }
0x189: {  	v17 =	vperm.xlane v17, v16;
	v28 =	vadd.s32 v3, v27;
	s16 =	simm.s32 $0x6E00  }
0x18a: {  	[tilespmem:s16], [sflag:$0x2] =	stream.indirect_vreg.gather [hbm4b:s10+s3], $0x80, v18, vm0, $0xb8;
	[tilespmem:$0x1E080] =	vst v63  }
0x18b: {  	v17 =	vadd.s32 v3, v17;
	s16 =	simm.s32 $0x6E80  }
0x18c: {  	[tilespmem:s16], [sflag:$0x2] =	stream.indirect_vreg.gather [hbm4b:s10+s3], $0x80, v19, vm0, $0xb8;
	[tilespmem:$0x1E080] =	vst v63  }
0x18d: {  	s16 =	simm.s32 $0x6F00  }
0x18e: {  	[tilespmem:s16], [sflag:$0x2] =	stream.indirect_vreg.gather [hbm4b:s10+s3], $0x80, v28, vm0, $0xb8;
	[tilespmem:$0x1E080] =	vst v63  }
0x18f: {  	s16 =	simm.s32 $0x6F80  }
0x190: {  	[tilespmem:s16], [sflag:$0x2] =	stream.indirect_vreg.gather [hbm4b:s10+s3], $0x80, v17, vm0, $0xb8;
	[tilespmem:$0x1E080] =	vst v63  }
0x191: {  	v17 =	vld [tilespmem:$0x90];
	_ =	sdelay $0x4  }
0x192: {  	v18 =	vshll.u32 v17, $0x1  }
0x193: {  	v17 =	vand.u32 $0x7, v17;
	v18 =	vand.u32 $0xFFFFFFF0, v18  }
0x194: {  	v17 =	vor.u32 v17, v18  }
0x195: {  	v18 =	vperm.xlane v17, v2;
	_ =	sdelay $0x1  }
0x196: {  	v19 =	vperm.xlane v17, v1;
	v18 =	vadd.s32 v3, v18;
	_ =	sdelay $0x1  }
0x197: {  	v29 =	vperm.xlane v17, v4;
	v19 =	vadd.s32 v3, v19;
	_ =	sdelay $0x1  }
0x198: {  	s16 =	simm.s32 $0x7000;
	v30 =	vperm.xlane v17, v5;
	v20 =	vadd.s32 v3, v29  }
0x199: {  	[tilespmem:s16], [sflag:$0x2] =	stream.indirect_vreg.gather [hbm4b:s10+s3], $0x80, v18, vm0, $0xb8;
	[tilespmem:$0x1E080] =	vst v63  }
0x19a: {  	v31 =	vperm.xlane v17, v6;
	v18 =	vadd.s32 v3, v30;
	s16 =	simm.s32 $0x7080  }
0x19b: {  	[tilespmem:s16], [sflag:$0x2] =	stream.indirect_vreg.gather [hbm4b:s10+s3], $0x80, v19, vm0, $0xb8;
	[tilespmem:$0x1E080] =	vst v63  }
0x19c: {  	v32 =	vperm.xlane v17, v7;
	v19 =	vadd.s32 v3, v31;
	s16 =	simm.s32 $0x7100  }
0x19d: {  	[tilespmem:s16], [sflag:$0x2] =	stream.indirect_vreg.gather [hbm4b:s10+s3], $0x80, v20, vm0, $0xb8;
	[tilespmem:$0x1E080] =	vst v63  }
0x19e: {  	v34 =	vperm.xlane v17, v8;
	v33 =	vadd.s32 v3, v32;
	s16 =	simm.s32 $0x7180  }
0x19f: {  	[tilespmem:s16], [sflag:$0x2] =	stream.indirect_vreg.gather [hbm4b:s10+s3], $0x80, v18, vm0, $0xb8;
	[tilespmem:$0x1E080] =	vst v63  }
0x1a0: {  	v35 =	vperm.xlane v17, v0;
	v18 =	vadd.s32 v3, v34;
	s16 =	simm.s32 $0x7200  }
0x1a1: {  	[tilespmem:s16], [sflag:$0x2] =	stream.indirect_vreg.gather [hbm4b:s10+s3], $0x80, v19, vm0, $0xb8;
	[tilespmem:$0x1E080] =	vst v63  }
0x1a2: {  	v36 =	vperm.xlane v17, v9;
	v19 =	vadd.s32 v3, v35;
	s16 =	simm.s32 $0x7280  }
0x1a3: {  	[tilespmem:s16], [sflag:$0x2] =	stream.indirect_vreg.gather [hbm4b:s10+s3], $0x80, v33, vm0, $0xb8;
	[tilespmem:$0x1E080] =	vst v63  }
0x1a4: {  	v38 =	vperm.xlane v17, v10;
	v37 =	vadd.s32 v3, v36;
	s16 =	simm.s32 $0x7300  }
0x1a5: {  	[tilespmem:s16], [sflag:$0x2] =	stream.indirect_vreg.gather [hbm4b:s10+s3], $0x80, v18, vm0, $0xb8;
	[tilespmem:$0x1E080] =	vst v63  }
0x1a6: {  	v39 =	vperm.xlane v17, v11;
	v18 =	vadd.s32 v3, v38;
	s16 =	simm.s32 $0x7380  }
0x1a7: {  	[tilespmem:s16], [sflag:$0x2] =	stream.indirect_vreg.gather [hbm4b:s10+s3], $0x80, v19, vm0, $0xb8;
	[tilespmem:$0x1E080] =	vst v63  }
0x1a8: {  	v40 =	vperm.xlane v17, v12;
	v19 =	vadd.s32 v3, v39;
	s16 =	simm.s32 $0x7400  }
0x1a9: {  	[tilespmem:s16], [sflag:$0x2] =	stream.indirect_vreg.gather [hbm4b:s10+s3], $0x80, v37, vm0, $0xb8;
	[tilespmem:$0x1E080] =	vst v63  }
0x1aa: {  	v42 =	vperm.xlane v17, v13;
	v41 =	vadd.s32 v3, v40;
	s16 =	simm.s32 $0x7480  }
0x1ab: {  	[tilespmem:s16], [sflag:$0x2] =	stream.indirect_vreg.gather [hbm4b:s10+s3], $0x80, v18, vm0, $0xb8;
	[tilespmem:$0x1E080] =	vst v63  }
0x1ac: {  	v43 =	vperm.xlane v17, v14;
	v18 =	vadd.s32 v3, v42;
	s16 =	simm.s32 $0x7500  }
0x1ad: {  	[tilespmem:s16], [sflag:$0x2] =	stream.indirect_vreg.gather [hbm4b:s10+s3], $0x80, v19, vm0, $0xb8;
	[tilespmem:$0x1E080] =	vst v63  }
0x1ae: {  	v44 =	vperm.xlane v17, v15;
	v19 =	vadd.s32 v3, v43;
	s16 =	simm.s32 $0x7580  }
0x1af: {  	[tilespmem:s16], [sflag:$0x2] =	stream.indirect_vreg.gather [hbm4b:s10+s3], $0x80, v41, vm0, $0xb8;
	[tilespmem:$0x1E080] =	vst v63  }
0x1b0: {  	v17 =	vperm.xlane v17, v16;
	v45 =	vadd.s32 v3, v44;
	s16 =	simm.s32 $0x7600  }
0x1b1: {  	[tilespmem:s16], [sflag:$0x2] =	stream.indirect_vreg.gather [hbm4b:s10+s3], $0x80, v18, vm0, $0xb8;
	[tilespmem:$0x1E080] =	vst v63  }
0x1b2: {  	v17 =	vadd.s32 v3, v17;
	s16 =	simm.s32 $0x7680  }
0x1b3: {  	[tilespmem:s16], [sflag:$0x2] =	stream.indirect_vreg.gather [hbm4b:s10+s3], $0x80, v19, vm0, $0xb8;
	[tilespmem:$0x1E080] =	vst v63  }
0x1b4: {  	s16 =	simm.s32 $0x7700  }
0x1b5: {  	[tilespmem:s16], [sflag:$0x2] =	stream.indirect_vreg.gather [hbm4b:s10+s3], $0x80, v45, vm0, $0xb8;
	[tilespmem:$0x1E080] =	vst v63  }
0x1b6: {  	s16 =	simm.s32 $0x7780  }
0x1b7: {  	[tilespmem:s16], [sflag:$0x2] =	stream.indirect_vreg.gather [hbm4b:s10+s3], $0x80, v17, vm0, $0xb8;
	[tilespmem:$0x1E080] =	vst v63  }
0x1b8: {  	v17 =	vld [tilespmem:$0xA0];
	_ =	sdelay $0x4  }
0x1b9: {  	v18 =	vshll.u32 v17, $0x1  }
0x1ba: {  	v17 =	vand.u32 $0x7, v17;
	v18 =	vand.u32 $0xFFFFFFF0, v18  }
0x1bb: {  	v17 =	vor.u32 v17, v18  }
0x1bc: {  	v18 =	vperm.xlane v17, v2;
	_ =	sdelay $0x1  }
0x1bd: {  	v19 =	vperm.xlane v17, v1;
	v18 =	vadd.s32 v3, v18;
	_ =	sdelay $0x1  }
0x1be: {  	v46 =	vperm.xlane v17, v4;
	v19 =	vadd.s32 v3, v19;
	_ =	sdelay $0x1  }
0x1bf: {  	s16 =	simm.s32 $0x7800;
	v47 =	vperm.xlane v17, v5;
	v20 =	vadd.s32 v3, v46  }
0x1c0: {  	[tilespmem:s16], [sflag:$0x2] =	stream.indirect_vreg.gather [hbm4b:s10+s3], $0x80, v18, vm0, $0xb8;
	[tilespmem:$0x1E080] =	vst v63  }
0x1c1: {  	v48 =	vperm.xlane v17, v6;
	v18 =	vadd.s32 v3, v47;
	s16 =	simm.s32 $0x7880  }
0x1c2: {  	[tilespmem:s16], [sflag:$0x2] =	stream.indirect_vreg.gather [hbm4b:s10+s3], $0x80, v19, vm0, $0xb8;
	[tilespmem:$0x1E080] =	vst v63  }
0x1c3: {  	v49 =	vperm.xlane v17, v7;
	v19 =	vadd.s32 v3, v48;
	s16 =	simm.s32 $0x7900  }
0x1c4: {  	[tilespmem:s16], [sflag:$0x2] =	stream.indirect_vreg.gather [hbm4b:s10+s3], $0x80, v20, vm0, $0xb8;
	[tilespmem:$0x1E080] =	vst v63  }
0x1c5: {  	v51 =	vperm.xlane v17, v8;
	v50 =	vadd.s32 v3, v49;
	s16 =	simm.s32 $0x7980  }
0x1c6: {  	[tilespmem:s16], [sflag:$0x2] =	stream.indirect_vreg.gather [hbm4b:s10+s3], $0x80, v18, vm0, $0xb8;
	[tilespmem:$0x1E080] =	vst v63  }
0x1c7: {  	v52 =	vperm.xlane v17, v0;
	v18 =	vadd.s32 v3, v51;
	s16 =	simm.s32 $0x7A00  }
0x1c8: {  	[tilespmem:s16], [sflag:$0x2] =	stream.indirect_vreg.gather [hbm4b:s10+s3], $0x80, v19, vm0, $0xb8;
	[tilespmem:$0x1E080] =	vst v63  }
0x1c9: {  	v53 =	vperm.xlane v17, v9;
	v19 =	vadd.s32 v3, v52;
	s16 =	simm.s32 $0x7A80  }
0x1ca: {  	[tilespmem:s16], [sflag:$0x2] =	stream.indirect_vreg.gather [hbm4b:s10+s3], $0x80, v50, vm0, $0xb8;
	[tilespmem:$0x1E080] =	vst v63  }
0x1cb: {  	v55 =	vperm.xlane v17, v10;
	v54 =	vadd.s32 v3, v53;
	s16 =	simm.s32 $0x7B00  }
0x1cc: {  	[tilespmem:s16], [sflag:$0x2] =	stream.indirect_vreg.gather [hbm4b:s10+s3], $0x80, v18, vm0, $0xb8;
	[tilespmem:$0x1E080] =	vst v63  }
0x1cd: {  	v56 =	vperm.xlane v17, v11;
	v18 =	vadd.s32 v3, v55;
	s16 =	simm.s32 $0x7B80  }
0x1ce: {  	[tilespmem:s16], [sflag:$0x2] =	stream.indirect_vreg.gather [hbm4b:s10+s3], $0x80, v19, vm0, $0xb8;
	[tilespmem:$0x1E080] =	vst v63  }
0x1cf: {  	v57 =	vperm.xlane v17, v12;
	v19 =	vadd.s32 v3, v56;
	s16 =	simm.s32 $0x7C00  }
0x1d0: {  	[tilespmem:s16], [sflag:$0x2] =	stream.indirect_vreg.gather [hbm4b:s10+s3], $0x80, v54, vm0, $0xb8;
	[tilespmem:$0x1E080] =	vst v63  }
0x1d1: {  	v59 =	vperm.xlane v17, v13;
	v58 =	vadd.s32 v3, v57;
	s16 =	simm.s32 $0x7C80  }
0x1d2: {  	[tilespmem:s16], [sflag:$0x2] =	stream.indirect_vreg.gather [hbm4b:s10+s3], $0x80, v18, vm0, $0xb8;
	[tilespmem:$0x1E080] =	vst v63  }
0x1d3: {  	v60 =	vperm.xlane v17, v14;
	v18 =	vadd.s32 v3, v59;
	s16 =	simm.s32 $0x7D00  }
0x1d4: {  	[tilespmem:s16], [sflag:$0x2] =	stream.indirect_vreg.gather [hbm4b:s10+s3], $0x80, v19, vm0, $0xb8;
	[tilespmem:$0x1E080] =	vst v63  }
0x1d5: {  	v61 =	vperm.xlane v17, v15;
	v19 =	vadd.s32 v3, v60;
	s16 =	simm.s32 $0x7D80  }
0x1d6: {  	[tilespmem:s16], [sflag:$0x2] =	stream.indirect_vreg.gather [hbm4b:s10+s3], $0x80, v58, vm0, $0xb8;
	[tilespmem:$0x1E080] =	vst v63  }
0x1d7: {  	v17 =	vperm.xlane v17, v16;
	v62 =	vadd.s32 v3, v61;
	s16 =	simm.s32 $0x7E00  }
0x1d8: {  	[tilespmem:s16], [sflag:$0x2] =	stream.indirect_vreg.gather [hbm4b:s10+s3], $0x80, v18, vm0, $0xb8;
	[tilespmem:$0x1E080] =	vst v63  }
0x1d9: {  	v17 =	vadd.s32 v3, v17;
	s16 =	simm.s32 $0x7E80  }
0x1da: {  	[tilespmem:s16], [sflag:$0x2] =	stream.indirect_vreg.gather [hbm4b:s10+s3], $0x80, v19, vm0, $0xb8;
	[tilespmem:$0x1E080] =	vst v63  }
0x1db: {  	s16 =	simm.s32 $0x7F00  }
0x1dc: {  	[tilespmem:s16], [sflag:$0x2] =	stream.indirect_vreg.gather [hbm4b:s10+s3], $0x80, v62, vm0, $0xb8;
	[tilespmem:$0x1E080] =	vst v63  }
0x1dd: {  	s16 =	simm.s32 $0x7F80  }
0x1de: {  	[tilespmem:s16], [sflag:$0x2] =	stream.indirect_vreg.gather [hbm4b:s10+s3], $0x80, v17, vm0, $0xb8;
	[tilespmem:$0x1E080] =	vst v63  }
0x1df: {  	v17 =	vld [tilespmem:$0xB0];
	_ =	sdelay $0x4  }
0x1e0: {  	v18 =	vshll.u32 v17, $0x1  }
0x1e1: {  	v17 =	vand.u32 $0x7, v17;
	v18 =	vand.u32 $0xFFFFFFF0, v18  }
0x1e2: {  	v17 =	vor.u32 v17, v18  }
0x1e3: {  	v18 =	vperm.xlane v17, v2;
	_ =	sdelay $0x1  }
0x1e4: {  	v19 =	vperm.xlane v17, v1;
	v18 =	vadd.s32 v3, v18;
	_ =	sdelay $0x1  }
0x1e5: {  	v63 =	vperm.xlane v17, v4;
	v19 =	vadd.s32 v3, v19;
	_ =	sdelay $0x1  }
0x1e6: {  	s16 =	simm.s32 $0x8000;
	v24 =	vperm.xlane v17, v5;
	v20 =	vadd.s32 v3, v63  }
0x1e7: {  	[tilespmem:s16], [sflag:$0x2] =	stream.indirect_vreg.gather [hbm4b:s10+s3], $0x80, v18, vm0, $0xb8;
	[tilespmem:$0x1E080] =	vst v63  }
0x1e8: {  	v25 =	vperm.xlane v17, v6;
	v18 =	vadd.s32 v3, v24;
	s16 =	simm.s32 $0x8080  }
0x1e9: {  	[tilespmem:s16], [sflag:$0x2] =	stream.indirect_vreg.gather [hbm4b:s10+s3], $0x80, v19, vm0, $0xb8;
	[tilespmem:$0x1E080] =	vst v63  }
0x1ea: {  	v26 =	vperm.xlane v17, v7;
	v19 =	vadd.s32 v3, v25;
	s16 =	simm.s32 $0x8100  }
0x1eb: {  	[tilespmem:s16], [sflag:$0x2] =	stream.indirect_vreg.gather [hbm4b:s10+s3], $0x80, v20, vm0, $0xb8;
	[tilespmem:$0x1E080] =	vst v63  }
0x1ec: {  	v28 =	vperm.xlane v17, v8;
	v27 =	vadd.s32 v3, v26;
	s16 =	simm.s32 $0x8180  }
0x1ed: {  	[tilespmem:s16], [sflag:$0x2] =	stream.indirect_vreg.gather [hbm4b:s10+s3], $0x80, v18, vm0, $0xb8;
	[tilespmem:$0x1E080] =	vst v63  }
0x1ee: {  	v29 =	vperm.xlane v17, v0;
	v18 =	vadd.s32 v3, v28;
	s16 =	simm.s32 $0x8200  }
0x1ef: {  	[tilespmem:s16], [sflag:$0x2] =	stream.indirect_vreg.gather [hbm4b:s10+s3], $0x80, v19, vm0, $0xb8;
	[tilespmem:$0x1E080] =	vst v63  }
0x1f0: {  	v30 =	vperm.xlane v17, v9;
	v19 =	vadd.s32 v3, v29;
	s16 =	simm.s32 $0x8280  }
0x1f1: {  	[tilespmem:s16], [sflag:$0x2] =	stream.indirect_vreg.gather [hbm4b:s10+s3], $0x80, v27, vm0, $0xb8;
	[tilespmem:$0x1E080] =	vst v63  }
0x1f2: {  	v32 =	vperm.xlane v17, v10;
	v31 =	vadd.s32 v3, v30;
	s16 =	simm.s32 $0x8300  }
0x1f3: {  	[tilespmem:s16], [sflag:$0x2] =	stream.indirect_vreg.gather [hbm4b:s10+s3], $0x80, v18, vm0, $0xb8;
	[tilespmem:$0x1E080] =	vst v63  }
0x1f4: {  	v33 =	vperm.xlane v17, v11;
	v18 =	vadd.s32 v3, v32;
	s16 =	simm.s32 $0x8380  }
0x1f5: {  	[tilespmem:s16], [sflag:$0x2] =	stream.indirect_vreg.gather [hbm4b:s10+s3], $0x80, v19, vm0, $0xb8;
	[tilespmem:$0x1E080] =	vst v63  }
0x1f6: {  	v34 =	vperm.xlane v17, v12;
	v19 =	vadd.s32 v3, v33;
	s16 =	simm.s32 $0x8400  }
0x1f7: {  	[tilespmem:s16], [sflag:$0x2] =	stream.indirect_vreg.gather [hbm4b:s10+s3], $0x80, v31, vm0, $0xb8;
	[tilespmem:$0x1E080] =	vst v63  }
0x1f8: {  	v36 =	vperm.xlane v17, v13;
	v35 =	vadd.s32 v3, v34;
	s16 =	simm.s32 $0x8480  }
0x1f9: {  	[tilespmem:s16], [sflag:$0x2] =	stream.indirect_vreg.gather [hbm4b:s10+s3], $0x80, v18, vm0, $0xb8;
	[tilespmem:$0x1E080] =	vst v63  }
0x1fa: {  	v37 =	vperm.xlane v17, v14;
	v18 =	vadd.s32 v3, v36;
	s16 =	simm.s32 $0x8500  }
0x1fb: {  	[tilespmem:s16], [sflag:$0x2] =	stream.indirect_vreg.gather [hbm4b:s10+s3], $0x80, v19, vm0, $0xb8;
	[tilespmem:$0x1E080] =	vst v63  }
0x1fc: {  	v38 =	vperm.xlane v17, v15;
	v19 =	vadd.s32 v3, v37;
	s16 =	simm.s32 $0x8580  }
0x1fd: {  	[tilespmem:s16], [sflag:$0x2] =	stream.indirect_vreg.gather [hbm4b:s10+s3], $0x80, v35, vm0, $0xb8;
	[tilespmem:$0x1E080] =	vst v63  }
0x1fe: {  	v17 =	vperm.xlane v17, v16;
	v39 =	vadd.s32 v3, v38;
	s16 =	simm.s32 $0x8600  }
0x1ff: {  	[tilespmem:s16], [sflag:$0x2] =	stream.indirect_vreg.gather [hbm4b:s10+s3], $0x80, v18, vm0, $0xb8;
	[tilespmem:$0x1E080] =	vst v63  }
0x200: {  	v17 =	vadd.s32 v3, v17;
	s16 =	simm.s32 $0x8680  }
0x201: {  	[tilespmem:s16], [sflag:$0x2] =	stream.indirect_vreg.gather [hbm4b:s10+s3], $0x80, v19, vm0, $0xb8;
	[tilespmem:$0x1E080] =	vst v63  }
0x202: {  	s16 =	simm.s32 $0x8700  }
0x203: {  	[tilespmem:s16], [sflag:$0x2] =	stream.indirect_vreg.gather [hbm4b:s10+s3], $0x80, v39, vm0, $0xb8;
	[tilespmem:$0x1E080] =	vst v63  }
0x204: {  	s16 =	simm.s32 $0x8780  }
0x205: {  	[tilespmem:s16], [sflag:$0x2] =	stream.indirect_vreg.gather [hbm4b:s10+s3], $0x80, v17, vm0, $0xb8;
	[tilespmem:$0x1E080] =	vst v63  }
0x206: {  	v17 =	vld [tilespmem:$0xC0];
	_ =	sdelay $0x4  }
0x207: {  	v18 =	vshll.u32 v17, $0x1  }
0x208: {  	v17 =	vand.u32 $0x7, v17;
	v18 =	vand.u32 $0xFFFFFFF0, v18  }
0x209: {  	v17 =	vor.u32 v17, v18  }
0x20a: {  	v18 =	vperm.xlane v17, v2;
	_ =	sdelay $0x1  }
0x20b: {  	v19 =	vperm.xlane v17, v1;
	v18 =	vadd.s32 v3, v18;
	_ =	sdelay $0x1  }
0x20c: {  	v40 =	vperm.xlane v17, v4;
	v19 =	vadd.s32 v3, v19;
	_ =	sdelay $0x1  }
0x20d: {  	s16 =	simm.s32 $0x8800;
	v41 =	vperm.xlane v17, v5;
	v20 =	vadd.s32 v3, v40  }
0x20e: {  	[tilespmem:s16], [sflag:$0x2] =	stream.indirect_vreg.gather [hbm4b:s10+s3], $0x80, v18, vm0, $0xb8;
	[tilespmem:$0x1E080] =	vst v63  }
0x20f: {  	v42 =	vperm.xlane v17, v6;
	v18 =	vadd.s32 v3, v41;
	s16 =	simm.s32 $0x8880  }
0x210: {  	[tilespmem:s16], [sflag:$0x2] =	stream.indirect_vreg.gather [hbm4b:s10+s3], $0x80, v19, vm0, $0xb8;
	[tilespmem:$0x1E080] =	vst v63  }
0x211: {  	v43 =	vperm.xlane v17, v7;
	v19 =	vadd.s32 v3, v42;
	s16 =	simm.s32 $0x8900  }
0x212: {  	[tilespmem:s16], [sflag:$0x2] =	stream.indirect_vreg.gather [hbm4b:s10+s3], $0x80, v20, vm0, $0xb8;
	[tilespmem:$0x1E080] =	vst v63  }
0x213: {  	v45 =	vperm.xlane v17, v8;
	v44 =	vadd.s32 v3, v43;
	s16 =	simm.s32 $0x8980  }
0x214: {  	[tilespmem:s16], [sflag:$0x2] =	stream.indirect_vreg.gather [hbm4b:s10+s3], $0x80, v18, vm0, $0xb8;
	[tilespmem:$0x1E080] =	vst v63  }
0x215: {  	v46 =	vperm.xlane v17, v0;
	v18 =	vadd.s32 v3, v45;
	s16 =	simm.s32 $0x8A00  }
0x216: {  	[tilespmem:s16], [sflag:$0x2] =	stream.indirect_vreg.gather [hbm4b:s10+s3], $0x80, v19, vm0, $0xb8;
	[tilespmem:$0x1E080] =	vst v63  }
0x217: {  	v47 =	vperm.xlane v17, v9;
	v19 =	vadd.s32 v3, v46;
	s16 =	simm.s32 $0x8A80  }
0x218: {  	[tilespmem:s16], [sflag:$0x2] =	stream.indirect_vreg.gather [hbm4b:s10+s3], $0x80, v44, vm0, $0xb8;
	[tilespmem:$0x1E080] =	vst v63  }
0x219: {  	v49 =	vperm.xlane v17, v10;
	v48 =	vadd.s32 v3, v47;
	s16 =	simm.s32 $0x8B00  }
0x21a: {  	[tilespmem:s16], [sflag:$0x2] =	stream.indirect_vreg.gather [hbm4b:s10+s3], $0x80, v18, vm0, $0xb8;
	[tilespmem:$0x1E080] =	vst v63  }
0x21b: {  	v50 =	vperm.xlane v17, v11;
	v18 =	vadd.s32 v3, v49;
	s16 =	simm.s32 $0x8B80  }
0x21c: {  	[tilespmem:s16], [sflag:$0x2] =	stream.indirect_vreg.gather [hbm4b:s10+s3], $0x80, v19, vm0, $0xb8;
	[tilespmem:$0x1E080] =	vst v63  }
0x21d: {  	v51 =	vperm.xlane v17, v12;
	v19 =	vadd.s32 v3, v50;
	s16 =	simm.s32 $0x8C00  }
0x21e: {  	[tilespmem:s16], [sflag:$0x2] =	stream.indirect_vreg.gather [hbm4b:s10+s3], $0x80, v48, vm0, $0xb8;
	[tilespmem:$0x1E080] =	vst v63  }
0x21f: {  	v53 =	vperm.xlane v17, v13;
	v52 =	vadd.s32 v3, v51;
	s16 =	simm.s32 $0x8C80  }
0x220: {  	[tilespmem:s16], [sflag:$0x2] =	stream.indirect_vreg.gather [hbm4b:s10+s3], $0x80, v18, vm0, $0xb8;
	[tilespmem:$0x1E080] =	vst v63  }
0x221: {  	v54 =	vperm.xlane v17, v14;
	v18 =	vadd.s32 v3, v53;
	s16 =	simm.s32 $0x8D00  }
0x222: {  	[tilespmem:s16], [sflag:$0x2] =	stream.indirect_vreg.gather [hbm4b:s10+s3], $0x80, v19, vm0, $0xb8;
	[tilespmem:$0x1E080] =	vst v63  }
0x223: {  	v55 =	vperm.xlane v17, v15;
	v19 =	vadd.s32 v3, v54;
	s16 =	simm.s32 $0x8D80  }
0x224: {  	[tilespmem:s16], [sflag:$0x2] =	stream.indirect_vreg.gather [hbm4b:s10+s3], $0x80, v52, vm0, $0xb8;
	[tilespmem:$0x1E080] =	vst v63  }
0x225: {  	v17 =	vperm.xlane v17, v16;
	v56 =	vadd.s32 v3, v55;
	s16 =	simm.s32 $0x8E00  }
0x226: {  	[tilespmem:s16], [sflag:$0x2] =	stream.indirect_vreg.gather [hbm4b:s10+s3], $0x80, v18, vm0, $0xb8;
	[tilespmem:$0x1E080] =	vst v63  }
0x227: {  	v17 =	vadd.s32 v3, v17;
	s16 =	simm.s32 $0x8E80  }
0x228: {  	[tilespmem:s16], [sflag:$0x2] =	stream.indirect_vreg.gather [hbm4b:s10+s3], $0x80, v19, vm0, $0xb8;
	[tilespmem:$0x1E080] =	vst v63  }
0x229: {  	s16 =	simm.s32 $0x8F00  }
0x22a: {  	[tilespmem:s16], [sflag:$0x2] =	stream.indirect_vreg.gather [hbm4b:s10+s3], $0x80, v56, vm0, $0xb8;
	[tilespmem:$0x1E080] =	vst v63  }
0x22b: {  	s16 =	simm.s32 $0x8F80  }
0x22c: {  	[tilespmem:s16], [sflag:$0x2] =	stream.indirect_vreg.gather [hbm4b:s10+s3], $0x80, v17, vm0, $0xb8;
	[tilespmem:$0x1E080] =	vst v63  }
0x22d: {  	v17 =	vld [tilespmem:$0xD0];
	_ =	sdelay $0x4  }
0x22e: {  	v18 =	vshll.u32 v17, $0x1  }
0x22f: {  	v17 =	vand.u32 $0x7, v17;
	v18 =	vand.u32 $0xFFFFFFF0, v18  }
0x230: {  	v17 =	vor.u32 v17, v18  }
0x231: {  	v18 =	vperm.xlane v17, v2;
	_ =	sdelay $0x1  }
0x232: {  	v19 =	vperm.xlane v17, v1;
	v18 =	vadd.s32 v3, v18;
	_ =	sdelay $0x1  }
0x233: {  	v57 =	vperm.xlane v17, v4;
	v19 =	vadd.s32 v3, v19;
	_ =	sdelay $0x1  }
0x234: {  	s16 =	simm.s32 $0x9000;
	v58 =	vperm.xlane v17, v5;
	v20 =	vadd.s32 v3, v57  }
0x235: {  	[tilespmem:s16], [sflag:$0x2] =	stream.indirect_vreg.gather [hbm4b:s10+s3], $0x80, v18, vm0, $0xb8;
	[tilespmem:$0x1E080] =	vst v63  }
0x236: {  	v59 =	vperm.xlane v17, v6;
	v18 =	vadd.s32 v3, v58;
	s16 =	simm.s32 $0x9080  }
0x237: {  	[tilespmem:s16], [sflag:$0x2] =	stream.indirect_vreg.gather [hbm4b:s10+s3], $0x80, v19, vm0, $0xb8;
	[tilespmem:$0x1E080] =	vst v63  }
0x238: {  	v60 =	vperm.xlane v17, v7;
	v19 =	vadd.s32 v3, v59;
	s16 =	simm.s32 $0x9100  }
0x239: {  	[tilespmem:s16], [sflag:$0x2] =	stream.indirect_vreg.gather [hbm4b:s10+s3], $0x80, v20, vm0, $0xb8;
	[tilespmem:$0x1E080] =	vst v63  }
0x23a: {  	v62 =	vperm.xlane v17, v8;
	v61 =	vadd.s32 v3, v60;
	s16 =	simm.s32 $0x9180  }
0x23b: {  	[tilespmem:s16], [sflag:$0x2] =	stream.indirect_vreg.gather [hbm4b:s10+s3], $0x80, v18, vm0, $0xb8;
	[tilespmem:$0x1E080] =	vst v63  }
0x23c: {  	v63 =	vperm.xlane v17, v0;
	v18 =	vadd.s32 v3, v62;
	s16 =	simm.s32 $0x9200  }
0x23d: {  	[tilespmem:s16], [sflag:$0x2] =	stream.indirect_vreg.gather [hbm4b:s10+s3], $0x80, v19, vm0, $0xb8;
	[tilespmem:$0x1E080] =	vst v63  }
0x23e: {  	v24 =	vperm.xlane v17, v9;
	v19 =	vadd.s32 v3, v63;
	s16 =	simm.s32 $0x9280  }
0x23f: {  	[tilespmem:s16], [sflag:$0x2] =	stream.indirect_vreg.gather [hbm4b:s10+s3], $0x80, v61, vm0, $0xb8;
	[tilespmem:$0x1E080] =	vst v63  }
0x240: {  	v26 =	vperm.xlane v17, v10;
	v25 =	vadd.s32 v3, v24;
	s16 =	simm.s32 $0x9300  }
0x241: {  	[tilespmem:s16], [sflag:$0x2] =	stream.indirect_vreg.gather [hbm4b:s10+s3], $0x80, v18, vm0, $0xb8;
	[tilespmem:$0x1E080] =	vst v63  }
0x242: {  	v27 =	vperm.xlane v17, v11;
	v18 =	vadd.s32 v3, v26;
	s16 =	simm.s32 $0x9380  }
0x243: {  	[tilespmem:s16], [sflag:$0x2] =	stream.indirect_vreg.gather [hbm4b:s10+s3], $0x80, v19, vm0, $0xb8;
	[tilespmem:$0x1E080] =	vst v63  }
0x244: {  	v28 =	vperm.xlane v17, v12;
	v19 =	vadd.s32 v3, v27;
	s16 =	simm.s32 $0x9400  }
0x245: {  	[tilespmem:s16], [sflag:$0x2] =	stream.indirect_vreg.gather [hbm4b:s10+s3], $0x80, v25, vm0, $0xb8;
	[tilespmem:$0x1E080] =	vst v63  }
0x246: {  	v30 =	vperm.xlane v17, v13;
	v29 =	vadd.s32 v3, v28;
	s16 =	simm.s32 $0x9480  }
0x247: {  	[tilespmem:s16], [sflag:$0x2] =	stream.indirect_vreg.gather [hbm4b:s10+s3], $0x80, v18, vm0, $0xb8;
	[tilespmem:$0x1E080] =	vst v63  }
0x248: {  	v31 =	vperm.xlane v17, v14;
	v18 =	vadd.s32 v3, v30;
	s16 =	simm.s32 $0x9500  }
0x249: {  	[tilespmem:s16], [sflag:$0x2] =	stream.indirect_vreg.gather [hbm4b:s10+s3], $0x80, v19, vm0, $0xb8;
	[tilespmem:$0x1E080] =	vst v63  }
0x24a: {  	v32 =	vperm.xlane v17, v15;
	v19 =	vadd.s32 v3, v31;
	s16 =	simm.s32 $0x9580  }
0x24b: {  	[tilespmem:s16], [sflag:$0x2] =	stream.indirect_vreg.gather [hbm4b:s10+s3], $0x80, v29, vm0, $0xb8;
	[tilespmem:$0x1E080] =	vst v63  }
0x24c: {  	v17 =	vperm.xlane v17, v16;
	v33 =	vadd.s32 v3, v32;
	s16 =	simm.s32 $0x9600  }
0x24d: {  	[tilespmem:s16], [sflag:$0x2] =	stream.indirect_vreg.gather [hbm4b:s10+s3], $0x80, v18, vm0, $0xb8;
	[tilespmem:$0x1E080] =	vst v63  }
0x24e: {  	v17 =	vadd.s32 v3, v17;
	s16 =	simm.s32 $0x9680  }
0x24f: {  	[tilespmem:s16], [sflag:$0x2] =	stream.indirect_vreg.gather [hbm4b:s10+s3], $0x80, v19, vm0, $0xb8;
	[tilespmem:$0x1E080] =	vst v63  }
0x250: {  	s16 =	simm.s32 $0x9700  }
0x251: {  	[tilespmem:s16], [sflag:$0x2] =	stream.indirect_vreg.gather [hbm4b:s10+s3], $0x80, v33, vm0, $0xb8;
	[tilespmem:$0x1E080] =	vst v63  }
0x252: {  	s16 =	simm.s32 $0x9780  }
0x253: {  	[tilespmem:s16], [sflag:$0x2] =	stream.indirect_vreg.gather [hbm4b:s10+s3], $0x80, v17, vm0, $0xb8;
	[tilespmem:$0x1E080] =	vst v63  }
0x254: {  	v17 =	vld [tilespmem:$0xE0];
	_ =	sdelay $0x4  }
0x255: {  	v18 =	vshll.u32 v17, $0x1  }
0x256: {  	v17 =	vand.u32 $0x7, v17;
	v18 =	vand.u32 $0xFFFFFFF0, v18  }
0x257: {  	v17 =	vor.u32 v17, v18  }
0x258: {  	v18 =	vperm.xlane v17, v2;
	_ =	sdelay $0x1  }
0x259: {  	v19 =	vperm.xlane v17, v1;
	v18 =	vadd.s32 v3, v18;
	_ =	sdelay $0x1  }
0x25a: {  	v34 =	vperm.xlane v17, v4;
	v19 =	vadd.s32 v3, v19;
	_ =	sdelay $0x1  }
0x25b: {  	s16 =	simm.s32 $0x9800;
	v35 =	vperm.xlane v17, v5;
	v20 =	vadd.s32 v3, v34  }
0x25c: {  	[tilespmem:s16], [sflag:$0x2] =	stream.indirect_vreg.gather [hbm4b:s10+s3], $0x80, v18, vm0, $0xb8;
	[tilespmem:$0x1E080] =	vst v63  }
0x25d: {  	v36 =	vperm.xlane v17, v6;
	v18 =	vadd.s32 v3, v35;
	s16 =	simm.s32 $0x9880  }
0x25e: {  	[tilespmem:s16], [sflag:$0x2] =	stream.indirect_vreg.gather [hbm4b:s10+s3], $0x80, v19, vm0, $0xb8;
	[tilespmem:$0x1E080] =	vst v63  }
0x25f: {  	v37 =	vperm.xlane v17, v7;
	v19 =	vadd.s32 v3, v36;
	s16 =	simm.s32 $0x9900  }
0x260: {  	[tilespmem:s16], [sflag:$0x2] =	stream.indirect_vreg.gather [hbm4b:s10+s3], $0x80, v20, vm0, $0xb8;
	[tilespmem:$0x1E080] =	vst v63  }
0x261: {  	v39 =	vperm.xlane v17, v8;
	v38 =	vadd.s32 v3, v37;
	s16 =	simm.s32 $0x9980  }
0x262: {  	[tilespmem:s16], [sflag:$0x2] =	stream.indirect_vreg.gather [hbm4b:s10+s3], $0x80, v18, vm0, $0xb8;
	[tilespmem:$0x1E080] =	vst v63  }
0x263: {  	v40 =	vperm.xlane v17, v0;
	v18 =	vadd.s32 v3, v39;
	s16 =	simm.s32 $0x9A00  }
0x264: {  	[tilespmem:s16], [sflag:$0x2] =	stream.indirect_vreg.gather [hbm4b:s10+s3], $0x80, v19, vm0, $0xb8;
	[tilespmem:$0x1E080] =	vst v63  }
0x265: {  	v41 =	vperm.xlane v17, v9;
	v19 =	vadd.s32 v3, v40;
	s16 =	simm.s32 $0x9A80  }
0x266: {  	[tilespmem:s16], [sflag:$0x2] =	stream.indirect_vreg.gather [hbm4b:s10+s3], $0x80, v38, vm0, $0xb8;
	[tilespmem:$0x1E080] =	vst v63  }
0x267: {  	v43 =	vperm.xlane v17, v10;
	v42 =	vadd.s32 v3, v41;
	s16 =	simm.s32 $0x9B00  }
0x268: {  	[tilespmem:s16], [sflag:$0x2] =	stream.indirect_vreg.gather [hbm4b:s10+s3], $0x80, v18, vm0, $0xb8;
	[tilespmem:$0x1E080] =	vst v63  }
0x269: {  	v44 =	vperm.xlane v17, v11;
	v18 =	vadd.s32 v3, v43;
	s16 =	simm.s32 $0x9B80  }
0x26a: {  	[tilespmem:s16], [sflag:$0x2] =	stream.indirect_vreg.gather [hbm4b:s10+s3], $0x80, v19, vm0, $0xb8;
	[tilespmem:$0x1E080] =	vst v63  }
0x26b: {  	v45 =	vperm.xlane v17, v12;
	v19 =	vadd.s32 v3, v44;
	s16 =	simm.s32 $0x9C00  }
0x26c: {  	[tilespmem:s16], [sflag:$0x2] =	stream.indirect_vreg.gather [hbm4b:s10+s3], $0x80, v42, vm0, $0xb8;
	[tilespmem:$0x1E080] =	vst v63  }
0x26d: {  	v47 =	vperm.xlane v17, v13;
	v46 =	vadd.s32 v3, v45;
	s16 =	simm.s32 $0x9C80  }
0x26e: {  	[tilespmem:s16], [sflag:$0x2] =	stream.indirect_vreg.gather [hbm4b:s10+s3], $0x80, v18, vm0, $0xb8;
	[tilespmem:$0x1E080] =	vst v63  }
0x26f: {  	v48 =	vperm.xlane v17, v14;
	v18 =	vadd.s32 v3, v47;
	s16 =	simm.s32 $0x9D00  }
0x270: {  	[tilespmem:s16], [sflag:$0x2] =	stream.indirect_vreg.gather [hbm4b:s10+s3], $0x80, v19, vm0, $0xb8;
	[tilespmem:$0x1E080] =	vst v63  }
0x271: {  	v49 =	vperm.xlane v17, v15;
	v19 =	vadd.s32 v3, v48;
	s16 =	simm.s32 $0x9D80  }
0x272: {  	[tilespmem:s16], [sflag:$0x2] =	stream.indirect_vreg.gather [hbm4b:s10+s3], $0x80, v46, vm0, $0xb8;
	[tilespmem:$0x1E080] =	vst v63  }
0x273: {  	v17 =	vperm.xlane v17, v16;
	v50 =	vadd.s32 v3, v49;
	s16 =	simm.s32 $0x9E00  }
0x274: {  	[tilespmem:s16], [sflag:$0x2] =	stream.indirect_vreg.gather [hbm4b:s10+s3], $0x80, v18, vm0, $0xb8;
	[tilespmem:$0x1E080] =	vst v63  }
0x275: {  	v17 =	vadd.s32 v3, v17;
	s16 =	simm.s32 $0x9E80  }
0x276: {  	[tilespmem:s16], [sflag:$0x2] =	stream.indirect_vreg.gather [hbm4b:s10+s3], $0x80, v19, vm0, $0xb8;
	[tilespmem:$0x1E080] =	vst v63  }
0x277: {  	s16 =	simm.s32 $0x9F00  }
0x278: {  	[tilespmem:s16], [sflag:$0x2] =	stream.indirect_vreg.gather [hbm4b:s10+s3], $0x80, v50, vm0, $0xb8;
	[tilespmem:$0x1E080] =	vst v63  }
0x279: {  	s16 =	simm.s32 $0x9F80  }
0x27a: {  	[tilespmem:s16], [sflag:$0x2] =	stream.indirect_vreg.gather [hbm4b:s10+s3], $0x80, v17, vm0, $0xb8;
	[tilespmem:$0x1E080] =	vst v63  }
0x27b: {  	v17 =	vld.msk [tilespmem:$0xF0], $0x1fff;
	_ =	sdelay $0x4  }
0x27c: {  	v18 =	vshll.u32 v17, $0x1  }
0x27d: {  	v17 =	vand.u32 $0x7, v17;
	v18 =	vand.u32 $0xFFFFFFF0, v18  }
0x27e: {  	v17 =	vor.u32 v17, v18  }
0x27f: {  	v18 =	vperm.xlane v17, v2;
	_ =	sdelay $0x1  }
0x280: {  	v19 =	vperm.xlane v17, v1;
	v18 =	vadd.s32 v3, v18;
	_ =	sdelay $0x1  }
0x281: {  	v51 =	vperm.xlane v17, v4;
	v19 =	vadd.s32 v3, v19;
	_ =	sdelay $0x1  }
0x282: {  	s16 =	simm.s32 $0xA000;
	v52 =	vperm.xlane v17, v5;
	v20 =	vadd.s32 v3, v51  }
0x283: {  	[tilespmem:s16], [sflag:$0x2] =	stream.indirect_vreg.gather [hbm4b:s10+s3], $0x80, v18, vm0, $0xb8;
	[tilespmem:$0x1E080] =	vst v63  }
0x284: {  	v53 =	vperm.xlane v17, v6;
	v18 =	vadd.s32 v3, v52;
	s16 =	simm.s32 $0xA080  }
0x285: {  	[tilespmem:s16], [sflag:$0x2] =	stream.indirect_vreg.gather [hbm4b:s10+s3], $0x80, v19, vm0, $0xb8;
	[tilespmem:$0x1E080] =	vst v63  }
0x286: {  	v54 =	vperm.xlane v17, v7;
	v19 =	vadd.s32 v3, v53;
	s16 =	simm.s32 $0xA100  }
0x287: {  	[tilespmem:s16], [sflag:$0x2] =	stream.indirect_vreg.gather [hbm4b:s10+s3], $0x80, v20, vm0, $0xb8;
	[tilespmem:$0x1E080] =	vst v63  }
0x288: {  	v56 =	vperm.xlane v17, v8;
	v55 =	vadd.s32 v3, v54;
	s16 =	simm.s32 $0xA180  }
0x289: {  	[tilespmem:s16], [sflag:$0x2] =	stream.indirect_vreg.gather [hbm4b:s10+s3], $0x80, v18, vm0, $0xb8;
	[tilespmem:$0x1E080] =	vst v63  }
0x28a: {  	v57 =	vperm.xlane v17, v0;
	v18 =	vadd.s32 v3, v56;
	s16 =	simm.s32 $0xA200  }
0x28b: {  	[tilespmem:s16], [sflag:$0x2] =	stream.indirect_vreg.gather [hbm4b:s10+s3], $0x80, v19, vm0, $0xb8;
	[tilespmem:$0x1E080] =	vst v63  }
0x28c: {  	v58 =	vperm.xlane v17, v9;
	v19 =	vadd.s32 v3, v57;
	s16 =	simm.s32 $0xA280  }
0x28d: {  	[tilespmem:s16], [sflag:$0x2] =	stream.indirect_vreg.gather [hbm4b:s10+s3], $0x80, v55, vm0, $0xb8;
	[tilespmem:$0x1E080] =	vst v63  }
0x28e: {  	v60 =	vperm.xlane v17, v10;
	v59 =	vadd.s32 v3, v58;
	s16 =	simm.s32 $0xA300  }
0x28f: {  	[tilespmem:s16], [sflag:$0x2] =	stream.indirect_vreg.gather [hbm4b:s10+s3], $0x80, v18, vm0, $0xb8;
	[tilespmem:$0x1E080] =	vst v63  }
0x290: {  	v61 =	vperm.xlane v17, v11;
	v18 =	vadd.s32 v3, v60;
	s16 =	simm.s32 $0xA380  }
0x291: {  	[tilespmem:s16], [sflag:$0x2] =	stream.indirect_vreg.gather [hbm4b:s10+s3], $0x80, v19, vm0, $0xb8;
	[tilespmem:$0x1E080] =	vst v63  }
0x292: {  	v62 =	vperm.xlane v17, v12;
	v19 =	vadd.s32 v3, v61;
	s16 =	simm.s32 $0xA400  }
0x293: {  	[tilespmem:s16], [sflag:$0x2] =	stream.indirect_vreg.gather [hbm4b:s10+s3], $0x80, v59, vm0, $0xb8;
	[tilespmem:$0x1E080] =	vst v63  }
0x294: {  	v17 =	vperm.xlane v17, v13;
	v63 =	vadd.s32 v3, v62;
	s16 =	simm.s32 $0xA480  }
0x295: {  	[tilespmem:s16], [sflag:$0x2] =	stream.indirect_vreg.gather [hbm4b:s10+s3], $0x80, v18, vm0, $0xb8;
	[tilespmem:$0x1E080] =	vst v63  }
0x296: {  	v17 =	vadd.s32 v3, v17;
	s16 =	simm.s32 $0xA500  }
0x297: {  	[tilespmem:s16], [sflag:$0x2] =	stream.indirect_vreg.gather [hbm4b:s10+s3], $0x80, v19, vm0, $0xb8;
	[tilespmem:$0x1E080] =	vst v63  }
0x298: {  	s16 =	simm.s32 $0xA580  }
0x299: {  	[tilespmem:s16], [sflag:$0x2] =	stream.indirect_vreg.gather [hbm4b:s10+s3], $0x80, v63, vm0, $0xb8;
	[tilespmem:$0x1E080] =	vst v63  }
0x29a: {  	s16 =	simm.s32 $0xA600  }
0x29b: {  	[tilespmem:s16], [sflag:$0x2] =	stream.indirect_vreg.gather [hbm4b:s10+s3], $0x80, v17, vm0, $0xb8;
	[tilespmem:$0x1E080] =	vst v63  }
0x29c: {  	_ =	swait.ge [sflag:s12], $0x3E80  }
0x29d: {  	[sflag:s12] =	ssyncset.done $0x0  }
0x29e: {  	[sflag:s12] =	ssyncadd.s32 $0xFFFFC180  }
0x29f: {  	[spmem:s2] =	stream.indirect.scatter.add.f32 [tilespmem:s20], [sflag:$0x3], $0x80, s6, s18, $0xb8;
	[tilespmem:$0x1E080] =	vst v63  }
0x2a0: {  	_ =	swait.ge [sflag:s17], $0x3E80  }
0x2a1: {  	s4 =	simm.s32 $0x0;
	[sflag:s17] =	ssyncset.done $0x0  }
0x2a2: {  	s9 =	simm.s32 $0x3180;
	s11 =	simm.s32 $0x3200;
	[sflag:s17] =	ssyncadd.s32 $0xFFFFC180  }
.LBB2_2:
0x2a3: {  	s16 =	sshra.s32 s4, $0x2  }
0x2a4: {  	v17 =	vld [tilespmem:s16+$0x100];
	_ =	sdelay $0x4  }
0x2a5: {  	v18 =	vshll.u32 v17, $0x1  }
0x2a6: {  	v17 =	vand.u32 $0x7, v17;
	v18 =	vand.u32 $0xFFFFFFF0, v18  }
0x2a7: {  	v17 =	vor.u32 v17, v18  }
0x2a8: {  	v18 =	vperm.xlane v17, v2;
	_ =	sdelay $0x1  }
0x2a9: {  	v19 =	vperm.xlane v17, v1;
	v18 =	vadd.s32 v3, v18;
	_ =	sdelay $0x1  }
0x2aa: {  	v20 =	vperm.xlane v17, v4;
	v19 =	vadd.s32 v3, v19;
	_ =	sdelay $0x1  }
0x2ab: {  	v21 =	vperm.xlane v17, v5;
	v20 =	vadd.s32 v3, v20  }
0x2ac: {  	[tilespmem:s20], [sflag:$0x1] =	stream.indirect_vreg.gather [hbm4b:s10+s3], $0x80, v18, vm0, $0xb8;
	[tilespmem:$0x1E080] =	vst v63  }
0x2ad: {  	v42 =	vperm.xlane v17, v6;
	v18 =	vadd.s32 v3, v21  }
0x2ae: {  	[tilespmem:s21], [sflag:$0x1] =	stream.indirect_vreg.gather [hbm4b:s10+s3], $0x80, v19, vm0, $0xb8;
	[tilespmem:$0x1E080] =	vst v63  }
0x2af: {  	v43 =	vperm.xlane v17, v7;
	v19 =	vadd.s32 v3, v42  }
0x2b0: {  	[tilespmem:s22], [sflag:$0x1] =	stream.indirect_vreg.gather [hbm4b:s10+s3], $0x80, v20, vm0, $0xb8;
	[tilespmem:$0x1E080] =	vst v63  }
0x2b1: {  	v45 =	vperm.xlane v17, v8;
	v44 =	vadd.s32 v3, v43  }
0x2b2: {  	[tilespmem:s23], [sflag:$0x1] =	stream.indirect_vreg.gather [hbm4b:s10+s3], $0x80, v18, vm0, $0xb8;
	[tilespmem:$0x1E080] =	vst v63  }
0x2b3: {  	v46 =	vperm.xlane v17, v0;
	v18 =	vadd.s32 v3, v45  }
0x2b4: {  	[tilespmem:s24], [sflag:$0x1] =	stream.indirect_vreg.gather [hbm4b:s10+s3], $0x80, v19, vm0, $0xb8;
	[tilespmem:$0x1E080] =	vst v63  }
0x2b5: {  	v47 =	vperm.xlane v17, v9;
	v19 =	vadd.s32 v3, v46  }
0x2b6: {  	[tilespmem:s25], [sflag:$0x1] =	stream.indirect_vreg.gather [hbm4b:s10+s3], $0x80, v44, vm0, $0xb8;
	[tilespmem:$0x1E080] =	vst v63  }
0x2b7: {  	v49 =	vperm.xlane v17, v10;
	v48 =	vadd.s32 v3, v47  }
0x2b8: {  	[tilespmem:s26], [sflag:$0x1] =	stream.indirect_vreg.gather [hbm4b:s10+s3], $0x80, v18, vm0, $0xb8;
	[tilespmem:$0x1E080] =	vst v63  }
0x2b9: {  	v50 =	vperm.xlane v17, v11;
	v18 =	vadd.s32 v3, v49  }
0x2ba: {  	[tilespmem:s28], [sflag:$0x1] =	stream.indirect_vreg.gather [hbm4b:s10+s3], $0x80, v19, vm0, $0xb8;
	[tilespmem:$0x1E080] =	vst v63  }
0x2bb: {  	v51 =	vperm.xlane v17, v12;
	v19 =	vadd.s32 v3, v50  }
0x2bc: {  	[tilespmem:s29], [sflag:$0x1] =	stream.indirect_vreg.gather [hbm4b:s10+s3], $0x80, v48, vm0, $0xb8;
	[tilespmem:$0x1E080] =	vst v63  }
0x2bd: {  	v53 =	vperm.xlane v17, v13;
	v52 =	vadd.s32 v3, v51  }
0x2be: {  	[tilespmem:s30], [sflag:$0x1] =	stream.indirect_vreg.gather [hbm4b:s10+s3], $0x80, v18, vm0, $0xb8;
	[tilespmem:$0x1E080] =	vst v63  }
0x2bf: {  	v54 =	vperm.xlane v17, v14;
	v18 =	vadd.s32 v3, v53  }
0x2c0: {  	[tilespmem:s31], [sflag:$0x1] =	stream.indirect_vreg.gather [hbm4b:s10+s3], $0x80, v19, vm0, $0xb8;
	[tilespmem:$0x1E080] =	vst v63  }
0x2c1: {  	v55 =	vperm.xlane v17, v15;
	v19 =	vadd.s32 v3, v54  }
0x2c2: {  	[tilespmem:s0], [sflag:$0x1] =	stream.indirect_vreg.gather [hbm4b:s10+s3], $0x80, v52, vm0, $0xb8;
	[tilespmem:$0x1E080] =	vst v63  }
0x2c3: {  	v17 =	vperm.xlane v17, v16;
	v56 =	vadd.s32 v3, v55  }
0x2c4: {  	[tilespmem:s1], [sflag:$0x1] =	stream.indirect_vreg.gather [hbm4b:s10+s3], $0x80, v18, vm0, $0xb8;
	[tilespmem:$0x1E080] =	vst v63  }
0x2c5: {  	v17 =	vadd.s32 v3, v17  }
0x2c6: {  	[tilespmem:s7], [sflag:$0x1] =	stream.indirect_vreg.gather [hbm4b:s10+s3], $0x80, v19, vm0, $0xb8;
	[tilespmem:$0x1E080] =	vst v63  }
0x2c7: {  	_ = 	snop  }
0x2c8: {  	[tilespmem:s13], [sflag:$0x1] =	stream.indirect_vreg.gather [hbm4b:s10+s3], $0x80, v56, vm0, $0xb8;
	[tilespmem:$0x1E080] =	vst v63  }
0x2c9: {  	_ = 	snop  }
0x2ca: {  	[tilespmem:s14], [sflag:$0x1] =	stream.indirect_vreg.gather [hbm4b:s10+s3], $0x80, v17, vm0, $0xb8;
	[tilespmem:$0x1E080] =	vst v63  }
0x2cb: {  	v17 =	vld [tilespmem:s16+$0x110];
	_ =	sdelay $0x4  }
0x2cc: {  	v18 =	vshll.u32 v17, $0x1  }
0x2cd: {  	v17 =	vand.u32 $0x7, v17;
	v18 =	vand.u32 $0xFFFFFFF0, v18  }
0x2ce: {  	v17 =	vor.u32 v17, v18  }
0x2cf: {  	v18 =	vperm.xlane v17, v2;
	_ =	sdelay $0x1  }
0x2d0: {  	v19 =	vperm.xlane v17, v1;
	v18 =	vadd.s32 v3, v18;
	_ =	sdelay $0x1  }
0x2d1: {  	v57 =	vperm.xlane v17, v4;
	v19 =	vadd.s32 v3, v19;
	_ =	sdelay $0x1  }
0x2d2: {  	v58 =	vperm.xlane v17, v5;
	v20 =	vadd.s32 v3, v57  }
0x2d3: {  	[tilespmem:s5], [sflag:$0x1] =	stream.indirect_vreg.gather [hbm4b:s10+s3], $0x80, v18, vm0, $0xb8;
	[tilespmem:$0x1E080] =	vst v63  }
0x2d4: {  	v59 =	vperm.xlane v17, v6;
	v18 =	vadd.s32 v3, v58  }
0x2d5: {  	[tilespmem:s8], [sflag:$0x1] =	stream.indirect_vreg.gather [hbm4b:s10+s3], $0x80, v19, vm0, $0xb8;
	[tilespmem:$0x1E080] =	vst v63  }
0x2d6: {  	s6 =	simm.s32 $0x3100;
	v60 =	vperm.xlane v17, v7;
	v19 =	vadd.s32 v3, v59  }
0x2d7: {  	[tilespmem:s6], [sflag:$0x1] =	stream.indirect_vreg.gather [hbm4b:s10+s3], $0x80, v20, vm0, $0xb8;
	[tilespmem:$0x1E080] =	vst v63  }
0x2d8: {  	v62 =	vperm.xlane v17, v8;
	v61 =	vadd.s32 v3, v60  }
0x2d9: {  	[tilespmem:s9], [sflag:$0x1] =	stream.indirect_vreg.gather [hbm4b:s10+s3], $0x80, v18, vm0, $0xb8;
	[tilespmem:$0x1E080] =	vst v63  }
0x2da: {  	v63 =	vperm.xlane v17, v0;
	v18 =	vadd.s32 v3, v62  }
0x2db: {  	[tilespmem:s11], [sflag:$0x1] =	stream.indirect_vreg.gather [hbm4b:s10+s3], $0x80, v19, vm0, $0xb8;
	[tilespmem:$0x1E080] =	vst v63  }
0x2dc: {  	v24 =	vperm.xlane v17, v9;
	s6 =	simm.s32 $0x3280;
	v19 =	vadd.s32 v3, v63  }
0x2dd: {  	[tilespmem:s6], [sflag:$0x1] =	stream.indirect_vreg.gather [hbm4b:s10+s3], $0x80, v61, vm0, $0xb8;
	[tilespmem:$0x1E080] =	vst v63  }
0x2de: {  	v26 =	vperm.xlane v17, v10;
	v25 =	vadd.s32 v3, v24;
	s6 =	simm.s32 $0x3300  }
0x2df: {  	[tilespmem:s6], [sflag:$0x1] =	stream.indirect_vreg.gather [hbm4b:s10+s3], $0x80, v18, vm0, $0xb8;
	[tilespmem:$0x1E080] =	vst v63  }
0x2e0: {  	v27 =	vperm.xlane v17, v11;
	v18 =	vadd.s32 v3, v26;
	s6 =	simm.s32 $0x3380  }
0x2e1: {  	[tilespmem:s6], [sflag:$0x1] =	stream.indirect_vreg.gather [hbm4b:s10+s3], $0x80, v19, vm0, $0xb8;
	[tilespmem:$0x1E080] =	vst v63  }
0x2e2: {  	v28 =	vperm.xlane v17, v12;
	v19 =	vadd.s32 v3, v27;
	s6 =	simm.s32 $0x3400  }
0x2e3: {  	[tilespmem:s6], [sflag:$0x1] =	stream.indirect_vreg.gather [hbm4b:s10+s3], $0x80, v25, vm0, $0xb8;
	[tilespmem:$0x1E080] =	vst v63  }
0x2e4: {  	v30 =	vperm.xlane v17, v13;
	v29 =	vadd.s32 v3, v28;
	s6 =	simm.s32 $0x3480  }
0x2e5: {  	[tilespmem:s6], [sflag:$0x1] =	stream.indirect_vreg.gather [hbm4b:s10+s3], $0x80, v18, vm0, $0xb8;
	[tilespmem:$0x1E080] =	vst v63  }
0x2e6: {  	v31 =	vperm.xlane v17, v14;
	v18 =	vadd.s32 v3, v30;
	s6 =	simm.s32 $0x3500  }
0x2e7: {  	[tilespmem:s6], [sflag:$0x1] =	stream.indirect_vreg.gather [hbm4b:s10+s3], $0x80, v19, vm0, $0xb8;
	[tilespmem:$0x1E080] =	vst v63  }
0x2e8: {  	v32 =	vperm.xlane v17, v15;
	v19 =	vadd.s32 v3, v31;
	s6 =	simm.s32 $0x3580  }
0x2e9: {  	[tilespmem:s6], [sflag:$0x1] =	stream.indirect_vreg.gather [hbm4b:s10+s3], $0x80, v29, vm0, $0xb8;
	[tilespmem:$0x1E080] =	vst v63  }
0x2ea: {  	v17 =	vperm.xlane v17, v16;
	v33 =	vadd.s32 v3, v32;
	s6 =	simm.s32 $0x3600  }
0x2eb: {  	[tilespmem:s6], [sflag:$0x1] =	stream.indirect_vreg.gather [hbm4b:s10+s3], $0x80, v18, vm0, $0xb8;
	[tilespmem:$0x1E080] =	vst v63  }
0x2ec: {  	v17 =	vadd.s32 v3, v17;
	s6 =	simm.s32 $0x3680  }
0x2ed: {  	[tilespmem:s6], [sflag:$0x1] =	stream.indirect_vreg.gather [hbm4b:s10+s3], $0x80, v19, vm0, $0xb8;
	[tilespmem:$0x1E080] =	vst v63  }
0x2ee: {  	s6 =	simm.s32 $0x3700  }
0x2ef: {  	[tilespmem:s6], [sflag:$0x1] =	stream.indirect_vreg.gather [hbm4b:s10+s3], $0x80, v33, vm0, $0xb8;
	[tilespmem:$0x1E080] =	vst v63  }
0x2f0: {  	s6 =	simm.s32 $0x3780  }
0x2f1: {  	[tilespmem:s6], [sflag:$0x1] =	stream.indirect_vreg.gather [hbm4b:s10+s3], $0x80, v17, vm0, $0xb8;
	[tilespmem:$0x1E080] =	vst v63  }
0x2f2: {  	v17 =	vld [tilespmem:s16+$0x120];
	_ =	sdelay $0x4  }
0x2f3: {  	v18 =	vshll.u32 v17, $0x1  }
0x2f4: {  	v17 =	vand.u32 $0x7, v17;
	v18 =	vand.u32 $0xFFFFFFF0, v18  }
0x2f5: {  	v17 =	vor.u32 v17, v18  }
0x2f6: {  	v18 =	vperm.xlane v17, v2;
	_ =	sdelay $0x1  }
0x2f7: {  	v19 =	vperm.xlane v17, v1;
	v18 =	vadd.s32 v3, v18;
	_ =	sdelay $0x1  }
0x2f8: {  	v34 =	vperm.xlane v17, v4;
	v19 =	vadd.s32 v3, v19;
	_ =	sdelay $0x1  }
0x2f9: {  	s6 =	simm.s32 $0x3800;
	v35 =	vperm.xlane v17, v5;
	v20 =	vadd.s32 v3, v34  }
0x2fa: {  	[tilespmem:s6], [sflag:$0x1] =	stream.indirect_vreg.gather [hbm4b:s10+s3], $0x80, v18, vm0, $0xb8;
	[tilespmem:$0x1E080] =	vst v63  }
0x2fb: {  	v36 =	vperm.xlane v17, v6;
	v18 =	vadd.s32 v3, v35;
	s6 =	simm.s32 $0x3880  }
0x2fc: {  	[tilespmem:s6], [sflag:$0x1] =	stream.indirect_vreg.gather [hbm4b:s10+s3], $0x80, v19, vm0, $0xb8;
	[tilespmem:$0x1E080] =	vst v63  }
0x2fd: {  	v37 =	vperm.xlane v17, v7;
	v19 =	vadd.s32 v3, v36;
	s6 =	simm.s32 $0x3900  }
0x2fe: {  	[tilespmem:s6], [sflag:$0x1] =	stream.indirect_vreg.gather [hbm4b:s10+s3], $0x80, v20, vm0, $0xb8;
	[tilespmem:$0x1E080] =	vst v63  }
0x2ff: {  	v39 =	vperm.xlane v17, v8;
	v38 =	vadd.s32 v3, v37;
	s6 =	simm.s32 $0x3980  }
0x300: {  	[tilespmem:s6], [sflag:$0x1] =	stream.indirect_vreg.gather [hbm4b:s10+s3], $0x80, v18, vm0, $0xb8;
	[tilespmem:$0x1E080] =	vst v63  }
0x301: {  	v40 =	vperm.xlane v17, v0;
	v18 =	vadd.s32 v3, v39;
	s6 =	simm.s32 $0x3A00  }
0x302: {  	[tilespmem:s6], [sflag:$0x1] =	stream.indirect_vreg.gather [hbm4b:s10+s3], $0x80, v19, vm0, $0xb8;
	[tilespmem:$0x1E080] =	vst v63  }
0x303: {  	v41 =	vperm.xlane v17, v9;
	v19 =	vadd.s32 v3, v40;
	s6 =	simm.s32 $0x3A80  }
0x304: {  	[tilespmem:s6], [sflag:$0x1] =	stream.indirect_vreg.gather [hbm4b:s10+s3], $0x80, v38, vm0, $0xb8;
	[tilespmem:$0x1E080] =	vst v63  }
0x305: {  	v43 =	vperm.xlane v17, v10;
	v42 =	vadd.s32 v3, v41;
	s6 =	simm.s32 $0x3B00  }
0x306: {  	[tilespmem:s6], [sflag:$0x1] =	stream.indirect_vreg.gather [hbm4b:s10+s3], $0x80, v18, vm0, $0xb8;
	[tilespmem:$0x1E080] =	vst v63  }
0x307: {  	v44 =	vperm.xlane v17, v11;
	v18 =	vadd.s32 v3, v43;
	s6 =	simm.s32 $0x3B80  }
0x308: {  	[tilespmem:s6], [sflag:$0x1] =	stream.indirect_vreg.gather [hbm4b:s10+s3], $0x80, v19, vm0, $0xb8;
	[tilespmem:$0x1E080] =	vst v63  }
0x309: {  	v45 =	vperm.xlane v17, v12;
	v19 =	vadd.s32 v3, v44;
	s6 =	simm.s32 $0x3C00  }
0x30a: {  	[tilespmem:s6], [sflag:$0x1] =	stream.indirect_vreg.gather [hbm4b:s10+s3], $0x80, v42, vm0, $0xb8;
	[tilespmem:$0x1E080] =	vst v63  }
0x30b: {  	v47 =	vperm.xlane v17, v13;
	v46 =	vadd.s32 v3, v45;
	s6 =	simm.s32 $0x3C80  }
0x30c: {  	[tilespmem:s6], [sflag:$0x1] =	stream.indirect_vreg.gather [hbm4b:s10+s3], $0x80, v18, vm0, $0xb8;
	[tilespmem:$0x1E080] =	vst v63  }
0x30d: {  	v48 =	vperm.xlane v17, v14;
	v18 =	vadd.s32 v3, v47;
	s6 =	simm.s32 $0x3D00  }
0x30e: {  	[tilespmem:s6], [sflag:$0x1] =	stream.indirect_vreg.gather [hbm4b:s10+s3], $0x80, v19, vm0, $0xb8;
	[tilespmem:$0x1E080] =	vst v63  }
0x30f: {  	v49 =	vperm.xlane v17, v15;
	v19 =	vadd.s32 v3, v48;
	s6 =	simm.s32 $0x3D80  }
0x310: {  	[tilespmem:s6], [sflag:$0x1] =	stream.indirect_vreg.gather [hbm4b:s10+s3], $0x80, v46, vm0, $0xb8;
	[tilespmem:$0x1E080] =	vst v63  }
0x311: {  	v17 =	vperm.xlane v17, v16;
	v50 =	vadd.s32 v3, v49;
	s6 =	simm.s32 $0x3E00  }
0x312: {  	[tilespmem:s6], [sflag:$0x1] =	stream.indirect_vreg.gather [hbm4b:s10+s3], $0x80, v18, vm0, $0xb8;
	[tilespmem:$0x1E080] =	vst v63  }
0x313: {  	v17 =	vadd.s32 v3, v17;
	s6 =	simm.s32 $0x3E80  }
0x314: {  	[tilespmem:s6], [sflag:$0x1] =	stream.indirect_vreg.gather [hbm4b:s10+s3], $0x80, v19, vm0, $0xb8;
	[tilespmem:$0x1E080] =	vst v63  }
0x315: {  	s6 =	simm.s32 $0x3F00  }
0x316: {  	[tilespmem:s6], [sflag:$0x1] =	stream.indirect_vreg.gather [hbm4b:s10+s3], $0x80, v50, vm0, $0xb8;
	[tilespmem:$0x1E080] =	vst v63  }
0x317: {  	s6 =	simm.s32 $0x3F80  }
0x318: {  	[tilespmem:s6], [sflag:$0x1] =	stream.indirect_vreg.gather [hbm4b:s10+s3], $0x80, v17, vm0, $0xb8;
	[tilespmem:$0x1E080] =	vst v63  }
0x319: {  	v17 =	vld [tilespmem:s16+$0x130];
	_ =	sdelay $0x4  }
0x31a: {  	v18 =	vshll.u32 v17, $0x1  }
0x31b: {  	v17 =	vand.u32 $0x7, v17;
	v18 =	vand.u32 $0xFFFFFFF0, v18  }
0x31c: {  	v17 =	vor.u32 v17, v18  }
0x31d: {  	v18 =	vperm.xlane v17, v2;
	_ =	sdelay $0x1  }
0x31e: {  	v19 =	vperm.xlane v17, v1;
	v18 =	vadd.s32 v3, v18;
	_ =	sdelay $0x1  }
0x31f: {  	v51 =	vperm.xlane v17, v4;
	v19 =	vadd.s32 v3, v19;
	_ =	sdelay $0x1  }
0x320: {  	s6 =	simm.s32 $0x4000;
	v52 =	vperm.xlane v17, v5;
	v20 =	vadd.s32 v3, v51  }
0x321: {  	[tilespmem:s6], [sflag:$0x1] =	stream.indirect_vreg.gather [hbm4b:s10+s3], $0x80, v18, vm0, $0xb8;
	[tilespmem:$0x1E080] =	vst v63  }
0x322: {  	v53 =	vperm.xlane v17, v6;
	v18 =	vadd.s32 v3, v52;
	s6 =	simm.s32 $0x4080  }
0x323: {  	[tilespmem:s6], [sflag:$0x1] =	stream.indirect_vreg.gather [hbm4b:s10+s3], $0x80, v19, vm0, $0xb8;
	[tilespmem:$0x1E080] =	vst v63  }
0x324: {  	v54 =	vperm.xlane v17, v7;
	v19 =	vadd.s32 v3, v53;
	s6 =	simm.s32 $0x4100  }
0x325: {  	[tilespmem:s6], [sflag:$0x1] =	stream.indirect_vreg.gather [hbm4b:s10+s3], $0x80, v20, vm0, $0xb8;
	[tilespmem:$0x1E080] =	vst v63  }
0x326: {  	v56 =	vperm.xlane v17, v8;
	v55 =	vadd.s32 v3, v54;
	s6 =	simm.s32 $0x4180  }
0x327: {  	[tilespmem:s6], [sflag:$0x1] =	stream.indirect_vreg.gather [hbm4b:s10+s3], $0x80, v18, vm0, $0xb8;
	[tilespmem:$0x1E080] =	vst v63  }
0x328: {  	v57 =	vperm.xlane v17, v0;
	v18 =	vadd.s32 v3, v56;
	s6 =	simm.s32 $0x4200  }
0x329: {  	[tilespmem:s6], [sflag:$0x1] =	stream.indirect_vreg.gather [hbm4b:s10+s3], $0x80, v19, vm0, $0xb8;
	[tilespmem:$0x1E080] =	vst v63  }
0x32a: {  	v58 =	vperm.xlane v17, v9;
	v19 =	vadd.s32 v3, v57;
	s6 =	simm.s32 $0x4280  }
0x32b: {  	[tilespmem:s6], [sflag:$0x1] =	stream.indirect_vreg.gather [hbm4b:s10+s3], $0x80, v55, vm0, $0xb8;
	[tilespmem:$0x1E080] =	vst v63  }
0x32c: {  	v60 =	vperm.xlane v17, v10;
	v59 =	vadd.s32 v3, v58;
	s6 =	simm.s32 $0x4300  }
0x32d: {  	[tilespmem:s6], [sflag:$0x1] =	stream.indirect_vreg.gather [hbm4b:s10+s3], $0x80, v18, vm0, $0xb8;
	[tilespmem:$0x1E080] =	vst v63  }
0x32e: {  	v61 =	vperm.xlane v17, v11;
	v18 =	vadd.s32 v3, v60;
	s6 =	simm.s32 $0x4380  }
0x32f: {  	[tilespmem:s6], [sflag:$0x1] =	stream.indirect_vreg.gather [hbm4b:s10+s3], $0x80, v19, vm0, $0xb8;
	[tilespmem:$0x1E080] =	vst v63  }
0x330: {  	v62 =	vperm.xlane v17, v12;
	v19 =	vadd.s32 v3, v61;
	s6 =	simm.s32 $0x4400  }
0x331: {  	[tilespmem:s6], [sflag:$0x1] =	stream.indirect_vreg.gather [hbm4b:s10+s3], $0x80, v59, vm0, $0xb8;
	[tilespmem:$0x1E080] =	vst v63  }
0x332: {  	v24 =	vperm.xlane v17, v13;
	v63 =	vadd.s32 v3, v62;
	s6 =	simm.s32 $0x4480  }
0x333: {  	[tilespmem:s6], [sflag:$0x1] =	stream.indirect_vreg.gather [hbm4b:s10+s3], $0x80, v18, vm0, $0xb8;
	[tilespmem:$0x1E080] =	vst v63  }
0x334: {  	v25 =	vperm.xlane v17, v14;
	v18 =	vadd.s32 v3, v24;
	s6 =	simm.s32 $0x4500  }
0x335: {  	[tilespmem:s6], [sflag:$0x1] =	stream.indirect_vreg.gather [hbm4b:s10+s3], $0x80, v19, vm0, $0xb8;
	[tilespmem:$0x1E080] =	vst v63  }
0x336: {  	v26 =	vperm.xlane v17, v15;
	v19 =	vadd.s32 v3, v25;
	s6 =	simm.s32 $0x4580  }
0x337: {  	[tilespmem:s6], [sflag:$0x1] =	stream.indirect_vreg.gather [hbm4b:s10+s3], $0x80, v63, vm0, $0xb8;
	[tilespmem:$0x1E080] =	vst v63  }
0x338: {  	v17 =	vperm.xlane v17, v16;
	v27 =	vadd.s32 v3, v26;
	s6 =	simm.s32 $0x4600  }
0x339: {  	[tilespmem:s6], [sflag:$0x1] =	stream.indirect_vreg.gather [hbm4b:s10+s3], $0x80, v18, vm0, $0xb8;
	[tilespmem:$0x1E080] =	vst v63  }
0x33a: {  	v17 =	vadd.s32 v3, v17;
	s6 =	simm.s32 $0x4680  }
0x33b: {  	[tilespmem:s6], [sflag:$0x1] =	stream.indirect_vreg.gather [hbm4b:s10+s3], $0x80, v19, vm0, $0xb8;
	[tilespmem:$0x1E080] =	vst v63  }
0x33c: {  	s6 =	simm.s32 $0x4700  }
0x33d: {  	[tilespmem:s6], [sflag:$0x1] =	stream.indirect_vreg.gather [hbm4b:s10+s3], $0x80, v27, vm0, $0xb8;
	[tilespmem:$0x1E080] =	vst v63  }
0x33e: {  	s6 =	simm.s32 $0x4780  }
0x33f: {  	[tilespmem:s6], [sflag:$0x1] =	stream.indirect_vreg.gather [hbm4b:s10+s3], $0x80, v17, vm0, $0xb8;
	[tilespmem:$0x1E080] =	vst v63  }
0x340: {  	v17 =	vld [tilespmem:s16+$0x140];
	_ =	sdelay $0x4  }
0x341: {  	v18 =	vshll.u32 v17, $0x1  }
0x342: {  	v17 =	vand.u32 $0x7, v17;
	v18 =	vand.u32 $0xFFFFFFF0, v18  }
0x343: {  	v17 =	vor.u32 v17, v18  }
0x344: {  	v18 =	vperm.xlane v17, v2;
	_ =	sdelay $0x1  }
0x345: {  	v19 =	vperm.xlane v17, v1;
	v18 =	vadd.s32 v3, v18;
	_ =	sdelay $0x1  }
0x346: {  	v28 =	vperm.xlane v17, v4;
	v19 =	vadd.s32 v3, v19;
	_ =	sdelay $0x1  }
0x347: {  	s6 =	simm.s32 $0x4800;
	v29 =	vperm.xlane v17, v5;
	v20 =	vadd.s32 v3, v28  }
0x348: {  	[tilespmem:s6], [sflag:$0x1] =	stream.indirect_vreg.gather [hbm4b:s10+s3], $0x80, v18, vm0, $0xb8;
	[tilespmem:$0x1E080] =	vst v63  }
0x349: {  	v30 =	vperm.xlane v17, v6;
	v18 =	vadd.s32 v3, v29;
	s6 =	simm.s32 $0x4880  }
0x34a: {  	[tilespmem:s6], [sflag:$0x1] =	stream.indirect_vreg.gather [hbm4b:s10+s3], $0x80, v19, vm0, $0xb8;
	[tilespmem:$0x1E080] =	vst v63  }
0x34b: {  	v31 =	vperm.xlane v17, v7;
	v19 =	vadd.s32 v3, v30;
	s6 =	simm.s32 $0x4900  }
0x34c: {  	[tilespmem:s6], [sflag:$0x1] =	stream.indirect_vreg.gather [hbm4b:s10+s3], $0x80, v20, vm0, $0xb8;
	[tilespmem:$0x1E080] =	vst v63  }
0x34d: {  	v33 =	vperm.xlane v17, v8;
	v32 =	vadd.s32 v3, v31;
	s6 =	simm.s32 $0x4980  }
0x34e: {  	[tilespmem:s6], [sflag:$0x1] =	stream.indirect_vreg.gather [hbm4b:s10+s3], $0x80, v18, vm0, $0xb8;
	[tilespmem:$0x1E080] =	vst v63  }
0x34f: {  	v34 =	vperm.xlane v17, v0;
	v18 =	vadd.s32 v3, v33;
	s6 =	simm.s32 $0x4A00  }
0x350: {  	[tilespmem:s6], [sflag:$0x1] =	stream.indirect_vreg.gather [hbm4b:s10+s3], $0x80, v19, vm0, $0xb8;
	[tilespmem:$0x1E080] =	vst v63  }
0x351: {  	v35 =	vperm.xlane v17, v9;
	v19 =	vadd.s32 v3, v34;
	s6 =	simm.s32 $0x4A80  }
0x352: {  	[tilespmem:s6], [sflag:$0x1] =	stream.indirect_vreg.gather [hbm4b:s10+s3], $0x80, v32, vm0, $0xb8;
	[tilespmem:$0x1E080] =	vst v63  }
0x353: {  	v37 =	vperm.xlane v17, v10;
	v36 =	vadd.s32 v3, v35;
	s6 =	simm.s32 $0x4B00  }
0x354: {  	[tilespmem:s6], [sflag:$0x1] =	stream.indirect_vreg.gather [hbm4b:s10+s3], $0x80, v18, vm0, $0xb8;
	[tilespmem:$0x1E080] =	vst v63  }
0x355: {  	v38 =	vperm.xlane v17, v11;
	v18 =	vadd.s32 v3, v37;
	s6 =	simm.s32 $0x4B80  }
0x356: {  	[tilespmem:s6], [sflag:$0x1] =	stream.indirect_vreg.gather [hbm4b:s10+s3], $0x80, v19, vm0, $0xb8;
	[tilespmem:$0x1E080] =	vst v63  }
0x357: {  	v39 =	vperm.xlane v17, v12;
	v19 =	vadd.s32 v3, v38;
	s6 =	simm.s32 $0x4C00  }
0x358: {  	[tilespmem:s6], [sflag:$0x1] =	stream.indirect_vreg.gather [hbm4b:s10+s3], $0x80, v36, vm0, $0xb8;
	[tilespmem:$0x1E080] =	vst v63  }
0x359: {  	v41 =	vperm.xlane v17, v13;
	v40 =	vadd.s32 v3, v39;
	s6 =	simm.s32 $0x4C80  }
0x35a: {  	[tilespmem:s6], [sflag:$0x1] =	stream.indirect_vreg.gather [hbm4b:s10+s3], $0x80, v18, vm0, $0xb8;
	[tilespmem:$0x1E080] =	vst v63  }
0x35b: {  	v42 =	vperm.xlane v17, v14;
	v18 =	vadd.s32 v3, v41;
	s6 =	simm.s32 $0x4D00  }
0x35c: {  	[tilespmem:s6], [sflag:$0x1] =	stream.indirect_vreg.gather [hbm4b:s10+s3], $0x80, v19, vm0, $0xb8;
	[tilespmem:$0x1E080] =	vst v63  }
0x35d: {  	v43 =	vperm.xlane v17, v15;
	v19 =	vadd.s32 v3, v42;
	s6 =	simm.s32 $0x4D80  }
0x35e: {  	[tilespmem:s6], [sflag:$0x1] =	stream.indirect_vreg.gather [hbm4b:s10+s3], $0x80, v40, vm0, $0xb8;
	[tilespmem:$0x1E080] =	vst v63  }
0x35f: {  	v17 =	vperm.xlane v17, v16;
	v44 =	vadd.s32 v3, v43;
	s6 =	simm.s32 $0x4E00  }
0x360: {  	[tilespmem:s6], [sflag:$0x1] =	stream.indirect_vreg.gather [hbm4b:s10+s3], $0x80, v18, vm0, $0xb8;
	[tilespmem:$0x1E080] =	vst v63  }
0x361: {  	v17 =	vadd.s32 v3, v17;
	s6 =	simm.s32 $0x4E80  }
0x362: {  	[tilespmem:s6], [sflag:$0x1] =	stream.indirect_vreg.gather [hbm4b:s10+s3], $0x80, v19, vm0, $0xb8;
	[tilespmem:$0x1E080] =	vst v63  }
0x363: {  	s6 =	simm.s32 $0x4F00  }
0x364: {  	[tilespmem:s6], [sflag:$0x1] =	stream.indirect_vreg.gather [hbm4b:s10+s3], $0x80, v44, vm0, $0xb8;
	[tilespmem:$0x1E080] =	vst v63  }
0x365: {  	s6 =	simm.s32 $0x4F80  }
0x366: {  	[tilespmem:s6], [sflag:$0x1] =	stream.indirect_vreg.gather [hbm4b:s10+s3], $0x80, v17, vm0, $0xb8;
	[tilespmem:$0x1E080] =	vst v63  }
0x367: {  	v17 =	vld [tilespmem:s16+$0x150];
	_ =	sdelay $0x4  }
0x368: {  	v18 =	vshll.u32 v17, $0x1  }
0x369: {  	v17 =	vand.u32 $0x7, v17;
	v18 =	vand.u32 $0xFFFFFFF0, v18  }
0x36a: {  	v17 =	vor.u32 v17, v18  }
0x36b: {  	v18 =	vperm.xlane v17, v2;
	_ =	sdelay $0x1  }
0x36c: {  	v19 =	vperm.xlane v17, v1;
	v18 =	vadd.s32 v3, v18;
	_ =	sdelay $0x1  }
0x36d: {  	v45 =	vperm.xlane v17, v4;
	v19 =	vadd.s32 v3, v19;
	_ =	sdelay $0x1  }
0x36e: {  	s6 =	simm.s32 $0x5000;
	v46 =	vperm.xlane v17, v5;
	v20 =	vadd.s32 v3, v45  }
0x36f: {  	[tilespmem:s6], [sflag:$0x1] =	stream.indirect_vreg.gather [hbm4b:s10+s3], $0x80, v18, vm0, $0xb8;
	[tilespmem:$0x1E080] =	vst v63  }
0x370: {  	v47 =	vperm.xlane v17, v6;
	v18 =	vadd.s32 v3, v46;
	s6 =	simm.s32 $0x5080  }
0x371: {  	[tilespmem:s6], [sflag:$0x1] =	stream.indirect_vreg.gather [hbm4b:s10+s3], $0x80, v19, vm0, $0xb8;
	[tilespmem:$0x1E080] =	vst v63  }
0x372: {  	v48 =	vperm.xlane v17, v7;
	v19 =	vadd.s32 v3, v47;
	s6 =	simm.s32 $0x5100  }
0x373: {  	[tilespmem:s6], [sflag:$0x1] =	stream.indirect_vreg.gather [hbm4b:s10+s3], $0x80, v20, vm0, $0xb8;
	[tilespmem:$0x1E080] =	vst v63  }
0x374: {  	v50 =	vperm.xlane v17, v8;
	v49 =	vadd.s32 v3, v48;
	s6 =	simm.s32 $0x5180  }
0x375: {  	[tilespmem:s6], [sflag:$0x1] =	stream.indirect_vreg.gather [hbm4b:s10+s3], $0x80, v18, vm0, $0xb8;
	[tilespmem:$0x1E080] =	vst v63  }
0x376: {  	v51 =	vperm.xlane v17, v0;
	v18 =	vadd.s32 v3, v50;
	s6 =	simm.s32 $0x5200  }
0x377: {  	[tilespmem:s6], [sflag:$0x1] =	stream.indirect_vreg.gather [hbm4b:s10+s3], $0x80, v19, vm0, $0xb8;
	[tilespmem:$0x1E080] =	vst v63  }
0x378: {  	v52 =	vperm.xlane v17, v9;
	v19 =	vadd.s32 v3, v51;
	s6 =	simm.s32 $0x5280  }
0x379: {  	[tilespmem:s6], [sflag:$0x1] =	stream.indirect_vreg.gather [hbm4b:s10+s3], $0x80, v49, vm0, $0xb8;
	[tilespmem:$0x1E080] =	vst v63  }
0x37a: {  	v54 =	vperm.xlane v17, v10;
	v53 =	vadd.s32 v3, v52;
	s6 =	simm.s32 $0x5300  }
0x37b: {  	[tilespmem:s6], [sflag:$0x1] =	stream.indirect_vreg.gather [hbm4b:s10+s3], $0x80, v18, vm0, $0xb8;
	[tilespmem:$0x1E080] =	vst v63  }
0x37c: {  	v55 =	vperm.xlane v17, v11;
	v18 =	vadd.s32 v3, v54;
	s6 =	simm.s32 $0x5380  }
0x37d: {  	[tilespmem:s6], [sflag:$0x1] =	stream.indirect_vreg.gather [hbm4b:s10+s3], $0x80, v19, vm0, $0xb8;
	[tilespmem:$0x1E080] =	vst v63  }
0x37e: {  	v56 =	vperm.xlane v17, v12;
	v19 =	vadd.s32 v3, v55;
	s6 =	simm.s32 $0x5400  }
0x37f: {  	[tilespmem:s6], [sflag:$0x1] =	stream.indirect_vreg.gather [hbm4b:s10+s3], $0x80, v53, vm0, $0xb8;
	[tilespmem:$0x1E080] =	vst v63  }
0x380: {  	v58 =	vperm.xlane v17, v13;
	v57 =	vadd.s32 v3, v56;
	s6 =	simm.s32 $0x5480  }
0x381: {  	[tilespmem:s6], [sflag:$0x1] =	stream.indirect_vreg.gather [hbm4b:s10+s3], $0x80, v18, vm0, $0xb8;
	[tilespmem:$0x1E080] =	vst v63  }
0x382: {  	v59 =	vperm.xlane v17, v14;
	v18 =	vadd.s32 v3, v58;
	s6 =	simm.s32 $0x5500  }
0x383: {  	[tilespmem:s6], [sflag:$0x1] =	stream.indirect_vreg.gather [hbm4b:s10+s3], $0x80, v19, vm0, $0xb8;
	[tilespmem:$0x1E080] =	vst v63  }
0x384: {  	v60 =	vperm.xlane v17, v15;
	v19 =	vadd.s32 v3, v59;
	s6 =	simm.s32 $0x5580  }
0x385: {  	[tilespmem:s6], [sflag:$0x1] =	stream.indirect_vreg.gather [hbm4b:s10+s3], $0x80, v57, vm0, $0xb8;
	[tilespmem:$0x1E080] =	vst v63  }
0x386: {  	v17 =	vperm.xlane v17, v16;
	v61 =	vadd.s32 v3, v60;
	s6 =	simm.s32 $0x5600  }
0x387: {  	[tilespmem:s6], [sflag:$0x1] =	stream.indirect_vreg.gather [hbm4b:s10+s3], $0x80, v18, vm0, $0xb8;
	[tilespmem:$0x1E080] =	vst v63  }
0x388: {  	v17 =	vadd.s32 v3, v17;
	s6 =	simm.s32 $0x5680  }
0x389: {  	[tilespmem:s6], [sflag:$0x1] =	stream.indirect_vreg.gather [hbm4b:s10+s3], $0x80, v19, vm0, $0xb8;
	[tilespmem:$0x1E080] =	vst v63  }
0x38a: {  	s6 =	simm.s32 $0x5700  }
0x38b: {  	[tilespmem:s6], [sflag:$0x1] =	stream.indirect_vreg.gather [hbm4b:s10+s3], $0x80, v61, vm0, $0xb8;
	[tilespmem:$0x1E080] =	vst v63  }
0x38c: {  	s6 =	simm.s32 $0x5780  }
0x38d: {  	[tilespmem:s6], [sflag:$0x1] =	stream.indirect_vreg.gather [hbm4b:s10+s3], $0x80, v17, vm0, $0xb8;
	[tilespmem:$0x1E080] =	vst v63  }
0x38e: {  	v17 =	vld [tilespmem:s16+$0x160];
	_ =	sdelay $0x4  }
0x38f: {  	v18 =	vshll.u32 v17, $0x1  }
0x390: {  	v17 =	vand.u32 $0x7, v17;
	v18 =	vand.u32 $0xFFFFFFF0, v18  }
0x391: {  	v17 =	vor.u32 v17, v18  }
0x392: {  	v18 =	vperm.xlane v17, v2;
	_ =	sdelay $0x1  }
0x393: {  	v19 =	vperm.xlane v17, v1;
	v18 =	vadd.s32 v3, v18;
	_ =	sdelay $0x1  }
0x394: {  	v62 =	vperm.xlane v17, v4;
	v19 =	vadd.s32 v3, v19;
	_ =	sdelay $0x1  }
0x395: {  	s6 =	simm.s32 $0x5800;
	v63 =	vperm.xlane v17, v5;
	v20 =	vadd.s32 v3, v62  }
0x396: {  	[tilespmem:s6], [sflag:$0x1] =	stream.indirect_vreg.gather [hbm4b:s10+s3], $0x80, v18, vm0, $0xb8;
	[tilespmem:$0x1E080] =	vst v63  }
0x397: {  	v24 =	vperm.xlane v17, v6;
	v18 =	vadd.s32 v3, v63;
	s6 =	simm.s32 $0x5880  }
0x398: {  	[tilespmem:s6], [sflag:$0x1] =	stream.indirect_vreg.gather [hbm4b:s10+s3], $0x80, v19, vm0, $0xb8;
	[tilespmem:$0x1E080] =	vst v63  }
0x399: {  	v25 =	vperm.xlane v17, v7;
	v19 =	vadd.s32 v3, v24;
	s6 =	simm.s32 $0x5900  }
0x39a: {  	[tilespmem:s6], [sflag:$0x1] =	stream.indirect_vreg.gather [hbm4b:s10+s3], $0x80, v20, vm0, $0xb8;
	[tilespmem:$0x1E080] =	vst v63  }
0x39b: {  	v27 =	vperm.xlane v17, v8;
	v26 =	vadd.s32 v3, v25;
	s6 =	simm.s32 $0x5980  }
0x39c: {  	[tilespmem:s6], [sflag:$0x1] =	stream.indirect_vreg.gather [hbm4b:s10+s3], $0x80, v18, vm0, $0xb8;
	[tilespmem:$0x1E080] =	vst v63  }
0x39d: {  	v28 =	vperm.xlane v17, v0;
	v18 =	vadd.s32 v3, v27;
	s6 =	simm.s32 $0x5A00  }
0x39e: {  	[tilespmem:s6], [sflag:$0x1] =	stream.indirect_vreg.gather [hbm4b:s10+s3], $0x80, v19, vm0, $0xb8;
	[tilespmem:$0x1E080] =	vst v63  }
0x39f: {  	v29 =	vperm.xlane v17, v9;
	v19 =	vadd.s32 v3, v28;
	s6 =	simm.s32 $0x5A80  }
0x3a0: {  	[tilespmem:s6], [sflag:$0x1] =	stream.indirect_vreg.gather [hbm4b:s10+s3], $0x80, v26, vm0, $0xb8;
	[tilespmem:$0x1E080] =	vst v63  }
0x3a1: {  	v31 =	vperm.xlane v17, v10;
	v30 =	vadd.s32 v3, v29;
	s6 =	simm.s32 $0x5B00  }
0x3a2: {  	[tilespmem:s6], [sflag:$0x1] =	stream.indirect_vreg.gather [hbm4b:s10+s3], $0x80, v18, vm0, $0xb8;
	[tilespmem:$0x1E080] =	vst v63  }
0x3a3: {  	v32 =	vperm.xlane v17, v11;
	v18 =	vadd.s32 v3, v31;
	s6 =	simm.s32 $0x5B80  }
0x3a4: {  	[tilespmem:s6], [sflag:$0x1] =	stream.indirect_vreg.gather [hbm4b:s10+s3], $0x80, v19, vm0, $0xb8;
	[tilespmem:$0x1E080] =	vst v63  }
0x3a5: {  	v33 =	vperm.xlane v17, v12;
	v19 =	vadd.s32 v3, v32;
	s6 =	simm.s32 $0x5C00  }
0x3a6: {  	[tilespmem:s6], [sflag:$0x1] =	stream.indirect_vreg.gather [hbm4b:s10+s3], $0x80, v30, vm0, $0xb8;
	[tilespmem:$0x1E080] =	vst v63  }
0x3a7: {  	v35 =	vperm.xlane v17, v13;
	v34 =	vadd.s32 v3, v33;
	s6 =	simm.s32 $0x5C80  }
0x3a8: {  	[tilespmem:s6], [sflag:$0x1] =	stream.indirect_vreg.gather [hbm4b:s10+s3], $0x80, v18, vm0, $0xb8;
	[tilespmem:$0x1E080] =	vst v63  }
0x3a9: {  	v36 =	vperm.xlane v17, v14;
	v18 =	vadd.s32 v3, v35;
	s6 =	simm.s32 $0x5D00  }
0x3aa: {  	[tilespmem:s6], [sflag:$0x1] =	stream.indirect_vreg.gather [hbm4b:s10+s3], $0x80, v19, vm0, $0xb8;
	[tilespmem:$0x1E080] =	vst v63  }
0x3ab: {  	v37 =	vperm.xlane v17, v15;
	v19 =	vadd.s32 v3, v36;
	s6 =	simm.s32 $0x5D80  }
0x3ac: {  	[tilespmem:s6], [sflag:$0x1] =	stream.indirect_vreg.gather [hbm4b:s10+s3], $0x80, v34, vm0, $0xb8;
	[tilespmem:$0x1E080] =	vst v63  }
0x3ad: {  	v17 =	vperm.xlane v17, v16;
	v38 =	vadd.s32 v3, v37;
	s6 =	simm.s32 $0x5E00  }
0x3ae: {  	[tilespmem:s6], [sflag:$0x1] =	stream.indirect_vreg.gather [hbm4b:s10+s3], $0x80, v18, vm0, $0xb8;
	[tilespmem:$0x1E080] =	vst v63  }
0x3af: {  	v17 =	vadd.s32 v3, v17;
	s6 =	simm.s32 $0x5E80  }
0x3b0: {  	[tilespmem:s6], [sflag:$0x1] =	stream.indirect_vreg.gather [hbm4b:s10+s3], $0x80, v19, vm0, $0xb8;
	[tilespmem:$0x1E080] =	vst v63  }
0x3b1: {  	s6 =	simm.s32 $0x5F00  }
0x3b2: {  	[tilespmem:s6], [sflag:$0x1] =	stream.indirect_vreg.gather [hbm4b:s10+s3], $0x80, v38, vm0, $0xb8;
	[tilespmem:$0x1E080] =	vst v63  }
0x3b3: {  	s6 =	simm.s32 $0x5F80  }
0x3b4: {  	[tilespmem:s6], [sflag:$0x1] =	stream.indirect_vreg.gather [hbm4b:s10+s3], $0x80, v17, vm0, $0xb8;
	[tilespmem:$0x1E080] =	vst v63  }
0x3b5: {  	v17 =	vld.msk [tilespmem:s16+$0x170], $0x1fff;
	_ =	sdelay $0x4  }
0x3b6: {  	v18 =	vshll.u32 v17, $0x1  }
0x3b7: {  	v17 =	vand.u32 $0x7, v17;
	v18 =	vand.u32 $0xFFFFFFF0, v18  }
0x3b8: {  	v17 =	vor.u32 v17, v18  }
0x3b9: {  	v18 =	vperm.xlane v17, v2;
	_ =	sdelay $0x1  }
0x3ba: {  	v19 =	vperm.xlane v17, v1;
	v18 =	vadd.s32 v3, v18;
	_ =	sdelay $0x1  }
0x3bb: {  	v39 =	vperm.xlane v17, v4;
	v19 =	vadd.s32 v3, v19;
	_ =	sdelay $0x1  }
0x3bc: {  	s6 =	simm.s32 $0x6000;
	v40 =	vperm.xlane v17, v5;
	v20 =	vadd.s32 v3, v39  }
0x3bd: {  	[tilespmem:s6], [sflag:$0x1] =	stream.indirect_vreg.gather [hbm4b:s10+s3], $0x80, v18, vm0, $0xb8;
	[tilespmem:$0x1E080] =	vst v63  }
0x3be: {  	v41 =	vperm.xlane v17, v6;
	v18 =	vadd.s32 v3, v40;
	s6 =	simm.s32 $0x6080  }
0x3bf: {  	[tilespmem:s6], [sflag:$0x1] =	stream.indirect_vreg.gather [hbm4b:s10+s3], $0x80, v19, vm0, $0xb8;
	[tilespmem:$0x1E080] =	vst v63  }
0x3c0: {  	v42 =	vperm.xlane v17, v7;
	v19 =	vadd.s32 v3, v41;
	s6 =	simm.s32 $0x6100  }
0x3c1: {  	[tilespmem:s6], [sflag:$0x1] =	stream.indirect_vreg.gather [hbm4b:s10+s3], $0x80, v20, vm0, $0xb8;
	[tilespmem:$0x1E080] =	vst v63  }
0x3c2: {  	v44 =	vperm.xlane v17, v8;
	v43 =	vadd.s32 v3, v42;
	s6 =	simm.s32 $0x6180  }
0x3c3: {  	[tilespmem:s6], [sflag:$0x1] =	stream.indirect_vreg.gather [hbm4b:s10+s3], $0x80, v18, vm0, $0xb8;
	[tilespmem:$0x1E080] =	vst v63  }
0x3c4: {  	v45 =	vperm.xlane v17, v0;
	v18 =	vadd.s32 v3, v44;
	s6 =	simm.s32 $0x6200  }
0x3c5: {  	[tilespmem:s6], [sflag:$0x1] =	stream.indirect_vreg.gather [hbm4b:s10+s3], $0x80, v19, vm0, $0xb8;
	[tilespmem:$0x1E080] =	vst v63  }
0x3c6: {  	v46 =	vperm.xlane v17, v9;
	v19 =	vadd.s32 v3, v45;
	s6 =	simm.s32 $0x6280  }
0x3c7: {  	[tilespmem:s6], [sflag:$0x1] =	stream.indirect_vreg.gather [hbm4b:s10+s3], $0x80, v43, vm0, $0xb8;
	[tilespmem:$0x1E080] =	vst v63  }
0x3c8: {  	v48 =	vperm.xlane v17, v10;
	v47 =	vadd.s32 v3, v46;
	s6 =	simm.s32 $0x6300  }
0x3c9: {  	[tilespmem:s6], [sflag:$0x1] =	stream.indirect_vreg.gather [hbm4b:s10+s3], $0x80, v18, vm0, $0xb8;
	[tilespmem:$0x1E080] =	vst v63  }
0x3ca: {  	v49 =	vperm.xlane v17, v11;
	v18 =	vadd.s32 v3, v48;
	s6 =	simm.s32 $0x6380  }
0x3cb: {  	[tilespmem:s6], [sflag:$0x1] =	stream.indirect_vreg.gather [hbm4b:s10+s3], $0x80, v19, vm0, $0xb8;
	[tilespmem:$0x1E080] =	vst v63  }
0x3cc: {  	v50 =	vperm.xlane v17, v12;
	v19 =	vadd.s32 v3, v49;
	s6 =	simm.s32 $0x6400  }
0x3cd: {  	[tilespmem:s6], [sflag:$0x1] =	stream.indirect_vreg.gather [hbm4b:s10+s3], $0x80, v47, vm0, $0xb8;
	[tilespmem:$0x1E080] =	vst v63  }
0x3ce: {  	v17 =	vperm.xlane v17, v13;
	v51 =	vadd.s32 v3, v50;
	s6 =	simm.s32 $0x6480  }
0x3cf: {  	[tilespmem:s6], [sflag:$0x1] =	stream.indirect_vreg.gather [hbm4b:s10+s3], $0x80, v18, vm0, $0xb8;
	[tilespmem:$0x1E080] =	vst v63  }
0x3d0: {  	v17 =	vadd.s32 v3, v17;
	s6 =	simm.s32 $0x6500  }
0x3d1: {  	[tilespmem:s6], [sflag:$0x1] =	stream.indirect_vreg.gather [hbm4b:s10+s3], $0x80, v19, vm0, $0xb8;
	[tilespmem:$0x1E080] =	vst v63  }
0x3d2: {  	s6 =	simm.s32 $0x6580  }
0x3d3: {  	[tilespmem:s6], [sflag:$0x1] =	stream.indirect_vreg.gather [hbm4b:s10+s3], $0x80, v51, vm0, $0xb8;
	[tilespmem:$0x1E080] =	vst v63  }
0x3d4: {  	s6 =	simm.s32 $0x6600  }
0x3d5: {  	[tilespmem:s6], [sflag:$0x1] =	stream.indirect_vreg.gather [hbm4b:s10+s3], $0x80, v17, vm0, $0xb8;
	[tilespmem:$0x1E080] =	vst v63  }
0x3d6: {  	_ =	swait.ge [sflag:s19], $0x3E80  }
0x3d7: {  	[sflag:s19] =	ssyncset.done $0x0  }
0x3d8: {  	s6 =	sadd.s32 $0x1480, s16;
	[sflag:s19] =	ssyncadd.s32 $0xFFFFC180  }
0x3d9: {  	[spmem:s2] =	stream.indirect.scatter.add.f32 [tilespmem:s15], [sflag:$0x3], $0x80, s6, s18, $0xb8;
	[tilespmem:$0x1E080] =	vst v63  }
0x3da: {  	_ =	swait.ge [sflag:s17], $0x3E80  }
0x3db: {  	[sflag:s17] =	ssyncset.done $0x0  }
0x3dc: {  	[sflag:s17] =	ssyncadd.s32 $0xFFFFC180  }
0x3dd: {  	v17 =	vld [tilespmem:s16+$0x180];
	_ =	sdelay $0x4  }
0x3de: {  	v18 =	vshll.u32 v17, $0x1  }
0x3df: {  	v17 =	vand.u32 $0x7, v17;
	v18 =	vand.u32 $0xFFFFFFF0, v18  }
0x3e0: {  	v17 =	vor.u32 v17, v18  }
0x3e1: {  	v18 =	vperm.xlane v17, v2;
	_ =	sdelay $0x1  }
0x3e2: {  	v19 =	vperm.xlane v17, v1;
	v18 =	vadd.s32 v3, v18;
	_ =	sdelay $0x1  }
0x3e3: {  	v52 =	vperm.xlane v17, v4;
	v19 =	vadd.s32 v3, v19;
	_ =	sdelay $0x1  }
0x3e4: {  	v53 =	vperm.xlane v17, v5;
	v20 =	vadd.s32 v3, v52  }
0x3e5: {  	[tilespmem:s15], [sflag:$0x2] =	stream.indirect_vreg.gather [hbm4b:s10+s3], $0x80, v18, vm0, $0xb8;
	[tilespmem:$0x1E080] =	vst v63  }
0x3e6: {  	s6 =	simm.s32 $0x6880;
	v54 =	vperm.xlane v17, v6;
	v18 =	vadd.s32 v3, v53  }
0x3e7: {  	[tilespmem:s6], [sflag:$0x2] =	stream.indirect_vreg.gather [hbm4b:s10+s3], $0x80, v19, vm0, $0xb8;
	[tilespmem:$0x1E080] =	vst v63  }
0x3e8: {  	v55 =	vperm.xlane v17, v7;
	v19 =	vadd.s32 v3, v54;
	s6 =	simm.s32 $0x6900  }
0x3e9: {  	[tilespmem:s6], [sflag:$0x2] =	stream.indirect_vreg.gather [hbm4b:s10+s3], $0x80, v20, vm0, $0xb8;
	[tilespmem:$0x1E080] =	vst v63  }
0x3ea: {  	v57 =	vperm.xlane v17, v8;
	v56 =	vadd.s32 v3, v55;
	s6 =	simm.s32 $0x6980  }
0x3eb: {  	[tilespmem:s6], [sflag:$0x2] =	stream.indirect_vreg.gather [hbm4b:s10+s3], $0x80, v18, vm0, $0xb8;
	[tilespmem:$0x1E080] =	vst v63  }
0x3ec: {  	v58 =	vperm.xlane v17, v0;
	v18 =	vadd.s32 v3, v57;
	s6 =	simm.s32 $0x6A00  }
0x3ed: {  	[tilespmem:s6], [sflag:$0x2] =	stream.indirect_vreg.gather [hbm4b:s10+s3], $0x80, v19, vm0, $0xb8;
	[tilespmem:$0x1E080] =	vst v63  }
0x3ee: {  	v59 =	vperm.xlane v17, v9;
	v19 =	vadd.s32 v3, v58;
	s6 =	simm.s32 $0x6A80  }
0x3ef: {  	[tilespmem:s6], [sflag:$0x2] =	stream.indirect_vreg.gather [hbm4b:s10+s3], $0x80, v56, vm0, $0xb8;
	[tilespmem:$0x1E080] =	vst v63  }
0x3f0: {  	v61 =	vperm.xlane v17, v10;
	v60 =	vadd.s32 v3, v59;
	s6 =	simm.s32 $0x6B00  }
0x3f1: {  	[tilespmem:s6], [sflag:$0x2] =	stream.indirect_vreg.gather [hbm4b:s10+s3], $0x80, v18, vm0, $0xb8;
	[tilespmem:$0x1E080] =	vst v63  }
0x3f2: {  	v62 =	vperm.xlane v17, v11;
	v18 =	vadd.s32 v3, v61;
	s6 =	simm.s32 $0x6B80  }
0x3f3: {  	[tilespmem:s6], [sflag:$0x2] =	stream.indirect_vreg.gather [hbm4b:s10+s3], $0x80, v19, vm0, $0xb8;
	[tilespmem:$0x1E080] =	vst v63  }
0x3f4: {  	v63 =	vperm.xlane v17, v12;
	v19 =	vadd.s32 v3, v62;
	s6 =	simm.s32 $0x6C00  }
0x3f5: {  	[tilespmem:s6], [sflag:$0x2] =	stream.indirect_vreg.gather [hbm4b:s10+s3], $0x80, v60, vm0, $0xb8;
	[tilespmem:$0x1E080] =	vst v63  }
0x3f6: {  	v25 =	vperm.xlane v17, v13;
	v24 =	vadd.s32 v3, v63;
	s6 =	simm.s32 $0x6C80  }
0x3f7: {  	[tilespmem:s6], [sflag:$0x2] =	stream.indirect_vreg.gather [hbm4b:s10+s3], $0x80, v18, vm0, $0xb8;
	[tilespmem:$0x1E080] =	vst v63  }
0x3f8: {  	v26 =	vperm.xlane v17, v14;
	v18 =	vadd.s32 v3, v25;
	s6 =	simm.s32 $0x6D00  }
0x3f9: {  	[tilespmem:s6], [sflag:$0x2] =	stream.indirect_vreg.gather [hbm4b:s10+s3], $0x80, v19, vm0, $0xb8;
	[tilespmem:$0x1E080] =	vst v63  }
0x3fa: {  	v27 =	vperm.xlane v17, v15;
	v19 =	vadd.s32 v3, v26;
	s6 =	simm.s32 $0x6D80  }
0x3fb: {  	[tilespmem:s6], [sflag:$0x2] =	stream.indirect_vreg.gather [hbm4b:s10+s3], $0x80, v24, vm0, $0xb8;
	[tilespmem:$0x1E080] =	vst v63  }
0x3fc: {  	v17 =	vperm.xlane v17, v16;
	v28 =	vadd.s32 v3, v27;
	s6 =	simm.s32 $0x6E00  }
0x3fd: {  	[tilespmem:s6], [sflag:$0x2] =	stream.indirect_vreg.gather [hbm4b:s10+s3], $0x80, v18, vm0, $0xb8;
	[tilespmem:$0x1E080] =	vst v63  }
0x3fe: {  	v17 =	vadd.s32 v3, v17;
	s6 =	simm.s32 $0x6E80  }
0x3ff: {  	[tilespmem:s6], [sflag:$0x2] =	stream.indirect_vreg.gather [hbm4b:s10+s3], $0x80, v19, vm0, $0xb8;
	[tilespmem:$0x1E080] =	vst v63  }
0x400: {  	s6 =	simm.s32 $0x6F00  }
0x401: {  	[tilespmem:s6], [sflag:$0x2] =	stream.indirect_vreg.gather [hbm4b:s10+s3], $0x80, v28, vm0, $0xb8;
	[tilespmem:$0x1E080] =	vst v63  }
0x402: {  	s6 =	simm.s32 $0x6F80  }
0x403: {  	[tilespmem:s6], [sflag:$0x2] =	stream.indirect_vreg.gather [hbm4b:s10+s3], $0x80, v17, vm0, $0xb8;
	[tilespmem:$0x1E080] =	vst v63  }
0x404: {  	v17 =	vld [tilespmem:s16+$0x190];
	_ =	sdelay $0x4  }
0x405: {  	v18 =	vshll.u32 v17, $0x1  }
0x406: {  	v17 =	vand.u32 $0x7, v17;
	v18 =	vand.u32 $0xFFFFFFF0, v18  }
0x407: {  	v17 =	vor.u32 v17, v18  }
0x408: {  	v18 =	vperm.xlane v17, v2;
	_ =	sdelay $0x1  }
0x409: {  	v19 =	vperm.xlane v17, v1;
	v18 =	vadd.s32 v3, v18;
	_ =	sdelay $0x1  }
0x40a: {  	v29 =	vperm.xlane v17, v4;
	v19 =	vadd.s32 v3, v19;
	_ =	sdelay $0x1  }
0x40b: {  	s6 =	simm.s32 $0x7000;
	v30 =	vperm.xlane v17, v5;
	v20 =	vadd.s32 v3, v29  }
0x40c: {  	[tilespmem:s6], [sflag:$0x2] =	stream.indirect_vreg.gather [hbm4b:s10+s3], $0x80, v18, vm0, $0xb8;
	[tilespmem:$0x1E080] =	vst v63  }
0x40d: {  	v31 =	vperm.xlane v17, v6;
	v18 =	vadd.s32 v3, v30;
	s6 =	simm.s32 $0x7080  }
0x40e: {  	[tilespmem:s6], [sflag:$0x2] =	stream.indirect_vreg.gather [hbm4b:s10+s3], $0x80, v19, vm0, $0xb8;
	[tilespmem:$0x1E080] =	vst v63  }
0x40f: {  	v32 =	vperm.xlane v17, v7;
	v19 =	vadd.s32 v3, v31;
	s6 =	simm.s32 $0x7100  }
0x410: {  	[tilespmem:s6], [sflag:$0x2] =	stream.indirect_vreg.gather [hbm4b:s10+s3], $0x80, v20, vm0, $0xb8;
	[tilespmem:$0x1E080] =	vst v63  }
0x411: {  	v34 =	vperm.xlane v17, v8;
	v33 =	vadd.s32 v3, v32;
	s6 =	simm.s32 $0x7180  }
0x412: {  	[tilespmem:s6], [sflag:$0x2] =	stream.indirect_vreg.gather [hbm4b:s10+s3], $0x80, v18, vm0, $0xb8;
	[tilespmem:$0x1E080] =	vst v63  }
0x413: {  	v35 =	vperm.xlane v17, v0;
	v18 =	vadd.s32 v3, v34;
	s6 =	simm.s32 $0x7200  }
0x414: {  	[tilespmem:s6], [sflag:$0x2] =	stream.indirect_vreg.gather [hbm4b:s10+s3], $0x80, v19, vm0, $0xb8;
	[tilespmem:$0x1E080] =	vst v63  }
0x415: {  	v36 =	vperm.xlane v17, v9;
	v19 =	vadd.s32 v3, v35;
	s6 =	simm.s32 $0x7280  }
0x416: {  	[tilespmem:s6], [sflag:$0x2] =	stream.indirect_vreg.gather [hbm4b:s10+s3], $0x80, v33, vm0, $0xb8;
	[tilespmem:$0x1E080] =	vst v63  }
0x417: {  	v38 =	vperm.xlane v17, v10;
	v37 =	vadd.s32 v3, v36;
	s6 =	simm.s32 $0x7300  }
0x418: {  	[tilespmem:s6], [sflag:$0x2] =	stream.indirect_vreg.gather [hbm4b:s10+s3], $0x80, v18, vm0, $0xb8;
	[tilespmem:$0x1E080] =	vst v63  }
0x419: {  	v39 =	vperm.xlane v17, v11;
	v18 =	vadd.s32 v3, v38;
	s6 =	simm.s32 $0x7380  }
0x41a: {  	[tilespmem:s6], [sflag:$0x2] =	stream.indirect_vreg.gather [hbm4b:s10+s3], $0x80, v19, vm0, $0xb8;
	[tilespmem:$0x1E080] =	vst v63  }
0x41b: {  	v40 =	vperm.xlane v17, v12;
	v19 =	vadd.s32 v3, v39;
	s6 =	simm.s32 $0x7400  }
0x41c: {  	[tilespmem:s6], [sflag:$0x2] =	stream.indirect_vreg.gather [hbm4b:s10+s3], $0x80, v37, vm0, $0xb8;
	[tilespmem:$0x1E080] =	vst v63  }
0x41d: {  	v42 =	vperm.xlane v17, v13;
	v41 =	vadd.s32 v3, v40;
	s6 =	simm.s32 $0x7480  }
0x41e: {  	[tilespmem:s6], [sflag:$0x2] =	stream.indirect_vreg.gather [hbm4b:s10+s3], $0x80, v18, vm0, $0xb8;
	[tilespmem:$0x1E080] =	vst v63  }
0x41f: {  	v43 =	vperm.xlane v17, v14;
	v18 =	vadd.s32 v3, v42;
	s6 =	simm.s32 $0x7500  }
0x420: {  	[tilespmem:s6], [sflag:$0x2] =	stream.indirect_vreg.gather [hbm4b:s10+s3], $0x80, v19, vm0, $0xb8;
	[tilespmem:$0x1E080] =	vst v63  }
0x421: {  	v44 =	vperm.xlane v17, v15;
	v19 =	vadd.s32 v3, v43;
	s6 =	simm.s32 $0x7580  }
0x422: {  	[tilespmem:s6], [sflag:$0x2] =	stream.indirect_vreg.gather [hbm4b:s10+s3], $0x80, v41, vm0, $0xb8;
	[tilespmem:$0x1E080] =	vst v63  }
0x423: {  	v17 =	vperm.xlane v17, v16;
	v45 =	vadd.s32 v3, v44;
	s6 =	simm.s32 $0x7600  }
0x424: {  	[tilespmem:s6], [sflag:$0x2] =	stream.indirect_vreg.gather [hbm4b:s10+s3], $0x80, v18, vm0, $0xb8;
	[tilespmem:$0x1E080] =	vst v63  }
0x425: {  	v17 =	vadd.s32 v3, v17;
	s6 =	simm.s32 $0x7680  }
0x426: {  	[tilespmem:s6], [sflag:$0x2] =	stream.indirect_vreg.gather [hbm4b:s10+s3], $0x80, v19, vm0, $0xb8;
	[tilespmem:$0x1E080] =	vst v63  }
0x427: {  	s6 =	simm.s32 $0x7700  }
0x428: {  	[tilespmem:s6], [sflag:$0x2] =	stream.indirect_vreg.gather [hbm4b:s10+s3], $0x80, v45, vm0, $0xb8;
	[tilespmem:$0x1E080] =	vst v63  }
0x429: {  	s6 =	simm.s32 $0x7780  }
0x42a: {  	[tilespmem:s6], [sflag:$0x2] =	stream.indirect_vreg.gather [hbm4b:s10+s3], $0x80, v17, vm0, $0xb8;
	[tilespmem:$0x1E080] =	vst v63  }
0x42b: {  	v17 =	vld [tilespmem:s16+$0x1A0];
	_ =	sdelay $0x4  }
0x42c: {  	v18 =	vshll.u32 v17, $0x1  }
0x42d: {  	v17 =	vand.u32 $0x7, v17;
	v18 =	vand.u32 $0xFFFFFFF0, v18  }
0x42e: {  	v17 =	vor.u32 v17, v18  }
0x42f: {  	v18 =	vperm.xlane v17, v2;
	_ =	sdelay $0x1  }
0x430: {  	v19 =	vperm.xlane v17, v1;
	v18 =	vadd.s32 v3, v18;
	_ =	sdelay $0x1  }
0x431: {  	v46 =	vperm.xlane v17, v4;
	v19 =	vadd.s32 v3, v19;
	_ =	sdelay $0x1  }
0x432: {  	s6 =	simm.s32 $0x7800;
	v47 =	vperm.xlane v17, v5;
	v20 =	vadd.s32 v3, v46  }
0x433: {  	[tilespmem:s6], [sflag:$0x2] =	stream.indirect_vreg.gather [hbm4b:s10+s3], $0x80, v18, vm0, $0xb8;
	[tilespmem:$0x1E080] =	vst v63  }
0x434: {  	v48 =	vperm.xlane v17, v6;
	v18 =	vadd.s32 v3, v47;
	s6 =	simm.s32 $0x7880  }
0x435: {  	[tilespmem:s6], [sflag:$0x2] =	stream.indirect_vreg.gather [hbm4b:s10+s3], $0x80, v19, vm0, $0xb8;
	[tilespmem:$0x1E080] =	vst v63  }
0x436: {  	v49 =	vperm.xlane v17, v7;
	v19 =	vadd.s32 v3, v48;
	s6 =	simm.s32 $0x7900  }
0x437: {  	[tilespmem:s6], [sflag:$0x2] =	stream.indirect_vreg.gather [hbm4b:s10+s3], $0x80, v20, vm0, $0xb8;
	[tilespmem:$0x1E080] =	vst v63  }
0x438: {  	v51 =	vperm.xlane v17, v8;
	v50 =	vadd.s32 v3, v49;
	s6 =	simm.s32 $0x7980  }
0x439: {  	[tilespmem:s6], [sflag:$0x2] =	stream.indirect_vreg.gather [hbm4b:s10+s3], $0x80, v18, vm0, $0xb8;
	[tilespmem:$0x1E080] =	vst v63  }
0x43a: {  	v52 =	vperm.xlane v17, v0;
	v18 =	vadd.s32 v3, v51;
	s6 =	simm.s32 $0x7A00  }
0x43b: {  	[tilespmem:s6], [sflag:$0x2] =	stream.indirect_vreg.gather [hbm4b:s10+s3], $0x80, v19, vm0, $0xb8;
	[tilespmem:$0x1E080] =	vst v63  }
0x43c: {  	v53 =	vperm.xlane v17, v9;
	v19 =	vadd.s32 v3, v52;
	s6 =	simm.s32 $0x7A80  }
0x43d: {  	[tilespmem:s6], [sflag:$0x2] =	stream.indirect_vreg.gather [hbm4b:s10+s3], $0x80, v50, vm0, $0xb8;
	[tilespmem:$0x1E080] =	vst v63  }
0x43e: {  	v55 =	vperm.xlane v17, v10;
	v54 =	vadd.s32 v3, v53;
	s6 =	simm.s32 $0x7B00  }
0x43f: {  	[tilespmem:s6], [sflag:$0x2] =	stream.indirect_vreg.gather [hbm4b:s10+s3], $0x80, v18, vm0, $0xb8;
	[tilespmem:$0x1E080] =	vst v63  }
0x440: {  	v56 =	vperm.xlane v17, v11;
	v18 =	vadd.s32 v3, v55;
	s6 =	simm.s32 $0x7B80  }
0x441: {  	[tilespmem:s6], [sflag:$0x2] =	stream.indirect_vreg.gather [hbm4b:s10+s3], $0x80, v19, vm0, $0xb8;
	[tilespmem:$0x1E080] =	vst v63  }
0x442: {  	v57 =	vperm.xlane v17, v12;
	v19 =	vadd.s32 v3, v56;
	s6 =	simm.s32 $0x7C00  }
0x443: {  	[tilespmem:s6], [sflag:$0x2] =	stream.indirect_vreg.gather [hbm4b:s10+s3], $0x80, v54, vm0, $0xb8;
	[tilespmem:$0x1E080] =	vst v63  }
0x444: {  	v59 =	vperm.xlane v17, v13;
	v58 =	vadd.s32 v3, v57;
	s6 =	simm.s32 $0x7C80  }
0x445: {  	[tilespmem:s6], [sflag:$0x2] =	stream.indirect_vreg.gather [hbm4b:s10+s3], $0x80, v18, vm0, $0xb8;
	[tilespmem:$0x1E080] =	vst v63  }
0x446: {  	v60 =	vperm.xlane v17, v14;
	v18 =	vadd.s32 v3, v59;
	s6 =	simm.s32 $0x7D00  }
0x447: {  	[tilespmem:s6], [sflag:$0x2] =	stream.indirect_vreg.gather [hbm4b:s10+s3], $0x80, v19, vm0, $0xb8;
	[tilespmem:$0x1E080] =	vst v63  }
0x448: {  	v61 =	vperm.xlane v17, v15;
	v19 =	vadd.s32 v3, v60;
	s6 =	simm.s32 $0x7D80  }
0x449: {  	[tilespmem:s6], [sflag:$0x2] =	stream.indirect_vreg.gather [hbm4b:s10+s3], $0x80, v58, vm0, $0xb8;
	[tilespmem:$0x1E080] =	vst v63  }
0x44a: {  	v17 =	vperm.xlane v17, v16;
	v62 =	vadd.s32 v3, v61;
	s6 =	simm.s32 $0x7E00  }
0x44b: {  	[tilespmem:s6], [sflag:$0x2] =	stream.indirect_vreg.gather [hbm4b:s10+s3], $0x80, v18, vm0, $0xb8;
	[tilespmem:$0x1E080] =	vst v63  }
0x44c: {  	v17 =	vadd.s32 v3, v17;
	s6 =	simm.s32 $0x7E80  }
0x44d: {  	[tilespmem:s6], [sflag:$0x2] =	stream.indirect_vreg.gather [hbm4b:s10+s3], $0x80, v19, vm0, $0xb8;
	[tilespmem:$0x1E080] =	vst v63  }
0x44e: {  	s6 =	simm.s32 $0x7F00  }
0x44f: {  	[tilespmem:s6], [sflag:$0x2] =	stream.indirect_vreg.gather [hbm4b:s10+s3], $0x80, v62, vm0, $0xb8;
	[tilespmem:$0x1E080] =	vst v63  }
0x450: {  	s6 =	simm.s32 $0x7F80  }
0x451: {  	[tilespmem:s6], [sflag:$0x2] =	stream.indirect_vreg.gather [hbm4b:s10+s3], $0x80, v17, vm0, $0xb8;
	[tilespmem:$0x1E080] =	vst v63  }
0x452: {  	v17 =	vld [tilespmem:s16+$0x1B0];
	_ =	sdelay $0x4  }
0x453: {  	v18 =	vshll.u32 v17, $0x1  }
0x454: {  	v17 =	vand.u32 $0x7, v17;
	v18 =	vand.u32 $0xFFFFFFF0, v18  }
0x455: {  	v17 =	vor.u32 v17, v18  }
0x456: {  	v18 =	vperm.xlane v17, v2;
	_ =	sdelay $0x1  }
0x457: {  	v19 =	vperm.xlane v17, v1;
	v18 =	vadd.s32 v3, v18;
	_ =	sdelay $0x1  }
0x458: {  	v63 =	vperm.xlane v17, v4;
	v19 =	vadd.s32 v3, v19;
	_ =	sdelay $0x1  }
0x459: {  	s6 =	simm.s32 $0x8000;
	v24 =	vperm.xlane v17, v5;
	v20 =	vadd.s32 v3, v63  }
0x45a: {  	[tilespmem:s6], [sflag:$0x2] =	stream.indirect_vreg.gather [hbm4b:s10+s3], $0x80, v18, vm0, $0xb8;
	[tilespmem:$0x1E080] =	vst v63  }
0x45b: {  	v25 =	vperm.xlane v17, v6;
	v18 =	vadd.s32 v3, v24;
	s6 =	simm.s32 $0x8080  }
0x45c: {  	[tilespmem:s6], [sflag:$0x2] =	stream.indirect_vreg.gather [hbm4b:s10+s3], $0x80, v19, vm0, $0xb8;
	[tilespmem:$0x1E080] =	vst v63  }
0x45d: {  	v26 =	vperm.xlane v17, v7;
	v19 =	vadd.s32 v3, v25;
	s6 =	simm.s32 $0x8100  }
0x45e: {  	[tilespmem:s6], [sflag:$0x2] =	stream.indirect_vreg.gather [hbm4b:s10+s3], $0x80, v20, vm0, $0xb8;
	[tilespmem:$0x1E080] =	vst v63  }
0x45f: {  	v28 =	vperm.xlane v17, v8;
	v27 =	vadd.s32 v3, v26;
	s6 =	simm.s32 $0x8180  }
0x460: {  	[tilespmem:s6], [sflag:$0x2] =	stream.indirect_vreg.gather [hbm4b:s10+s3], $0x80, v18, vm0, $0xb8;
	[tilespmem:$0x1E080] =	vst v63  }
0x461: {  	v29 =	vperm.xlane v17, v0;
	v18 =	vadd.s32 v3, v28;
	s6 =	simm.s32 $0x8200  }
0x462: {  	[tilespmem:s6], [sflag:$0x2] =	stream.indirect_vreg.gather [hbm4b:s10+s3], $0x80, v19, vm0, $0xb8;
	[tilespmem:$0x1E080] =	vst v63  }
0x463: {  	v30 =	vperm.xlane v17, v9;
	v19 =	vadd.s32 v3, v29;
	s6 =	simm.s32 $0x8280  }
0x464: {  	[tilespmem:s6], [sflag:$0x2] =	stream.indirect_vreg.gather [hbm4b:s10+s3], $0x80, v27, vm0, $0xb8;
	[tilespmem:$0x1E080] =	vst v63  }
0x465: {  	v32 =	vperm.xlane v17, v10;
	v31 =	vadd.s32 v3, v30;
	s6 =	simm.s32 $0x8300  }
0x466: {  	[tilespmem:s6], [sflag:$0x2] =	stream.indirect_vreg.gather [hbm4b:s10+s3], $0x80, v18, vm0, $0xb8;
	[tilespmem:$0x1E080] =	vst v63  }
0x467: {  	v33 =	vperm.xlane v17, v11;
	v18 =	vadd.s32 v3, v32;
	s6 =	simm.s32 $0x8380  }
0x468: {  	[tilespmem:s6], [sflag:$0x2] =	stream.indirect_vreg.gather [hbm4b:s10+s3], $0x80, v19, vm0, $0xb8;
	[tilespmem:$0x1E080] =	vst v63  }
0x469: {  	v34 =	vperm.xlane v17, v12;
	v19 =	vadd.s32 v3, v33;
	s6 =	simm.s32 $0x8400  }
0x46a: {  	[tilespmem:s6], [sflag:$0x2] =	stream.indirect_vreg.gather [hbm4b:s10+s3], $0x80, v31, vm0, $0xb8;
	[tilespmem:$0x1E080] =	vst v63  }
0x46b: {  	v36 =	vperm.xlane v17, v13;
	v35 =	vadd.s32 v3, v34;
	s6 =	simm.s32 $0x8480  }
0x46c: {  	[tilespmem:s6], [sflag:$0x2] =	stream.indirect_vreg.gather [hbm4b:s10+s3], $0x80, v18, vm0, $0xb8;
	[tilespmem:$0x1E080] =	vst v63  }
0x46d: {  	v37 =	vperm.xlane v17, v14;
	v18 =	vadd.s32 v3, v36;
	s6 =	simm.s32 $0x8500  }
0x46e: {  	[tilespmem:s6], [sflag:$0x2] =	stream.indirect_vreg.gather [hbm4b:s10+s3], $0x80, v19, vm0, $0xb8;
	[tilespmem:$0x1E080] =	vst v63  }
0x46f: {  	v38 =	vperm.xlane v17, v15;
	v19 =	vadd.s32 v3, v37;
	s6 =	simm.s32 $0x8580  }
0x470: {  	[tilespmem:s6], [sflag:$0x2] =	stream.indirect_vreg.gather [hbm4b:s10+s3], $0x80, v35, vm0, $0xb8;
	[tilespmem:$0x1E080] =	vst v63  }
0x471: {  	v17 =	vperm.xlane v17, v16;
	v39 =	vadd.s32 v3, v38;
	s6 =	simm.s32 $0x8600  }
0x472: {  	[tilespmem:s6], [sflag:$0x2] =	stream.indirect_vreg.gather [hbm4b:s10+s3], $0x80, v18, vm0, $0xb8;
	[tilespmem:$0x1E080] =	vst v63  }
0x473: {  	v17 =	vadd.s32 v3, v17;
	s6 =	simm.s32 $0x8680  }
0x474: {  	[tilespmem:s6], [sflag:$0x2] =	stream.indirect_vreg.gather [hbm4b:s10+s3], $0x80, v19, vm0, $0xb8;
	[tilespmem:$0x1E080] =	vst v63  }
0x475: {  	s6 =	simm.s32 $0x8700  }
0x476: {  	[tilespmem:s6], [sflag:$0x2] =	stream.indirect_vreg.gather [hbm4b:s10+s3], $0x80, v39, vm0, $0xb8;
	[tilespmem:$0x1E080] =	vst v63  }
0x477: {  	s6 =	simm.s32 $0x8780  }
0x478: {  	[tilespmem:s6], [sflag:$0x2] =	stream.indirect_vreg.gather [hbm4b:s10+s3], $0x80, v17, vm0, $0xb8;
	[tilespmem:$0x1E080] =	vst v63  }
0x479: {  	v17 =	vld [tilespmem:s16+$0x1C0];
	_ =	sdelay $0x4  }
0x47a: {  	v18 =	vshll.u32 v17, $0x1  }
0x47b: {  	v17 =	vand.u32 $0x7, v17;
	v18 =	vand.u32 $0xFFFFFFF0, v18  }
0x47c: {  	v17 =	vor.u32 v17, v18  }
0x47d: {  	v18 =	vperm.xlane v17, v2;
	_ =	sdelay $0x1  }
0x47e: {  	v19 =	vperm.xlane v17, v1;
	v18 =	vadd.s32 v3, v18;
	_ =	sdelay $0x1  }
0x47f: {  	v40 =	vperm.xlane v17, v4;
	v19 =	vadd.s32 v3, v19;
	_ =	sdelay $0x1  }
0x480: {  	s6 =	simm.s32 $0x8800;
	v41 =	vperm.xlane v17, v5;
	v20 =	vadd.s32 v3, v40  }
0x481: {  	[tilespmem:s6], [sflag:$0x2] =	stream.indirect_vreg.gather [hbm4b:s10+s3], $0x80, v18, vm0, $0xb8;
	[tilespmem:$0x1E080] =	vst v63  }
0x482: {  	v42 =	vperm.xlane v17, v6;
	v18 =	vadd.s32 v3, v41;
	s6 =	simm.s32 $0x8880  }
0x483: {  	[tilespmem:s6], [sflag:$0x2] =	stream.indirect_vreg.gather [hbm4b:s10+s3], $0x80, v19, vm0, $0xb8;
	[tilespmem:$0x1E080] =	vst v63  }
0x484: {  	v43 =	vperm.xlane v17, v7;
	v19 =	vadd.s32 v3, v42;
	s6 =	simm.s32 $0x8900  }
0x485: {  	[tilespmem:s6], [sflag:$0x2] =	stream.indirect_vreg.gather [hbm4b:s10+s3], $0x80, v20, vm0, $0xb8;
	[tilespmem:$0x1E080] =	vst v63  }
0x486: {  	v45 =	vperm.xlane v17, v8;
	v44 =	vadd.s32 v3, v43;
	s6 =	simm.s32 $0x8980  }
0x487: {  	[tilespmem:s6], [sflag:$0x2] =	stream.indirect_vreg.gather [hbm4b:s10+s3], $0x80, v18, vm0, $0xb8;
	[tilespmem:$0x1E080] =	vst v63  }
0x488: {  	v46 =	vperm.xlane v17, v0;
	v18 =	vadd.s32 v3, v45;
	s6 =	simm.s32 $0x8A00  }
0x489: {  	[tilespmem:s6], [sflag:$0x2] =	stream.indirect_vreg.gather [hbm4b:s10+s3], $0x80, v19, vm0, $0xb8;
	[tilespmem:$0x1E080] =	vst v63  }
0x48a: {  	v47 =	vperm.xlane v17, v9;
	v19 =	vadd.s32 v3, v46;
	s6 =	simm.s32 $0x8A80  }
0x48b: {  	[tilespmem:s6], [sflag:$0x2] =	stream.indirect_vreg.gather [hbm4b:s10+s3], $0x80, v44, vm0, $0xb8;
	[tilespmem:$0x1E080] =	vst v63  }
0x48c: {  	v49 =	vperm.xlane v17, v10;
	v48 =	vadd.s32 v3, v47;
	s6 =	simm.s32 $0x8B00  }
0x48d: {  	[tilespmem:s6], [sflag:$0x2] =	stream.indirect_vreg.gather [hbm4b:s10+s3], $0x80, v18, vm0, $0xb8;
	[tilespmem:$0x1E080] =	vst v63  }
0x48e: {  	v50 =	vperm.xlane v17, v11;
	v18 =	vadd.s32 v3, v49;
	s6 =	simm.s32 $0x8B80  }
0x48f: {  	[tilespmem:s6], [sflag:$0x2] =	stream.indirect_vreg.gather [hbm4b:s10+s3], $0x80, v19, vm0, $0xb8;
	[tilespmem:$0x1E080] =	vst v63  }
0x490: {  	v51 =	vperm.xlane v17, v12;
	v19 =	vadd.s32 v3, v50;
	s6 =	simm.s32 $0x8C00  }
0x491: {  	[tilespmem:s6], [sflag:$0x2] =	stream.indirect_vreg.gather [hbm4b:s10+s3], $0x80, v48, vm0, $0xb8;
	[tilespmem:$0x1E080] =	vst v63  }
0x492: {  	v53 =	vperm.xlane v17, v13;
	v52 =	vadd.s32 v3, v51;
	s6 =	simm.s32 $0x8C80  }
0x493: {  	[tilespmem:s6], [sflag:$0x2] =	stream.indirect_vreg.gather [hbm4b:s10+s3], $0x80, v18, vm0, $0xb8;
	[tilespmem:$0x1E080] =	vst v63  }
0x494: {  	v54 =	vperm.xlane v17, v14;
	v18 =	vadd.s32 v3, v53;
	s6 =	simm.s32 $0x8D00  }
0x495: {  	[tilespmem:s6], [sflag:$0x2] =	stream.indirect_vreg.gather [hbm4b:s10+s3], $0x80, v19, vm0, $0xb8;
	[tilespmem:$0x1E080] =	vst v63  }
0x496: {  	v55 =	vperm.xlane v17, v15;
	v19 =	vadd.s32 v3, v54;
	s6 =	simm.s32 $0x8D80  }
0x497: {  	[tilespmem:s6], [sflag:$0x2] =	stream.indirect_vreg.gather [hbm4b:s10+s3], $0x80, v52, vm0, $0xb8;
	[tilespmem:$0x1E080] =	vst v63  }
0x498: {  	v17 =	vperm.xlane v17, v16;
	v56 =	vadd.s32 v3, v55;
	s6 =	simm.s32 $0x8E00  }
0x499: {  	[tilespmem:s6], [sflag:$0x2] =	stream.indirect_vreg.gather [hbm4b:s10+s3], $0x80, v18, vm0, $0xb8;
	[tilespmem:$0x1E080] =	vst v63  }
0x49a: {  	v17 =	vadd.s32 v3, v17;
	s6 =	simm.s32 $0x8E80  }
0x49b: {  	[tilespmem:s6], [sflag:$0x2] =	stream.indirect_vreg.gather [hbm4b:s10+s3], $0x80, v19, vm0, $0xb8;
	[tilespmem:$0x1E080] =	vst v63  }
0x49c: {  	s6 =	simm.s32 $0x8F00  }
0x49d: {  	[tilespmem:s6], [sflag:$0x2] =	stream.indirect_vreg.gather [hbm4b:s10+s3], $0x80, v56, vm0, $0xb8;
	[tilespmem:$0x1E080] =	vst v63  }
0x49e: {  	s6 =	simm.s32 $0x8F80  }
0x49f: {  	[tilespmem:s6], [sflag:$0x2] =	stream.indirect_vreg.gather [hbm4b:s10+s3], $0x80, v17, vm0, $0xb8;
	[tilespmem:$0x1E080] =	vst v63  }
0x4a0: {  	v17 =	vld [tilespmem:s16+$0x1D0];
	_ =	sdelay $0x4  }
0x4a1: {  	v18 =	vshll.u32 v17, $0x1  }
0x4a2: {  	v17 =	vand.u32 $0x7, v17;
	v18 =	vand.u32 $0xFFFFFFF0, v18  }
0x4a3: {  	v17 =	vor.u32 v17, v18  }
0x4a4: {  	v18 =	vperm.xlane v17, v2;
	_ =	sdelay $0x1  }
0x4a5: {  	v19 =	vperm.xlane v17, v1;
	v18 =	vadd.s32 v3, v18;
	_ =	sdelay $0x1  }
0x4a6: {  	v57 =	vperm.xlane v17, v4;
	v19 =	vadd.s32 v3, v19;
	_ =	sdelay $0x1  }
0x4a7: {  	s6 =	simm.s32 $0x9000;
	v58 =	vperm.xlane v17, v5;
	v20 =	vadd.s32 v3, v57  }
0x4a8: {  	[tilespmem:s6], [sflag:$0x2] =	stream.indirect_vreg.gather [hbm4b:s10+s3], $0x80, v18, vm0, $0xb8;
	[tilespmem:$0x1E080] =	vst v63  }
0x4a9: {  	v59 =	vperm.xlane v17, v6;
	v18 =	vadd.s32 v3, v58;
	s6 =	simm.s32 $0x9080  }
0x4aa: {  	[tilespmem:s6], [sflag:$0x2] =	stream.indirect_vreg.gather [hbm4b:s10+s3], $0x80, v19, vm0, $0xb8;
	[tilespmem:$0x1E080] =	vst v63  }
0x4ab: {  	v60 =	vperm.xlane v17, v7;
	v19 =	vadd.s32 v3, v59;
	s6 =	simm.s32 $0x9100  }
0x4ac: {  	[tilespmem:s6], [sflag:$0x2] =	stream.indirect_vreg.gather [hbm4b:s10+s3], $0x80, v20, vm0, $0xb8;
	[tilespmem:$0x1E080] =	vst v63  }
0x4ad: {  	v62 =	vperm.xlane v17, v8;
	v61 =	vadd.s32 v3, v60;
	s6 =	simm.s32 $0x9180  }
0x4ae: {  	[tilespmem:s6], [sflag:$0x2] =	stream.indirect_vreg.gather [hbm4b:s10+s3], $0x80, v18, vm0, $0xb8;
	[tilespmem:$0x1E080] =	vst v63  }
0x4af: {  	v63 =	vperm.xlane v17, v0;
	v18 =	vadd.s32 v3, v62;
	s6 =	simm.s32 $0x9200  }
0x4b0: {  	[tilespmem:s6], [sflag:$0x2] =	stream.indirect_vreg.gather [hbm4b:s10+s3], $0x80, v19, vm0, $0xb8;
	[tilespmem:$0x1E080] =	vst v63  }
0x4b1: {  	v24 =	vperm.xlane v17, v9;
	v19 =	vadd.s32 v3, v63;
	s6 =	simm.s32 $0x9280  }
0x4b2: {  	[tilespmem:s6], [sflag:$0x2] =	stream.indirect_vreg.gather [hbm4b:s10+s3], $0x80, v61, vm0, $0xb8;
	[tilespmem:$0x1E080] =	vst v63  }
0x4b3: {  	v26 =	vperm.xlane v17, v10;
	v25 =	vadd.s32 v3, v24;
	s6 =	simm.s32 $0x9300  }
0x4b4: {  	[tilespmem:s6], [sflag:$0x2] =	stream.indirect_vreg.gather [hbm4b:s10+s3], $0x80, v18, vm0, $0xb8;
	[tilespmem:$0x1E080] =	vst v63  }
0x4b5: {  	v27 =	vperm.xlane v17, v11;
	v18 =	vadd.s32 v3, v26;
	s6 =	simm.s32 $0x9380  }
0x4b6: {  	[tilespmem:s6], [sflag:$0x2] =	stream.indirect_vreg.gather [hbm4b:s10+s3], $0x80, v19, vm0, $0xb8;
	[tilespmem:$0x1E080] =	vst v63  }
0x4b7: {  	v28 =	vperm.xlane v17, v12;
	v19 =	vadd.s32 v3, v27;
	s6 =	simm.s32 $0x9400  }
0x4b8: {  	[tilespmem:s6], [sflag:$0x2] =	stream.indirect_vreg.gather [hbm4b:s10+s3], $0x80, v25, vm0, $0xb8;
	[tilespmem:$0x1E080] =	vst v63  }
0x4b9: {  	v30 =	vperm.xlane v17, v13;
	v29 =	vadd.s32 v3, v28;
	s6 =	simm.s32 $0x9480  }
0x4ba: {  	[tilespmem:s6], [sflag:$0x2] =	stream.indirect_vreg.gather [hbm4b:s10+s3], $0x80, v18, vm0, $0xb8;
	[tilespmem:$0x1E080] =	vst v63  }
0x4bb: {  	v31 =	vperm.xlane v17, v14;
	v18 =	vadd.s32 v3, v30;
	s6 =	simm.s32 $0x9500  }
0x4bc: {  	[tilespmem:s6], [sflag:$0x2] =	stream.indirect_vreg.gather [hbm4b:s10+s3], $0x80, v19, vm0, $0xb8;
	[tilespmem:$0x1E080] =	vst v63  }
0x4bd: {  	v32 =	vperm.xlane v17, v15;
	v19 =	vadd.s32 v3, v31;
	s6 =	simm.s32 $0x9580  }
0x4be: {  	[tilespmem:s6], [sflag:$0x2] =	stream.indirect_vreg.gather [hbm4b:s10+s3], $0x80, v29, vm0, $0xb8;
	[tilespmem:$0x1E080] =	vst v63  }
0x4bf: {  	v17 =	vperm.xlane v17, v16;
	v33 =	vadd.s32 v3, v32;
	s6 =	simm.s32 $0x9600  }
0x4c0: {  	[tilespmem:s6], [sflag:$0x2] =	stream.indirect_vreg.gather [hbm4b:s10+s3], $0x80, v18, vm0, $0xb8;
	[tilespmem:$0x1E080] =	vst v63  }
0x4c1: {  	v17 =	vadd.s32 v3, v17;
	s6 =	simm.s32 $0x9680  }
0x4c2: {  	[tilespmem:s6], [sflag:$0x2] =	stream.indirect_vreg.gather [hbm4b:s10+s3], $0x80, v19, vm0, $0xb8;
	[tilespmem:$0x1E080] =	vst v63  }
0x4c3: {  	s6 =	simm.s32 $0x9700  }
0x4c4: {  	[tilespmem:s6], [sflag:$0x2] =	stream.indirect_vreg.gather [hbm4b:s10+s3], $0x80, v33, vm0, $0xb8;
	[tilespmem:$0x1E080] =	vst v63  }
0x4c5: {  	s6 =	simm.s32 $0x9780  }
0x4c6: {  	[tilespmem:s6], [sflag:$0x2] =	stream.indirect_vreg.gather [hbm4b:s10+s3], $0x80, v17, vm0, $0xb8;
	[tilespmem:$0x1E080] =	vst v63  }
0x4c7: {  	v17 =	vld [tilespmem:s16+$0x1E0];
	_ =	sdelay $0x4  }
0x4c8: {  	v18 =	vshll.u32 v17, $0x1  }
0x4c9: {  	v17 =	vand.u32 $0x7, v17;
	v18 =	vand.u32 $0xFFFFFFF0, v18  }
0x4ca: {  	v17 =	vor.u32 v17, v18  }
0x4cb: {  	v18 =	vperm.xlane v17, v2;
	_ =	sdelay $0x1  }
0x4cc: {  	v19 =	vperm.xlane v17, v1;
	v18 =	vadd.s32 v3, v18;
	_ =	sdelay $0x1  }
0x4cd: {  	v34 =	vperm.xlane v17, v4;
	v19 =	vadd.s32 v3, v19;
	_ =	sdelay $0x1  }
0x4ce: {  	s6 =	simm.s32 $0x9800;
	v35 =	vperm.xlane v17, v5;
	v20 =	vadd.s32 v3, v34  }
0x4cf: {  	[tilespmem:s6], [sflag:$0x2] =	stream.indirect_vreg.gather [hbm4b:s10+s3], $0x80, v18, vm0, $0xb8;
	[tilespmem:$0x1E080] =	vst v63  }
0x4d0: {  	v36 =	vperm.xlane v17, v6;
	v18 =	vadd.s32 v3, v35;
	s6 =	simm.s32 $0x9880  }
0x4d1: {  	[tilespmem:s6], [sflag:$0x2] =	stream.indirect_vreg.gather [hbm4b:s10+s3], $0x80, v19, vm0, $0xb8;
	[tilespmem:$0x1E080] =	vst v63  }
0x4d2: {  	v37 =	vperm.xlane v17, v7;
	v19 =	vadd.s32 v3, v36;
	s6 =	simm.s32 $0x9900  }
0x4d3: {  	[tilespmem:s6], [sflag:$0x2] =	stream.indirect_vreg.gather [hbm4b:s10+s3], $0x80, v20, vm0, $0xb8;
	[tilespmem:$0x1E080] =	vst v63  }
0x4d4: {  	v39 =	vperm.xlane v17, v8;
	v38 =	vadd.s32 v3, v37;
	s6 =	simm.s32 $0x9980  }
0x4d5: {  	[tilespmem:s6], [sflag:$0x2] =	stream.indirect_vreg.gather [hbm4b:s10+s3], $0x80, v18, vm0, $0xb8;
	[tilespmem:$0x1E080] =	vst v63  }
0x4d6: {  	v40 =	vperm.xlane v17, v0;
	v18 =	vadd.s32 v3, v39;
	s6 =	simm.s32 $0x9A00  }
0x4d7: {  	[tilespmem:s6], [sflag:$0x2] =	stream.indirect_vreg.gather [hbm4b:s10+s3], $0x80, v19, vm0, $0xb8;
	[tilespmem:$0x1E080] =	vst v63  }
0x4d8: {  	v41 =	vperm.xlane v17, v9;
	v19 =	vadd.s32 v3, v40;
	s6 =	simm.s32 $0x9A80  }
0x4d9: {  	[tilespmem:s6], [sflag:$0x2] =	stream.indirect_vreg.gather [hbm4b:s10+s3], $0x80, v38, vm0, $0xb8;
	[tilespmem:$0x1E080] =	vst v63  }
0x4da: {  	v43 =	vperm.xlane v17, v10;
	v42 =	vadd.s32 v3, v41;
	s6 =	simm.s32 $0x9B00  }
0x4db: {  	[tilespmem:s6], [sflag:$0x2] =	stream.indirect_vreg.gather [hbm4b:s10+s3], $0x80, v18, vm0, $0xb8;
	[tilespmem:$0x1E080] =	vst v63  }
0x4dc: {  	v44 =	vperm.xlane v17, v11;
	v18 =	vadd.s32 v3, v43;
	s6 =	simm.s32 $0x9B80  }
0x4dd: {  	[tilespmem:s6], [sflag:$0x2] =	stream.indirect_vreg.gather [hbm4b:s10+s3], $0x80, v19, vm0, $0xb8;
	[tilespmem:$0x1E080] =	vst v63  }
0x4de: {  	v45 =	vperm.xlane v17, v12;
	v19 =	vadd.s32 v3, v44;
	s6 =	simm.s32 $0x9C00  }
0x4df: {  	[tilespmem:s6], [sflag:$0x2] =	stream.indirect_vreg.gather [hbm4b:s10+s3], $0x80, v42, vm0, $0xb8;
	[tilespmem:$0x1E080] =	vst v63  }
0x4e0: {  	v47 =	vperm.xlane v17, v13;
	v46 =	vadd.s32 v3, v45;
	s6 =	simm.s32 $0x9C80  }
0x4e1: {  	[tilespmem:s6], [sflag:$0x2] =	stream.indirect_vreg.gather [hbm4b:s10+s3], $0x80, v18, vm0, $0xb8;
	[tilespmem:$0x1E080] =	vst v63  }
0x4e2: {  	v48 =	vperm.xlane v17, v14;
	v18 =	vadd.s32 v3, v47;
	s6 =	simm.s32 $0x9D00  }
0x4e3: {  	[tilespmem:s6], [sflag:$0x2] =	stream.indirect_vreg.gather [hbm4b:s10+s3], $0x80, v19, vm0, $0xb8;
	[tilespmem:$0x1E080] =	vst v63  }
0x4e4: {  	v49 =	vperm.xlane v17, v15;
	v19 =	vadd.s32 v3, v48;
	s6 =	simm.s32 $0x9D80  }
0x4e5: {  	[tilespmem:s6], [sflag:$0x2] =	stream.indirect_vreg.gather [hbm4b:s10+s3], $0x80, v46, vm0, $0xb8;
	[tilespmem:$0x1E080] =	vst v63  }
0x4e6: {  	v17 =	vperm.xlane v17, v16;
	v50 =	vadd.s32 v3, v49;
	s6 =	simm.s32 $0x9E00  }
0x4e7: {  	[tilespmem:s6], [sflag:$0x2] =	stream.indirect_vreg.gather [hbm4b:s10+s3], $0x80, v18, vm0, $0xb8;
	[tilespmem:$0x1E080] =	vst v63  }
0x4e8: {  	v17 =	vadd.s32 v3, v17;
	s6 =	simm.s32 $0x9E80  }
0x4e9: {  	[tilespmem:s6], [sflag:$0x2] =	stream.indirect_vreg.gather [hbm4b:s10+s3], $0x80, v19, vm0, $0xb8;
	[tilespmem:$0x1E080] =	vst v63  }
0x4ea: {  	s6 =	simm.s32 $0x9F00  }
0x4eb: {  	[tilespmem:s6], [sflag:$0x2] =	stream.indirect_vreg.gather [hbm4b:s10+s3], $0x80, v50, vm0, $0xb8;
	[tilespmem:$0x1E080] =	vst v63  }
0x4ec: {  	s6 =	simm.s32 $0x9F80  }
0x4ed: {  	[tilespmem:s6], [sflag:$0x2] =	stream.indirect_vreg.gather [hbm4b:s10+s3], $0x80, v17, vm0, $0xb8;
	[tilespmem:$0x1E080] =	vst v63  }
0x4ee: {  	v17 =	vld.msk [tilespmem:s16+$0x1F0], $0x1fff;
	_ =	sdelay $0x4  }
0x4ef: {  	v18 =	vshll.u32 v17, $0x1  }
0x4f0: {  	v17 =	vand.u32 $0x7, v17;
	v18 =	vand.u32 $0xFFFFFFF0, v18  }
0x4f1: {  	v17 =	vor.u32 v17, v18  }
0x4f2: {  	v18 =	vperm.xlane v17, v2;
	_ =	sdelay $0x1  }
0x4f3: {  	v19 =	vperm.xlane v17, v1;
	v18 =	vadd.s32 v3, v18;
	_ =	sdelay $0x1  }
0x4f4: {  	v51 =	vperm.xlane v17, v4;
	v19 =	vadd.s32 v3, v19;
	_ =	sdelay $0x1  }
0x4f5: {  	s6 =	simm.s32 $0xA000;
	v52 =	vperm.xlane v17, v5;
	v20 =	vadd.s32 v3, v51  }
0x4f6: {  	[tilespmem:s6], [sflag:$0x2] =	stream.indirect_vreg.gather [hbm4b:s10+s3], $0x80, v18, vm0, $0xb8;
	[tilespmem:$0x1E080] =	vst v63  }
0x4f7: {  	v53 =	vperm.xlane v17, v6;
	v18 =	vadd.s32 v3, v52;
	s6 =	simm.s32 $0xA080  }
0x4f8: {  	[tilespmem:s6], [sflag:$0x2] =	stream.indirect_vreg.gather [hbm4b:s10+s3], $0x80, v19, vm0, $0xb8;
	[tilespmem:$0x1E080] =	vst v63  }
0x4f9: {  	v54 =	vperm.xlane v17, v7;
	v19 =	vadd.s32 v3, v53;
	s6 =	simm.s32 $0xA100  }
0x4fa: {  	[tilespmem:s6], [sflag:$0x2] =	stream.indirect_vreg.gather [hbm4b:s10+s3], $0x80, v20, vm0, $0xb8;
	[tilespmem:$0x1E080] =	vst v63  }
0x4fb: {  	v56 =	vperm.xlane v17, v8;
	v55 =	vadd.s32 v3, v54;
	s6 =	simm.s32 $0xA180  }
0x4fc: {  	[tilespmem:s6], [sflag:$0x2] =	stream.indirect_vreg.gather [hbm4b:s10+s3], $0x80, v18, vm0, $0xb8;
	[tilespmem:$0x1E080] =	vst v63  }
0x4fd: {  	v57 =	vperm.xlane v17, v0;
	v18 =	vadd.s32 v3, v56;
	s6 =	simm.s32 $0xA200  }
0x4fe: {  	[tilespmem:s6], [sflag:$0x2] =	stream.indirect_vreg.gather [hbm4b:s10+s3], $0x80, v19, vm0, $0xb8;
	[tilespmem:$0x1E080] =	vst v63  }
0x4ff: {  	v58 =	vperm.xlane v17, v9;
	v19 =	vadd.s32 v3, v57;
	s6 =	simm.s32 $0xA280  }
0x500: {  	[tilespmem:s6], [sflag:$0x2] =	stream.indirect_vreg.gather [hbm4b:s10+s3], $0x80, v55, vm0, $0xb8;
	[tilespmem:$0x1E080] =	vst v63  }
0x501: {  	v60 =	vperm.xlane v17, v10;
	v59 =	vadd.s32 v3, v58;
	s6 =	simm.s32 $0xA300  }
0x502: {  	[tilespmem:s6], [sflag:$0x2] =	stream.indirect_vreg.gather [hbm4b:s10+s3], $0x80, v18, vm0, $0xb8;
	[tilespmem:$0x1E080] =	vst v63  }
0x503: {  	v61 =	vperm.xlane v17, v11;
	v18 =	vadd.s32 v3, v60;
	s6 =	simm.s32 $0xA380  }
0x504: {  	[tilespmem:s6], [sflag:$0x2] =	stream.indirect_vreg.gather [hbm4b:s10+s3], $0x80, v19, vm0, $0xb8;
	[tilespmem:$0x1E080] =	vst v63  }
0x505: {  	v62 =	vperm.xlane v17, v12;
	v19 =	vadd.s32 v3, v61;
	s6 =	simm.s32 $0xA400  }
0x506: {  	[tilespmem:s6], [sflag:$0x2] =	stream.indirect_vreg.gather [hbm4b:s10+s3], $0x80, v59, vm0, $0xb8;
	[tilespmem:$0x1E080] =	vst v63  }
0x507: {  	v17 =	vperm.xlane v17, v13;
	v63 =	vadd.s32 v3, v62;
	s6 =	simm.s32 $0xA480  }
0x508: {  	[tilespmem:s6], [sflag:$0x2] =	stream.indirect_vreg.gather [hbm4b:s10+s3], $0x80, v18, vm0, $0xb8;
	[tilespmem:$0x1E080] =	vst v63  }
0x509: {  	v17 =	vadd.s32 v3, v17;
	s6 =	simm.s32 $0xA500  }
0x50a: {  	[tilespmem:s6], [sflag:$0x2] =	stream.indirect_vreg.gather [hbm4b:s10+s3], $0x80, v19, vm0, $0xb8;
	[tilespmem:$0x1E080] =	vst v63  }
0x50b: {  	s6 =	simm.s32 $0xA580  }
0x50c: {  	[tilespmem:s6], [sflag:$0x2] =	stream.indirect_vreg.gather [hbm4b:s10+s3], $0x80, v63, vm0, $0xb8;
	[tilespmem:$0x1E080] =	vst v63  }
0x50d: {  	s6 =	simm.s32 $0xA600  }
0x50e: {  	[tilespmem:s6], [sflag:$0x2] =	stream.indirect_vreg.gather [hbm4b:s10+s3], $0x80, v17, vm0, $0xb8;
	[tilespmem:$0x1E080] =	vst v63  }
0x50f: {  	s4 =	sadd.s32 $0x400, s4;
	_ =	swait.ge [sflag:s12], $0x3E80  }
0x510: {  	p3 =	sne.s32 s4, $0x4C00;
	[sflag:s12] =	ssyncset.done $0x0  }
.Ltmp2:
0x511: {  	s16 =	sadd.s32 $0x1500, s16;
	[sflag:s12] =	ssyncadd.s32 $0xFFFFC180;
	(pc) =	sbr.rel @p3 .LBB2_2-.Ltmp2, $4  }
0x512: {  	[spmem:s2] =	stream.indirect.scatter.add.f32 [tilespmem:s20], [sflag:$0x3], $0x80, s16, s18, $0xb8;
	[tilespmem:$0x1E080] =	vst v63  }
0x513: {  	_ =	swait.ge [sflag:s17], $0x3E80  }
0x514: {  	[sflag:s17] =	ssyncset.done $0x0  }
0x515: {  	[sflag:s17] =	ssyncadd.s32 $0xFFFFC180  }
0x516: {  	_ =	swait.ge [sflag:s19], $0x3E80  }
0x517: {  	s4 =	sshra.s32 s4, $0x2;
	[sflag:s19] =	ssyncset.done $0x0  }
0x518: {  	s4 =	sadd.s32 $0x1480, s4;
	[sflag:s19] =	ssyncadd.s32 $0xFFFFC180  }
0x519: {  	[spmem:s2] =	stream.indirect.scatter.add.f32 [tilespmem:s15], [sflag:$0x3], $0x80, s4, s18, $0xb8;
	[tilespmem:$0x1E080] =	vst v63  }
0x51a: {  	_ =	swait.ge [sflag:s17], $0x3E80  }
0x51b: {  	[sflag:s17] =	ssyncset.done $0x0  }
0x51c: {  	s4 =	simm.s32 $0x0;
	s6 =	rddreg [dreg:$0xb];
	[sflag:s17] =	ssyncadd.s32 $0xFFFFC180  }
0x51d: {  	[tilespmem:s4], [sflag:$0x3] =	stream.linear.gather [hbm4b:s6+s4], $0x1400, $0x38;
	[tilespmem:$0x1E080] =	vst v63  }
0x51e: {  	_ =	swait.ge [sflag:s17], $0x1400  }
0x51f: {  	[sflag:s17] =	ssyncset.done $0x0  }
0x520: {  	s16 =	simm.s32 $0x1400;
	s6 =	rddreg [dreg:$0xc];
	[sflag:s17] =	ssyncadd.s32 $0xFFFFEC00  }
0x521: {  	[tilespmem:s16], [sflag:$0x3] =	stream.linear.gather [hbm4b:s6+s4], $0x1400, $0x38;
	[tilespmem:$0x1E080] =	vst v63  }
0x522: {  	_ =	swait.ge [sflag:s17], $0x1400  }
0x523: {  	[sflag:s17] =	ssyncset.done $0x0  }
0x524: {  	[sflag:s17] =	ssyncadd.s32 $0xFFFFEC00  }
0x525: {  	v17 =	vld [tilespmem:$0x0];
	_ =	sdelay $0x4  }
0x526: {  	v18 =	vshll.u32 v17, $0x1  }
0x527: {  	v17 =	vand.u32 $0x7, v17;
	v18 =	vand.u32 $0xFFFFFFF0, v18  }
0x528: {  	v17 =	vor.u32 v17, v18  }
0x529: {  	v18 =	vperm.xlane v17, v2;
	_ =	sdelay $0x1  }
0x52a: {  	v19 =	vperm.xlane v17, v1;
	v18 =	vadd.s32 v3, v18;
	_ =	sdelay $0x1  }
0x52b: {  	v20 =	vperm.xlane v17, v4;
	v19 =	vadd.s32 v3, v19;
	_ =	sdelay $0x1  }
0x52c: {  	v21 =	vperm.xlane v17, v5;
	v20 =	vadd.s32 v3, v20  }
0x52d: {  	[tilespmem:s20], [sflag:$0x1] =	stream.indirect_vreg.gather [hbm4b:s10+s4], $0x80, v18, vm0, $0xb8;
	[tilespmem:$0x1E080] =	vst v63  }
0x52e: {  	v42 =	vperm.xlane v17, v6;
	v18 =	vadd.s32 v3, v21  }
0x52f: {  	[tilespmem:s21], [sflag:$0x1] =	stream.indirect_vreg.gather [hbm4b:s10+s4], $0x80, v19, vm0, $0xb8;
	[tilespmem:$0x1E080] =	vst v63  }
0x530: {  	v43 =	vperm.xlane v17, v7;
	v19 =	vadd.s32 v3, v42  }
0x531: {  	[tilespmem:s22], [sflag:$0x1] =	stream.indirect_vreg.gather [hbm4b:s10+s4], $0x80, v20, vm0, $0xb8;
	[tilespmem:$0x1E080] =	vst v63  }
0x532: {  	v45 =	vperm.xlane v17, v8;
	v44 =	vadd.s32 v3, v43  }
0x533: {  	[tilespmem:s23], [sflag:$0x1] =	stream.indirect_vreg.gather [hbm4b:s10+s4], $0x80, v18, vm0, $0xb8;
	[tilespmem:$0x1E080] =	vst v63  }
0x534: {  	v46 =	vperm.xlane v17, v0;
	v18 =	vadd.s32 v3, v45  }
0x535: {  	[tilespmem:s24], [sflag:$0x1] =	stream.indirect_vreg.gather [hbm4b:s10+s4], $0x80, v19, vm0, $0xb8;
	[tilespmem:$0x1E080] =	vst v63  }
0x536: {  	v47 =	vperm.xlane v17, v9;
	v19 =	vadd.s32 v3, v46  }
0x537: {  	[tilespmem:s25], [sflag:$0x1] =	stream.indirect_vreg.gather [hbm4b:s10+s4], $0x80, v44, vm0, $0xb8;
	[tilespmem:$0x1E080] =	vst v63  }
0x538: {  	v49 =	vperm.xlane v17, v10;
	v48 =	vadd.s32 v3, v47  }
0x539: {  	[tilespmem:s26], [sflag:$0x1] =	stream.indirect_vreg.gather [hbm4b:s10+s4], $0x80, v18, vm0, $0xb8;
	[tilespmem:$0x1E080] =	vst v63  }
0x53a: {  	v50 =	vperm.xlane v17, v11;
	v18 =	vadd.s32 v3, v49  }
0x53b: {  	[tilespmem:s28], [sflag:$0x1] =	stream.indirect_vreg.gather [hbm4b:s10+s4], $0x80, v19, vm0, $0xb8;
	[tilespmem:$0x1E080] =	vst v63  }
0x53c: {  	v51 =	vperm.xlane v17, v12;
	v19 =	vadd.s32 v3, v50  }
0x53d: {  	[tilespmem:s29], [sflag:$0x1] =	stream.indirect_vreg.gather [hbm4b:s10+s4], $0x80, v48, vm0, $0xb8;
	[tilespmem:$0x1E080] =	vst v63  }
0x53e: {  	v53 =	vperm.xlane v17, v13;
	v52 =	vadd.s32 v3, v51  }
0x53f: {  	[tilespmem:s30], [sflag:$0x1] =	stream.indirect_vreg.gather [hbm4b:s10+s4], $0x80, v18, vm0, $0xb8;
	[tilespmem:$0x1E080] =	vst v63  }
0x540: {  	v54 =	vperm.xlane v17, v14;
	v18 =	vadd.s32 v3, v53  }
0x541: {  	[tilespmem:s31], [sflag:$0x1] =	stream.indirect_vreg.gather [hbm4b:s10+s4], $0x80, v19, vm0, $0xb8;
	[tilespmem:$0x1E080] =	vst v63  }
0x542: {  	v55 =	vperm.xlane v17, v15;
	v19 =	vadd.s32 v3, v54  }
0x543: {  	[tilespmem:s0], [sflag:$0x1] =	stream.indirect_vreg.gather [hbm4b:s10+s4], $0x80, v52, vm0, $0xb8;
	[tilespmem:$0x1E080] =	vst v63  }
0x544: {  	v17 =	vperm.xlane v17, v16;
	v56 =	vadd.s32 v3, v55  }
0x545: {  	[tilespmem:s1], [sflag:$0x1] =	stream.indirect_vreg.gather [hbm4b:s10+s4], $0x80, v18, vm0, $0xb8;
	[tilespmem:$0x1E080] =	vst v63  }
0x546: {  	v17 =	vadd.s32 v3, v17  }
0x547: {  	[tilespmem:s7], [sflag:$0x1] =	stream.indirect_vreg.gather [hbm4b:s10+s4], $0x80, v19, vm0, $0xb8;
	[tilespmem:$0x1E080] =	vst v63  }
0x548: {  	_ = 	snop  }
0x549: {  	[tilespmem:s13], [sflag:$0x1] =	stream.indirect_vreg.gather [hbm4b:s10+s4], $0x80, v56, vm0, $0xb8;
	[tilespmem:$0x1E080] =	vst v63  }
0x54a: {  	_ = 	snop  }
0x54b: {  	[tilespmem:s14], [sflag:$0x1] =	stream.indirect_vreg.gather [hbm4b:s10+s4], $0x80, v17, vm0, $0xb8;
	[tilespmem:$0x1E080] =	vst v63  }
0x54c: {  	v17 =	vld [tilespmem:$0x10];
	_ =	sdelay $0x4  }
0x54d: {  	v18 =	vshll.u32 v17, $0x1  }
0x54e: {  	v17 =	vand.u32 $0x7, v17;
	v18 =	vand.u32 $0xFFFFFFF0, v18  }
0x54f: {  	v17 =	vor.u32 v17, v18  }
0x550: {  	v18 =	vperm.xlane v17, v2;
	_ =	sdelay $0x1  }
0x551: {  	v19 =	vperm.xlane v17, v1;
	v18 =	vadd.s32 v3, v18;
	_ =	sdelay $0x1  }
0x552: {  	v57 =	vperm.xlane v17, v4;
	v19 =	vadd.s32 v3, v19;
	_ =	sdelay $0x1  }
0x553: {  	v58 =	vperm.xlane v17, v5;
	v20 =	vadd.s32 v3, v57  }
0x554: {  	[tilespmem:s5], [sflag:$0x1] =	stream.indirect_vreg.gather [hbm4b:s10+s4], $0x80, v18, vm0, $0xb8;
	[tilespmem:$0x1E080] =	vst v63  }
0x555: {  	v59 =	vperm.xlane v17, v6;
	v18 =	vadd.s32 v3, v58  }
0x556: {  	[tilespmem:s8], [sflag:$0x1] =	stream.indirect_vreg.gather [hbm4b:s10+s4], $0x80, v19, vm0, $0xb8;
	[tilespmem:$0x1E080] =	vst v63  }
0x557: {  	s23 =	simm.s32 $0x3100;
	v60 =	vperm.xlane v17, v7;
	v19 =	vadd.s32 v3, v59  }
0x558: {  	[tilespmem:s23], [sflag:$0x1] =	stream.indirect_vreg.gather [hbm4b:s10+s4], $0x80, v20, vm0, $0xb8;
	[tilespmem:$0x1E080] =	vst v63  }
0x559: {  	v62 =	vperm.xlane v17, v8;
	v61 =	vadd.s32 v3, v60  }
0x55a: {  	[tilespmem:s9], [sflag:$0x1] =	stream.indirect_vreg.gather [hbm4b:s10+s4], $0x80, v18, vm0, $0xb8;
	[tilespmem:$0x1E080] =	vst v63  }
0x55b: {  	v63 =	vperm.xlane v17, v0;
	v18 =	vadd.s32 v3, v62  }
0x55c: {  	[tilespmem:s11], [sflag:$0x1] =	stream.indirect_vreg.gather [hbm4b:s10+s4], $0x80, v19, vm0, $0xb8;
	[tilespmem:$0x1E080] =	vst v63  }
0x55d: {  	s24 =	simm.s32 $0x3280;
	v24 =	vperm.xlane v17, v9;
	v19 =	vadd.s32 v3, v63  }
0x55e: {  	[tilespmem:s24], [sflag:$0x1] =	stream.indirect_vreg.gather [hbm4b:s10+s4], $0x80, v61, vm0, $0xb8;
	[tilespmem:$0x1E080] =	vst v63  }
0x55f: {  	s25 =	simm.s32 $0x3300;
	v26 =	vperm.xlane v17, v10;
	v25 =	vadd.s32 v3, v24  }
0x560: {  	[tilespmem:s25], [sflag:$0x1] =	stream.indirect_vreg.gather [hbm4b:s10+s4], $0x80, v18, vm0, $0xb8;
	[tilespmem:$0x1E080] =	vst v63  }
0x561: {  	s26 =	simm.s32 $0x3380;
	v27 =	vperm.xlane v17, v11;
	v18 =	vadd.s32 v3, v26  }
0x562: {  	[tilespmem:s26], [sflag:$0x1] =	stream.indirect_vreg.gather [hbm4b:s10+s4], $0x80, v19, vm0, $0xb8;
	[tilespmem:$0x1E080] =	vst v63  }
0x563: {  	s1 =	simm.s32 $0x3400;
	v28 =	vperm.xlane v17, v12;
	v19 =	vadd.s32 v3, v27  }
0x564: {  	[tilespmem:s1], [sflag:$0x1] =	stream.indirect_vreg.gather [hbm4b:s10+s4], $0x80, v25, vm0, $0xb8;
	[tilespmem:$0x1E080] =	vst v63  }
0x565: {  	v30 =	vperm.xlane v17, v13;
	v29 =	vadd.s32 v3, v28;
	s5 =	simm.s32 $0x3480  }
0x566: {  	[tilespmem:s5], [sflag:$0x1] =	stream.indirect_vreg.gather [hbm4b:s10+s4], $0x80, v18, vm0, $0xb8;
	[tilespmem:$0x1E080] =	vst v63  }
0x567: {  	s6 =	simm.s32 $0x3500;
	v31 =	vperm.xlane v17, v14;
	v18 =	vadd.s32 v3, v30  }
0x568: {  	[tilespmem:s6], [sflag:$0x1] =	stream.indirect_vreg.gather [hbm4b:s10+s4], $0x80, v19, vm0, $0xb8;
	[tilespmem:$0x1E080] =	vst v63  }
0x569: {  	s7 =	simm.s32 $0x3580;
	v32 =	vperm.xlane v17, v15;
	v19 =	vadd.s32 v3, v31  }
0x56a: {  	[tilespmem:s7], [sflag:$0x1] =	stream.indirect_vreg.gather [hbm4b:s10+s4], $0x80, v29, vm0, $0xb8;
	[tilespmem:$0x1E080] =	vst v63  }
0x56b: {  	v17 =	vperm.xlane v17, v16;
	v33 =	vadd.s32 v3, v32;
	s8 =	simm.s32 $0x3600  }
0x56c: {  	[tilespmem:s8], [sflag:$0x1] =	stream.indirect_vreg.gather [hbm4b:s10+s4], $0x80, v18, vm0, $0xb8;
	[tilespmem:$0x1E080] =	vst v63  }
0x56d: {  	v17 =	vadd.s32 v3, v17;
	s9 =	simm.s32 $0x3680  }
0x56e: {  	[tilespmem:s9], [sflag:$0x1] =	stream.indirect_vreg.gather [hbm4b:s10+s4], $0x80, v19, vm0, $0xb8;
	[tilespmem:$0x1E080] =	vst v63  }
0x56f: {  	s11 =	simm.s32 $0x3700  }
0x570: {  	[tilespmem:s11], [sflag:$0x1] =	stream.indirect_vreg.gather [hbm4b:s10+s4], $0x80, v33, vm0, $0xb8;
	[tilespmem:$0x1E080] =	vst v63  }
0x571: {  	s13 =	simm.s32 $0x3780  }
0x572: {  	[tilespmem:s13], [sflag:$0x1] =	stream.indirect_vreg.gather [hbm4b:s10+s4], $0x80, v17, vm0, $0xb8;
	[tilespmem:$0x1E080] =	vst v63  }
0x573: {  	v17 =	vld [tilespmem:$0x20];
	_ =	sdelay $0x4  }
0x574: {  	v18 =	vshll.u32 v17, $0x1  }
0x575: {  	v17 =	vand.u32 $0x7, v17;
	v18 =	vand.u32 $0xFFFFFFF0, v18  }
0x576: {  	v17 =	vor.u32 v17, v18  }
0x577: {  	v18 =	vperm.xlane v17, v2;
	_ =	sdelay $0x1  }
0x578: {  	v19 =	vperm.xlane v17, v1;
	v18 =	vadd.s32 v3, v18;
	_ =	sdelay $0x1  }
0x579: {  	v34 =	vperm.xlane v17, v4;
	v19 =	vadd.s32 v3, v19;
	_ =	sdelay $0x1  }
0x57a: {  	s14 =	simm.s32 $0x3800;
	v35 =	vperm.xlane v17, v5;
	v20 =	vadd.s32 v3, v34  }
0x57b: {  	[tilespmem:s14], [sflag:$0x1] =	stream.indirect_vreg.gather [hbm4b:s10+s4], $0x80, v18, vm0, $0xb8;
	[tilespmem:$0x1E080] =	vst v63  }
0x57c: {  	s21 =	simm.s32 $0x3880;
	v36 =	vperm.xlane v17, v6;
	v18 =	vadd.s32 v3, v35  }
0x57d: {  	[tilespmem:s21], [sflag:$0x1] =	stream.indirect_vreg.gather [hbm4b:s10+s4], $0x80, v19, vm0, $0xb8;
	[tilespmem:$0x1E080] =	vst v63  }
0x57e: {  	s22 =	simm.s32 $0x3900;
	v37 =	vperm.xlane v17, v7;
	v19 =	vadd.s32 v3, v36  }
0x57f: {  	[tilespmem:s22], [sflag:$0x1] =	stream.indirect_vreg.gather [hbm4b:s10+s4], $0x80, v20, vm0, $0xb8;
	[tilespmem:$0x1E080] =	vst v63  }
0x580: {  	s23 =	simm.s32 $0x3980;
	v39 =	vperm.xlane v17, v8;
	v38 =	vadd.s32 v3, v37  }
0x581: {  	[tilespmem:s23], [sflag:$0x1] =	stream.indirect_vreg.gather [hbm4b:s10+s4], $0x80, v18, vm0, $0xb8;
	[tilespmem:$0x1E080] =	vst v63  }
0x582: {  	s24 =	simm.s32 $0x3A00;
	v40 =	vperm.xlane v17, v0;
	v18 =	vadd.s32 v3, v39  }
0x583: {  	[tilespmem:s24], [sflag:$0x1] =	stream.indirect_vreg.gather [hbm4b:s10+s4], $0x80, v19, vm0, $0xb8;
	[tilespmem:$0x1E080] =	vst v63  }
0x584: {  	s25 =	simm.s32 $0x3A80;
	v41 =	vperm.xlane v17, v9;
	v19 =	vadd.s32 v3, v40  }
0x585: {  	[tilespmem:s25], [sflag:$0x1] =	stream.indirect_vreg.gather [hbm4b:s10+s4], $0x80, v38, vm0, $0xb8;
	[tilespmem:$0x1E080] =	vst v63  }
0x586: {  	s26 =	simm.s32 $0x3B00;
	v43 =	vperm.xlane v17, v10;
	v42 =	vadd.s32 v3, v41  }
0x587: {  	[tilespmem:s26], [sflag:$0x1] =	stream.indirect_vreg.gather [hbm4b:s10+s4], $0x80, v18, vm0, $0xb8;
	[tilespmem:$0x1E080] =	vst v63  }
0x588: {  	s1 =	simm.s32 $0x3B80;
	v44 =	vperm.xlane v17, v11;
	v18 =	vadd.s32 v3, v43  }
0x589: {  	[tilespmem:s1], [sflag:$0x1] =	stream.indirect_vreg.gather [hbm4b:s10+s4], $0x80, v19, vm0, $0xb8;
	[tilespmem:$0x1E080] =	vst v63  }
0x58a: {  	s5 =	simm.s32 $0x3C00;
	v45 =	vperm.xlane v17, v12;
	v19 =	vadd.s32 v3, v44  }
0x58b: {  	[tilespmem:s5], [sflag:$0x1] =	stream.indirect_vreg.gather [hbm4b:s10+s4], $0x80, v42, vm0, $0xb8;
	[tilespmem:$0x1E080] =	vst v63  }
0x58c: {  	s6 =	simm.s32 $0x3C80;
	v47 =	vperm.xlane v17, v13;
	v46 =	vadd.s32 v3, v45  }
0x58d: {  	[tilespmem:s6], [sflag:$0x1] =	stream.indirect_vreg.gather [hbm4b:s10+s4], $0x80, v18, vm0, $0xb8;
	[tilespmem:$0x1E080] =	vst v63  }
0x58e: {  	s7 =	simm.s32 $0x3D00;
	v48 =	vperm.xlane v17, v14;
	v18 =	vadd.s32 v3, v47  }
0x58f: {  	[tilespmem:s7], [sflag:$0x1] =	stream.indirect_vreg.gather [hbm4b:s10+s4], $0x80, v19, vm0, $0xb8;
	[tilespmem:$0x1E080] =	vst v63  }
0x590: {  	s8 =	simm.s32 $0x3D80;
	v49 =	vperm.xlane v17, v15;
	v19 =	vadd.s32 v3, v48  }
0x591: {  	[tilespmem:s8], [sflag:$0x1] =	stream.indirect_vreg.gather [hbm4b:s10+s4], $0x80, v46, vm0, $0xb8;
	[tilespmem:$0x1E080] =	vst v63  }
0x592: {  	s9 =	simm.s32 $0x3E00;
	v17 =	vperm.xlane v17, v16;
	v50 =	vadd.s32 v3, v49  }
0x593: {  	[tilespmem:s9], [sflag:$0x1] =	stream.indirect_vreg.gather [hbm4b:s10+s4], $0x80, v18, vm0, $0xb8;
	[tilespmem:$0x1E080] =	vst v63  }
0x594: {  	s11 =	simm.s32 $0x3E80;
	v17 =	vadd.s32 v3, v17  }
0x595: {  	[tilespmem:s11], [sflag:$0x1] =	stream.indirect_vreg.gather [hbm4b:s10+s4], $0x80, v19, vm0, $0xb8;
	[tilespmem:$0x1E080] =	vst v63  }
0x596: {  	s13 =	simm.s32 $0x3F00  }
0x597: {  	[tilespmem:s13], [sflag:$0x1] =	stream.indirect_vreg.gather [hbm4b:s10+s4], $0x80, v50, vm0, $0xb8;
	[tilespmem:$0x1E080] =	vst v63  }
0x598: {  	s14 =	simm.s32 $0x3F80  }
0x599: {  	[tilespmem:s14], [sflag:$0x1] =	stream.indirect_vreg.gather [hbm4b:s10+s4], $0x80, v17, vm0, $0xb8;
	[tilespmem:$0x1E080] =	vst v63  }
0x59a: {  	v17 =	vld [tilespmem:$0x30];
	_ =	sdelay $0x4  }
0x59b: {  	v18 =	vshll.u32 v17, $0x1  }
0x59c: {  	v17 =	vand.u32 $0x7, v17;
	v18 =	vand.u32 $0xFFFFFFF0, v18  }
0x59d: {  	v17 =	vor.u32 v17, v18  }
0x59e: {  	v18 =	vperm.xlane v17, v2;
	_ =	sdelay $0x1  }
0x59f: {  	v19 =	vperm.xlane v17, v1;
	v18 =	vadd.s32 v3, v18;
	_ =	sdelay $0x1  }
0x5a0: {  	v51 =	vperm.xlane v17, v4;
	v19 =	vadd.s32 v3, v19;
	_ =	sdelay $0x1  }
0x5a1: {  	s21 =	simm.s32 $0x4000;
	v52 =	vperm.xlane v17, v5;
	v20 =	vadd.s32 v3, v51  }
0x5a2: {  	[tilespmem:s21], [sflag:$0x1] =	stream.indirect_vreg.gather [hbm4b:s10+s4], $0x80, v18, vm0, $0xb8;
	[tilespmem:$0x1E080] =	vst v63  }
0x5a3: {  	s22 =	simm.s32 $0x4080;
	v53 =	vperm.xlane v17, v6;
	v18 =	vadd.s32 v3, v52  }
0x5a4: {  	[tilespmem:s22], [sflag:$0x1] =	stream.indirect_vreg.gather [hbm4b:s10+s4], $0x80, v19, vm0, $0xb8;
	[tilespmem:$0x1E080] =	vst v63  }
0x5a5: {  	s23 =	simm.s32 $0x4100;
	v54 =	vperm.xlane v17, v7;
	v19 =	vadd.s32 v3, v53  }
0x5a6: {  	[tilespmem:s23], [sflag:$0x1] =	stream.indirect_vreg.gather [hbm4b:s10+s4], $0x80, v20, vm0, $0xb8;
	[tilespmem:$0x1E080] =	vst v63  }
0x5a7: {  	s24 =	simm.s32 $0x4180;
	v56 =	vperm.xlane v17, v8;
	v55 =	vadd.s32 v3, v54  }
0x5a8: {  	[tilespmem:s24], [sflag:$0x1] =	stream.indirect_vreg.gather [hbm4b:s10+s4], $0x80, v18, vm0, $0xb8;
	[tilespmem:$0x1E080] =	vst v63  }
0x5a9: {  	s25 =	simm.s32 $0x4200;
	v57 =	vperm.xlane v17, v0;
	v18 =	vadd.s32 v3, v56  }
0x5aa: {  	[tilespmem:s25], [sflag:$0x1] =	stream.indirect_vreg.gather [hbm4b:s10+s4], $0x80, v19, vm0, $0xb8;
	[tilespmem:$0x1E080] =	vst v63  }
0x5ab: {  	s26 =	simm.s32 $0x4280;
	v58 =	vperm.xlane v17, v9;
	v19 =	vadd.s32 v3, v57  }
0x5ac: {  	[tilespmem:s26], [sflag:$0x1] =	stream.indirect_vreg.gather [hbm4b:s10+s4], $0x80, v55, vm0, $0xb8;
	[tilespmem:$0x1E080] =	vst v63  }
0x5ad: {  	s1 =	simm.s32 $0x4300;
	v60 =	vperm.xlane v17, v10;
	v59 =	vadd.s32 v3, v58  }
0x5ae: {  	[tilespmem:s1], [sflag:$0x1] =	stream.indirect_vreg.gather [hbm4b:s10+s4], $0x80, v18, vm0, $0xb8;
	[tilespmem:$0x1E080] =	vst v63  }
0x5af: {  	s5 =	simm.s32 $0x4380;
	v61 =	vperm.xlane v17, v11;
	v18 =	vadd.s32 v3, v60  }
0x5b0: {  	[tilespmem:s5], [sflag:$0x1] =	stream.indirect_vreg.gather [hbm4b:s10+s4], $0x80, v19, vm0, $0xb8;
	[tilespmem:$0x1E080] =	vst v63  }
0x5b1: {  	s6 =	simm.s32 $0x4400;
	v62 =	vperm.xlane v17, v12;
	v19 =	vadd.s32 v3, v61  }
0x5b2: {  	[tilespmem:s6], [sflag:$0x1] =	stream.indirect_vreg.gather [hbm4b:s10+s4], $0x80, v59, vm0, $0xb8;
	[tilespmem:$0x1E080] =	vst v63  }
0x5b3: {  	s7 =	simm.s32 $0x4480;
	v24 =	vperm.xlane v17, v13;
	v63 =	vadd.s32 v3, v62  }
0x5b4: {  	[tilespmem:s7], [sflag:$0x1] =	stream.indirect_vreg.gather [hbm4b:s10+s4], $0x80, v18, vm0, $0xb8;
	[tilespmem:$0x1E080] =	vst v63  }
0x5b5: {  	s8 =	simm.s32 $0x4500;
	v25 =	vperm.xlane v17, v14;
	v18 =	vadd.s32 v3, v24  }
0x5b6: {  	[tilespmem:s8], [sflag:$0x1] =	stream.indirect_vreg.gather [hbm4b:s10+s4], $0x80, v19, vm0, $0xb8;
	[tilespmem:$0x1E080] =	vst v63  }
0x5b7: {  	s9 =	simm.s32 $0x4580;
	v26 =	vperm.xlane v17, v15;
	v19 =	vadd.s32 v3, v25  }
0x5b8: {  	[tilespmem:s9], [sflag:$0x1] =	stream.indirect_vreg.gather [hbm4b:s10+s4], $0x80, v63, vm0, $0xb8;
	[tilespmem:$0x1E080] =	vst v63  }
0x5b9: {  	s11 =	simm.s32 $0x4600;
	v17 =	vperm.xlane v17, v16;
	v27 =	vadd.s32 v3, v26  }
0x5ba: {  	[tilespmem:s11], [sflag:$0x1] =	stream.indirect_vreg.gather [hbm4b:s10+s4], $0x80, v18, vm0, $0xb8;
	[tilespmem:$0x1E080] =	vst v63  }
0x5bb: {  	s13 =	simm.s32 $0x4680;
	v17 =	vadd.s32 v3, v17  }
0x5bc: {  	[tilespmem:s13], [sflag:$0x1] =	stream.indirect_vreg.gather [hbm4b:s10+s4], $0x80, v19, vm0, $0xb8;
	[tilespmem:$0x1E080] =	vst v63  }
0x5bd: {  	s14 =	simm.s32 $0x4700  }
0x5be: {  	[tilespmem:s14], [sflag:$0x1] =	stream.indirect_vreg.gather [hbm4b:s10+s4], $0x80, v27, vm0, $0xb8;
	[tilespmem:$0x1E080] =	vst v63  }
0x5bf: {  	s21 =	simm.s32 $0x4780  }
0x5c0: {  	[tilespmem:s21], [sflag:$0x1] =	stream.indirect_vreg.gather [hbm4b:s10+s4], $0x80, v17, vm0, $0xb8;
	[tilespmem:$0x1E080] =	vst v63  }
0x5c1: {  	v17 =	vld [tilespmem:$0x40];
	_ =	sdelay $0x4  }
0x5c2: {  	v18 =	vshll.u32 v17, $0x1  }
0x5c3: {  	v17 =	vand.u32 $0x7, v17;
	v18 =	vand.u32 $0xFFFFFFF0, v18  }
0x5c4: {  	v17 =	vor.u32 v17, v18  }
0x5c5: {  	v18 =	vperm.xlane v17, v2;
	_ =	sdelay $0x1  }
0x5c6: {  	v19 =	vperm.xlane v17, v1;
	v18 =	vadd.s32 v3, v18;
	_ =	sdelay $0x1  }
0x5c7: {  	v28 =	vperm.xlane v17, v4;
	v19 =	vadd.s32 v3, v19;
	_ =	sdelay $0x1  }
0x5c8: {  	s22 =	simm.s32 $0x4800;
	v29 =	vperm.xlane v17, v5;
	v20 =	vadd.s32 v3, v28  }
0x5c9: {  	[tilespmem:s22], [sflag:$0x1] =	stream.indirect_vreg.gather [hbm4b:s10+s4], $0x80, v18, vm0, $0xb8;
	[tilespmem:$0x1E080] =	vst v63  }
0x5ca: {  	s23 =	simm.s32 $0x4880;
	v30 =	vperm.xlane v17, v6;
	v18 =	vadd.s32 v3, v29  }
0x5cb: {  	[tilespmem:s23], [sflag:$0x1] =	stream.indirect_vreg.gather [hbm4b:s10+s4], $0x80, v19, vm0, $0xb8;
	[tilespmem:$0x1E080] =	vst v63  }
0x5cc: {  	s24 =	simm.s32 $0x4900;
	v31 =	vperm.xlane v17, v7;
	v19 =	vadd.s32 v3, v30  }
0x5cd: {  	[tilespmem:s24], [sflag:$0x1] =	stream.indirect_vreg.gather [hbm4b:s10+s4], $0x80, v20, vm0, $0xb8;
	[tilespmem:$0x1E080] =	vst v63  }
0x5ce: {  	s25 =	simm.s32 $0x4980;
	v33 =	vperm.xlane v17, v8;
	v32 =	vadd.s32 v3, v31  }
0x5cf: {  	[tilespmem:s25], [sflag:$0x1] =	stream.indirect_vreg.gather [hbm4b:s10+s4], $0x80, v18, vm0, $0xb8;
	[tilespmem:$0x1E080] =	vst v63  }
0x5d0: {  	s26 =	simm.s32 $0x4A00;
	v34 =	vperm.xlane v17, v0;
	v18 =	vadd.s32 v3, v33  }
0x5d1: {  	[tilespmem:s26], [sflag:$0x1] =	stream.indirect_vreg.gather [hbm4b:s10+s4], $0x80, v19, vm0, $0xb8;
	[tilespmem:$0x1E080] =	vst v63  }
0x5d2: {  	s1 =	simm.s32 $0x4A80;
	v35 =	vperm.xlane v17, v9;
	v19 =	vadd.s32 v3, v34  }
0x5d3: {  	[tilespmem:s1], [sflag:$0x1] =	stream.indirect_vreg.gather [hbm4b:s10+s4], $0x80, v32, vm0, $0xb8;
	[tilespmem:$0x1E080] =	vst v63  }
0x5d4: {  	s5 =	simm.s32 $0x4B00;
	v37 =	vperm.xlane v17, v10;
	v36 =	vadd.s32 v3, v35  }
0x5d5: {  	[tilespmem:s5], [sflag:$0x1] =	stream.indirect_vreg.gather [hbm4b:s10+s4], $0x80, v18, vm0, $0xb8;
	[tilespmem:$0x1E080] =	vst v63  }
0x5d6: {  	s6 =	simm.s32 $0x4B80;
	v38 =	vperm.xlane v17, v11;
	v18 =	vadd.s32 v3, v37  }
0x5d7: {  	[tilespmem:s6], [sflag:$0x1] =	stream.indirect_vreg.gather [hbm4b:s10+s4], $0x80, v19, vm0, $0xb8;
	[tilespmem:$0x1E080] =	vst v63  }
0x5d8: {  	s7 =	simm.s32 $0x4C00;
	v39 =	vperm.xlane v17, v12;
	v19 =	vadd.s32 v3, v38  }
0x5d9: {  	[tilespmem:s7], [sflag:$0x1] =	stream.indirect_vreg.gather [hbm4b:s10+s4], $0x80, v36, vm0, $0xb8;
	[tilespmem:$0x1E080] =	vst v63  }
0x5da: {  	s8 =	simm.s32 $0x4C80;
	v41 =	vperm.xlane v17, v13;
	v40 =	vadd.s32 v3, v39  }
0x5db: {  	[tilespmem:s8], [sflag:$0x1] =	stream.indirect_vreg.gather [hbm4b:s10+s4], $0x80, v18, vm0, $0xb8;
	[tilespmem:$0x1E080] =	vst v63  }
0x5dc: {  	s9 =	simm.s32 $0x4D00;
	v42 =	vperm.xlane v17, v14;
	v18 =	vadd.s32 v3, v41  }
0x5dd: {  	[tilespmem:s9], [sflag:$0x1] =	stream.indirect_vreg.gather [hbm4b:s10+s4], $0x80, v19, vm0, $0xb8;
	[tilespmem:$0x1E080] =	vst v63  }
0x5de: {  	s11 =	simm.s32 $0x4D80;
	v43 =	vperm.xlane v17, v15;
	v19 =	vadd.s32 v3, v42  }
0x5df: {  	[tilespmem:s11], [sflag:$0x1] =	stream.indirect_vreg.gather [hbm4b:s10+s4], $0x80, v40, vm0, $0xb8;
	[tilespmem:$0x1E080] =	vst v63  }
0x5e0: {  	s13 =	simm.s32 $0x4E00;
	v17 =	vperm.xlane v17, v16;
	v44 =	vadd.s32 v3, v43  }
0x5e1: {  	[tilespmem:s13], [sflag:$0x1] =	stream.indirect_vreg.gather [hbm4b:s10+s4], $0x80, v18, vm0, $0xb8;
	[tilespmem:$0x1E080] =	vst v63  }
0x5e2: {  	s14 =	simm.s32 $0x4E80;
	v17 =	vadd.s32 v3, v17  }
0x5e3: {  	[tilespmem:s14], [sflag:$0x1] =	stream.indirect_vreg.gather [hbm4b:s10+s4], $0x80, v19, vm0, $0xb8;
	[tilespmem:$0x1E080] =	vst v63  }
0x5e4: {  	s21 =	simm.s32 $0x4F00  }
0x5e5: {  	[tilespmem:s21], [sflag:$0x1] =	stream.indirect_vreg.gather [hbm4b:s10+s4], $0x80, v44, vm0, $0xb8;
	[tilespmem:$0x1E080] =	vst v63  }
0x5e6: {  	s22 =	simm.s32 $0x4F80  }
0x5e7: {  	[tilespmem:s22], [sflag:$0x1] =	stream.indirect_vreg.gather [hbm4b:s10+s4], $0x80, v17, vm0, $0xb8;
	[tilespmem:$0x1E080] =	vst v63  }
0x5e8: {  	v17 =	vld [tilespmem:$0x50];
	_ =	sdelay $0x4  }
0x5e9: {  	v18 =	vshll.u32 v17, $0x1  }
0x5ea: {  	v17 =	vand.u32 $0x7, v17;
	v18 =	vand.u32 $0xFFFFFFF0, v18  }
0x5eb: {  	v17 =	vor.u32 v17, v18  }
0x5ec: {  	v18 =	vperm.xlane v17, v2;
	_ =	sdelay $0x1  }
0x5ed: {  	v19 =	vperm.xlane v17, v1;
	v18 =	vadd.s32 v3, v18;
	_ =	sdelay $0x1  }
0x5ee: {  	v45 =	vperm.xlane v17, v4;
	v19 =	vadd.s32 v3, v19;
	_ =	sdelay $0x1  }
0x5ef: {  	s23 =	simm.s32 $0x5000;
	v46 =	vperm.xlane v17, v5;
	v20 =	vadd.s32 v3, v45  }
0x5f0: {  	[tilespmem:s23], [sflag:$0x1] =	stream.indirect_vreg.gather [hbm4b:s10+s4], $0x80, v18, vm0, $0xb8;
	[tilespmem:$0x1E080] =	vst v63  }
0x5f1: {  	s24 =	simm.s32 $0x5080;
	v47 =	vperm.xlane v17, v6;
	v18 =	vadd.s32 v3, v46  }
0x5f2: {  	[tilespmem:s24], [sflag:$0x1] =	stream.indirect_vreg.gather [hbm4b:s10+s4], $0x80, v19, vm0, $0xb8;
	[tilespmem:$0x1E080] =	vst v63  }
0x5f3: {  	s25 =	simm.s32 $0x5100;
	v48 =	vperm.xlane v17, v7;
	v19 =	vadd.s32 v3, v47  }
0x5f4: {  	[tilespmem:s25], [sflag:$0x1] =	stream.indirect_vreg.gather [hbm4b:s10+s4], $0x80, v20, vm0, $0xb8;
	[tilespmem:$0x1E080] =	vst v63  }
0x5f5: {  	s26 =	simm.s32 $0x5180;
	v50 =	vperm.xlane v17, v8;
	v49 =	vadd.s32 v3, v48  }
0x5f6: {  	[tilespmem:s26], [sflag:$0x1] =	stream.indirect_vreg.gather [hbm4b:s10+s4], $0x80, v18, vm0, $0xb8;
	[tilespmem:$0x1E080] =	vst v63  }
0x5f7: {  	s1 =	simm.s32 $0x5200;
	v51 =	vperm.xlane v17, v0;
	v18 =	vadd.s32 v3, v50  }
0x5f8: {  	[tilespmem:s1], [sflag:$0x1] =	stream.indirect_vreg.gather [hbm4b:s10+s4], $0x80, v19, vm0, $0xb8;
	[tilespmem:$0x1E080] =	vst v63  }
0x5f9: {  	s5 =	simm.s32 $0x5280;
	v52 =	vperm.xlane v17, v9;
	v19 =	vadd.s32 v3, v51  }
0x5fa: {  	[tilespmem:s5], [sflag:$0x1] =	stream.indirect_vreg.gather [hbm4b:s10+s4], $0x80, v49, vm0, $0xb8;
	[tilespmem:$0x1E080] =	vst v63  }
0x5fb: {  	s6 =	simm.s32 $0x5300;
	v54 =	vperm.xlane v17, v10;
	v53 =	vadd.s32 v3, v52  }
0x5fc: {  	[tilespmem:s6], [sflag:$0x1] =	stream.indirect_vreg.gather [hbm4b:s10+s4], $0x80, v18, vm0, $0xb8;
	[tilespmem:$0x1E080] =	vst v63  }
0x5fd: {  	s7 =	simm.s32 $0x5380;
	v55 =	vperm.xlane v17, v11;
	v18 =	vadd.s32 v3, v54  }
0x5fe: {  	[tilespmem:s7], [sflag:$0x1] =	stream.indirect_vreg.gather [hbm4b:s10+s4], $0x80, v19, vm0, $0xb8;
	[tilespmem:$0x1E080] =	vst v63  }
0x5ff: {  	s8 =	simm.s32 $0x5400;
	v56 =	vperm.xlane v17, v12;
	v19 =	vadd.s32 v3, v55  }
0x600: {  	[tilespmem:s8], [sflag:$0x1] =	stream.indirect_vreg.gather [hbm4b:s10+s4], $0x80, v53, vm0, $0xb8;
	[tilespmem:$0x1E080] =	vst v63  }
0x601: {  	s9 =	simm.s32 $0x5480;
	v58 =	vperm.xlane v17, v13;
	v57 =	vadd.s32 v3, v56  }
0x602: {  	[tilespmem:s9], [sflag:$0x1] =	stream.indirect_vreg.gather [hbm4b:s10+s4], $0x80, v18, vm0, $0xb8;
	[tilespmem:$0x1E080] =	vst v63  }
0x603: {  	s11 =	simm.s32 $0x5500;
	v59 =	vperm.xlane v17, v14;
	v18 =	vadd.s32 v3, v58  }
0x604: {  	[tilespmem:s11], [sflag:$0x1] =	stream.indirect_vreg.gather [hbm4b:s10+s4], $0x80, v19, vm0, $0xb8;
	[tilespmem:$0x1E080] =	vst v63  }
0x605: {  	s13 =	simm.s32 $0x5580;
	v60 =	vperm.xlane v17, v15;
	v19 =	vadd.s32 v3, v59  }
0x606: {  	[tilespmem:s13], [sflag:$0x1] =	stream.indirect_vreg.gather [hbm4b:s10+s4], $0x80, v57, vm0, $0xb8;
	[tilespmem:$0x1E080] =	vst v63  }
0x607: {  	s14 =	simm.s32 $0x5600;
	v17 =	vperm.xlane v17, v16;
	v61 =	vadd.s32 v3, v60  }
0x608: {  	[tilespmem:s14], [sflag:$0x1] =	stream.indirect_vreg.gather [hbm4b:s10+s4], $0x80, v18, vm0, $0xb8;
	[tilespmem:$0x1E080] =	vst v63  }
0x609: {  	s21 =	simm.s32 $0x5680;
	v17 =	vadd.s32 v3, v17  }
0x60a: {  	[tilespmem:s21], [sflag:$0x1] =	stream.indirect_vreg.gather [hbm4b:s10+s4], $0x80, v19, vm0, $0xb8;
	[tilespmem:$0x1E080] =	vst v63  }
0x60b: {  	s22 =	simm.s32 $0x5700  }
0x60c: {  	[tilespmem:s22], [sflag:$0x1] =	stream.indirect_vreg.gather [hbm4b:s10+s4], $0x80, v61, vm0, $0xb8;
	[tilespmem:$0x1E080] =	vst v63  }
0x60d: {  	s23 =	simm.s32 $0x5780  }
0x60e: {  	[tilespmem:s23], [sflag:$0x1] =	stream.indirect_vreg.gather [hbm4b:s10+s4], $0x80, v17, vm0, $0xb8;
	[tilespmem:$0x1E080] =	vst v63  }
0x60f: {  	v17 =	vld [tilespmem:$0x60];
	_ =	sdelay $0x4  }
0x610: {  	v18 =	vshll.u32 v17, $0x1  }
0x611: {  	v17 =	vand.u32 $0x7, v17;
	v18 =	vand.u32 $0xFFFFFFF0, v18  }
0x612: {  	v17 =	vor.u32 v17, v18  }
0x613: {  	v18 =	vperm.xlane v17, v2;
	_ =	sdelay $0x1  }
0x614: {  	v19 =	vperm.xlane v17, v1;
	v18 =	vadd.s32 v3, v18;
	_ =	sdelay $0x1  }
0x615: {  	v62 =	vperm.xlane v17, v4;
	v19 =	vadd.s32 v3, v19;
	_ =	sdelay $0x1  }
0x616: {  	s24 =	simm.s32 $0x5800;
	v63 =	vperm.xlane v17, v5;
	v20 =	vadd.s32 v3, v62  }
0x617: {  	[tilespmem:s24], [sflag:$0x1] =	stream.indirect_vreg.gather [hbm4b:s10+s4], $0x80, v18, vm0, $0xb8;
	[tilespmem:$0x1E080] =	vst v63  }
0x618: {  	s25 =	simm.s32 $0x5880;
	v24 =	vperm.xlane v17, v6;
	v18 =	vadd.s32 v3, v63  }
0x619: {  	[tilespmem:s25], [sflag:$0x1] =	stream.indirect_vreg.gather [hbm4b:s10+s4], $0x80, v19, vm0, $0xb8;
	[tilespmem:$0x1E080] =	vst v63  }
0x61a: {  	s26 =	simm.s32 $0x5900;
	v25 =	vperm.xlane v17, v7;
	v19 =	vadd.s32 v3, v24  }
0x61b: {  	[tilespmem:s26], [sflag:$0x1] =	stream.indirect_vreg.gather [hbm4b:s10+s4], $0x80, v20, vm0, $0xb8;
	[tilespmem:$0x1E080] =	vst v63  }
0x61c: {  	s1 =	simm.s32 $0x5980;
	v27 =	vperm.xlane v17, v8;
	v26 =	vadd.s32 v3, v25  }
0x61d: {  	[tilespmem:s1], [sflag:$0x1] =	stream.indirect_vreg.gather [hbm4b:s10+s4], $0x80, v18, vm0, $0xb8;
	[tilespmem:$0x1E080] =	vst v63  }
0x61e: {  	s5 =	simm.s32 $0x5A00;
	v28 =	vperm.xlane v17, v0;
	v18 =	vadd.s32 v3, v27  }
0x61f: {  	[tilespmem:s5], [sflag:$0x1] =	stream.indirect_vreg.gather [hbm4b:s10+s4], $0x80, v19, vm0, $0xb8;
	[tilespmem:$0x1E080] =	vst v63  }
0x620: {  	s6 =	simm.s32 $0x5A80;
	v29 =	vperm.xlane v17, v9;
	v19 =	vadd.s32 v3, v28  }
0x621: {  	[tilespmem:s6], [sflag:$0x1] =	stream.indirect_vreg.gather [hbm4b:s10+s4], $0x80, v26, vm0, $0xb8;
	[tilespmem:$0x1E080] =	vst v63  }
0x622: {  	s7 =	simm.s32 $0x5B00;
	v31 =	vperm.xlane v17, v10;
	v30 =	vadd.s32 v3, v29  }
0x623: {  	[tilespmem:s7], [sflag:$0x1] =	stream.indirect_vreg.gather [hbm4b:s10+s4], $0x80, v18, vm0, $0xb8;
	[tilespmem:$0x1E080] =	vst v63  }
0x624: {  	s8 =	simm.s32 $0x5B80;
	v32 =	vperm.xlane v17, v11;
	v18 =	vadd.s32 v3, v31  }
0x625: {  	[tilespmem:s8], [sflag:$0x1] =	stream.indirect_vreg.gather [hbm4b:s10+s4], $0x80, v19, vm0, $0xb8;
	[tilespmem:$0x1E080] =	vst v63  }
0x626: {  	s9 =	simm.s32 $0x5C00;
	v33 =	vperm.xlane v17, v12;
	v19 =	vadd.s32 v3, v32  }
0x627: {  	[tilespmem:s9], [sflag:$0x1] =	stream.indirect_vreg.gather [hbm4b:s10+s4], $0x80, v30, vm0, $0xb8;
	[tilespmem:$0x1E080] =	vst v63  }
0x628: {  	s11 =	simm.s32 $0x5C80;
	v35 =	vperm.xlane v17, v13;
	v34 =	vadd.s32 v3, v33  }
0x629: {  	[tilespmem:s11], [sflag:$0x1] =	stream.indirect_vreg.gather [hbm4b:s10+s4], $0x80, v18, vm0, $0xb8;
	[tilespmem:$0x1E080] =	vst v63  }
0x62a: {  	s13 =	simm.s32 $0x5D00;
	v36 =	vperm.xlane v17, v14;
	v18 =	vadd.s32 v3, v35  }
0x62b: {  	[tilespmem:s13], [sflag:$0x1] =	stream.indirect_vreg.gather [hbm4b:s10+s4], $0x80, v19, vm0, $0xb8;
	[tilespmem:$0x1E080] =	vst v63  }
0x62c: {  	s14 =	simm.s32 $0x5D80;
	v37 =	vperm.xlane v17, v15;
	v19 =	vadd.s32 v3, v36  }
0x62d: {  	[tilespmem:s14], [sflag:$0x1] =	stream.indirect_vreg.gather [hbm4b:s10+s4], $0x80, v34, vm0, $0xb8;
	[tilespmem:$0x1E080] =	vst v63  }
0x62e: {  	s21 =	simm.s32 $0x5E00;
	v17 =	vperm.xlane v17, v16;
	v38 =	vadd.s32 v3, v37  }
0x62f: {  	[tilespmem:s21], [sflag:$0x1] =	stream.indirect_vreg.gather [hbm4b:s10+s4], $0x80, v18, vm0, $0xb8;
	[tilespmem:$0x1E080] =	vst v63  }
0x630: {  	s22 =	simm.s32 $0x5E80;
	v17 =	vadd.s32 v3, v17  }
0x631: {  	[tilespmem:s22], [sflag:$0x1] =	stream.indirect_vreg.gather [hbm4b:s10+s4], $0x80, v19, vm0, $0xb8;
	[tilespmem:$0x1E080] =	vst v63  }
0x632: {  	s23 =	simm.s32 $0x5F00  }
0x633: {  	[tilespmem:s23], [sflag:$0x1] =	stream.indirect_vreg.gather [hbm4b:s10+s4], $0x80, v38, vm0, $0xb8;
	[tilespmem:$0x1E080] =	vst v63  }
0x634: {  	s24 =	simm.s32 $0x5F80  }
0x635: {  	[tilespmem:s24], [sflag:$0x1] =	stream.indirect_vreg.gather [hbm4b:s10+s4], $0x80, v17, vm0, $0xb8;
	[tilespmem:$0x1E080] =	vst v63  }
0x636: {  	v17 =	vld.msk [tilespmem:$0x70], $0x1fff;
	_ =	sdelay $0x4  }
0x637: {  	v18 =	vshll.u32 v17, $0x1  }
0x638: {  	v17 =	vand.u32 $0x7, v17;
	v18 =	vand.u32 $0xFFFFFFF0, v18  }
0x639: {  	v17 =	vor.u32 v17, v18  }
0x63a: {  	v18 =	vperm.xlane v17, v2;
	_ =	sdelay $0x1  }
0x63b: {  	v19 =	vperm.xlane v17, v1;
	v18 =	vadd.s32 v3, v18;
	_ =	sdelay $0x1  }
0x63c: {  	v39 =	vperm.xlane v17, v4;
	v19 =	vadd.s32 v3, v19;
	_ =	sdelay $0x1  }
0x63d: {  	s25 =	simm.s32 $0x6000;
	v40 =	vperm.xlane v17, v5;
	v20 =	vadd.s32 v3, v39  }
0x63e: {  	[tilespmem:s25], [sflag:$0x1] =	stream.indirect_vreg.gather [hbm4b:s10+s4], $0x80, v18, vm0, $0xb8;
	[tilespmem:$0x1E080] =	vst v63  }
0x63f: {  	s26 =	simm.s32 $0x6080;
	v41 =	vperm.xlane v17, v6;
	v18 =	vadd.s32 v3, v40  }
0x640: {  	[tilespmem:s26], [sflag:$0x1] =	stream.indirect_vreg.gather [hbm4b:s10+s4], $0x80, v19, vm0, $0xb8;
	[tilespmem:$0x1E080] =	vst v63  }
0x641: {  	s1 =	simm.s32 $0x6100;
	v42 =	vperm.xlane v17, v7;
	v19 =	vadd.s32 v3, v41  }
0x642: {  	[tilespmem:s1], [sflag:$0x1] =	stream.indirect_vreg.gather [hbm4b:s10+s4], $0x80, v20, vm0, $0xb8;
	[tilespmem:$0x1E080] =	vst v63  }
0x643: {  	s5 =	simm.s32 $0x6180;
	v44 =	vperm.xlane v17, v8;
	v43 =	vadd.s32 v3, v42  }
0x644: {  	[tilespmem:s5], [sflag:$0x1] =	stream.indirect_vreg.gather [hbm4b:s10+s4], $0x80, v18, vm0, $0xb8;
	[tilespmem:$0x1E080] =	vst v63  }
0x645: {  	s6 =	simm.s32 $0x6200;
	v45 =	vperm.xlane v17, v0;
	v18 =	vadd.s32 v3, v44  }
0x646: {  	[tilespmem:s6], [sflag:$0x1] =	stream.indirect_vreg.gather [hbm4b:s10+s4], $0x80, v19, vm0, $0xb8;
	[tilespmem:$0x1E080] =	vst v63  }
0x647: {  	s7 =	simm.s32 $0x6280;
	v46 =	vperm.xlane v17, v9;
	v19 =	vadd.s32 v3, v45  }
0x648: {  	[tilespmem:s7], [sflag:$0x1] =	stream.indirect_vreg.gather [hbm4b:s10+s4], $0x80, v43, vm0, $0xb8;
	[tilespmem:$0x1E080] =	vst v63  }
0x649: {  	s8 =	simm.s32 $0x6300;
	v48 =	vperm.xlane v17, v10;
	v47 =	vadd.s32 v3, v46  }
0x64a: {  	[tilespmem:s8], [sflag:$0x1] =	stream.indirect_vreg.gather [hbm4b:s10+s4], $0x80, v18, vm0, $0xb8;
	[tilespmem:$0x1E080] =	vst v63  }
0x64b: {  	s9 =	simm.s32 $0x6380;
	v49 =	vperm.xlane v17, v11;
	v18 =	vadd.s32 v3, v48  }
0x64c: {  	[tilespmem:s9], [sflag:$0x1] =	stream.indirect_vreg.gather [hbm4b:s10+s4], $0x80, v19, vm0, $0xb8;
	[tilespmem:$0x1E080] =	vst v63  }
0x64d: {  	s11 =	simm.s32 $0x6400;
	v50 =	vperm.xlane v17, v12;
	v19 =	vadd.s32 v3, v49  }
0x64e: {  	[tilespmem:s11], [sflag:$0x1] =	stream.indirect_vreg.gather [hbm4b:s10+s4], $0x80, v47, vm0, $0xb8;
	[tilespmem:$0x1E080] =	vst v63  }
0x64f: {  	s13 =	simm.s32 $0x6480;
	v17 =	vperm.xlane v17, v13;
	v51 =	vadd.s32 v3, v50  }
0x650: {  	[tilespmem:s13], [sflag:$0x1] =	stream.indirect_vreg.gather [hbm4b:s10+s4], $0x80, v18, vm0, $0xb8;
	[tilespmem:$0x1E080] =	vst v63  }
0x651: {  	s14 =	simm.s32 $0x6500;
	v17 =	vadd.s32 v3, v17  }
0x652: {  	[tilespmem:s14], [sflag:$0x1] =	stream.indirect_vreg.gather [hbm4b:s10+s4], $0x80, v19, vm0, $0xb8;
	[tilespmem:$0x1E080] =	vst v63  }
0x653: {  	s21 =	simm.s32 $0x6580  }
0x654: {  	[tilespmem:s21], [sflag:$0x1] =	stream.indirect_vreg.gather [hbm4b:s10+s4], $0x80, v51, vm0, $0xb8;
	[tilespmem:$0x1E080] =	vst v63  }
0x655: {  	s22 =	simm.s32 $0x6600  }
0x656: {  	[tilespmem:s22], [sflag:$0x1] =	stream.indirect_vreg.gather [hbm4b:s10+s4], $0x80, v17, vm0, $0xb8;
	[tilespmem:$0x1E080] =	vst v63  }
0x657: {  	v17 =	vld [tilespmem:$0x80];
	_ =	sdelay $0x4  }
0x658: {  	v18 =	vshll.u32 v17, $0x1  }
0x659: {  	v17 =	vand.u32 $0x7, v17;
	v18 =	vand.u32 $0xFFFFFFF0, v18  }
0x65a: {  	v17 =	vor.u32 v17, v18  }
0x65b: {  	v18 =	vperm.xlane v17, v2;
	_ =	sdelay $0x1  }
0x65c: {  	v19 =	vperm.xlane v17, v1;
	v18 =	vadd.s32 v3, v18;
	_ =	sdelay $0x1  }
0x65d: {  	v52 =	vperm.xlane v17, v4;
	v19 =	vadd.s32 v3, v19;
	_ =	sdelay $0x1  }
0x65e: {  	v53 =	vperm.xlane v17, v5;
	v20 =	vadd.s32 v3, v52  }
0x65f: {  	[tilespmem:s15], [sflag:$0x2] =	stream.indirect_vreg.gather [hbm4b:s10+s4], $0x80, v18, vm0, $0xb8;
	[tilespmem:$0x1E080] =	vst v63  }
0x660: {  	s23 =	simm.s32 $0x6880;
	v54 =	vperm.xlane v17, v6;
	v18 =	vadd.s32 v3, v53  }
0x661: {  	[tilespmem:s23], [sflag:$0x2] =	stream.indirect_vreg.gather [hbm4b:s10+s4], $0x80, v19, vm0, $0xb8;
	[tilespmem:$0x1E080] =	vst v63  }
0x662: {  	s24 =	simm.s32 $0x6900;
	v55 =	vperm.xlane v17, v7;
	v19 =	vadd.s32 v3, v54  }
0x663: {  	[tilespmem:s24], [sflag:$0x2] =	stream.indirect_vreg.gather [hbm4b:s10+s4], $0x80, v20, vm0, $0xb8;
	[tilespmem:$0x1E080] =	vst v63  }
0x664: {  	s25 =	simm.s32 $0x6980;
	v57 =	vperm.xlane v17, v8;
	v56 =	vadd.s32 v3, v55  }
0x665: {  	[tilespmem:s25], [sflag:$0x2] =	stream.indirect_vreg.gather [hbm4b:s10+s4], $0x80, v18, vm0, $0xb8;
	[tilespmem:$0x1E080] =	vst v63  }
0x666: {  	s26 =	simm.s32 $0x6A00;
	v58 =	vperm.xlane v17, v0;
	v18 =	vadd.s32 v3, v57  }
0x667: {  	[tilespmem:s26], [sflag:$0x2] =	stream.indirect_vreg.gather [hbm4b:s10+s4], $0x80, v19, vm0, $0xb8;
	[tilespmem:$0x1E080] =	vst v63  }
0x668: {  	s1 =	simm.s32 $0x6A80;
	v59 =	vperm.xlane v17, v9;
	v19 =	vadd.s32 v3, v58  }
0x669: {  	[tilespmem:s1], [sflag:$0x2] =	stream.indirect_vreg.gather [hbm4b:s10+s4], $0x80, v56, vm0, $0xb8;
	[tilespmem:$0x1E080] =	vst v63  }
0x66a: {  	s5 =	simm.s32 $0x6B00;
	v61 =	vperm.xlane v17, v10;
	v60 =	vadd.s32 v3, v59  }
0x66b: {  	[tilespmem:s5], [sflag:$0x2] =	stream.indirect_vreg.gather [hbm4b:s10+s4], $0x80, v18, vm0, $0xb8;
	[tilespmem:$0x1E080] =	vst v63  }
0x66c: {  	s6 =	simm.s32 $0x6B80;
	v62 =	vperm.xlane v17, v11;
	v18 =	vadd.s32 v3, v61  }
0x66d: {  	[tilespmem:s6], [sflag:$0x2] =	stream.indirect_vreg.gather [hbm4b:s10+s4], $0x80, v19, vm0, $0xb8;
	[tilespmem:$0x1E080] =	vst v63  }
0x66e: {  	s7 =	simm.s32 $0x6C00;
	v63 =	vperm.xlane v17, v12;
	v19 =	vadd.s32 v3, v62  }
0x66f: {  	[tilespmem:s7], [sflag:$0x2] =	stream.indirect_vreg.gather [hbm4b:s10+s4], $0x80, v60, vm0, $0xb8;
	[tilespmem:$0x1E080] =	vst v63  }
0x670: {  	s8 =	simm.s32 $0x6C80;
	v25 =	vperm.xlane v17, v13;
	v24 =	vadd.s32 v3, v63  }
0x671: {  	[tilespmem:s8], [sflag:$0x2] =	stream.indirect_vreg.gather [hbm4b:s10+s4], $0x80, v18, vm0, $0xb8;
	[tilespmem:$0x1E080] =	vst v63  }
0x672: {  	s9 =	simm.s32 $0x6D00;
	v26 =	vperm.xlane v17, v14;
	v18 =	vadd.s32 v3, v25  }
0x673: {  	[tilespmem:s9], [sflag:$0x2] =	stream.indirect_vreg.gather [hbm4b:s10+s4], $0x80, v19, vm0, $0xb8;
	[tilespmem:$0x1E080] =	vst v63  }
0x674: {  	s11 =	simm.s32 $0x6D80;
	v27 =	vperm.xlane v17, v15;
	v19 =	vadd.s32 v3, v26  }
0x675: {  	[tilespmem:s11], [sflag:$0x2] =	stream.indirect_vreg.gather [hbm4b:s10+s4], $0x80, v24, vm0, $0xb8;
	[tilespmem:$0x1E080] =	vst v63  }
0x676: {  	s13 =	simm.s32 $0x6E00;
	v17 =	vperm.xlane v17, v16;
	v28 =	vadd.s32 v3, v27  }
0x677: {  	[tilespmem:s13], [sflag:$0x2] =	stream.indirect_vreg.gather [hbm4b:s10+s4], $0x80, v18, vm0, $0xb8;
	[tilespmem:$0x1E080] =	vst v63  }
0x678: {  	s14 =	simm.s32 $0x6E80;
	v17 =	vadd.s32 v3, v17  }
0x679: {  	[tilespmem:s14], [sflag:$0x2] =	stream.indirect_vreg.gather [hbm4b:s10+s4], $0x80, v19, vm0, $0xb8;
	[tilespmem:$0x1E080] =	vst v63  }
0x67a: {  	s21 =	simm.s32 $0x6F00  }
0x67b: {  	[tilespmem:s21], [sflag:$0x2] =	stream.indirect_vreg.gather [hbm4b:s10+s4], $0x80, v28, vm0, $0xb8;
	[tilespmem:$0x1E080] =	vst v63  }
0x67c: {  	s22 =	simm.s32 $0x6F80  }
0x67d: {  	[tilespmem:s22], [sflag:$0x2] =	stream.indirect_vreg.gather [hbm4b:s10+s4], $0x80, v17, vm0, $0xb8;
	[tilespmem:$0x1E080] =	vst v63  }
0x67e: {  	v17 =	vld [tilespmem:$0x90];
	_ =	sdelay $0x4  }
0x67f: {  	v18 =	vshll.u32 v17, $0x1  }
0x680: {  	v17 =	vand.u32 $0x7, v17;
	v18 =	vand.u32 $0xFFFFFFF0, v18  }
0x681: {  	v17 =	vor.u32 v17, v18  }
0x682: {  	v18 =	vperm.xlane v17, v2;
	_ =	sdelay $0x1  }
0x683: {  	v19 =	vperm.xlane v17, v1;
	v18 =	vadd.s32 v3, v18;
	_ =	sdelay $0x1  }
0x684: {  	v29 =	vperm.xlane v17, v4;
	v19 =	vadd.s32 v3, v19;
	_ =	sdelay $0x1  }
0x685: {  	s23 =	simm.s32 $0x7000;
	v30 =	vperm.xlane v17, v5;
	v20 =	vadd.s32 v3, v29  }
0x686: {  	[tilespmem:s23], [sflag:$0x2] =	stream.indirect_vreg.gather [hbm4b:s10+s4], $0x80, v18, vm0, $0xb8;
	[tilespmem:$0x1E080] =	vst v63  }
0x687: {  	s24 =	simm.s32 $0x7080;
	v31 =	vperm.xlane v17, v6;
	v18 =	vadd.s32 v3, v30  }
0x688: {  	[tilespmem:s24], [sflag:$0x2] =	stream.indirect_vreg.gather [hbm4b:s10+s4], $0x80, v19, vm0, $0xb8;
	[tilespmem:$0x1E080] =	vst v63  }
0x689: {  	s25 =	simm.s32 $0x7100;
	v32 =	vperm.xlane v17, v7;
	v19 =	vadd.s32 v3, v31  }
0x68a: {  	[tilespmem:s25], [sflag:$0x2] =	stream.indirect_vreg.gather [hbm4b:s10+s4], $0x80, v20, vm0, $0xb8;
	[tilespmem:$0x1E080] =	vst v63  }
0x68b: {  	s26 =	simm.s32 $0x7180;
	v34 =	vperm.xlane v17, v8;
	v33 =	vadd.s32 v3, v32  }
0x68c: {  	[tilespmem:s26], [sflag:$0x2] =	stream.indirect_vreg.gather [hbm4b:s10+s4], $0x80, v18, vm0, $0xb8;
	[tilespmem:$0x1E080] =	vst v63  }
0x68d: {  	s1 =	simm.s32 $0x7200;
	v35 =	vperm.xlane v17, v0;
	v18 =	vadd.s32 v3, v34  }
0x68e: {  	[tilespmem:s1], [sflag:$0x2] =	stream.indirect_vreg.gather [hbm4b:s10+s4], $0x80, v19, vm0, $0xb8;
	[tilespmem:$0x1E080] =	vst v63  }
0x68f: {  	s5 =	simm.s32 $0x7280;
	v36 =	vperm.xlane v17, v9;
	v19 =	vadd.s32 v3, v35  }
0x690: {  	[tilespmem:s5], [sflag:$0x2] =	stream.indirect_vreg.gather [hbm4b:s10+s4], $0x80, v33, vm0, $0xb8;
	[tilespmem:$0x1E080] =	vst v63  }
0x691: {  	s6 =	simm.s32 $0x7300;
	v38 =	vperm.xlane v17, v10;
	v37 =	vadd.s32 v3, v36  }
0x692: {  	[tilespmem:s6], [sflag:$0x2] =	stream.indirect_vreg.gather [hbm4b:s10+s4], $0x80, v18, vm0, $0xb8;
	[tilespmem:$0x1E080] =	vst v63  }
0x693: {  	s7 =	simm.s32 $0x7380;
	v39 =	vperm.xlane v17, v11;
	v18 =	vadd.s32 v3, v38  }
0x694: {  	[tilespmem:s7], [sflag:$0x2] =	stream.indirect_vreg.gather [hbm4b:s10+s4], $0x80, v19, vm0, $0xb8;
	[tilespmem:$0x1E080] =	vst v63  }
0x695: {  	s8 =	simm.s32 $0x7400;
	v40 =	vperm.xlane v17, v12;
	v19 =	vadd.s32 v3, v39  }
0x696: {  	[tilespmem:s8], [sflag:$0x2] =	stream.indirect_vreg.gather [hbm4b:s10+s4], $0x80, v37, vm0, $0xb8;
	[tilespmem:$0x1E080] =	vst v63  }
0x697: {  	s9 =	simm.s32 $0x7480;
	v42 =	vperm.xlane v17, v13;
	v41 =	vadd.s32 v3, v40  }
0x698: {  	[tilespmem:s9], [sflag:$0x2] =	stream.indirect_vreg.gather [hbm4b:s10+s4], $0x80, v18, vm0, $0xb8;
	[tilespmem:$0x1E080] =	vst v63  }
0x699: {  	s11 =	simm.s32 $0x7500;
	v43 =	vperm.xlane v17, v14;
	v18 =	vadd.s32 v3, v42  }
0x69a: {  	[tilespmem:s11], [sflag:$0x2] =	stream.indirect_vreg.gather [hbm4b:s10+s4], $0x80, v19, vm0, $0xb8;
	[tilespmem:$0x1E080] =	vst v63  }
0x69b: {  	s13 =	simm.s32 $0x7580;
	v44 =	vperm.xlane v17, v15;
	v19 =	vadd.s32 v3, v43  }
0x69c: {  	[tilespmem:s13], [sflag:$0x2] =	stream.indirect_vreg.gather [hbm4b:s10+s4], $0x80, v41, vm0, $0xb8;
	[tilespmem:$0x1E080] =	vst v63  }
0x69d: {  	s14 =	simm.s32 $0x7600;
	v17 =	vperm.xlane v17, v16;
	v45 =	vadd.s32 v3, v44  }
0x69e: {  	[tilespmem:s14], [sflag:$0x2] =	stream.indirect_vreg.gather [hbm4b:s10+s4], $0x80, v18, vm0, $0xb8;
	[tilespmem:$0x1E080] =	vst v63  }
0x69f: {  	s21 =	simm.s32 $0x7680;
	v17 =	vadd.s32 v3, v17  }
0x6a0: {  	[tilespmem:s21], [sflag:$0x2] =	stream.indirect_vreg.gather [hbm4b:s10+s4], $0x80, v19, vm0, $0xb8;
	[tilespmem:$0x1E080] =	vst v63  }
0x6a1: {  	s22 =	simm.s32 $0x7700  }
0x6a2: {  	[tilespmem:s22], [sflag:$0x2] =	stream.indirect_vreg.gather [hbm4b:s10+s4], $0x80, v45, vm0, $0xb8;
	[tilespmem:$0x1E080] =	vst v63  }
0x6a3: {  	s23 =	simm.s32 $0x7780  }
0x6a4: {  	[tilespmem:s23], [sflag:$0x2] =	stream.indirect_vreg.gather [hbm4b:s10+s4], $0x80, v17, vm0, $0xb8;
	[tilespmem:$0x1E080] =	vst v63  }
0x6a5: {  	v17 =	vld [tilespmem:$0xA0];
	_ =	sdelay $0x4  }
0x6a6: {  	v18 =	vshll.u32 v17, $0x1  }
0x6a7: {  	v17 =	vand.u32 $0x7, v17;
	v18 =	vand.u32 $0xFFFFFFF0, v18  }
0x6a8: {  	v17 =	vor.u32 v17, v18  }
0x6a9: {  	v18 =	vperm.xlane v17, v2;
	_ =	sdelay $0x1  }
0x6aa: {  	v19 =	vperm.xlane v17, v1;
	v18 =	vadd.s32 v3, v18;
	_ =	sdelay $0x1  }
0x6ab: {  	v46 =	vperm.xlane v17, v4;
	v19 =	vadd.s32 v3, v19;
	_ =	sdelay $0x1  }
0x6ac: {  	s24 =	simm.s32 $0x7800;
	v47 =	vperm.xlane v17, v5;
	v20 =	vadd.s32 v3, v46  }
0x6ad: {  	[tilespmem:s24], [sflag:$0x2] =	stream.indirect_vreg.gather [hbm4b:s10+s4], $0x80, v18, vm0, $0xb8;
	[tilespmem:$0x1E080] =	vst v63  }
0x6ae: {  	s25 =	simm.s32 $0x7880;
	v48 =	vperm.xlane v17, v6;
	v18 =	vadd.s32 v3, v47  }
0x6af: {  	[tilespmem:s25], [sflag:$0x2] =	stream.indirect_vreg.gather [hbm4b:s10+s4], $0x80, v19, vm0, $0xb8;
	[tilespmem:$0x1E080] =	vst v63  }
0x6b0: {  	s26 =	simm.s32 $0x7900;
	v49 =	vperm.xlane v17, v7;
	v19 =	vadd.s32 v3, v48  }
0x6b1: {  	[tilespmem:s26], [sflag:$0x2] =	stream.indirect_vreg.gather [hbm4b:s10+s4], $0x80, v20, vm0, $0xb8;
	[tilespmem:$0x1E080] =	vst v63  }
0x6b2: {  	s1 =	simm.s32 $0x7980;
	v51 =	vperm.xlane v17, v8;
	v50 =	vadd.s32 v3, v49  }
0x6b3: {  	[tilespmem:s1], [sflag:$0x2] =	stream.indirect_vreg.gather [hbm4b:s10+s4], $0x80, v18, vm0, $0xb8;
	[tilespmem:$0x1E080] =	vst v63  }
0x6b4: {  	s5 =	simm.s32 $0x7A00;
	v52 =	vperm.xlane v17, v0;
	v18 =	vadd.s32 v3, v51  }
0x6b5: {  	[tilespmem:s5], [sflag:$0x2] =	stream.indirect_vreg.gather [hbm4b:s10+s4], $0x80, v19, vm0, $0xb8;
	[tilespmem:$0x1E080] =	vst v63  }
0x6b6: {  	s6 =	simm.s32 $0x7A80;
	v53 =	vperm.xlane v17, v9;
	v19 =	vadd.s32 v3, v52  }
0x6b7: {  	[tilespmem:s6], [sflag:$0x2] =	stream.indirect_vreg.gather [hbm4b:s10+s4], $0x80, v50, vm0, $0xb8;
	[tilespmem:$0x1E080] =	vst v63  }
0x6b8: {  	s7 =	simm.s32 $0x7B00;
	v55 =	vperm.xlane v17, v10;
	v54 =	vadd.s32 v3, v53  }
0x6b9: {  	[tilespmem:s7], [sflag:$0x2] =	stream.indirect_vreg.gather [hbm4b:s10+s4], $0x80, v18, vm0, $0xb8;
	[tilespmem:$0x1E080] =	vst v63  }
0x6ba: {  	s8 =	simm.s32 $0x7B80;
	v56 =	vperm.xlane v17, v11;
	v18 =	vadd.s32 v3, v55  }
0x6bb: {  	[tilespmem:s8], [sflag:$0x2] =	stream.indirect_vreg.gather [hbm4b:s10+s4], $0x80, v19, vm0, $0xb8;
	[tilespmem:$0x1E080] =	vst v63  }
0x6bc: {  	s9 =	simm.s32 $0x7C00;
	v57 =	vperm.xlane v17, v12;
	v19 =	vadd.s32 v3, v56  }
0x6bd: {  	[tilespmem:s9], [sflag:$0x2] =	stream.indirect_vreg.gather [hbm4b:s10+s4], $0x80, v54, vm0, $0xb8;
	[tilespmem:$0x1E080] =	vst v63  }
0x6be: {  	s11 =	simm.s32 $0x7C80;
	v59 =	vperm.xlane v17, v13;
	v58 =	vadd.s32 v3, v57  }
0x6bf: {  	[tilespmem:s11], [sflag:$0x2] =	stream.indirect_vreg.gather [hbm4b:s10+s4], $0x80, v18, vm0, $0xb8;
	[tilespmem:$0x1E080] =	vst v63  }
0x6c0: {  	s13 =	simm.s32 $0x7D00;
	v60 =	vperm.xlane v17, v14;
	v18 =	vadd.s32 v3, v59  }
0x6c1: {  	[tilespmem:s13], [sflag:$0x2] =	stream.indirect_vreg.gather [hbm4b:s10+s4], $0x80, v19, vm0, $0xb8;
	[tilespmem:$0x1E080] =	vst v63  }
0x6c2: {  	s14 =	simm.s32 $0x7D80;
	v61 =	vperm.xlane v17, v15;
	v19 =	vadd.s32 v3, v60  }
0x6c3: {  	[tilespmem:s14], [sflag:$0x2] =	stream.indirect_vreg.gather [hbm4b:s10+s4], $0x80, v58, vm0, $0xb8;
	[tilespmem:$0x1E080] =	vst v63  }
0x6c4: {  	s21 =	simm.s32 $0x7E00;
	v17 =	vperm.xlane v17, v16;
	v62 =	vadd.s32 v3, v61  }
0x6c5: {  	[tilespmem:s21], [sflag:$0x2] =	stream.indirect_vreg.gather [hbm4b:s10+s4], $0x80, v18, vm0, $0xb8;
	[tilespmem:$0x1E080] =	vst v63  }
0x6c6: {  	s22 =	simm.s32 $0x7E80;
	v17 =	vadd.s32 v3, v17  }
0x6c7: {  	[tilespmem:s22], [sflag:$0x2] =	stream.indirect_vreg.gather [hbm4b:s10+s4], $0x80, v19, vm0, $0xb8;
	[tilespmem:$0x1E080] =	vst v63  }
0x6c8: {  	s23 =	simm.s32 $0x7F00  }
0x6c9: {  	[tilespmem:s23], [sflag:$0x2] =	stream.indirect_vreg.gather [hbm4b:s10+s4], $0x80, v62, vm0, $0xb8;
	[tilespmem:$0x1E080] =	vst v63  }
0x6ca: {  	s24 =	simm.s32 $0x7F80  }
0x6cb: {  	[tilespmem:s24], [sflag:$0x2] =	stream.indirect_vreg.gather [hbm4b:s10+s4], $0x80, v17, vm0, $0xb8;
	[tilespmem:$0x1E080] =	vst v63  }
0x6cc: {  	v17 =	vld [tilespmem:$0xB0];
	_ =	sdelay $0x4  }
0x6cd: {  	v18 =	vshll.u32 v17, $0x1  }
0x6ce: {  	v17 =	vand.u32 $0x7, v17;
	v18 =	vand.u32 $0xFFFFFFF0, v18  }
0x6cf: {  	v17 =	vor.u32 v17, v18  }
0x6d0: {  	v18 =	vperm.xlane v17, v2;
	_ =	sdelay $0x1  }
0x6d1: {  	v19 =	vperm.xlane v17, v1;
	v18 =	vadd.s32 v3, v18;
	_ =	sdelay $0x1  }
0x6d2: {  	v63 =	vperm.xlane v17, v4;
	v19 =	vadd.s32 v3, v19;
	_ =	sdelay $0x1  }
0x6d3: {  	s25 =	simm.s32 $0x8000;
	v24 =	vperm.xlane v17, v5;
	v20 =	vadd.s32 v3, v63  }
0x6d4: {  	[tilespmem:s25], [sflag:$0x2] =	stream.indirect_vreg.gather [hbm4b:s10+s4], $0x80, v18, vm0, $0xb8;
	[tilespmem:$0x1E080] =	vst v63  }
0x6d5: {  	s26 =	simm.s32 $0x8080;
	v25 =	vperm.xlane v17, v6;
	v18 =	vadd.s32 v3, v24  }
0x6d6: {  	[tilespmem:s26], [sflag:$0x2] =	stream.indirect_vreg.gather [hbm4b:s10+s4], $0x80, v19, vm0, $0xb8;
	[tilespmem:$0x1E080] =	vst v63  }
0x6d7: {  	s1 =	simm.s32 $0x8100;
	v26 =	vperm.xlane v17, v7;
	v19 =	vadd.s32 v3, v25  }
0x6d8: {  	[tilespmem:s1], [sflag:$0x2] =	stream.indirect_vreg.gather [hbm4b:s10+s4], $0x80, v20, vm0, $0xb8;
	[tilespmem:$0x1E080] =	vst v63  }
0x6d9: {  	s5 =	simm.s32 $0x8180;
	v28 =	vperm.xlane v17, v8;
	v27 =	vadd.s32 v3, v26  }
0x6da: {  	[tilespmem:s5], [sflag:$0x2] =	stream.indirect_vreg.gather [hbm4b:s10+s4], $0x80, v18, vm0, $0xb8;
	[tilespmem:$0x1E080] =	vst v63  }
0x6db: {  	s6 =	simm.s32 $0x8200;
	v29 =	vperm.xlane v17, v0;
	v18 =	vadd.s32 v3, v28  }
0x6dc: {  	[tilespmem:s6], [sflag:$0x2] =	stream.indirect_vreg.gather [hbm4b:s10+s4], $0x80, v19, vm0, $0xb8;
	[tilespmem:$0x1E080] =	vst v63  }
0x6dd: {  	s7 =	simm.s32 $0x8280;
	v30 =	vperm.xlane v17, v9;
	v19 =	vadd.s32 v3, v29  }
0x6de: {  	[tilespmem:s7], [sflag:$0x2] =	stream.indirect_vreg.gather [hbm4b:s10+s4], $0x80, v27, vm0, $0xb8;
	[tilespmem:$0x1E080] =	vst v63  }
0x6df: {  	s8 =	simm.s32 $0x8300;
	v32 =	vperm.xlane v17, v10;
	v31 =	vadd.s32 v3, v30  }
0x6e0: {  	[tilespmem:s8], [sflag:$0x2] =	stream.indirect_vreg.gather [hbm4b:s10+s4], $0x80, v18, vm0, $0xb8;
	[tilespmem:$0x1E080] =	vst v63  }
0x6e1: {  	s9 =	simm.s32 $0x8380;
	v33 =	vperm.xlane v17, v11;
	v18 =	vadd.s32 v3, v32  }
0x6e2: {  	[tilespmem:s9], [sflag:$0x2] =	stream.indirect_vreg.gather [hbm4b:s10+s4], $0x80, v19, vm0, $0xb8;
	[tilespmem:$0x1E080] =	vst v63  }
0x6e3: {  	s11 =	simm.s32 $0x8400;
	v34 =	vperm.xlane v17, v12;
	v19 =	vadd.s32 v3, v33  }
0x6e4: {  	[tilespmem:s11], [sflag:$0x2] =	stream.indirect_vreg.gather [hbm4b:s10+s4], $0x80, v31, vm0, $0xb8;
	[tilespmem:$0x1E080] =	vst v63  }
0x6e5: {  	s13 =	simm.s32 $0x8480;
	v36 =	vperm.xlane v17, v13;
	v35 =	vadd.s32 v3, v34  }
0x6e6: {  	[tilespmem:s13], [sflag:$0x2] =	stream.indirect_vreg.gather [hbm4b:s10+s4], $0x80, v18, vm0, $0xb8;
	[tilespmem:$0x1E080] =	vst v63  }
0x6e7: {  	s14 =	simm.s32 $0x8500;
	v37 =	vperm.xlane v17, v14;
	v18 =	vadd.s32 v3, v36  }
0x6e8: {  	[tilespmem:s14], [sflag:$0x2] =	stream.indirect_vreg.gather [hbm4b:s10+s4], $0x80, v19, vm0, $0xb8;
	[tilespmem:$0x1E080] =	vst v63  }
0x6e9: {  	s21 =	simm.s32 $0x8580;
	v38 =	vperm.xlane v17, v15;
	v19 =	vadd.s32 v3, v37  }
0x6ea: {  	[tilespmem:s21], [sflag:$0x2] =	stream.indirect_vreg.gather [hbm4b:s10+s4], $0x80, v35, vm0, $0xb8;
	[tilespmem:$0x1E080] =	vst v63  }
0x6eb: {  	s22 =	simm.s32 $0x8600;
	v17 =	vperm.xlane v17, v16;
	v39 =	vadd.s32 v3, v38  }
0x6ec: {  	[tilespmem:s22], [sflag:$0x2] =	stream.indirect_vreg.gather [hbm4b:s10+s4], $0x80, v18, vm0, $0xb8;
	[tilespmem:$0x1E080] =	vst v63  }
0x6ed: {  	s23 =	simm.s32 $0x8680;
	v17 =	vadd.s32 v3, v17  }
0x6ee: {  	[tilespmem:s23], [sflag:$0x2] =	stream.indirect_vreg.gather [hbm4b:s10+s4], $0x80, v19, vm0, $0xb8;
	[tilespmem:$0x1E080] =	vst v63  }
0x6ef: {  	s24 =	simm.s32 $0x8700  }
0x6f0: {  	[tilespmem:s24], [sflag:$0x2] =	stream.indirect_vreg.gather [hbm4b:s10+s4], $0x80, v39, vm0, $0xb8;
	[tilespmem:$0x1E080] =	vst v63  }
0x6f1: {  	s25 =	simm.s32 $0x8780  }
0x6f2: {  	[tilespmem:s25], [sflag:$0x2] =	stream.indirect_vreg.gather [hbm4b:s10+s4], $0x80, v17, vm0, $0xb8;
	[tilespmem:$0x1E080] =	vst v63  }
0x6f3: {  	v17 =	vld [tilespmem:$0xC0];
	_ =	sdelay $0x4  }
0x6f4: {  	v18 =	vshll.u32 v17, $0x1  }
0x6f5: {  	v17 =	vand.u32 $0x7, v17;
	v18 =	vand.u32 $0xFFFFFFF0, v18  }
0x6f6: {  	v17 =	vor.u32 v17, v18  }
0x6f7: {  	v18 =	vperm.xlane v17, v2;
	_ =	sdelay $0x1  }
0x6f8: {  	v19 =	vperm.xlane v17, v1;
	v18 =	vadd.s32 v3, v18;
	_ =	sdelay $0x1  }
0x6f9: {  	v40 =	vperm.xlane v17, v4;
	v19 =	vadd.s32 v3, v19;
	_ =	sdelay $0x1  }
0x6fa: {  	s26 =	simm.s32 $0x8800;
	v41 =	vperm.xlane v17, v5;
	v20 =	vadd.s32 v3, v40  }
0x6fb: {  	[tilespmem:s26], [sflag:$0x2] =	stream.indirect_vreg.gather [hbm4b:s10+s4], $0x80, v18, vm0, $0xb8;
	[tilespmem:$0x1E080] =	vst v63  }
0x6fc: {  	s1 =	simm.s32 $0x8880;
	v42 =	vperm.xlane v17, v6;
	v18 =	vadd.s32 v3, v41  }
0x6fd: {  	[tilespmem:s1], [sflag:$0x2] =	stream.indirect_vreg.gather [hbm4b:s10+s4], $0x80, v19, vm0, $0xb8;
	[tilespmem:$0x1E080] =	vst v63  }
0x6fe: {  	s5 =	simm.s32 $0x8900;
	v43 =	vperm.xlane v17, v7;
	v19 =	vadd.s32 v3, v42  }
0x6ff: {  	[tilespmem:s5], [sflag:$0x2] =	stream.indirect_vreg.gather [hbm4b:s10+s4], $0x80, v20, vm0, $0xb8;
	[tilespmem:$0x1E080] =	vst v63  }
0x700: {  	s6 =	simm.s32 $0x8980;
	v45 =	vperm.xlane v17, v8;
	v44 =	vadd.s32 v3, v43  }
0x701: {  	[tilespmem:s6], [sflag:$0x2] =	stream.indirect_vreg.gather [hbm4b:s10+s4], $0x80, v18, vm0, $0xb8;
	[tilespmem:$0x1E080] =	vst v63  }
0x702: {  	s7 =	simm.s32 $0x8A00;
	v46 =	vperm.xlane v17, v0;
	v18 =	vadd.s32 v3, v45  }
0x703: {  	[tilespmem:s7], [sflag:$0x2] =	stream.indirect_vreg.gather [hbm4b:s10+s4], $0x80, v19, vm0, $0xb8;
	[tilespmem:$0x1E080] =	vst v63  }
0x704: {  	s8 =	simm.s32 $0x8A80;
	v47 =	vperm.xlane v17, v9;
	v19 =	vadd.s32 v3, v46  }
0x705: {  	[tilespmem:s8], [sflag:$0x2] =	stream.indirect_vreg.gather [hbm4b:s10+s4], $0x80, v44, vm0, $0xb8;
	[tilespmem:$0x1E080] =	vst v63  }
0x706: {  	s9 =	simm.s32 $0x8B00;
	v49 =	vperm.xlane v17, v10;
	v48 =	vadd.s32 v3, v47  }
0x707: {  	[tilespmem:s9], [sflag:$0x2] =	stream.indirect_vreg.gather [hbm4b:s10+s4], $0x80, v18, vm0, $0xb8;
	[tilespmem:$0x1E080] =	vst v63  }
0x708: {  	s11 =	simm.s32 $0x8B80;
	v50 =	vperm.xlane v17, v11;
	v18 =	vadd.s32 v3, v49  }
0x709: {  	[tilespmem:s11], [sflag:$0x2] =	stream.indirect_vreg.gather [hbm4b:s10+s4], $0x80, v19, vm0, $0xb8;
	[tilespmem:$0x1E080] =	vst v63  }
0x70a: {  	s13 =	simm.s32 $0x8C00;
	v51 =	vperm.xlane v17, v12;
	v19 =	vadd.s32 v3, v50  }
0x70b: {  	[tilespmem:s13], [sflag:$0x2] =	stream.indirect_vreg.gather [hbm4b:s10+s4], $0x80, v48, vm0, $0xb8;
	[tilespmem:$0x1E080] =	vst v63  }
0x70c: {  	s14 =	simm.s32 $0x8C80;
	v53 =	vperm.xlane v17, v13;
	v52 =	vadd.s32 v3, v51  }
0x70d: {  	[tilespmem:s14], [sflag:$0x2] =	stream.indirect_vreg.gather [hbm4b:s10+s4], $0x80, v18, vm0, $0xb8;
	[tilespmem:$0x1E080] =	vst v63  }
0x70e: {  	s21 =	simm.s32 $0x8D00;
	v54 =	vperm.xlane v17, v14;
	v18 =	vadd.s32 v3, v53  }
0x70f: {  	[tilespmem:s21], [sflag:$0x2] =	stream.indirect_vreg.gather [hbm4b:s10+s4], $0x80, v19, vm0, $0xb8;
	[tilespmem:$0x1E080] =	vst v63  }
0x710: {  	s22 =	simm.s32 $0x8D80;
	v55 =	vperm.xlane v17, v15;
	v19 =	vadd.s32 v3, v54  }
0x711: {  	[tilespmem:s22], [sflag:$0x2] =	stream.indirect_vreg.gather [hbm4b:s10+s4], $0x80, v52, vm0, $0xb8;
	[tilespmem:$0x1E080] =	vst v63  }
0x712: {  	s23 =	simm.s32 $0x8E00;
	v17 =	vperm.xlane v17, v16;
	v56 =	vadd.s32 v3, v55  }
0x713: {  	[tilespmem:s23], [sflag:$0x2] =	stream.indirect_vreg.gather [hbm4b:s10+s4], $0x80, v18, vm0, $0xb8;
	[tilespmem:$0x1E080] =	vst v63  }
0x714: {  	s24 =	simm.s32 $0x8E80;
	v17 =	vadd.s32 v3, v17  }
0x715: {  	[tilespmem:s24], [sflag:$0x2] =	stream.indirect_vreg.gather [hbm4b:s10+s4], $0x80, v19, vm0, $0xb8;
	[tilespmem:$0x1E080] =	vst v63  }
0x716: {  	s25 =	simm.s32 $0x8F00  }
0x717: {  	[tilespmem:s25], [sflag:$0x2] =	stream.indirect_vreg.gather [hbm4b:s10+s4], $0x80, v56, vm0, $0xb8;
	[tilespmem:$0x1E080] =	vst v63  }
0x718: {  	s26 =	simm.s32 $0x8F80  }
0x719: {  	[tilespmem:s26], [sflag:$0x2] =	stream.indirect_vreg.gather [hbm4b:s10+s4], $0x80, v17, vm0, $0xb8;
	[tilespmem:$0x1E080] =	vst v63  }
0x71a: {  	v17 =	vld [tilespmem:$0xD0];
	_ =	sdelay $0x4  }
0x71b: {  	v18 =	vshll.u32 v17, $0x1  }
0x71c: {  	v17 =	vand.u32 $0x7, v17;
	v18 =	vand.u32 $0xFFFFFFF0, v18  }
0x71d: {  	v17 =	vor.u32 v17, v18  }
0x71e: {  	v18 =	vperm.xlane v17, v2;
	_ =	sdelay $0x1  }
0x71f: {  	v19 =	vperm.xlane v17, v1;
	v18 =	vadd.s32 v3, v18;
	_ =	sdelay $0x1  }
0x720: {  	v57 =	vperm.xlane v17, v4;
	v19 =	vadd.s32 v3, v19;
	_ =	sdelay $0x1  }
0x721: {  	s1 =	simm.s32 $0x9000;
	v58 =	vperm.xlane v17, v5;
	v20 =	vadd.s32 v3, v57  }
0x722: {  	[tilespmem:s1], [sflag:$0x2] =	stream.indirect_vreg.gather [hbm4b:s10+s4], $0x80, v18, vm0, $0xb8;
	[tilespmem:$0x1E080] =	vst v63  }
0x723: {  	s5 =	simm.s32 $0x9080;
	v59 =	vperm.xlane v17, v6;
	v18 =	vadd.s32 v3, v58  }
0x724: {  	[tilespmem:s5], [sflag:$0x2] =	stream.indirect_vreg.gather [hbm4b:s10+s4], $0x80, v19, vm0, $0xb8;
	[tilespmem:$0x1E080] =	vst v63  }
0x725: {  	s6 =	simm.s32 $0x9100;
	v60 =	vperm.xlane v17, v7;
	v19 =	vadd.s32 v3, v59  }
0x726: {  	[tilespmem:s6], [sflag:$0x2] =	stream.indirect_vreg.gather [hbm4b:s10+s4], $0x80, v20, vm0, $0xb8;
	[tilespmem:$0x1E080] =	vst v63  }
0x727: {  	s7 =	simm.s32 $0x9180;
	v62 =	vperm.xlane v17, v8;
	v61 =	vadd.s32 v3, v60  }
0x728: {  	[tilespmem:s7], [sflag:$0x2] =	stream.indirect_vreg.gather [hbm4b:s10+s4], $0x80, v18, vm0, $0xb8;
	[tilespmem:$0x1E080] =	vst v63  }
0x729: {  	s8 =	simm.s32 $0x9200;
	v63 =	vperm.xlane v17, v0;
	v18 =	vadd.s32 v3, v62  }
0x72a: {  	[tilespmem:s8], [sflag:$0x2] =	stream.indirect_vreg.gather [hbm4b:s10+s4], $0x80, v19, vm0, $0xb8;
	[tilespmem:$0x1E080] =	vst v63  }
0x72b: {  	s9 =	simm.s32 $0x9280;
	v24 =	vperm.xlane v17, v9;
	v19 =	vadd.s32 v3, v63  }
0x72c: {  	[tilespmem:s9], [sflag:$0x2] =	stream.indirect_vreg.gather [hbm4b:s10+s4], $0x80, v61, vm0, $0xb8;
	[tilespmem:$0x1E080] =	vst v63  }
0x72d: {  	s11 =	simm.s32 $0x9300;
	v26 =	vperm.xlane v17, v10;
	v25 =	vadd.s32 v3, v24  }
0x72e: {  	[tilespmem:s11], [sflag:$0x2] =	stream.indirect_vreg.gather [hbm4b:s10+s4], $0x80, v18, vm0, $0xb8;
	[tilespmem:$0x1E080] =	vst v63  }
0x72f: {  	s13 =	simm.s32 $0x9380;
	v27 =	vperm.xlane v17, v11;
	v18 =	vadd.s32 v3, v26  }
0x730: {  	[tilespmem:s13], [sflag:$0x2] =	stream.indirect_vreg.gather [hbm4b:s10+s4], $0x80, v19, vm0, $0xb8;
	[tilespmem:$0x1E080] =	vst v63  }
0x731: {  	s14 =	simm.s32 $0x9400;
	v28 =	vperm.xlane v17, v12;
	v19 =	vadd.s32 v3, v27  }
0x732: {  	[tilespmem:s14], [sflag:$0x2] =	stream.indirect_vreg.gather [hbm4b:s10+s4], $0x80, v25, vm0, $0xb8;
	[tilespmem:$0x1E080] =	vst v63  }
0x733: {  	s21 =	simm.s32 $0x9480;
	v30 =	vperm.xlane v17, v13;
	v29 =	vadd.s32 v3, v28  }
0x734: {  	[tilespmem:s21], [sflag:$0x2] =	stream.indirect_vreg.gather [hbm4b:s10+s4], $0x80, v18, vm0, $0xb8;
	[tilespmem:$0x1E080] =	vst v63  }
0x735: {  	s22 =	simm.s32 $0x9500;
	v31 =	vperm.xlane v17, v14;
	v18 =	vadd.s32 v3, v30  }
0x736: {  	[tilespmem:s22], [sflag:$0x2] =	stream.indirect_vreg.gather [hbm4b:s10+s4], $0x80, v19, vm0, $0xb8;
	[tilespmem:$0x1E080] =	vst v63  }
0x737: {  	s23 =	simm.s32 $0x9580;
	v32 =	vperm.xlane v17, v15;
	v19 =	vadd.s32 v3, v31  }
0x738: {  	[tilespmem:s23], [sflag:$0x2] =	stream.indirect_vreg.gather [hbm4b:s10+s4], $0x80, v29, vm0, $0xb8;
	[tilespmem:$0x1E080] =	vst v63  }
0x739: {  	s24 =	simm.s32 $0x9600;
	v17 =	vperm.xlane v17, v16;
	v33 =	vadd.s32 v3, v32  }
0x73a: {  	[tilespmem:s24], [sflag:$0x2] =	stream.indirect_vreg.gather [hbm4b:s10+s4], $0x80, v18, vm0, $0xb8;
	[tilespmem:$0x1E080] =	vst v63  }
0x73b: {  	s25 =	simm.s32 $0x9680;
	v17 =	vadd.s32 v3, v17  }
0x73c: {  	[tilespmem:s25], [sflag:$0x2] =	stream.indirect_vreg.gather [hbm4b:s10+s4], $0x80, v19, vm0, $0xb8;
	[tilespmem:$0x1E080] =	vst v63  }
0x73d: {  	s26 =	simm.s32 $0x9700  }
0x73e: {  	[tilespmem:s26], [sflag:$0x2] =	stream.indirect_vreg.gather [hbm4b:s10+s4], $0x80, v33, vm0, $0xb8;
	[tilespmem:$0x1E080] =	vst v63  }
0x73f: {  	s1 =	simm.s32 $0x9780  }
0x740: {  	[tilespmem:s1], [sflag:$0x2] =	stream.indirect_vreg.gather [hbm4b:s10+s4], $0x80, v17, vm0, $0xb8;
	[tilespmem:$0x1E080] =	vst v63  }
0x741: {  	v17 =	vld [tilespmem:$0xE0];
	_ =	sdelay $0x4  }
0x742: {  	v18 =	vshll.u32 v17, $0x1  }
0x743: {  	v17 =	vand.u32 $0x7, v17;
	v18 =	vand.u32 $0xFFFFFFF0, v18  }
0x744: {  	v17 =	vor.u32 v17, v18  }
0x745: {  	v18 =	vperm.xlane v17, v2;
	_ =	sdelay $0x1  }
0x746: {  	v19 =	vperm.xlane v17, v1;
	v18 =	vadd.s32 v3, v18;
	_ =	sdelay $0x1  }
0x747: {  	v34 =	vperm.xlane v17, v4;
	v19 =	vadd.s32 v3, v19;
	_ =	sdelay $0x1  }
0x748: {  	s5 =	simm.s32 $0x9800;
	v35 =	vperm.xlane v17, v5;
	v20 =	vadd.s32 v3, v34  }
0x749: {  	[tilespmem:s5], [sflag:$0x2] =	stream.indirect_vreg.gather [hbm4b:s10+s4], $0x80, v18, vm0, $0xb8;
	[tilespmem:$0x1E080] =	vst v63  }
0x74a: {  	s6 =	simm.s32 $0x9880;
	v36 =	vperm.xlane v17, v6;
	v18 =	vadd.s32 v3, v35  }
0x74b: {  	[tilespmem:s6], [sflag:$0x2] =	stream.indirect_vreg.gather [hbm4b:s10+s4], $0x80, v19, vm0, $0xb8;
	[tilespmem:$0x1E080] =	vst v63  }
0x74c: {  	s7 =	simm.s32 $0x9900;
	v37 =	vperm.xlane v17, v7;
	v19 =	vadd.s32 v3, v36  }
0x74d: {  	[tilespmem:s7], [sflag:$0x2] =	stream.indirect_vreg.gather [hbm4b:s10+s4], $0x80, v20, vm0, $0xb8;
	[tilespmem:$0x1E080] =	vst v63  }
0x74e: {  	s8 =	simm.s32 $0x9980;
	v39 =	vperm.xlane v17, v8;
	v38 =	vadd.s32 v3, v37  }
0x74f: {  	[tilespmem:s8], [sflag:$0x2] =	stream.indirect_vreg.gather [hbm4b:s10+s4], $0x80, v18, vm0, $0xb8;
	[tilespmem:$0x1E080] =	vst v63  }
0x750: {  	s9 =	simm.s32 $0x9A00;
	v40 =	vperm.xlane v17, v0;
	v18 =	vadd.s32 v3, v39  }
0x751: {  	[tilespmem:s9], [sflag:$0x2] =	stream.indirect_vreg.gather [hbm4b:s10+s4], $0x80, v19, vm0, $0xb8;
	[tilespmem:$0x1E080] =	vst v63  }
0x752: {  	s11 =	simm.s32 $0x9A80;
	v41 =	vperm.xlane v17, v9;
	v19 =	vadd.s32 v3, v40  }
0x753: {  	[tilespmem:s11], [sflag:$0x2] =	stream.indirect_vreg.gather [hbm4b:s10+s4], $0x80, v38, vm0, $0xb8;
	[tilespmem:$0x1E080] =	vst v63  }
0x754: {  	s13 =	simm.s32 $0x9B00;
	v43 =	vperm.xlane v17, v10;
	v42 =	vadd.s32 v3, v41  }
0x755: {  	[tilespmem:s13], [sflag:$0x2] =	stream.indirect_vreg.gather [hbm4b:s10+s4], $0x80, v18, vm0, $0xb8;
	[tilespmem:$0x1E080] =	vst v63  }
0x756: {  	s14 =	simm.s32 $0x9B80;
	v44 =	vperm.xlane v17, v11;
	v18 =	vadd.s32 v3, v43  }
0x757: {  	[tilespmem:s14], [sflag:$0x2] =	stream.indirect_vreg.gather [hbm4b:s10+s4], $0x80, v19, vm0, $0xb8;
	[tilespmem:$0x1E080] =	vst v63  }
0x758: {  	s21 =	simm.s32 $0x9C00;
	v45 =	vperm.xlane v17, v12;
	v19 =	vadd.s32 v3, v44  }
0x759: {  	[tilespmem:s21], [sflag:$0x2] =	stream.indirect_vreg.gather [hbm4b:s10+s4], $0x80, v42, vm0, $0xb8;
	[tilespmem:$0x1E080] =	vst v63  }
0x75a: {  	s22 =	simm.s32 $0x9C80;
	v47 =	vperm.xlane v17, v13;
	v46 =	vadd.s32 v3, v45  }
0x75b: {  	[tilespmem:s22], [sflag:$0x2] =	stream.indirect_vreg.gather [hbm4b:s10+s4], $0x80, v18, vm0, $0xb8;
	[tilespmem:$0x1E080] =	vst v63  }
0x75c: {  	s23 =	simm.s32 $0x9D00;
	v48 =	vperm.xlane v17, v14;
	v18 =	vadd.s32 v3, v47  }
0x75d: {  	[tilespmem:s23], [sflag:$0x2] =	stream.indirect_vreg.gather [hbm4b:s10+s4], $0x80, v19, vm0, $0xb8;
	[tilespmem:$0x1E080] =	vst v63  }
0x75e: {  	s24 =	simm.s32 $0x9D80;
	v49 =	vperm.xlane v17, v15;
	v19 =	vadd.s32 v3, v48  }
0x75f: {  	[tilespmem:s24], [sflag:$0x2] =	stream.indirect_vreg.gather [hbm4b:s10+s4], $0x80, v46, vm0, $0xb8;
	[tilespmem:$0x1E080] =	vst v63  }
0x760: {  	s25 =	simm.s32 $0x9E00;
	v17 =	vperm.xlane v17, v16;
	v50 =	vadd.s32 v3, v49  }
0x761: {  	[tilespmem:s25], [sflag:$0x2] =	stream.indirect_vreg.gather [hbm4b:s10+s4], $0x80, v18, vm0, $0xb8;
	[tilespmem:$0x1E080] =	vst v63  }
0x762: {  	s26 =	simm.s32 $0x9E80;
	v17 =	vadd.s32 v3, v17  }
0x763: {  	[tilespmem:s26], [sflag:$0x2] =	stream.indirect_vreg.gather [hbm4b:s10+s4], $0x80, v19, vm0, $0xb8;
	[tilespmem:$0x1E080] =	vst v63  }
0x764: {  	s1 =	simm.s32 $0x9F00  }
0x765: {  	[tilespmem:s1], [sflag:$0x2] =	stream.indirect_vreg.gather [hbm4b:s10+s4], $0x80, v50, vm0, $0xb8;
	[tilespmem:$0x1E080] =	vst v63  }
0x766: {  	s5 =	simm.s32 $0x9F80  }
0x767: {  	[tilespmem:s5], [sflag:$0x2] =	stream.indirect_vreg.gather [hbm4b:s10+s4], $0x80, v17, vm0, $0xb8;
	[tilespmem:$0x1E080] =	vst v63  }
0x768: {  	v17 =	vld.msk [tilespmem:$0xF0], $0x1fff;
	_ =	sdelay $0x4  }
0x769: {  	v18 =	vshll.u32 v17, $0x1  }
0x76a: {  	v17 =	vand.u32 $0x7, v17;
	v18 =	vand.u32 $0xFFFFFFF0, v18  }
0x76b: {  	v17 =	vor.u32 v17, v18  }
0x76c: {  	v18 =	vperm.xlane v17, v2;
	_ =	sdelay $0x1  }
0x76d: {  	v19 =	vperm.xlane v17, v1;
	v18 =	vadd.s32 v3, v18;
	_ =	sdelay $0x1  }
0x76e: {  	v51 =	vperm.xlane v17, v4;
	v19 =	vadd.s32 v3, v19;
	_ =	sdelay $0x1  }
0x76f: {  	s6 =	simm.s32 $0xA000;
	v52 =	vperm.xlane v17, v5;
	v20 =	vadd.s32 v3, v51  }
0x770: {  	[tilespmem:s6], [sflag:$0x2] =	stream.indirect_vreg.gather [hbm4b:s10+s4], $0x80, v18, vm0, $0xb8;
	[tilespmem:$0x1E080] =	vst v63  }
0x771: {  	s7 =	simm.s32 $0xA080;
	v53 =	vperm.xlane v17, v6;
	v18 =	vadd.s32 v3, v52  }
0x772: {  	[tilespmem:s7], [sflag:$0x2] =	stream.indirect_vreg.gather [hbm4b:s10+s4], $0x80, v19, vm0, $0xb8;
	[tilespmem:$0x1E080] =	vst v63  }
0x773: {  	s8 =	simm.s32 $0xA100;
	v54 =	vperm.xlane v17, v7;
	v19 =	vadd.s32 v3, v53  }
0x774: {  	[tilespmem:s8], [sflag:$0x2] =	stream.indirect_vreg.gather [hbm4b:s10+s4], $0x80, v20, vm0, $0xb8;
	[tilespmem:$0x1E080] =	vst v63  }
0x775: {  	s9 =	simm.s32 $0xA180;
	v56 =	vperm.xlane v17, v8;
	v55 =	vadd.s32 v3, v54  }
0x776: {  	[tilespmem:s9], [sflag:$0x2] =	stream.indirect_vreg.gather [hbm4b:s10+s4], $0x80, v18, vm0, $0xb8;
	[tilespmem:$0x1E080] =	vst v63  }
0x777: {  	s11 =	simm.s32 $0xA200;
	v57 =	vperm.xlane v17, v0;
	v18 =	vadd.s32 v3, v56  }
0x778: {  	[tilespmem:s11], [sflag:$0x2] =	stream.indirect_vreg.gather [hbm4b:s10+s4], $0x80, v19, vm0, $0xb8;
	[tilespmem:$0x1E080] =	vst v63  }
0x779: {  	s13 =	simm.s32 $0xA280;
	v58 =	vperm.xlane v17, v9;
	v19 =	vadd.s32 v3, v57  }
0x77a: {  	[tilespmem:s13], [sflag:$0x2] =	stream.indirect_vreg.gather [hbm4b:s10+s4], $0x80, v55, vm0, $0xb8;
	[tilespmem:$0x1E080] =	vst v63  }
0x77b: {  	s14 =	simm.s32 $0xA300;
	v60 =	vperm.xlane v17, v10;
	v59 =	vadd.s32 v3, v58  }
0x77c: {  	[tilespmem:s14], [sflag:$0x2] =	stream.indirect_vreg.gather [hbm4b:s10+s4], $0x80, v18, vm0, $0xb8;
	[tilespmem:$0x1E080] =	vst v63  }
0x77d: {  	s21 =	simm.s32 $0xA380;
	v61 =	vperm.xlane v17, v11;
	v18 =	vadd.s32 v3, v60  }
0x77e: {  	[tilespmem:s21], [sflag:$0x2] =	stream.indirect_vreg.gather [hbm4b:s10+s4], $0x80, v19, vm0, $0xb8;
	[tilespmem:$0x1E080] =	vst v63  }
0x77f: {  	s22 =	simm.s32 $0xA400;
	v62 =	vperm.xlane v17, v12;
	v19 =	vadd.s32 v3, v61  }
0x780: {  	[tilespmem:s22], [sflag:$0x2] =	stream.indirect_vreg.gather [hbm4b:s10+s4], $0x80, v59, vm0, $0xb8;
	[tilespmem:$0x1E080] =	vst v63  }
0x781: {  	s28 =	simm.s32 $0x2C00;
	s29 =	simm.s32 $0x2C80;
	s23 =	simm.s32 $0xA480;
	v17 =	vperm.xlane v17, v13;
	v63 =	vadd.s32 v3, v62  }
0x782: {  	[tilespmem:s23], [sflag:$0x2] =	stream.indirect_vreg.gather [hbm4b:s10+s4], $0x80, v18, vm0, $0xb8;
	[tilespmem:$0x1E080] =	vst v63  }
0x783: {  	s30 =	simm.s32 $0x2D00;
	s31 =	simm.s32 $0x3200;
	s24 =	simm.s32 $0xA500;
	v17 =	vadd.s32 v3, v17  }
0x784: {  	[tilespmem:s24], [sflag:$0x2] =	stream.indirect_vreg.gather [hbm4b:s10+s4], $0x80, v19, vm0, $0xb8;
	[tilespmem:$0x1E080] =	vst v63  }
0x785: {  	s0 =	simm.s32 $0x2D80;
	s25 =	simm.s32 $0xA580;
	s26 =	simm.s32 $0xA600  }
0x786: {  	[tilespmem:s25], [sflag:$0x2] =	stream.indirect_vreg.gather [hbm4b:s10+s4], $0x80, v63, vm0, $0xb8;
	[tilespmem:$0x1E080] =	vst v63  }
0x787: {  	s1 =	simm.s32 $0x2E00;
	s5 =	simm.s32 $0x3000;
	s6 =	simm.s32 $0x2880  }
0x788: {  	[tilespmem:s26], [sflag:$0x2] =	stream.indirect_vreg.gather [hbm4b:s10+s4], $0x80, v17, vm0, $0xb8;
	[tilespmem:$0x1E080] =	vst v63  }
0x789: {  	s7 =	simm.s32 $0x2E80;
	s8 =	simm.s32 $0x3080;
	_ =	swait.ge [sflag:s12], $0x3E80  }
0x78a: {  	s9 =	simm.s32 $0x3100;
	s11 =	simm.s32 $0x3180;
	[sflag:s12] =	ssyncset.done $0x0  }
0x78b: {  	s13 =	simm.s32 $0x2F00;
	s14 =	simm.s32 $0x2F80;
	[sflag:s12] =	ssyncadd.s32 $0xFFFFC180  }
0x78c: {  	[spmem:s2] =	stream.indirect.scatter.add.f32 [tilespmem:s20], [sflag:$0x3], $0x80, s16, s18, $0xb8;
	[tilespmem:$0x1E080] =	vst v63  }
0x78d: {  	s21 =	simm.s32 $0x2900;
	s22 =	simm.s32 $0x2980;
	_ =	swait.ge [sflag:s17], $0x3E80  }
0x78e: {  	s23 =	simm.s32 $0x2A00;
	s24 =	simm.s32 $0x2A80;
	[sflag:s17] =	ssyncset.done $0x0  }
0x78f: {  	s25 =	simm.s32 $0x2B00;
	s26 =	simm.s32 $0x2B80;
	[sflag:s17] =	ssyncadd.s32 $0xFFFFC180  }
.LBB2_4:
0x790: {  	s16 =	sshra.s32 s4, $0x2  }
0x791: {  	v17 =	vld [tilespmem:s16+$0x100];
	_ =	sdelay $0x4  }
0x792: {  	v18 =	vshll.u32 v17, $0x1  }
0x793: {  	v17 =	vand.u32 $0x7, v17;
	v18 =	vand.u32 $0xFFFFFFF0, v18  }
0x794: {  	v17 =	vor.u32 v17, v18  }
0x795: {  	v18 =	vperm.xlane v17, v2;
	_ =	sdelay $0x1  }
0x796: {  	v19 =	vperm.xlane v17, v1;
	v18 =	vadd.s32 v3, v18;
	_ =	sdelay $0x1  }
0x797: {  	v20 =	vperm.xlane v17, v4;
	v19 =	vadd.s32 v3, v19;
	_ =	sdelay $0x1  }
0x798: {  	v21 =	vperm.xlane v17, v5;
	v20 =	vadd.s32 v3, v20  }
0x799: {  	[tilespmem:s20], [sflag:$0x1] =	stream.indirect_vreg.gather [hbm4b:s10+s3], $0x80, v18, vm0, $0xb8;
	[tilespmem:$0x1E080] =	vst v63  }
0x79a: {  	v42 =	vperm.xlane v17, v6;
	v18 =	vadd.s32 v3, v21  }
0x79b: {  	[tilespmem:s6], [sflag:$0x1] =	stream.indirect_vreg.gather [hbm4b:s10+s3], $0x80, v19, vm0, $0xb8;
	[tilespmem:$0x1E080] =	vst v63  }
0x79c: {  	v43 =	vperm.xlane v17, v7;
	v19 =	vadd.s32 v3, v42  }
0x79d: {  	[tilespmem:s21], [sflag:$0x1] =	stream.indirect_vreg.gather [hbm4b:s10+s3], $0x80, v20, vm0, $0xb8;
	[tilespmem:$0x1E080] =	vst v63  }
0x79e: {  	v45 =	vperm.xlane v17, v8;
	v44 =	vadd.s32 v3, v43  }
0x79f: {  	[tilespmem:s22], [sflag:$0x1] =	stream.indirect_vreg.gather [hbm4b:s10+s3], $0x80, v18, vm0, $0xb8;
	[tilespmem:$0x1E080] =	vst v63  }
0x7a0: {  	v46 =	vperm.xlane v17, v0;
	v18 =	vadd.s32 v3, v45  }
0x7a1: {  	[tilespmem:s23], [sflag:$0x1] =	stream.indirect_vreg.gather [hbm4b:s10+s3], $0x80, v19, vm0, $0xb8;
	[tilespmem:$0x1E080] =	vst v63  }
0x7a2: {  	v47 =	vperm.xlane v17, v9;
	v19 =	vadd.s32 v3, v46  }
0x7a3: {  	[tilespmem:s24], [sflag:$0x1] =	stream.indirect_vreg.gather [hbm4b:s10+s3], $0x80, v44, vm0, $0xb8;
	[tilespmem:$0x1E080] =	vst v63  }
0x7a4: {  	v49 =	vperm.xlane v17, v10;
	v48 =	vadd.s32 v3, v47  }
0x7a5: {  	[tilespmem:s25], [sflag:$0x1] =	stream.indirect_vreg.gather [hbm4b:s10+s3], $0x80, v18, vm0, $0xb8;
	[tilespmem:$0x1E080] =	vst v63  }
0x7a6: {  	v50 =	vperm.xlane v17, v11;
	v18 =	vadd.s32 v3, v49  }
0x7a7: {  	[tilespmem:s26], [sflag:$0x1] =	stream.indirect_vreg.gather [hbm4b:s10+s3], $0x80, v19, vm0, $0xb8;
	[tilespmem:$0x1E080] =	vst v63  }
0x7a8: {  	v51 =	vperm.xlane v17, v12;
	v19 =	vadd.s32 v3, v50  }
0x7a9: {  	[tilespmem:s28], [sflag:$0x1] =	stream.indirect_vreg.gather [hbm4b:s10+s3], $0x80, v48, vm0, $0xb8;
	[tilespmem:$0x1E080] =	vst v63  }
0x7aa: {  	v53 =	vperm.xlane v17, v13;
	v52 =	vadd.s32 v3, v51  }
0x7ab: {  	[tilespmem:s29], [sflag:$0x1] =	stream.indirect_vreg.gather [hbm4b:s10+s3], $0x80, v18, vm0, $0xb8;
	[tilespmem:$0x1E080] =	vst v63  }
0x7ac: {  	v54 =	vperm.xlane v17, v14;
	v18 =	vadd.s32 v3, v53  }
0x7ad: {  	[tilespmem:s30], [sflag:$0x1] =	stream.indirect_vreg.gather [hbm4b:s10+s3], $0x80, v19, vm0, $0xb8;
	[tilespmem:$0x1E080] =	vst v63  }
0x7ae: {  	v55 =	vperm.xlane v17, v15;
	v19 =	vadd.s32 v3, v54  }
0x7af: {  	[tilespmem:s0], [sflag:$0x1] =	stream.indirect_vreg.gather [hbm4b:s10+s3], $0x80, v52, vm0, $0xb8;
	[tilespmem:$0x1E080] =	vst v63  }
0x7b0: {  	v17 =	vperm.xlane v17, v16;
	v56 =	vadd.s32 v3, v55  }
0x7b1: {  	[tilespmem:s1], [sflag:$0x1] =	stream.indirect_vreg.gather [hbm4b:s10+s3], $0x80, v18, vm0, $0xb8;
	[tilespmem:$0x1E080] =	vst v63  }
0x7b2: {  	v17 =	vadd.s32 v3, v17  }
0x7b3: {  	[tilespmem:s7], [sflag:$0x1] =	stream.indirect_vreg.gather [hbm4b:s10+s3], $0x80, v19, vm0, $0xb8;
	[tilespmem:$0x1E080] =	vst v63  }
0x7b4: {  	_ = 	snop  }
0x7b5: {  	[tilespmem:s13], [sflag:$0x1] =	stream.indirect_vreg.gather [hbm4b:s10+s3], $0x80, v56, vm0, $0xb8;
	[tilespmem:$0x1E080] =	vst v63  }
0x7b6: {  	_ = 	snop  }
0x7b7: {  	[tilespmem:s14], [sflag:$0x1] =	stream.indirect_vreg.gather [hbm4b:s10+s3], $0x80, v17, vm0, $0xb8;
	[tilespmem:$0x1E080] =	vst v63  }
0x7b8: {  	v17 =	vld [tilespmem:s16+$0x110];
	_ =	sdelay $0x4  }
0x7b9: {  	v18 =	vshll.u32 v17, $0x1  }
0x7ba: {  	v17 =	vand.u32 $0x7, v17;
	v18 =	vand.u32 $0xFFFFFFF0, v18  }
0x7bb: {  	v17 =	vor.u32 v17, v18  }
0x7bc: {  	v18 =	vperm.xlane v17, v2;
	_ =	sdelay $0x1  }
0x7bd: {  	v19 =	vperm.xlane v17, v1;
	v18 =	vadd.s32 v3, v18;
	_ =	sdelay $0x1  }
0x7be: {  	v57 =	vperm.xlane v17, v4;
	v19 =	vadd.s32 v3, v19;
	_ =	sdelay $0x1  }
0x7bf: {  	v58 =	vperm.xlane v17, v5;
	v20 =	vadd.s32 v3, v57  }
0x7c0: {  	[tilespmem:s5], [sflag:$0x1] =	stream.indirect_vreg.gather [hbm4b:s10+s3], $0x80, v18, vm0, $0xb8;
	[tilespmem:$0x1E080] =	vst v63  }
0x7c1: {  	v59 =	vperm.xlane v17, v6;
	v18 =	vadd.s32 v3, v58  }
0x7c2: {  	[tilespmem:s8], [sflag:$0x1] =	stream.indirect_vreg.gather [hbm4b:s10+s3], $0x80, v19, vm0, $0xb8;
	[tilespmem:$0x1E080] =	vst v63  }
0x7c3: {  	v60 =	vperm.xlane v17, v7;
	v19 =	vadd.s32 v3, v59  }
0x7c4: {  	[tilespmem:s9], [sflag:$0x1] =	stream.indirect_vreg.gather [hbm4b:s10+s3], $0x80, v20, vm0, $0xb8;
	[tilespmem:$0x1E080] =	vst v63  }
0x7c5: {  	v62 =	vperm.xlane v17, v8;
	v61 =	vadd.s32 v3, v60  }
0x7c6: {  	[tilespmem:s11], [sflag:$0x1] =	stream.indirect_vreg.gather [hbm4b:s10+s3], $0x80, v18, vm0, $0xb8;
	[tilespmem:$0x1E080] =	vst v63  }
0x7c7: {  	v63 =	vperm.xlane v17, v0;
	v18 =	vadd.s32 v3, v62  }
0x7c8: {  	[tilespmem:s31], [sflag:$0x1] =	stream.indirect_vreg.gather [hbm4b:s10+s3], $0x80, v19, vm0, $0xb8;
	[tilespmem:$0x1E080] =	vst v63  }
0x7c9: {  	s6 =	simm.s32 $0x3280;
	v24 =	vperm.xlane v17, v9;
	v19 =	vadd.s32 v3, v63  }
0x7ca: {  	[tilespmem:s6], [sflag:$0x1] =	stream.indirect_vreg.gather [hbm4b:s10+s3], $0x80, v61, vm0, $0xb8;
	[tilespmem:$0x1E080] =	vst v63  }
0x7cb: {  	v26 =	vperm.xlane v17, v10;
	v25 =	vadd.s32 v3, v24;
	s6 =	simm.s32 $0x3300  }
0x7cc: {  	[tilespmem:s6], [sflag:$0x1] =	stream.indirect_vreg.gather [hbm4b:s10+s3], $0x80, v18, vm0, $0xb8;
	[tilespmem:$0x1E080] =	vst v63  }
0x7cd: {  	v27 =	vperm.xlane v17, v11;
	v18 =	vadd.s32 v3, v26;
	s6 =	simm.s32 $0x3380  }
0x7ce: {  	[tilespmem:s6], [sflag:$0x1] =	stream.indirect_vreg.gather [hbm4b:s10+s3], $0x80, v19, vm0, $0xb8;
	[tilespmem:$0x1E080] =	vst v63  }
0x7cf: {  	v28 =	vperm.xlane v17, v12;
	v19 =	vadd.s32 v3, v27;
	s6 =	simm.s32 $0x3400  }
0x7d0: {  	[tilespmem:s6], [sflag:$0x1] =	stream.indirect_vreg.gather [hbm4b:s10+s3], $0x80, v25, vm0, $0xb8;
	[tilespmem:$0x1E080] =	vst v63  }
0x7d1: {  	v30 =	vperm.xlane v17, v13;
	v29 =	vadd.s32 v3, v28;
	s6 =	simm.s32 $0x3480  }
0x7d2: {  	[tilespmem:s6], [sflag:$0x1] =	stream.indirect_vreg.gather [hbm4b:s10+s3], $0x80, v18, vm0, $0xb8;
	[tilespmem:$0x1E080] =	vst v63  }
0x7d3: {  	v31 =	vperm.xlane v17, v14;
	v18 =	vadd.s32 v3, v30;
	s6 =	simm.s32 $0x3500  }
0x7d4: {  	[tilespmem:s6], [sflag:$0x1] =	stream.indirect_vreg.gather [hbm4b:s10+s3], $0x80, v19, vm0, $0xb8;
	[tilespmem:$0x1E080] =	vst v63  }
0x7d5: {  	v32 =	vperm.xlane v17, v15;
	v19 =	vadd.s32 v3, v31;
	s6 =	simm.s32 $0x3580  }
0x7d6: {  	[tilespmem:s6], [sflag:$0x1] =	stream.indirect_vreg.gather [hbm4b:s10+s3], $0x80, v29, vm0, $0xb8;
	[tilespmem:$0x1E080] =	vst v63  }
0x7d7: {  	v17 =	vperm.xlane v17, v16;
	v33 =	vadd.s32 v3, v32;
	s6 =	simm.s32 $0x3600  }
0x7d8: {  	[tilespmem:s6], [sflag:$0x1] =	stream.indirect_vreg.gather [hbm4b:s10+s3], $0x80, v18, vm0, $0xb8;
	[tilespmem:$0x1E080] =	vst v63  }
0x7d9: {  	v17 =	vadd.s32 v3, v17;
	s6 =	simm.s32 $0x3680  }
0x7da: {  	[tilespmem:s6], [sflag:$0x1] =	stream.indirect_vreg.gather [hbm4b:s10+s3], $0x80, v19, vm0, $0xb8;
	[tilespmem:$0x1E080] =	vst v63  }
0x7db: {  	s6 =	simm.s32 $0x3700  }
0x7dc: {  	[tilespmem:s6], [sflag:$0x1] =	stream.indirect_vreg.gather [hbm4b:s10+s3], $0x80, v33, vm0, $0xb8;
	[tilespmem:$0x1E080] =	vst v63  }
0x7dd: {  	s6 =	simm.s32 $0x3780  }
0x7de: {  	[tilespmem:s6], [sflag:$0x1] =	stream.indirect_vreg.gather [hbm4b:s10+s3], $0x80, v17, vm0, $0xb8;
	[tilespmem:$0x1E080] =	vst v63  }
0x7df: {  	v17 =	vld [tilespmem:s16+$0x120];
	_ =	sdelay $0x4  }
0x7e0: {  	v18 =	vshll.u32 v17, $0x1  }
0x7e1: {  	v17 =	vand.u32 $0x7, v17;
	v18 =	vand.u32 $0xFFFFFFF0, v18  }
0x7e2: {  	v17 =	vor.u32 v17, v18  }
0x7e3: {  	v18 =	vperm.xlane v17, v2;
	_ =	sdelay $0x1  }
0x7e4: {  	v19 =	vperm.xlane v17, v1;
	v18 =	vadd.s32 v3, v18;
	_ =	sdelay $0x1  }
0x7e5: {  	v34 =	vperm.xlane v17, v4;
	v19 =	vadd.s32 v3, v19;
	_ =	sdelay $0x1  }
0x7e6: {  	s6 =	simm.s32 $0x3800;
	v35 =	vperm.xlane v17, v5;
	v20 =	vadd.s32 v3, v34  }
0x7e7: {  	[tilespmem:s6], [sflag:$0x1] =	stream.indirect_vreg.gather [hbm4b:s10+s3], $0x80, v18, vm0, $0xb8;
	[tilespmem:$0x1E080] =	vst v63  }
0x7e8: {  	v36 =	vperm.xlane v17, v6;
	v18 =	vadd.s32 v3, v35;
	s6 =	simm.s32 $0x3880  }
0x7e9: {  	[tilespmem:s6], [sflag:$0x1] =	stream.indirect_vreg.gather [hbm4b:s10+s3], $0x80, v19, vm0, $0xb8;
	[tilespmem:$0x1E080] =	vst v63  }
0x7ea: {  	v37 =	vperm.xlane v17, v7;
	v19 =	vadd.s32 v3, v36;
	s6 =	simm.s32 $0x3900  }
0x7eb: {  	[tilespmem:s6], [sflag:$0x1] =	stream.indirect_vreg.gather [hbm4b:s10+s3], $0x80, v20, vm0, $0xb8;
	[tilespmem:$0x1E080] =	vst v63  }
0x7ec: {  	v39 =	vperm.xlane v17, v8;
	v38 =	vadd.s32 v3, v37;
	s6 =	simm.s32 $0x3980  }
0x7ed: {  	[tilespmem:s6], [sflag:$0x1] =	stream.indirect_vreg.gather [hbm4b:s10+s3], $0x80, v18, vm0, $0xb8;
	[tilespmem:$0x1E080] =	vst v63  }
0x7ee: {  	v40 =	vperm.xlane v17, v0;
	v18 =	vadd.s32 v3, v39;
	s6 =	simm.s32 $0x3A00  }
0x7ef: {  	[tilespmem:s6], [sflag:$0x1] =	stream.indirect_vreg.gather [hbm4b:s10+s3], $0x80, v19, vm0, $0xb8;
	[tilespmem:$0x1E080] =	vst v63  }
0x7f0: {  	v41 =	vperm.xlane v17, v9;
	v19 =	vadd.s32 v3, v40;
	s6 =	simm.s32 $0x3A80  }
0x7f1: {  	[tilespmem:s6], [sflag:$0x1] =	stream.indirect_vreg.gather [hbm4b:s10+s3], $0x80, v38, vm0, $0xb8;
	[tilespmem:$0x1E080] =	vst v63  }
0x7f2: {  	v43 =	vperm.xlane v17, v10;
	v42 =	vadd.s32 v3, v41;
	s6 =	simm.s32 $0x3B00  }
0x7f3: {  	[tilespmem:s6], [sflag:$0x1] =	stream.indirect_vreg.gather [hbm4b:s10+s3], $0x80, v18, vm0, $0xb8;
	[tilespmem:$0x1E080] =	vst v63  }
0x7f4: {  	v44 =	vperm.xlane v17, v11;
	v18 =	vadd.s32 v3, v43;
	s6 =	simm.s32 $0x3B80  }
0x7f5: {  	[tilespmem:s6], [sflag:$0x1] =	stream.indirect_vreg.gather [hbm4b:s10+s3], $0x80, v19, vm0, $0xb8;
	[tilespmem:$0x1E080] =	vst v63  }
0x7f6: {  	v45 =	vperm.xlane v17, v12;
	v19 =	vadd.s32 v3, v44;
	s6 =	simm.s32 $0x3C00  }
0x7f7: {  	[tilespmem:s6], [sflag:$0x1] =	stream.indirect_vreg.gather [hbm4b:s10+s3], $0x80, v42, vm0, $0xb8;
	[tilespmem:$0x1E080] =	vst v63  }
0x7f8: {  	v47 =	vperm.xlane v17, v13;
	v46 =	vadd.s32 v3, v45;
	s6 =	simm.s32 $0x3C80  }
0x7f9: {  	[tilespmem:s6], [sflag:$0x1] =	stream.indirect_vreg.gather [hbm4b:s10+s3], $0x80, v18, vm0, $0xb8;
	[tilespmem:$0x1E080] =	vst v63  }
0x7fa: {  	v48 =	vperm.xlane v17, v14;
	v18 =	vadd.s32 v3, v47;
	s6 =	simm.s32 $0x3D00  }
0x7fb: {  	[tilespmem:s6], [sflag:$0x1] =	stream.indirect_vreg.gather [hbm4b:s10+s3], $0x80, v19, vm0, $0xb8;
	[tilespmem:$0x1E080] =	vst v63  }
0x7fc: {  	v49 =	vperm.xlane v17, v15;
	v19 =	vadd.s32 v3, v48;
	s6 =	simm.s32 $0x3D80  }
0x7fd: {  	[tilespmem:s6], [sflag:$0x1] =	stream.indirect_vreg.gather [hbm4b:s10+s3], $0x80, v46, vm0, $0xb8;
	[tilespmem:$0x1E080] =	vst v63  }
0x7fe: {  	v17 =	vperm.xlane v17, v16;
	v50 =	vadd.s32 v3, v49;
	s6 =	simm.s32 $0x3E00  }
0x7ff: {  	[tilespmem:s6], [sflag:$0x1] =	stream.indirect_vreg.gather [hbm4b:s10+s3], $0x80, v18, vm0, $0xb8;
	[tilespmem:$0x1E080] =	vst v63  }
0x800: {  	v17 =	vadd.s32 v3, v17;
	s6 =	simm.s32 $0x3E80  }
0x801: {  	[tilespmem:s6], [sflag:$0x1] =	stream.indirect_vreg.gather [hbm4b:s10+s3], $0x80, v19, vm0, $0xb8;
	[tilespmem:$0x1E080] =	vst v63  }
0x802: {  	s6 =	simm.s32 $0x3F00  }
0x803: {  	[tilespmem:s6], [sflag:$0x1] =	stream.indirect_vreg.gather [hbm4b:s10+s3], $0x80, v50, vm0, $0xb8;
	[tilespmem:$0x1E080] =	vst v63  }
0x804: {  	s6 =	simm.s32 $0x3F80  }
0x805: {  	[tilespmem:s6], [sflag:$0x1] =	stream.indirect_vreg.gather [hbm4b:s10+s3], $0x80, v17, vm0, $0xb8;
	[tilespmem:$0x1E080] =	vst v63  }
0x806: {  	v17 =	vld [tilespmem:s16+$0x130];
	_ =	sdelay $0x4  }
0x807: {  	v18 =	vshll.u32 v17, $0x1  }
0x808: {  	v17 =	vand.u32 $0x7, v17;
	v18 =	vand.u32 $0xFFFFFFF0, v18  }
0x809: {  	v17 =	vor.u32 v17, v18  }
0x80a: {  	v18 =	vperm.xlane v17, v2;
	_ =	sdelay $0x1  }
0x80b: {  	v19 =	vperm.xlane v17, v1;
	v18 =	vadd.s32 v3, v18;
	_ =	sdelay $0x1  }
0x80c: {  	v51 =	vperm.xlane v17, v4;
	v19 =	vadd.s32 v3, v19;
	_ =	sdelay $0x1  }
0x80d: {  	s6 =	simm.s32 $0x4000;
	v52 =	vperm.xlane v17, v5;
	v20 =	vadd.s32 v3, v51  }
0x80e: {  	[tilespmem:s6], [sflag:$0x1] =	stream.indirect_vreg.gather [hbm4b:s10+s3], $0x80, v18, vm0, $0xb8;
	[tilespmem:$0x1E080] =	vst v63  }
0x80f: {  	v53 =	vperm.xlane v17, v6;
	v18 =	vadd.s32 v3, v52;
	s6 =	simm.s32 $0x4080  }
0x810: {  	[tilespmem:s6], [sflag:$0x1] =	stream.indirect_vreg.gather [hbm4b:s10+s3], $0x80, v19, vm0, $0xb8;
	[tilespmem:$0x1E080] =	vst v63  }
0x811: {  	v54 =	vperm.xlane v17, v7;
	v19 =	vadd.s32 v3, v53;
	s6 =	simm.s32 $0x4100  }
0x812: {  	[tilespmem:s6], [sflag:$0x1] =	stream.indirect_vreg.gather [hbm4b:s10+s3], $0x80, v20, vm0, $0xb8;
	[tilespmem:$0x1E080] =	vst v63  }
0x813: {  	v56 =	vperm.xlane v17, v8;
	v55 =	vadd.s32 v3, v54;
	s6 =	simm.s32 $0x4180  }
0x814: {  	[tilespmem:s6], [sflag:$0x1] =	stream.indirect_vreg.gather [hbm4b:s10+s3], $0x80, v18, vm0, $0xb8;
	[tilespmem:$0x1E080] =	vst v63  }
0x815: {  	v57 =	vperm.xlane v17, v0;
	v18 =	vadd.s32 v3, v56;
	s6 =	simm.s32 $0x4200  }
0x816: {  	[tilespmem:s6], [sflag:$0x1] =	stream.indirect_vreg.gather [hbm4b:s10+s3], $0x80, v19, vm0, $0xb8;
	[tilespmem:$0x1E080] =	vst v63  }
0x817: {  	v58 =	vperm.xlane v17, v9;
	v19 =	vadd.s32 v3, v57;
	s6 =	simm.s32 $0x4280  }
0x818: {  	[tilespmem:s6], [sflag:$0x1] =	stream.indirect_vreg.gather [hbm4b:s10+s3], $0x80, v55, vm0, $0xb8;
	[tilespmem:$0x1E080] =	vst v63  }
0x819: {  	v60 =	vperm.xlane v17, v10;
	v59 =	vadd.s32 v3, v58;
	s6 =	simm.s32 $0x4300  }
0x81a: {  	[tilespmem:s6], [sflag:$0x1] =	stream.indirect_vreg.gather [hbm4b:s10+s3], $0x80, v18, vm0, $0xb8;
	[tilespmem:$0x1E080] =	vst v63  }
0x81b: {  	v61 =	vperm.xlane v17, v11;
	v18 =	vadd.s32 v3, v60;
	s6 =	simm.s32 $0x4380  }
0x81c: {  	[tilespmem:s6], [sflag:$0x1] =	stream.indirect_vreg.gather [hbm4b:s10+s3], $0x80, v19, vm0, $0xb8;
	[tilespmem:$0x1E080] =	vst v63  }
0x81d: {  	v62 =	vperm.xlane v17, v12;
	v19 =	vadd.s32 v3, v61;
	s6 =	simm.s32 $0x4400  }
0x81e: {  	[tilespmem:s6], [sflag:$0x1] =	stream.indirect_vreg.gather [hbm4b:s10+s3], $0x80, v59, vm0, $0xb8;
	[tilespmem:$0x1E080] =	vst v63  }
0x81f: {  	v24 =	vperm.xlane v17, v13;
	v63 =	vadd.s32 v3, v62;
	s6 =	simm.s32 $0x4480  }
0x820: {  	[tilespmem:s6], [sflag:$0x1] =	stream.indirect_vreg.gather [hbm4b:s10+s3], $0x80, v18, vm0, $0xb8;
	[tilespmem:$0x1E080] =	vst v63  }
0x821: {  	v25 =	vperm.xlane v17, v14;
	v18 =	vadd.s32 v3, v24;
	s6 =	simm.s32 $0x4500  }
0x822: {  	[tilespmem:s6], [sflag:$0x1] =	stream.indirect_vreg.gather [hbm4b:s10+s3], $0x80, v19, vm0, $0xb8;
	[tilespmem:$0x1E080] =	vst v63  }
0x823: {  	v26 =	vperm.xlane v17, v15;
	v19 =	vadd.s32 v3, v25;
	s6 =	simm.s32 $0x4580  }
0x824: {  	[tilespmem:s6], [sflag:$0x1] =	stream.indirect_vreg.gather [hbm4b:s10+s3], $0x80, v63, vm0, $0xb8;
	[tilespmem:$0x1E080] =	vst v63  }
0x825: {  	v17 =	vperm.xlane v17, v16;
	v27 =	vadd.s32 v3, v26;
	s6 =	simm.s32 $0x4600  }
0x826: {  	[tilespmem:s6], [sflag:$0x1] =	stream.indirect_vreg.gather [hbm4b:s10+s3], $0x80, v18, vm0, $0xb8;
	[tilespmem:$0x1E080] =	vst v63  }
0x827: {  	v17 =	vadd.s32 v3, v17;
	s6 =	simm.s32 $0x4680  }
0x828: {  	[tilespmem:s6], [sflag:$0x1] =	stream.indirect_vreg.gather [hbm4b:s10+s3], $0x80, v19, vm0, $0xb8;
	[tilespmem:$0x1E080] =	vst v63  }
0x829: {  	s6 =	simm.s32 $0x4700  }
0x82a: {  	[tilespmem:s6], [sflag:$0x1] =	stream.indirect_vreg.gather [hbm4b:s10+s3], $0x80, v27, vm0, $0xb8;
	[tilespmem:$0x1E080] =	vst v63  }
0x82b: {  	s6 =	simm.s32 $0x4780  }
0x82c: {  	[tilespmem:s6], [sflag:$0x1] =	stream.indirect_vreg.gather [hbm4b:s10+s3], $0x80, v17, vm0, $0xb8;
	[tilespmem:$0x1E080] =	vst v63  }
0x82d: {  	v17 =	vld [tilespmem:s16+$0x140];
	_ =	sdelay $0x4  }
0x82e: {  	v18 =	vshll.u32 v17, $0x1  }
0x82f: {  	v17 =	vand.u32 $0x7, v17;
	v18 =	vand.u32 $0xFFFFFFF0, v18  }
0x830: {  	v17 =	vor.u32 v17, v18  }
0x831: {  	v18 =	vperm.xlane v17, v2;
	_ =	sdelay $0x1  }
0x832: {  	v19 =	vperm.xlane v17, v1;
	v18 =	vadd.s32 v3, v18;
	_ =	sdelay $0x1  }
0x833: {  	v28 =	vperm.xlane v17, v4;
	v19 =	vadd.s32 v3, v19;
	_ =	sdelay $0x1  }
0x834: {  	s6 =	simm.s32 $0x4800;
	v29 =	vperm.xlane v17, v5;
	v20 =	vadd.s32 v3, v28  }
0x835: {  	[tilespmem:s6], [sflag:$0x1] =	stream.indirect_vreg.gather [hbm4b:s10+s3], $0x80, v18, vm0, $0xb8;
	[tilespmem:$0x1E080] =	vst v63  }
0x836: {  	v30 =	vperm.xlane v17, v6;
	v18 =	vadd.s32 v3, v29;
	s6 =	simm.s32 $0x4880  }
0x837: {  	[tilespmem:s6], [sflag:$0x1] =	stream.indirect_vreg.gather [hbm4b:s10+s3], $0x80, v19, vm0, $0xb8;
	[tilespmem:$0x1E080] =	vst v63  }
0x838: {  	v31 =	vperm.xlane v17, v7;
	v19 =	vadd.s32 v3, v30;
	s6 =	simm.s32 $0x4900  }
0x839: {  	[tilespmem:s6], [sflag:$0x1] =	stream.indirect_vreg.gather [hbm4b:s10+s3], $0x80, v20, vm0, $0xb8;
	[tilespmem:$0x1E080] =	vst v63  }
0x83a: {  	v33 =	vperm.xlane v17, v8;
	v32 =	vadd.s32 v3, v31;
	s6 =	simm.s32 $0x4980  }
0x83b: {  	[tilespmem:s6], [sflag:$0x1] =	stream.indirect_vreg.gather [hbm4b:s10+s3], $0x80, v18, vm0, $0xb8;
	[tilespmem:$0x1E080] =	vst v63  }
0x83c: {  	v34 =	vperm.xlane v17, v0;
	v18 =	vadd.s32 v3, v33;
	s6 =	simm.s32 $0x4A00  }
0x83d: {  	[tilespmem:s6], [sflag:$0x1] =	stream.indirect_vreg.gather [hbm4b:s10+s3], $0x80, v19, vm0, $0xb8;
	[tilespmem:$0x1E080] =	vst v63  }
0x83e: {  	v35 =	vperm.xlane v17, v9;
	v19 =	vadd.s32 v3, v34;
	s6 =	simm.s32 $0x4A80  }
0x83f: {  	[tilespmem:s6], [sflag:$0x1] =	stream.indirect_vreg.gather [hbm4b:s10+s3], $0x80, v32, vm0, $0xb8;
	[tilespmem:$0x1E080] =	vst v63  }
0x840: {  	v37 =	vperm.xlane v17, v10;
	v36 =	vadd.s32 v3, v35;
	s6 =	simm.s32 $0x4B00  }
0x841: {  	[tilespmem:s6], [sflag:$0x1] =	stream.indirect_vreg.gather [hbm4b:s10+s3], $0x80, v18, vm0, $0xb8;
	[tilespmem:$0x1E080] =	vst v63  }
0x842: {  	v38 =	vperm.xlane v17, v11;
	v18 =	vadd.s32 v3, v37;
	s6 =	simm.s32 $0x4B80  }
0x843: {  	[tilespmem:s6], [sflag:$0x1] =	stream.indirect_vreg.gather [hbm4b:s10+s3], $0x80, v19, vm0, $0xb8;
	[tilespmem:$0x1E080] =	vst v63  }
0x844: {  	v39 =	vperm.xlane v17, v12;
	v19 =	vadd.s32 v3, v38;
	s6 =	simm.s32 $0x4C00  }
0x845: {  	[tilespmem:s6], [sflag:$0x1] =	stream.indirect_vreg.gather [hbm4b:s10+s3], $0x80, v36, vm0, $0xb8;
	[tilespmem:$0x1E080] =	vst v63  }
0x846: {  	v41 =	vperm.xlane v17, v13;
	v40 =	vadd.s32 v3, v39;
	s6 =	simm.s32 $0x4C80  }
0x847: {  	[tilespmem:s6], [sflag:$0x1] =	stream.indirect_vreg.gather [hbm4b:s10+s3], $0x80, v18, vm0, $0xb8;
	[tilespmem:$0x1E080] =	vst v63  }
0x848: {  	v42 =	vperm.xlane v17, v14;
	v18 =	vadd.s32 v3, v41;
	s6 =	simm.s32 $0x4D00  }
0x849: {  	[tilespmem:s6], [sflag:$0x1] =	stream.indirect_vreg.gather [hbm4b:s10+s3], $0x80, v19, vm0, $0xb8;
	[tilespmem:$0x1E080] =	vst v63  }
0x84a: {  	v43 =	vperm.xlane v17, v15;
	v19 =	vadd.s32 v3, v42;
	s6 =	simm.s32 $0x4D80  }
0x84b: {  	[tilespmem:s6], [sflag:$0x1] =	stream.indirect_vreg.gather [hbm4b:s10+s3], $0x80, v40, vm0, $0xb8;
	[tilespmem:$0x1E080] =	vst v63  }
0x84c: {  	v17 =	vperm.xlane v17, v16;
	v44 =	vadd.s32 v3, v43;
	s6 =	simm.s32 $0x4E00  }
0x84d: {  	[tilespmem:s6], [sflag:$0x1] =	stream.indirect_vreg.gather [hbm4b:s10+s3], $0x80, v18, vm0, $0xb8;
	[tilespmem:$0x1E080] =	vst v63  }
0x84e: {  	v17 =	vadd.s32 v3, v17;
	s6 =	simm.s32 $0x4E80  }
0x84f: {  	[tilespmem:s6], [sflag:$0x1] =	stream.indirect_vreg.gather [hbm4b:s10+s3], $0x80, v19, vm0, $0xb8;
	[tilespmem:$0x1E080] =	vst v63  }
0x850: {  	s6 =	simm.s32 $0x4F00  }
0x851: {  	[tilespmem:s6], [sflag:$0x1] =	stream.indirect_vreg.gather [hbm4b:s10+s3], $0x80, v44, vm0, $0xb8;
	[tilespmem:$0x1E080] =	vst v63  }
0x852: {  	s6 =	simm.s32 $0x4F80  }
0x853: {  	[tilespmem:s6], [sflag:$0x1] =	stream.indirect_vreg.gather [hbm4b:s10+s3], $0x80, v17, vm0, $0xb8;
	[tilespmem:$0x1E080] =	vst v63  }
0x854: {  	v17 =	vld [tilespmem:s16+$0x150];
	_ =	sdelay $0x4  }
0x855: {  	v18 =	vshll.u32 v17, $0x1  }
0x856: {  	v17 =	vand.u32 $0x7, v17;
	v18 =	vand.u32 $0xFFFFFFF0, v18  }
0x857: {  	v17 =	vor.u32 v17, v18  }
0x858: {  	v18 =	vperm.xlane v17, v2;
	_ =	sdelay $0x1  }
0x859: {  	v19 =	vperm.xlane v17, v1;
	v18 =	vadd.s32 v3, v18;
	_ =	sdelay $0x1  }
0x85a: {  	v45 =	vperm.xlane v17, v4;
	v19 =	vadd.s32 v3, v19;
	_ =	sdelay $0x1  }
0x85b: {  	s6 =	simm.s32 $0x5000;
	v46 =	vperm.xlane v17, v5;
	v20 =	vadd.s32 v3, v45  }
0x85c: {  	[tilespmem:s6], [sflag:$0x1] =	stream.indirect_vreg.gather [hbm4b:s10+s3], $0x80, v18, vm0, $0xb8;
	[tilespmem:$0x1E080] =	vst v63  }
0x85d: {  	v47 =	vperm.xlane v17, v6;
	v18 =	vadd.s32 v3, v46;
	s6 =	simm.s32 $0x5080  }
0x85e: {  	[tilespmem:s6], [sflag:$0x1] =	stream.indirect_vreg.gather [hbm4b:s10+s3], $0x80, v19, vm0, $0xb8;
	[tilespmem:$0x1E080] =	vst v63  }
0x85f: {  	v48 =	vperm.xlane v17, v7;
	v19 =	vadd.s32 v3, v47;
	s6 =	simm.s32 $0x5100  }
0x860: {  	[tilespmem:s6], [sflag:$0x1] =	stream.indirect_vreg.gather [hbm4b:s10+s3], $0x80, v20, vm0, $0xb8;
	[tilespmem:$0x1E080] =	vst v63  }
0x861: {  	v50 =	vperm.xlane v17, v8;
	v49 =	vadd.s32 v3, v48;
	s6 =	simm.s32 $0x5180  }
0x862: {  	[tilespmem:s6], [sflag:$0x1] =	stream.indirect_vreg.gather [hbm4b:s10+s3], $0x80, v18, vm0, $0xb8;
	[tilespmem:$0x1E080] =	vst v63  }
0x863: {  	v51 =	vperm.xlane v17, v0;
	v18 =	vadd.s32 v3, v50;
	s6 =	simm.s32 $0x5200  }
0x864: {  	[tilespmem:s6], [sflag:$0x1] =	stream.indirect_vreg.gather [hbm4b:s10+s3], $0x80, v19, vm0, $0xb8;
	[tilespmem:$0x1E080] =	vst v63  }
0x865: {  	v52 =	vperm.xlane v17, v9;
	v19 =	vadd.s32 v3, v51;
	s6 =	simm.s32 $0x5280  }
0x866: {  	[tilespmem:s6], [sflag:$0x1] =	stream.indirect_vreg.gather [hbm4b:s10+s3], $0x80, v49, vm0, $0xb8;
	[tilespmem:$0x1E080] =	vst v63  }
0x867: {  	v54 =	vperm.xlane v17, v10;
	v53 =	vadd.s32 v3, v52;
	s6 =	simm.s32 $0x5300  }
0x868: {  	[tilespmem:s6], [sflag:$0x1] =	stream.indirect_vreg.gather [hbm4b:s10+s3], $0x80, v18, vm0, $0xb8;
	[tilespmem:$0x1E080] =	vst v63  }
0x869: {  	v55 =	vperm.xlane v17, v11;
	v18 =	vadd.s32 v3, v54;
	s6 =	simm.s32 $0x5380  }
0x86a: {  	[tilespmem:s6], [sflag:$0x1] =	stream.indirect_vreg.gather [hbm4b:s10+s3], $0x80, v19, vm0, $0xb8;
	[tilespmem:$0x1E080] =	vst v63  }
0x86b: {  	v56 =	vperm.xlane v17, v12;
	v19 =	vadd.s32 v3, v55;
	s6 =	simm.s32 $0x5400  }
0x86c: {  	[tilespmem:s6], [sflag:$0x1] =	stream.indirect_vreg.gather [hbm4b:s10+s3], $0x80, v53, vm0, $0xb8;
	[tilespmem:$0x1E080] =	vst v63  }
0x86d: {  	v58 =	vperm.xlane v17, v13;
	v57 =	vadd.s32 v3, v56;
	s6 =	simm.s32 $0x5480  }
0x86e: {  	[tilespmem:s6], [sflag:$0x1] =	stream.indirect_vreg.gather [hbm4b:s10+s3], $0x80, v18, vm0, $0xb8;
	[tilespmem:$0x1E080] =	vst v63  }
0x86f: {  	v59 =	vperm.xlane v17, v14;
	v18 =	vadd.s32 v3, v58;
	s6 =	simm.s32 $0x5500  }
0x870: {  	[tilespmem:s6], [sflag:$0x1] =	stream.indirect_vreg.gather [hbm4b:s10+s3], $0x80, v19, vm0, $0xb8;
	[tilespmem:$0x1E080] =	vst v63  }
0x871: {  	v60 =	vperm.xlane v17, v15;
	v19 =	vadd.s32 v3, v59;
	s6 =	simm.s32 $0x5580  }
0x872: {  	[tilespmem:s6], [sflag:$0x1] =	stream.indirect_vreg.gather [hbm4b:s10+s3], $0x80, v57, vm0, $0xb8;
	[tilespmem:$0x1E080] =	vst v63  }
0x873: {  	v17 =	vperm.xlane v17, v16;
	v61 =	vadd.s32 v3, v60;
	s6 =	simm.s32 $0x5600  }
0x874: {  	[tilespmem:s6], [sflag:$0x1] =	stream.indirect_vreg.gather [hbm4b:s10+s3], $0x80, v18, vm0, $0xb8;
	[tilespmem:$0x1E080] =	vst v63  }
0x875: {  	v17 =	vadd.s32 v3, v17;
	s6 =	simm.s32 $0x5680  }
0x876: {  	[tilespmem:s6], [sflag:$0x1] =	stream.indirect_vreg.gather [hbm4b:s10+s3], $0x80, v19, vm0, $0xb8;
	[tilespmem:$0x1E080] =	vst v63  }
0x877: {  	s6 =	simm.s32 $0x5700  }
0x878: {  	[tilespmem:s6], [sflag:$0x1] =	stream.indirect_vreg.gather [hbm4b:s10+s3], $0x80, v61, vm0, $0xb8;
	[tilespmem:$0x1E080] =	vst v63  }
0x879: {  	s6 =	simm.s32 $0x5780  }
0x87a: {  	[tilespmem:s6], [sflag:$0x1] =	stream.indirect_vreg.gather [hbm4b:s10+s3], $0x80, v17, vm0, $0xb8;
	[tilespmem:$0x1E080] =	vst v63  }
0x87b: {  	v17 =	vld [tilespmem:s16+$0x160];
	_ =	sdelay $0x4  }
0x87c: {  	v18 =	vshll.u32 v17, $0x1  }
0x87d: {  	v17 =	vand.u32 $0x7, v17;
	v18 =	vand.u32 $0xFFFFFFF0, v18  }
0x87e: {  	v17 =	vor.u32 v17, v18  }
0x87f: {  	v18 =	vperm.xlane v17, v2;
	_ =	sdelay $0x1  }
0x880: {  	v19 =	vperm.xlane v17, v1;
	v18 =	vadd.s32 v3, v18;
	_ =	sdelay $0x1  }
0x881: {  	v62 =	vperm.xlane v17, v4;
	v19 =	vadd.s32 v3, v19;
	_ =	sdelay $0x1  }
0x882: {  	s6 =	simm.s32 $0x5800;
	v63 =	vperm.xlane v17, v5;
	v20 =	vadd.s32 v3, v62  }
0x883: {  	[tilespmem:s6], [sflag:$0x1] =	stream.indirect_vreg.gather [hbm4b:s10+s3], $0x80, v18, vm0, $0xb8;
	[tilespmem:$0x1E080] =	vst v63  }
0x884: {  	v24 =	vperm.xlane v17, v6;
	v18 =	vadd.s32 v3, v63;
	s6 =	simm.s32 $0x5880  }
0x885: {  	[tilespmem:s6], [sflag:$0x1] =	stream.indirect_vreg.gather [hbm4b:s10+s3], $0x80, v19, vm0, $0xb8;
	[tilespmem:$0x1E080] =	vst v63  }
0x886: {  	v25 =	vperm.xlane v17, v7;
	v19 =	vadd.s32 v3, v24;
	s6 =	simm.s32 $0x5900  }
0x887: {  	[tilespmem:s6], [sflag:$0x1] =	stream.indirect_vreg.gather [hbm4b:s10+s3], $0x80, v20, vm0, $0xb8;
	[tilespmem:$0x1E080] =	vst v63  }
0x888: {  	v27 =	vperm.xlane v17, v8;
	v26 =	vadd.s32 v3, v25;
	s6 =	simm.s32 $0x5980  }
0x889: {  	[tilespmem:s6], [sflag:$0x1] =	stream.indirect_vreg.gather [hbm4b:s10+s3], $0x80, v18, vm0, $0xb8;
	[tilespmem:$0x1E080] =	vst v63  }
0x88a: {  	v28 =	vperm.xlane v17, v0;
	v18 =	vadd.s32 v3, v27;
	s6 =	simm.s32 $0x5A00  }
0x88b: {  	[tilespmem:s6], [sflag:$0x1] =	stream.indirect_vreg.gather [hbm4b:s10+s3], $0x80, v19, vm0, $0xb8;
	[tilespmem:$0x1E080] =	vst v63  }
0x88c: {  	v29 =	vperm.xlane v17, v9;
	v19 =	vadd.s32 v3, v28;
	s6 =	simm.s32 $0x5A80  }
0x88d: {  	[tilespmem:s6], [sflag:$0x1] =	stream.indirect_vreg.gather [hbm4b:s10+s3], $0x80, v26, vm0, $0xb8;
	[tilespmem:$0x1E080] =	vst v63  }
0x88e: {  	v31 =	vperm.xlane v17, v10;
	v30 =	vadd.s32 v3, v29;
	s6 =	simm.s32 $0x5B00  }
0x88f: {  	[tilespmem:s6], [sflag:$0x1] =	stream.indirect_vreg.gather [hbm4b:s10+s3], $0x80, v18, vm0, $0xb8;
	[tilespmem:$0x1E080] =	vst v63  }
0x890: {  	v32 =	vperm.xlane v17, v11;
	v18 =	vadd.s32 v3, v31;
	s6 =	simm.s32 $0x5B80  }
0x891: {  	[tilespmem:s6], [sflag:$0x1] =	stream.indirect_vreg.gather [hbm4b:s10+s3], $0x80, v19, vm0, $0xb8;
	[tilespmem:$0x1E080] =	vst v63  }
0x892: {  	v33 =	vperm.xlane v17, v12;
	v19 =	vadd.s32 v3, v32;
	s6 =	simm.s32 $0x5C00  }
0x893: {  	[tilespmem:s6], [sflag:$0x1] =	stream.indirect_vreg.gather [hbm4b:s10+s3], $0x80, v30, vm0, $0xb8;
	[tilespmem:$0x1E080] =	vst v63  }
0x894: {  	v35 =	vperm.xlane v17, v13;
	v34 =	vadd.s32 v3, v33;
	s6 =	simm.s32 $0x5C80  }
0x895: {  	[tilespmem:s6], [sflag:$0x1] =	stream.indirect_vreg.gather [hbm4b:s10+s3], $0x80, v18, vm0, $0xb8;
	[tilespmem:$0x1E080] =	vst v63  }
0x896: {  	v36 =	vperm.xlane v17, v14;
	v18 =	vadd.s32 v3, v35;
	s6 =	simm.s32 $0x5D00  }
0x897: {  	[tilespmem:s6], [sflag:$0x1] =	stream.indirect_vreg.gather [hbm4b:s10+s3], $0x80, v19, vm0, $0xb8;
	[tilespmem:$0x1E080] =	vst v63  }
0x898: {  	v37 =	vperm.xlane v17, v15;
	v19 =	vadd.s32 v3, v36;
	s6 =	simm.s32 $0x5D80  }
0x899: {  	[tilespmem:s6], [sflag:$0x1] =	stream.indirect_vreg.gather [hbm4b:s10+s3], $0x80, v34, vm0, $0xb8;
	[tilespmem:$0x1E080] =	vst v63  }
0x89a: {  	v17 =	vperm.xlane v17, v16;
	v38 =	vadd.s32 v3, v37;
	s6 =	simm.s32 $0x5E00  }
0x89b: {  	[tilespmem:s6], [sflag:$0x1] =	stream.indirect_vreg.gather [hbm4b:s10+s3], $0x80, v18, vm0, $0xb8;
	[tilespmem:$0x1E080] =	vst v63  }
0x89c: {  	v17 =	vadd.s32 v3, v17;
	s6 =	simm.s32 $0x5E80  }
0x89d: {  	[tilespmem:s6], [sflag:$0x1] =	stream.indirect_vreg.gather [hbm4b:s10+s3], $0x80, v19, vm0, $0xb8;
	[tilespmem:$0x1E080] =	vst v63  }
0x89e: {  	s6 =	simm.s32 $0x5F00  }
0x89f: {  	[tilespmem:s6], [sflag:$0x1] =	stream.indirect_vreg.gather [hbm4b:s10+s3], $0x80, v38, vm0, $0xb8;
	[tilespmem:$0x1E080] =	vst v63  }
0x8a0: {  	s6 =	simm.s32 $0x5F80  }
0x8a1: {  	[tilespmem:s6], [sflag:$0x1] =	stream.indirect_vreg.gather [hbm4b:s10+s3], $0x80, v17, vm0, $0xb8;
	[tilespmem:$0x1E080] =	vst v63  }
0x8a2: {  	v17 =	vld.msk [tilespmem:s16+$0x170], $0x1fff;
	_ =	sdelay $0x4  }
0x8a3: {  	v18 =	vshll.u32 v17, $0x1  }
0x8a4: {  	v17 =	vand.u32 $0x7, v17;
	v18 =	vand.u32 $0xFFFFFFF0, v18  }
0x8a5: {  	v17 =	vor.u32 v17, v18  }
0x8a6: {  	v18 =	vperm.xlane v17, v2;
	_ =	sdelay $0x1  }
0x8a7: {  	v19 =	vperm.xlane v17, v1;
	v18 =	vadd.s32 v3, v18;
	_ =	sdelay $0x1  }
0x8a8: {  	v39 =	vperm.xlane v17, v4;
	v19 =	vadd.s32 v3, v19;
	_ =	sdelay $0x1  }
0x8a9: {  	s6 =	simm.s32 $0x6000;
	v40 =	vperm.xlane v17, v5;
	v20 =	vadd.s32 v3, v39  }
0x8aa: {  	[tilespmem:s6], [sflag:$0x1] =	stream.indirect_vreg.gather [hbm4b:s10+s3], $0x80, v18, vm0, $0xb8;
	[tilespmem:$0x1E080] =	vst v63  }
0x8ab: {  	v41 =	vperm.xlane v17, v6;
	v18 =	vadd.s32 v3, v40;
	s6 =	simm.s32 $0x6080  }
0x8ac: {  	[tilespmem:s6], [sflag:$0x1] =	stream.indirect_vreg.gather [hbm4b:s10+s3], $0x80, v19, vm0, $0xb8;
	[tilespmem:$0x1E080] =	vst v63  }
0x8ad: {  	v42 =	vperm.xlane v17, v7;
	v19 =	vadd.s32 v3, v41;
	s6 =	simm.s32 $0x6100  }
0x8ae: {  	[tilespmem:s6], [sflag:$0x1] =	stream.indirect_vreg.gather [hbm4b:s10+s3], $0x80, v20, vm0, $0xb8;
	[tilespmem:$0x1E080] =	vst v63  }
0x8af: {  	v44 =	vperm.xlane v17, v8;
	v43 =	vadd.s32 v3, v42;
	s6 =	simm.s32 $0x6180  }
0x8b0: {  	[tilespmem:s6], [sflag:$0x1] =	stream.indirect_vreg.gather [hbm4b:s10+s3], $0x80, v18, vm0, $0xb8;
	[tilespmem:$0x1E080] =	vst v63  }
0x8b1: {  	v45 =	vperm.xlane v17, v0;
	v18 =	vadd.s32 v3, v44;
	s6 =	simm.s32 $0x6200  }
0x8b2: {  	[tilespmem:s6], [sflag:$0x1] =	stream.indirect_vreg.gather [hbm4b:s10+s3], $0x80, v19, vm0, $0xb8;
	[tilespmem:$0x1E080] =	vst v63  }
0x8b3: {  	v46 =	vperm.xlane v17, v9;
	v19 =	vadd.s32 v3, v45;
	s6 =	simm.s32 $0x6280  }
0x8b4: {  	[tilespmem:s6], [sflag:$0x1] =	stream.indirect_vreg.gather [hbm4b:s10+s3], $0x80, v43, vm0, $0xb8;
	[tilespmem:$0x1E080] =	vst v63  }
0x8b5: {  	v48 =	vperm.xlane v17, v10;
	v47 =	vadd.s32 v3, v46;
	s6 =	simm.s32 $0x6300  }
0x8b6: {  	[tilespmem:s6], [sflag:$0x1] =	stream.indirect_vreg.gather [hbm4b:s10+s3], $0x80, v18, vm0, $0xb8;
	[tilespmem:$0x1E080] =	vst v63  }
0x8b7: {  	v49 =	vperm.xlane v17, v11;
	v18 =	vadd.s32 v3, v48;
	s6 =	simm.s32 $0x6380  }
0x8b8: {  	[tilespmem:s6], [sflag:$0x1] =	stream.indirect_vreg.gather [hbm4b:s10+s3], $0x80, v19, vm0, $0xb8;
	[tilespmem:$0x1E080] =	vst v63  }
0x8b9: {  	v50 =	vperm.xlane v17, v12;
	v19 =	vadd.s32 v3, v49;
	s6 =	simm.s32 $0x6400  }
0x8ba: {  	[tilespmem:s6], [sflag:$0x1] =	stream.indirect_vreg.gather [hbm4b:s10+s3], $0x80, v47, vm0, $0xb8;
	[tilespmem:$0x1E080] =	vst v63  }
0x8bb: {  	v17 =	vperm.xlane v17, v13;
	v51 =	vadd.s32 v3, v50;
	s6 =	simm.s32 $0x6480  }
0x8bc: {  	[tilespmem:s6], [sflag:$0x1] =	stream.indirect_vreg.gather [hbm4b:s10+s3], $0x80, v18, vm0, $0xb8;
	[tilespmem:$0x1E080] =	vst v63  }
0x8bd: {  	v17 =	vadd.s32 v3, v17;
	s6 =	simm.s32 $0x6500  }
0x8be: {  	[tilespmem:s6], [sflag:$0x1] =	stream.indirect_vreg.gather [hbm4b:s10+s3], $0x80, v19, vm0, $0xb8;
	[tilespmem:$0x1E080] =	vst v63  }
0x8bf: {  	s6 =	simm.s32 $0x6580  }
0x8c0: {  	[tilespmem:s6], [sflag:$0x1] =	stream.indirect_vreg.gather [hbm4b:s10+s3], $0x80, v51, vm0, $0xb8;
	[tilespmem:$0x1E080] =	vst v63  }
0x8c1: {  	s6 =	simm.s32 $0x6600  }
0x8c2: {  	[tilespmem:s6], [sflag:$0x1] =	stream.indirect_vreg.gather [hbm4b:s10+s3], $0x80, v17, vm0, $0xb8;
	[tilespmem:$0x1E080] =	vst v63  }
0x8c3: {  	_ =	swait.ge [sflag:s19], $0x3E80  }
0x8c4: {  	[sflag:s19] =	ssyncset.done $0x0  }
0x8c5: {  	s6 =	sadd.s32 $0x1480, s16;
	[sflag:s19] =	ssyncadd.s32 $0xFFFFC180  }
0x8c6: {  	[spmem:s2] =	stream.indirect.scatter.add.f32 [tilespmem:s15], [sflag:$0x3], $0x80, s6, s18, $0xb8;
	[tilespmem:$0x1E080] =	vst v63  }
0x8c7: {  	_ =	swait.ge [sflag:s17], $0x3E80  }
0x8c8: {  	[sflag:s17] =	ssyncset.done $0x0  }
0x8c9: {  	[sflag:s17] =	ssyncadd.s32 $0xFFFFC180  }
0x8ca: {  	v17 =	vld [tilespmem:s16+$0x180];
	_ =	sdelay $0x4  }
0x8cb: {  	v18 =	vshll.u32 v17, $0x1  }
0x8cc: {  	v17 =	vand.u32 $0x7, v17;
	v18 =	vand.u32 $0xFFFFFFF0, v18  }
0x8cd: {  	v17 =	vor.u32 v17, v18  }
0x8ce: {  	v18 =	vperm.xlane v17, v2;
	_ =	sdelay $0x1  }
0x8cf: {  	v19 =	vperm.xlane v17, v1;
	v18 =	vadd.s32 v3, v18;
	_ =	sdelay $0x1  }
0x8d0: {  	v52 =	vperm.xlane v17, v4;
	v19 =	vadd.s32 v3, v19;
	_ =	sdelay $0x1  }
0x8d1: {  	v53 =	vperm.xlane v17, v5;
	v20 =	vadd.s32 v3, v52  }
0x8d2: {  	[tilespmem:s15], [sflag:$0x2] =	stream.indirect_vreg.gather [hbm4b:s10+s3], $0x80, v18, vm0, $0xb8;
	[tilespmem:$0x1E080] =	vst v63  }
0x8d3: {  	s6 =	simm.s32 $0x6880;
	v54 =	vperm.xlane v17, v6;
	v18 =	vadd.s32 v3, v53  }
0x8d4: {  	[tilespmem:s6], [sflag:$0x2] =	stream.indirect_vreg.gather [hbm4b:s10+s3], $0x80, v19, vm0, $0xb8;
	[tilespmem:$0x1E080] =	vst v63  }
0x8d5: {  	v55 =	vperm.xlane v17, v7;
	v19 =	vadd.s32 v3, v54;
	s6 =	simm.s32 $0x6900  }
0x8d6: {  	[tilespmem:s6], [sflag:$0x2] =	stream.indirect_vreg.gather [hbm4b:s10+s3], $0x80, v20, vm0, $0xb8;
	[tilespmem:$0x1E080] =	vst v63  }
0x8d7: {  	v57 =	vperm.xlane v17, v8;
	v56 =	vadd.s32 v3, v55;
	s6 =	simm.s32 $0x6980  }
0x8d8: {  	[tilespmem:s6], [sflag:$0x2] =	stream.indirect_vreg.gather [hbm4b:s10+s3], $0x80, v18, vm0, $0xb8;
	[tilespmem:$0x1E080] =	vst v63  }
0x8d9: {  	v58 =	vperm.xlane v17, v0;
	v18 =	vadd.s32 v3, v57;
	s6 =	simm.s32 $0x6A00  }
0x8da: {  	[tilespmem:s6], [sflag:$0x2] =	stream.indirect_vreg.gather [hbm4b:s10+s3], $0x80, v19, vm0, $0xb8;
	[tilespmem:$0x1E080] =	vst v63  }
0x8db: {  	v59 =	vperm.xlane v17, v9;
	v19 =	vadd.s32 v3, v58;
	s6 =	simm.s32 $0x6A80  }
0x8dc: {  	[tilespmem:s6], [sflag:$0x2] =	stream.indirect_vreg.gather [hbm4b:s10+s3], $0x80, v56, vm0, $0xb8;
	[tilespmem:$0x1E080] =	vst v63  }
0x8dd: {  	v61 =	vperm.xlane v17, v10;
	v60 =	vadd.s32 v3, v59;
	s6 =	simm.s32 $0x6B00  }
0x8de: {  	[tilespmem:s6], [sflag:$0x2] =	stream.indirect_vreg.gather [hbm4b:s10+s3], $0x80, v18, vm0, $0xb8;
	[tilespmem:$0x1E080] =	vst v63  }
0x8df: {  	v62 =	vperm.xlane v17, v11;
	v18 =	vadd.s32 v3, v61;
	s6 =	simm.s32 $0x6B80  }
0x8e0: {  	[tilespmem:s6], [sflag:$0x2] =	stream.indirect_vreg.gather [hbm4b:s10+s3], $0x80, v19, vm0, $0xb8;
	[tilespmem:$0x1E080] =	vst v63  }
0x8e1: {  	v63 =	vperm.xlane v17, v12;
	v19 =	vadd.s32 v3, v62;
	s6 =	simm.s32 $0x6C00  }
0x8e2: {  	[tilespmem:s6], [sflag:$0x2] =	stream.indirect_vreg.gather [hbm4b:s10+s3], $0x80, v60, vm0, $0xb8;
	[tilespmem:$0x1E080] =	vst v63  }
0x8e3: {  	v25 =	vperm.xlane v17, v13;
	v24 =	vadd.s32 v3, v63;
	s6 =	simm.s32 $0x6C80  }
0x8e4: {  	[tilespmem:s6], [sflag:$0x2] =	stream.indirect_vreg.gather [hbm4b:s10+s3], $0x80, v18, vm0, $0xb8;
	[tilespmem:$0x1E080] =	vst v63  }
0x8e5: {  	v26 =	vperm.xlane v17, v14;
	v18 =	vadd.s32 v3, v25;
	s6 =	simm.s32 $0x6D00  }
0x8e6: {  	[tilespmem:s6], [sflag:$0x2] =	stream.indirect_vreg.gather [hbm4b:s10+s3], $0x80, v19, vm0, $0xb8;
	[tilespmem:$0x1E080] =	vst v63  }
0x8e7: {  	v27 =	vperm.xlane v17, v15;
	v19 =	vadd.s32 v3, v26;
	s6 =	simm.s32 $0x6D80  }
0x8e8: {  	[tilespmem:s6], [sflag:$0x2] =	stream.indirect_vreg.gather [hbm4b:s10+s3], $0x80, v24, vm0, $0xb8;
	[tilespmem:$0x1E080] =	vst v63  }
0x8e9: {  	v17 =	vperm.xlane v17, v16;
	v28 =	vadd.s32 v3, v27;
	s6 =	simm.s32 $0x6E00  }
0x8ea: {  	[tilespmem:s6], [sflag:$0x2] =	stream.indirect_vreg.gather [hbm4b:s10+s3], $0x80, v18, vm0, $0xb8;
	[tilespmem:$0x1E080] =	vst v63  }
0x8eb: {  	v17 =	vadd.s32 v3, v17;
	s6 =	simm.s32 $0x6E80  }
0x8ec: {  	[tilespmem:s6], [sflag:$0x2] =	stream.indirect_vreg.gather [hbm4b:s10+s3], $0x80, v19, vm0, $0xb8;
	[tilespmem:$0x1E080] =	vst v63  }
0x8ed: {  	s6 =	simm.s32 $0x6F00  }
0x8ee: {  	[tilespmem:s6], [sflag:$0x2] =	stream.indirect_vreg.gather [hbm4b:s10+s3], $0x80, v28, vm0, $0xb8;
	[tilespmem:$0x1E080] =	vst v63  }
0x8ef: {  	s6 =	simm.s32 $0x6F80  }
0x8f0: {  	[tilespmem:s6], [sflag:$0x2] =	stream.indirect_vreg.gather [hbm4b:s10+s3], $0x80, v17, vm0, $0xb8;
	[tilespmem:$0x1E080] =	vst v63  }
0x8f1: {  	v17 =	vld [tilespmem:s16+$0x190];
	_ =	sdelay $0x4  }
0x8f2: {  	v18 =	vshll.u32 v17, $0x1  }
0x8f3: {  	v17 =	vand.u32 $0x7, v17;
	v18 =	vand.u32 $0xFFFFFFF0, v18  }
0x8f4: {  	v17 =	vor.u32 v17, v18  }
0x8f5: {  	v18 =	vperm.xlane v17, v2;
	_ =	sdelay $0x1  }
0x8f6: {  	v19 =	vperm.xlane v17, v1;
	v18 =	vadd.s32 v3, v18;
	_ =	sdelay $0x1  }
0x8f7: {  	v29 =	vperm.xlane v17, v4;
	v19 =	vadd.s32 v3, v19;
	_ =	sdelay $0x1  }
0x8f8: {  	s6 =	simm.s32 $0x7000;
	v30 =	vperm.xlane v17, v5;
	v20 =	vadd.s32 v3, v29  }
0x8f9: {  	[tilespmem:s6], [sflag:$0x2] =	stream.indirect_vreg.gather [hbm4b:s10+s3], $0x80, v18, vm0, $0xb8;
	[tilespmem:$0x1E080] =	vst v63  }
0x8fa: {  	v31 =	vperm.xlane v17, v6;
	v18 =	vadd.s32 v3, v30;
	s6 =	simm.s32 $0x7080  }
0x8fb: {  	[tilespmem:s6], [sflag:$0x2] =	stream.indirect_vreg.gather [hbm4b:s10+s3], $0x80, v19, vm0, $0xb8;
	[tilespmem:$0x1E080] =	vst v63  }
0x8fc: {  	v32 =	vperm.xlane v17, v7;
	v19 =	vadd.s32 v3, v31;
	s6 =	simm.s32 $0x7100  }
0x8fd: {  	[tilespmem:s6], [sflag:$0x2] =	stream.indirect_vreg.gather [hbm4b:s10+s3], $0x80, v20, vm0, $0xb8;
	[tilespmem:$0x1E080] =	vst v63  }
0x8fe: {  	v34 =	vperm.xlane v17, v8;
	v33 =	vadd.s32 v3, v32;
	s6 =	simm.s32 $0x7180  }
0x8ff: {  	[tilespmem:s6], [sflag:$0x2] =	stream.indirect_vreg.gather [hbm4b:s10+s3], $0x80, v18, vm0, $0xb8;
	[tilespmem:$0x1E080] =	vst v63  }
0x900: {  	v35 =	vperm.xlane v17, v0;
	v18 =	vadd.s32 v3, v34;
	s6 =	simm.s32 $0x7200  }
0x901: {  	[tilespmem:s6], [sflag:$0x2] =	stream.indirect_vreg.gather [hbm4b:s10+s3], $0x80, v19, vm0, $0xb8;
	[tilespmem:$0x1E080] =	vst v63  }
0x902: {  	v36 =	vperm.xlane v17, v9;
	v19 =	vadd.s32 v3, v35;
	s6 =	simm.s32 $0x7280  }
0x903: {  	[tilespmem:s6], [sflag:$0x2] =	stream.indirect_vreg.gather [hbm4b:s10+s3], $0x80, v33, vm0, $0xb8;
	[tilespmem:$0x1E080] =	vst v63  }
0x904: {  	v38 =	vperm.xlane v17, v10;
	v37 =	vadd.s32 v3, v36;
	s6 =	simm.s32 $0x7300  }
0x905: {  	[tilespmem:s6], [sflag:$0x2] =	stream.indirect_vreg.gather [hbm4b:s10+s3], $0x80, v18, vm0, $0xb8;
	[tilespmem:$0x1E080] =	vst v63  }
0x906: {  	v39 =	vperm.xlane v17, v11;
	v18 =	vadd.s32 v3, v38;
	s6 =	simm.s32 $0x7380  }
0x907: {  	[tilespmem:s6], [sflag:$0x2] =	stream.indirect_vreg.gather [hbm4b:s10+s3], $0x80, v19, vm0, $0xb8;
	[tilespmem:$0x1E080] =	vst v63  }
0x908: {  	v40 =	vperm.xlane v17, v12;
	v19 =	vadd.s32 v3, v39;
	s6 =	simm.s32 $0x7400  }
0x909: {  	[tilespmem:s6], [sflag:$0x2] =	stream.indirect_vreg.gather [hbm4b:s10+s3], $0x80, v37, vm0, $0xb8;
	[tilespmem:$0x1E080] =	vst v63  }
0x90a: {  	v42 =	vperm.xlane v17, v13;
	v41 =	vadd.s32 v3, v40;
	s6 =	simm.s32 $0x7480  }
0x90b: {  	[tilespmem:s6], [sflag:$0x2] =	stream.indirect_vreg.gather [hbm4b:s10+s3], $0x80, v18, vm0, $0xb8;
	[tilespmem:$0x1E080] =	vst v63  }
0x90c: {  	v43 =	vperm.xlane v17, v14;
	v18 =	vadd.s32 v3, v42;
	s6 =	simm.s32 $0x7500  }
0x90d: {  	[tilespmem:s6], [sflag:$0x2] =	stream.indirect_vreg.gather [hbm4b:s10+s3], $0x80, v19, vm0, $0xb8;
	[tilespmem:$0x1E080] =	vst v63  }
0x90e: {  	v44 =	vperm.xlane v17, v15;
	v19 =	vadd.s32 v3, v43;
	s6 =	simm.s32 $0x7580  }
0x90f: {  	[tilespmem:s6], [sflag:$0x2] =	stream.indirect_vreg.gather [hbm4b:s10+s3], $0x80, v41, vm0, $0xb8;
	[tilespmem:$0x1E080] =	vst v63  }
0x910: {  	v17 =	vperm.xlane v17, v16;
	v45 =	vadd.s32 v3, v44;
	s6 =	simm.s32 $0x7600  }
0x911: {  	[tilespmem:s6], [sflag:$0x2] =	stream.indirect_vreg.gather [hbm4b:s10+s3], $0x80, v18, vm0, $0xb8;
	[tilespmem:$0x1E080] =	vst v63  }
0x912: {  	v17 =	vadd.s32 v3, v17;
	s6 =	simm.s32 $0x7680  }
0x913: {  	[tilespmem:s6], [sflag:$0x2] =	stream.indirect_vreg.gather [hbm4b:s10+s3], $0x80, v19, vm0, $0xb8;
	[tilespmem:$0x1E080] =	vst v63  }
0x914: {  	s6 =	simm.s32 $0x7700  }
0x915: {  	[tilespmem:s6], [sflag:$0x2] =	stream.indirect_vreg.gather [hbm4b:s10+s3], $0x80, v45, vm0, $0xb8;
	[tilespmem:$0x1E080] =	vst v63  }
0x916: {  	s6 =	simm.s32 $0x7780  }
0x917: {  	[tilespmem:s6], [sflag:$0x2] =	stream.indirect_vreg.gather [hbm4b:s10+s3], $0x80, v17, vm0, $0xb8;
	[tilespmem:$0x1E080] =	vst v63  }
0x918: {  	v17 =	vld [tilespmem:s16+$0x1A0];
	_ =	sdelay $0x4  }
0x919: {  	v18 =	vshll.u32 v17, $0x1  }
0x91a: {  	v17 =	vand.u32 $0x7, v17;
	v18 =	vand.u32 $0xFFFFFFF0, v18  }
0x91b: {  	v17 =	vor.u32 v17, v18  }
0x91c: {  	v18 =	vperm.xlane v17, v2;
	_ =	sdelay $0x1  }
0x91d: {  	v19 =	vperm.xlane v17, v1;
	v18 =	vadd.s32 v3, v18;
	_ =	sdelay $0x1  }
0x91e: {  	v46 =	vperm.xlane v17, v4;
	v19 =	vadd.s32 v3, v19;
	_ =	sdelay $0x1  }
0x91f: {  	s6 =	simm.s32 $0x7800;
	v47 =	vperm.xlane v17, v5;
	v20 =	vadd.s32 v3, v46  }
0x920: {  	[tilespmem:s6], [sflag:$0x2] =	stream.indirect_vreg.gather [hbm4b:s10+s3], $0x80, v18, vm0, $0xb8;
	[tilespmem:$0x1E080] =	vst v63  }
0x921: {  	v48 =	vperm.xlane v17, v6;
	v18 =	vadd.s32 v3, v47;
	s6 =	simm.s32 $0x7880  }
0x922: {  	[tilespmem:s6], [sflag:$0x2] =	stream.indirect_vreg.gather [hbm4b:s10+s3], $0x80, v19, vm0, $0xb8;
	[tilespmem:$0x1E080] =	vst v63  }
0x923: {  	v49 =	vperm.xlane v17, v7;
	v19 =	vadd.s32 v3, v48;
	s6 =	simm.s32 $0x7900  }
0x924: {  	[tilespmem:s6], [sflag:$0x2] =	stream.indirect_vreg.gather [hbm4b:s10+s3], $0x80, v20, vm0, $0xb8;
	[tilespmem:$0x1E080] =	vst v63  }
0x925: {  	v51 =	vperm.xlane v17, v8;
	v50 =	vadd.s32 v3, v49;
	s6 =	simm.s32 $0x7980  }
0x926: {  	[tilespmem:s6], [sflag:$0x2] =	stream.indirect_vreg.gather [hbm4b:s10+s3], $0x80, v18, vm0, $0xb8;
	[tilespmem:$0x1E080] =	vst v63  }
0x927: {  	v52 =	vperm.xlane v17, v0;
	v18 =	vadd.s32 v3, v51;
	s6 =	simm.s32 $0x7A00  }
0x928: {  	[tilespmem:s6], [sflag:$0x2] =	stream.indirect_vreg.gather [hbm4b:s10+s3], $0x80, v19, vm0, $0xb8;
	[tilespmem:$0x1E080] =	vst v63  }
0x929: {  	v53 =	vperm.xlane v17, v9;
	v19 =	vadd.s32 v3, v52;
	s6 =	simm.s32 $0x7A80  }
0x92a: {  	[tilespmem:s6], [sflag:$0x2] =	stream.indirect_vreg.gather [hbm4b:s10+s3], $0x80, v50, vm0, $0xb8;
	[tilespmem:$0x1E080] =	vst v63  }
0x92b: {  	v55 =	vperm.xlane v17, v10;
	v54 =	vadd.s32 v3, v53;
	s6 =	simm.s32 $0x7B00  }
0x92c: {  	[tilespmem:s6], [sflag:$0x2] =	stream.indirect_vreg.gather [hbm4b:s10+s3], $0x80, v18, vm0, $0xb8;
	[tilespmem:$0x1E080] =	vst v63  }
0x92d: {  	v56 =	vperm.xlane v17, v11;
	v18 =	vadd.s32 v3, v55;
	s6 =	simm.s32 $0x7B80  }
0x92e: {  	[tilespmem:s6], [sflag:$0x2] =	stream.indirect_vreg.gather [hbm4b:s10+s3], $0x80, v19, vm0, $0xb8;
	[tilespmem:$0x1E080] =	vst v63  }
0x92f: {  	v57 =	vperm.xlane v17, v12;
	v19 =	vadd.s32 v3, v56;
	s6 =	simm.s32 $0x7C00  }
0x930: {  	[tilespmem:s6], [sflag:$0x2] =	stream.indirect_vreg.gather [hbm4b:s10+s3], $0x80, v54, vm0, $0xb8;
	[tilespmem:$0x1E080] =	vst v63  }
0x931: {  	v59 =	vperm.xlane v17, v13;
	v58 =	vadd.s32 v3, v57;
	s6 =	simm.s32 $0x7C80  }
0x932: {  	[tilespmem:s6], [sflag:$0x2] =	stream.indirect_vreg.gather [hbm4b:s10+s3], $0x80, v18, vm0, $0xb8;
	[tilespmem:$0x1E080] =	vst v63  }
0x933: {  	v60 =	vperm.xlane v17, v14;
	v18 =	vadd.s32 v3, v59;
	s6 =	simm.s32 $0x7D00  }
0x934: {  	[tilespmem:s6], [sflag:$0x2] =	stream.indirect_vreg.gather [hbm4b:s10+s3], $0x80, v19, vm0, $0xb8;
	[tilespmem:$0x1E080] =	vst v63  }
0x935: {  	v61 =	vperm.xlane v17, v15;
	v19 =	vadd.s32 v3, v60;
	s6 =	simm.s32 $0x7D80  }
0x936: {  	[tilespmem:s6], [sflag:$0x2] =	stream.indirect_vreg.gather [hbm4b:s10+s3], $0x80, v58, vm0, $0xb8;
	[tilespmem:$0x1E080] =	vst v63  }
0x937: {  	v17 =	vperm.xlane v17, v16;
	v62 =	vadd.s32 v3, v61;
	s6 =	simm.s32 $0x7E00  }
0x938: {  	[tilespmem:s6], [sflag:$0x2] =	stream.indirect_vreg.gather [hbm4b:s10+s3], $0x80, v18, vm0, $0xb8;
	[tilespmem:$0x1E080] =	vst v63  }
0x939: {  	v17 =	vadd.s32 v3, v17;
	s6 =	simm.s32 $0x7E80  }
0x93a: {  	[tilespmem:s6], [sflag:$0x2] =	stream.indirect_vreg.gather [hbm4b:s10+s3], $0x80, v19, vm0, $0xb8;
	[tilespmem:$0x1E080] =	vst v63  }
0x93b: {  	s6 =	simm.s32 $0x7F00  }
0x93c: {  	[tilespmem:s6], [sflag:$0x2] =	stream.indirect_vreg.gather [hbm4b:s10+s3], $0x80, v62, vm0, $0xb8;
	[tilespmem:$0x1E080] =	vst v63  }
0x93d: {  	s6 =	simm.s32 $0x7F80  }
0x93e: {  	[tilespmem:s6], [sflag:$0x2] =	stream.indirect_vreg.gather [hbm4b:s10+s3], $0x80, v17, vm0, $0xb8;
	[tilespmem:$0x1E080] =	vst v63  }
0x93f: {  	v17 =	vld [tilespmem:s16+$0x1B0];
	_ =	sdelay $0x4  }
0x940: {  	v18 =	vshll.u32 v17, $0x1  }
0x941: {  	v17 =	vand.u32 $0x7, v17;
	v18 =	vand.u32 $0xFFFFFFF0, v18  }
0x942: {  	v17 =	vor.u32 v17, v18  }
0x943: {  	v18 =	vperm.xlane v17, v2;
	_ =	sdelay $0x1  }
0x944: {  	v19 =	vperm.xlane v17, v1;
	v18 =	vadd.s32 v3, v18;
	_ =	sdelay $0x1  }
0x945: {  	v63 =	vperm.xlane v17, v4;
	v19 =	vadd.s32 v3, v19;
	_ =	sdelay $0x1  }
0x946: {  	s6 =	simm.s32 $0x8000;
	v24 =	vperm.xlane v17, v5;
	v20 =	vadd.s32 v3, v63  }
0x947: {  	[tilespmem:s6], [sflag:$0x2] =	stream.indirect_vreg.gather [hbm4b:s10+s3], $0x80, v18, vm0, $0xb8;
	[tilespmem:$0x1E080] =	vst v63  }
0x948: {  	v25 =	vperm.xlane v17, v6;
	v18 =	vadd.s32 v3, v24;
	s6 =	simm.s32 $0x8080  }
0x949: {  	[tilespmem:s6], [sflag:$0x2] =	stream.indirect_vreg.gather [hbm4b:s10+s3], $0x80, v19, vm0, $0xb8;
	[tilespmem:$0x1E080] =	vst v63  }
0x94a: {  	v26 =	vperm.xlane v17, v7;
	v19 =	vadd.s32 v3, v25;
	s6 =	simm.s32 $0x8100  }
0x94b: {  	[tilespmem:s6], [sflag:$0x2] =	stream.indirect_vreg.gather [hbm4b:s10+s3], $0x80, v20, vm0, $0xb8;
	[tilespmem:$0x1E080] =	vst v63  }
0x94c: {  	v28 =	vperm.xlane v17, v8;
	v27 =	vadd.s32 v3, v26;
	s6 =	simm.s32 $0x8180  }
0x94d: {  	[tilespmem:s6], [sflag:$0x2] =	stream.indirect_vreg.gather [hbm4b:s10+s3], $0x80, v18, vm0, $0xb8;
	[tilespmem:$0x1E080] =	vst v63  }
0x94e: {  	v29 =	vperm.xlane v17, v0;
	v18 =	vadd.s32 v3, v28;
	s6 =	simm.s32 $0x8200  }
0x94f: {  	[tilespmem:s6], [sflag:$0x2] =	stream.indirect_vreg.gather [hbm4b:s10+s3], $0x80, v19, vm0, $0xb8;
	[tilespmem:$0x1E080] =	vst v63  }
0x950: {  	v30 =	vperm.xlane v17, v9;
	v19 =	vadd.s32 v3, v29;
	s6 =	simm.s32 $0x8280  }
0x951: {  	[tilespmem:s6], [sflag:$0x2] =	stream.indirect_vreg.gather [hbm4b:s10+s3], $0x80, v27, vm0, $0xb8;
	[tilespmem:$0x1E080] =	vst v63  }
0x952: {  	v32 =	vperm.xlane v17, v10;
	v31 =	vadd.s32 v3, v30;
	s6 =	simm.s32 $0x8300  }
0x953: {  	[tilespmem:s6], [sflag:$0x2] =	stream.indirect_vreg.gather [hbm4b:s10+s3], $0x80, v18, vm0, $0xb8;
	[tilespmem:$0x1E080] =	vst v63  }
0x954: {  	v33 =	vperm.xlane v17, v11;
	v18 =	vadd.s32 v3, v32;
	s6 =	simm.s32 $0x8380  }
0x955: {  	[tilespmem:s6], [sflag:$0x2] =	stream.indirect_vreg.gather [hbm4b:s10+s3], $0x80, v19, vm0, $0xb8;
	[tilespmem:$0x1E080] =	vst v63  }
0x956: {  	v34 =	vperm.xlane v17, v12;
	v19 =	vadd.s32 v3, v33;
	s6 =	simm.s32 $0x8400  }
0x957: {  	[tilespmem:s6], [sflag:$0x2] =	stream.indirect_vreg.gather [hbm4b:s10+s3], $0x80, v31, vm0, $0xb8;
	[tilespmem:$0x1E080] =	vst v63  }
0x958: {  	v36 =	vperm.xlane v17, v13;
	v35 =	vadd.s32 v3, v34;
	s6 =	simm.s32 $0x8480  }
0x959: {  	[tilespmem:s6], [sflag:$0x2] =	stream.indirect_vreg.gather [hbm4b:s10+s3], $0x80, v18, vm0, $0xb8;
	[tilespmem:$0x1E080] =	vst v63  }
0x95a: {  	v37 =	vperm.xlane v17, v14;
	v18 =	vadd.s32 v3, v36;
	s6 =	simm.s32 $0x8500  }
0x95b: {  	[tilespmem:s6], [sflag:$0x2] =	stream.indirect_vreg.gather [hbm4b:s10+s3], $0x80, v19, vm0, $0xb8;
	[tilespmem:$0x1E080] =	vst v63  }
0x95c: {  	v38 =	vperm.xlane v17, v15;
	v19 =	vadd.s32 v3, v37;
	s6 =	simm.s32 $0x8580  }
0x95d: {  	[tilespmem:s6], [sflag:$0x2] =	stream.indirect_vreg.gather [hbm4b:s10+s3], $0x80, v35, vm0, $0xb8;
	[tilespmem:$0x1E080] =	vst v63  }
0x95e: {  	v17 =	vperm.xlane v17, v16;
	v39 =	vadd.s32 v3, v38;
	s6 =	simm.s32 $0x8600  }
0x95f: {  	[tilespmem:s6], [sflag:$0x2] =	stream.indirect_vreg.gather [hbm4b:s10+s3], $0x80, v18, vm0, $0xb8;
	[tilespmem:$0x1E080] =	vst v63  }
0x960: {  	v17 =	vadd.s32 v3, v17;
	s6 =	simm.s32 $0x8680  }
0x961: {  	[tilespmem:s6], [sflag:$0x2] =	stream.indirect_vreg.gather [hbm4b:s10+s3], $0x80, v19, vm0, $0xb8;
	[tilespmem:$0x1E080] =	vst v63  }
0x962: {  	s6 =	simm.s32 $0x8700  }
0x963: {  	[tilespmem:s6], [sflag:$0x2] =	stream.indirect_vreg.gather [hbm4b:s10+s3], $0x80, v39, vm0, $0xb8;
	[tilespmem:$0x1E080] =	vst v63  }
0x964: {  	s6 =	simm.s32 $0x8780  }
0x965: {  	[tilespmem:s6], [sflag:$0x2] =	stream.indirect_vreg.gather [hbm4b:s10+s3], $0x80, v17, vm0, $0xb8;
	[tilespmem:$0x1E080] =	vst v63  }
0x966: {  	v17 =	vld [tilespmem:s16+$0x1C0];
	_ =	sdelay $0x4  }
0x967: {  	v18 =	vshll.u32 v17, $0x1  }
0x968: {  	v17 =	vand.u32 $0x7, v17;
	v18 =	vand.u32 $0xFFFFFFF0, v18  }
0x969: {  	v17 =	vor.u32 v17, v18  }
0x96a: {  	v18 =	vperm.xlane v17, v2;
	_ =	sdelay $0x1  }
0x96b: {  	v19 =	vperm.xlane v17, v1;
	v18 =	vadd.s32 v3, v18;
	_ =	sdelay $0x1  }
0x96c: {  	v40 =	vperm.xlane v17, v4;
	v19 =	vadd.s32 v3, v19;
	_ =	sdelay $0x1  }
0x96d: {  	s6 =	simm.s32 $0x8800;
	v41 =	vperm.xlane v17, v5;
	v20 =	vadd.s32 v3, v40  }
0x96e: {  	[tilespmem:s6], [sflag:$0x2] =	stream.indirect_vreg.gather [hbm4b:s10+s3], $0x80, v18, vm0, $0xb8;
	[tilespmem:$0x1E080] =	vst v63  }
0x96f: {  	v42 =	vperm.xlane v17, v6;
	v18 =	vadd.s32 v3, v41;
	s6 =	simm.s32 $0x8880  }
0x970: {  	[tilespmem:s6], [sflag:$0x2] =	stream.indirect_vreg.gather [hbm4b:s10+s3], $0x80, v19, vm0, $0xb8;
	[tilespmem:$0x1E080] =	vst v63  }
0x971: {  	v43 =	vperm.xlane v17, v7;
	v19 =	vadd.s32 v3, v42;
	s6 =	simm.s32 $0x8900  }
0x972: {  	[tilespmem:s6], [sflag:$0x2] =	stream.indirect_vreg.gather [hbm4b:s10+s3], $0x80, v20, vm0, $0xb8;
	[tilespmem:$0x1E080] =	vst v63  }
0x973: {  	v45 =	vperm.xlane v17, v8;
	v44 =	vadd.s32 v3, v43;
	s6 =	simm.s32 $0x8980  }
0x974: {  	[tilespmem:s6], [sflag:$0x2] =	stream.indirect_vreg.gather [hbm4b:s10+s3], $0x80, v18, vm0, $0xb8;
	[tilespmem:$0x1E080] =	vst v63  }
0x975: {  	v46 =	vperm.xlane v17, v0;
	v18 =	vadd.s32 v3, v45;
	s6 =	simm.s32 $0x8A00  }
0x976: {  	[tilespmem:s6], [sflag:$0x2] =	stream.indirect_vreg.gather [hbm4b:s10+s3], $0x80, v19, vm0, $0xb8;
	[tilespmem:$0x1E080] =	vst v63  }
0x977: {  	v47 =	vperm.xlane v17, v9;
	v19 =	vadd.s32 v3, v46;
	s6 =	simm.s32 $0x8A80  }
0x978: {  	[tilespmem:s6], [sflag:$0x2] =	stream.indirect_vreg.gather [hbm4b:s10+s3], $0x80, v44, vm0, $0xb8;
	[tilespmem:$0x1E080] =	vst v63  }
0x979: {  	v49 =	vperm.xlane v17, v10;
	v48 =	vadd.s32 v3, v47;
	s6 =	simm.s32 $0x8B00  }
0x97a: {  	[tilespmem:s6], [sflag:$0x2] =	stream.indirect_vreg.gather [hbm4b:s10+s3], $0x80, v18, vm0, $0xb8;
	[tilespmem:$0x1E080] =	vst v63  }
0x97b: {  	v50 =	vperm.xlane v17, v11;
	v18 =	vadd.s32 v3, v49;
	s6 =	simm.s32 $0x8B80  }
0x97c: {  	[tilespmem:s6], [sflag:$0x2] =	stream.indirect_vreg.gather [hbm4b:s10+s3], $0x80, v19, vm0, $0xb8;
	[tilespmem:$0x1E080] =	vst v63  }
0x97d: {  	v51 =	vperm.xlane v17, v12;
	v19 =	vadd.s32 v3, v50;
	s6 =	simm.s32 $0x8C00  }
0x97e: {  	[tilespmem:s6], [sflag:$0x2] =	stream.indirect_vreg.gather [hbm4b:s10+s3], $0x80, v48, vm0, $0xb8;
	[tilespmem:$0x1E080] =	vst v63  }
0x97f: {  	v53 =	vperm.xlane v17, v13;
	v52 =	vadd.s32 v3, v51;
	s6 =	simm.s32 $0x8C80  }
0x980: {  	[tilespmem:s6], [sflag:$0x2] =	stream.indirect_vreg.gather [hbm4b:s10+s3], $0x80, v18, vm0, $0xb8;
	[tilespmem:$0x1E080] =	vst v63  }
0x981: {  	v54 =	vperm.xlane v17, v14;
	v18 =	vadd.s32 v3, v53;
	s6 =	simm.s32 $0x8D00  }
0x982: {  	[tilespmem:s6], [sflag:$0x2] =	stream.indirect_vreg.gather [hbm4b:s10+s3], $0x80, v19, vm0, $0xb8;
	[tilespmem:$0x1E080] =	vst v63  }
0x983: {  	v55 =	vperm.xlane v17, v15;
	v19 =	vadd.s32 v3, v54;
	s6 =	simm.s32 $0x8D80  }
0x984: {  	[tilespmem:s6], [sflag:$0x2] =	stream.indirect_vreg.gather [hbm4b:s10+s3], $0x80, v52, vm0, $0xb8;
	[tilespmem:$0x1E080] =	vst v63  }
0x985: {  	v17 =	vperm.xlane v17, v16;
	v56 =	vadd.s32 v3, v55;
	s6 =	simm.s32 $0x8E00  }
0x986: {  	[tilespmem:s6], [sflag:$0x2] =	stream.indirect_vreg.gather [hbm4b:s10+s3], $0x80, v18, vm0, $0xb8;
	[tilespmem:$0x1E080] =	vst v63  }
0x987: {  	v17 =	vadd.s32 v3, v17;
	s6 =	simm.s32 $0x8E80  }
0x988: {  	[tilespmem:s6], [sflag:$0x2] =	stream.indirect_vreg.gather [hbm4b:s10+s3], $0x80, v19, vm0, $0xb8;
	[tilespmem:$0x1E080] =	vst v63  }
0x989: {  	s6 =	simm.s32 $0x8F00  }
0x98a: {  	[tilespmem:s6], [sflag:$0x2] =	stream.indirect_vreg.gather [hbm4b:s10+s3], $0x80, v56, vm0, $0xb8;
	[tilespmem:$0x1E080] =	vst v63  }
0x98b: {  	s6 =	simm.s32 $0x8F80  }
0x98c: {  	[tilespmem:s6], [sflag:$0x2] =	stream.indirect_vreg.gather [hbm4b:s10+s3], $0x80, v17, vm0, $0xb8;
	[tilespmem:$0x1E080] =	vst v63  }
0x98d: {  	v17 =	vld [tilespmem:s16+$0x1D0];
	_ =	sdelay $0x4  }
0x98e: {  	v18 =	vshll.u32 v17, $0x1  }
0x98f: {  	v17 =	vand.u32 $0x7, v17;
	v18 =	vand.u32 $0xFFFFFFF0, v18  }
0x990: {  	v17 =	vor.u32 v17, v18  }
0x991: {  	v18 =	vperm.xlane v17, v2;
	_ =	sdelay $0x1  }
0x992: {  	v19 =	vperm.xlane v17, v1;
	v18 =	vadd.s32 v3, v18;
	_ =	sdelay $0x1  }
0x993: {  	v57 =	vperm.xlane v17, v4;
	v19 =	vadd.s32 v3, v19;
	_ =	sdelay $0x1  }
0x994: {  	s6 =	simm.s32 $0x9000;
	v58 =	vperm.xlane v17, v5;
	v20 =	vadd.s32 v3, v57  }
0x995: {  	[tilespmem:s6], [sflag:$0x2] =	stream.indirect_vreg.gather [hbm4b:s10+s3], $0x80, v18, vm0, $0xb8;
	[tilespmem:$0x1E080] =	vst v63  }
0x996: {  	v59 =	vperm.xlane v17, v6;
	v18 =	vadd.s32 v3, v58;
	s6 =	simm.s32 $0x9080  }
0x997: {  	[tilespmem:s6], [sflag:$0x2] =	stream.indirect_vreg.gather [hbm4b:s10+s3], $0x80, v19, vm0, $0xb8;
	[tilespmem:$0x1E080] =	vst v63  }
0x998: {  	v60 =	vperm.xlane v17, v7;
	v19 =	vadd.s32 v3, v59;
	s6 =	simm.s32 $0x9100  }
0x999: {  	[tilespmem:s6], [sflag:$0x2] =	stream.indirect_vreg.gather [hbm4b:s10+s3], $0x80, v20, vm0, $0xb8;
	[tilespmem:$0x1E080] =	vst v63  }
0x99a: {  	v62 =	vperm.xlane v17, v8;
	v61 =	vadd.s32 v3, v60;
	s6 =	simm.s32 $0x9180  }
0x99b: {  	[tilespmem:s6], [sflag:$0x2] =	stream.indirect_vreg.gather [hbm4b:s10+s3], $0x80, v18, vm0, $0xb8;
	[tilespmem:$0x1E080] =	vst v63  }
0x99c: {  	v63 =	vperm.xlane v17, v0;
	v18 =	vadd.s32 v3, v62;
	s6 =	simm.s32 $0x9200  }
0x99d: {  	[tilespmem:s6], [sflag:$0x2] =	stream.indirect_vreg.gather [hbm4b:s10+s3], $0x80, v19, vm0, $0xb8;
	[tilespmem:$0x1E080] =	vst v63  }
0x99e: {  	v24 =	vperm.xlane v17, v9;
	v19 =	vadd.s32 v3, v63;
	s6 =	simm.s32 $0x9280  }
0x99f: {  	[tilespmem:s6], [sflag:$0x2] =	stream.indirect_vreg.gather [hbm4b:s10+s3], $0x80, v61, vm0, $0xb8;
	[tilespmem:$0x1E080] =	vst v63  }
0x9a0: {  	v26 =	vperm.xlane v17, v10;
	v25 =	vadd.s32 v3, v24;
	s6 =	simm.s32 $0x9300  }
0x9a1: {  	[tilespmem:s6], [sflag:$0x2] =	stream.indirect_vreg.gather [hbm4b:s10+s3], $0x80, v18, vm0, $0xb8;
	[tilespmem:$0x1E080] =	vst v63  }
0x9a2: {  	v27 =	vperm.xlane v17, v11;
	v18 =	vadd.s32 v3, v26;
	s6 =	simm.s32 $0x9380  }
0x9a3: {  	[tilespmem:s6], [sflag:$0x2] =	stream.indirect_vreg.gather [hbm4b:s10+s3], $0x80, v19, vm0, $0xb8;
	[tilespmem:$0x1E080] =	vst v63  }
0x9a4: {  	v28 =	vperm.xlane v17, v12;
	v19 =	vadd.s32 v3, v27;
	s6 =	simm.s32 $0x9400  }
0x9a5: {  	[tilespmem:s6], [sflag:$0x2] =	stream.indirect_vreg.gather [hbm4b:s10+s3], $0x80, v25, vm0, $0xb8;
	[tilespmem:$0x1E080] =	vst v63  }
0x9a6: {  	v30 =	vperm.xlane v17, v13;
	v29 =	vadd.s32 v3, v28;
	s6 =	simm.s32 $0x9480  }
0x9a7: {  	[tilespmem:s6], [sflag:$0x2] =	stream.indirect_vreg.gather [hbm4b:s10+s3], $0x80, v18, vm0, $0xb8;
	[tilespmem:$0x1E080] =	vst v63  }
0x9a8: {  	v31 =	vperm.xlane v17, v14;
	v18 =	vadd.s32 v3, v30;
	s6 =	simm.s32 $0x9500  }
0x9a9: {  	[tilespmem:s6], [sflag:$0x2] =	stream.indirect_vreg.gather [hbm4b:s10+s3], $0x80, v19, vm0, $0xb8;
	[tilespmem:$0x1E080] =	vst v63  }
0x9aa: {  	v32 =	vperm.xlane v17, v15;
	v19 =	vadd.s32 v3, v31;
	s6 =	simm.s32 $0x9580  }
0x9ab: {  	[tilespmem:s6], [sflag:$0x2] =	stream.indirect_vreg.gather [hbm4b:s10+s3], $0x80, v29, vm0, $0xb8;
	[tilespmem:$0x1E080] =	vst v63  }
0x9ac: {  	v17 =	vperm.xlane v17, v16;
	v33 =	vadd.s32 v3, v32;
	s6 =	simm.s32 $0x9600  }
0x9ad: {  	[tilespmem:s6], [sflag:$0x2] =	stream.indirect_vreg.gather [hbm4b:s10+s3], $0x80, v18, vm0, $0xb8;
	[tilespmem:$0x1E080] =	vst v63  }
0x9ae: {  	v17 =	vadd.s32 v3, v17;
	s6 =	simm.s32 $0x9680  }
0x9af: {  	[tilespmem:s6], [sflag:$0x2] =	stream.indirect_vreg.gather [hbm4b:s10+s3], $0x80, v19, vm0, $0xb8;
	[tilespmem:$0x1E080] =	vst v63  }
0x9b0: {  	s6 =	simm.s32 $0x9700  }
0x9b1: {  	[tilespmem:s6], [sflag:$0x2] =	stream.indirect_vreg.gather [hbm4b:s10+s3], $0x80, v33, vm0, $0xb8;
	[tilespmem:$0x1E080] =	vst v63  }
0x9b2: {  	s6 =	simm.s32 $0x9780  }
0x9b3: {  	[tilespmem:s6], [sflag:$0x2] =	stream.indirect_vreg.gather [hbm4b:s10+s3], $0x80, v17, vm0, $0xb8;
	[tilespmem:$0x1E080] =	vst v63  }
0x9b4: {  	v17 =	vld [tilespmem:s16+$0x1E0];
	_ =	sdelay $0x4  }
0x9b5: {  	v18 =	vshll.u32 v17, $0x1  }
0x9b6: {  	v17 =	vand.u32 $0x7, v17;
	v18 =	vand.u32 $0xFFFFFFF0, v18  }
0x9b7: {  	v17 =	vor.u32 v17, v18  }
0x9b8: {  	v18 =	vperm.xlane v17, v2;
	_ =	sdelay $0x1  }
0x9b9: {  	v19 =	vperm.xlane v17, v1;
	v18 =	vadd.s32 v3, v18;
	_ =	sdelay $0x1  }
0x9ba: {  	v34 =	vperm.xlane v17, v4;
	v19 =	vadd.s32 v3, v19;
	_ =	sdelay $0x1  }
0x9bb: {  	s6 =	simm.s32 $0x9800;
	v35 =	vperm.xlane v17, v5;
	v20 =	vadd.s32 v3, v34  }
0x9bc: {  	[tilespmem:s6], [sflag:$0x2] =	stream.indirect_vreg.gather [hbm4b:s10+s3], $0x80, v18, vm0, $0xb8;
	[tilespmem:$0x1E080] =	vst v63  }
0x9bd: {  	v36 =	vperm.xlane v17, v6;
	v18 =	vadd.s32 v3, v35;
	s6 =	simm.s32 $0x9880  }
0x9be: {  	[tilespmem:s6], [sflag:$0x2] =	stream.indirect_vreg.gather [hbm4b:s10+s3], $0x80, v19, vm0, $0xb8;
	[tilespmem:$0x1E080] =	vst v63  }
0x9bf: {  	v37 =	vperm.xlane v17, v7;
	v19 =	vadd.s32 v3, v36;
	s6 =	simm.s32 $0x9900  }
0x9c0: {  	[tilespmem:s6], [sflag:$0x2] =	stream.indirect_vreg.gather [hbm4b:s10+s3], $0x80, v20, vm0, $0xb8;
	[tilespmem:$0x1E080] =	vst v63  }
0x9c1: {  	v39 =	vperm.xlane v17, v8;
	v38 =	vadd.s32 v3, v37;
	s6 =	simm.s32 $0x9980  }
0x9c2: {  	[tilespmem:s6], [sflag:$0x2] =	stream.indirect_vreg.gather [hbm4b:s10+s3], $0x80, v18, vm0, $0xb8;
	[tilespmem:$0x1E080] =	vst v63  }
0x9c3: {  	v40 =	vperm.xlane v17, v0;
	v18 =	vadd.s32 v3, v39;
	s6 =	simm.s32 $0x9A00  }
0x9c4: {  	[tilespmem:s6], [sflag:$0x2] =	stream.indirect_vreg.gather [hbm4b:s10+s3], $0x80, v19, vm0, $0xb8;
	[tilespmem:$0x1E080] =	vst v63  }
0x9c5: {  	v41 =	vperm.xlane v17, v9;
	v19 =	vadd.s32 v3, v40;
	s6 =	simm.s32 $0x9A80  }
0x9c6: {  	[tilespmem:s6], [sflag:$0x2] =	stream.indirect_vreg.gather [hbm4b:s10+s3], $0x80, v38, vm0, $0xb8;
	[tilespmem:$0x1E080] =	vst v63  }
0x9c7: {  	v43 =	vperm.xlane v17, v10;
	v42 =	vadd.s32 v3, v41;
	s6 =	simm.s32 $0x9B00  }
0x9c8: {  	[tilespmem:s6], [sflag:$0x2] =	stream.indirect_vreg.gather [hbm4b:s10+s3], $0x80, v18, vm0, $0xb8;
	[tilespmem:$0x1E080] =	vst v63  }
0x9c9: {  	v44 =	vperm.xlane v17, v11;
	v18 =	vadd.s32 v3, v43;
	s6 =	simm.s32 $0x9B80  }
0x9ca: {  	[tilespmem:s6], [sflag:$0x2] =	stream.indirect_vreg.gather [hbm4b:s10+s3], $0x80, v19, vm0, $0xb8;
	[tilespmem:$0x1E080] =	vst v63  }
0x9cb: {  	v45 =	vperm.xlane v17, v12;
	v19 =	vadd.s32 v3, v44;
	s6 =	simm.s32 $0x9C00  }
0x9cc: {  	[tilespmem:s6], [sflag:$0x2] =	stream.indirect_vreg.gather [hbm4b:s10+s3], $0x80, v42, vm0, $0xb8;
	[tilespmem:$0x1E080] =	vst v63  }
0x9cd: {  	v47 =	vperm.xlane v17, v13;
	v46 =	vadd.s32 v3, v45;
	s6 =	simm.s32 $0x9C80  }
0x9ce: {  	[tilespmem:s6], [sflag:$0x2] =	stream.indirect_vreg.gather [hbm4b:s10+s3], $0x80, v18, vm0, $0xb8;
	[tilespmem:$0x1E080] =	vst v63  }
0x9cf: {  	v48 =	vperm.xlane v17, v14;
	v18 =	vadd.s32 v3, v47;
	s6 =	simm.s32 $0x9D00  }
0x9d0: {  	[tilespmem:s6], [sflag:$0x2] =	stream.indirect_vreg.gather [hbm4b:s10+s3], $0x80, v19, vm0, $0xb8;
	[tilespmem:$0x1E080] =	vst v63  }
0x9d1: {  	v49 =	vperm.xlane v17, v15;
	v19 =	vadd.s32 v3, v48;
	s6 =	simm.s32 $0x9D80  }
0x9d2: {  	[tilespmem:s6], [sflag:$0x2] =	stream.indirect_vreg.gather [hbm4b:s10+s3], $0x80, v46, vm0, $0xb8;
	[tilespmem:$0x1E080] =	vst v63  }
0x9d3: {  	v17 =	vperm.xlane v17, v16;
	v50 =	vadd.s32 v3, v49;
	s6 =	simm.s32 $0x9E00  }
0x9d4: {  	[tilespmem:s6], [sflag:$0x2] =	stream.indirect_vreg.gather [hbm4b:s10+s3], $0x80, v18, vm0, $0xb8;
	[tilespmem:$0x1E080] =	vst v63  }
0x9d5: {  	v17 =	vadd.s32 v3, v17;
	s6 =	simm.s32 $0x9E80  }
0x9d6: {  	[tilespmem:s6], [sflag:$0x2] =	stream.indirect_vreg.gather [hbm4b:s10+s3], $0x80, v19, vm0, $0xb8;
	[tilespmem:$0x1E080] =	vst v63  }
0x9d7: {  	s6 =	simm.s32 $0x9F00  }
0x9d8: {  	[tilespmem:s6], [sflag:$0x2] =	stream.indirect_vreg.gather [hbm4b:s10+s3], $0x80, v50, vm0, $0xb8;
	[tilespmem:$0x1E080] =	vst v63  }
0x9d9: {  	s6 =	simm.s32 $0x9F80  }
0x9da: {  	[tilespmem:s6], [sflag:$0x2] =	stream.indirect_vreg.gather [hbm4b:s10+s3], $0x80, v17, vm0, $0xb8;
	[tilespmem:$0x1E080] =	vst v63  }
0x9db: {  	v17 =	vld.msk [tilespmem:s16+$0x1F0], $0x1fff;
	_ =	sdelay $0x4  }
0x9dc: {  	v18 =	vshll.u32 v17, $0x1  }
0x9dd: {  	v17 =	vand.u32 $0x7, v17;
	v18 =	vand.u32 $0xFFFFFFF0, v18  }
0x9de: {  	v17 =	vor.u32 v17, v18  }
0x9df: {  	v18 =	vperm.xlane v17, v2;
	_ =	sdelay $0x1  }
0x9e0: {  	v19 =	vperm.xlane v17, v1;
	v18 =	vadd.s32 v3, v18;
	_ =	sdelay $0x1  }
0x9e1: {  	v51 =	vperm.xlane v17, v4;
	v19 =	vadd.s32 v3, v19;
	_ =	sdelay $0x1  }
0x9e2: {  	s6 =	simm.s32 $0xA000;
	v52 =	vperm.xlane v17, v5;
	v20 =	vadd.s32 v3, v51  }
0x9e3: {  	[tilespmem:s6], [sflag:$0x2] =	stream.indirect_vreg.gather [hbm4b:s10+s3], $0x80, v18, vm0, $0xb8;
	[tilespmem:$0x1E080] =	vst v63  }
0x9e4: {  	v53 =	vperm.xlane v17, v6;
	v18 =	vadd.s32 v3, v52;
	s6 =	simm.s32 $0xA080  }
0x9e5: {  	[tilespmem:s6], [sflag:$0x2] =	stream.indirect_vreg.gather [hbm4b:s10+s3], $0x80, v19, vm0, $0xb8;
	[tilespmem:$0x1E080] =	vst v63  }
0x9e6: {  	v54 =	vperm.xlane v17, v7;
	v19 =	vadd.s32 v3, v53;
	s6 =	simm.s32 $0xA100  }
0x9e7: {  	[tilespmem:s6], [sflag:$0x2] =	stream.indirect_vreg.gather [hbm4b:s10+s3], $0x80, v20, vm0, $0xb8;
	[tilespmem:$0x1E080] =	vst v63  }
0x9e8: {  	v56 =	vperm.xlane v17, v8;
	v55 =	vadd.s32 v3, v54;
	s6 =	simm.s32 $0xA180  }
0x9e9: {  	[tilespmem:s6], [sflag:$0x2] =	stream.indirect_vreg.gather [hbm4b:s10+s3], $0x80, v18, vm0, $0xb8;
	[tilespmem:$0x1E080] =	vst v63  }
0x9ea: {  	v57 =	vperm.xlane v17, v0;
	v18 =	vadd.s32 v3, v56;
	s6 =	simm.s32 $0xA200  }
0x9eb: {  	[tilespmem:s6], [sflag:$0x2] =	stream.indirect_vreg.gather [hbm4b:s10+s3], $0x80, v19, vm0, $0xb8;
	[tilespmem:$0x1E080] =	vst v63  }
0x9ec: {  	v58 =	vperm.xlane v17, v9;
	v19 =	vadd.s32 v3, v57;
	s6 =	simm.s32 $0xA280  }
0x9ed: {  	[tilespmem:s6], [sflag:$0x2] =	stream.indirect_vreg.gather [hbm4b:s10+s3], $0x80, v55, vm0, $0xb8;
	[tilespmem:$0x1E080] =	vst v63  }
0x9ee: {  	v60 =	vperm.xlane v17, v10;
	v59 =	vadd.s32 v3, v58;
	s6 =	simm.s32 $0xA300  }
0x9ef: {  	[tilespmem:s6], [sflag:$0x2] =	stream.indirect_vreg.gather [hbm4b:s10+s3], $0x80, v18, vm0, $0xb8;
	[tilespmem:$0x1E080] =	vst v63  }
0x9f0: {  	v61 =	vperm.xlane v17, v11;
	v18 =	vadd.s32 v3, v60;
	s6 =	simm.s32 $0xA380  }
0x9f1: {  	[tilespmem:s6], [sflag:$0x2] =	stream.indirect_vreg.gather [hbm4b:s10+s3], $0x80, v19, vm0, $0xb8;
	[tilespmem:$0x1E080] =	vst v63  }
0x9f2: {  	v62 =	vperm.xlane v17, v12;
	v19 =	vadd.s32 v3, v61;
	s6 =	simm.s32 $0xA400  }
0x9f3: {  	[tilespmem:s6], [sflag:$0x2] =	stream.indirect_vreg.gather [hbm4b:s10+s3], $0x80, v59, vm0, $0xb8;
	[tilespmem:$0x1E080] =	vst v63  }
0x9f4: {  	v17 =	vperm.xlane v17, v13;
	v63 =	vadd.s32 v3, v62;
	s6 =	simm.s32 $0xA480  }
0x9f5: {  	[tilespmem:s6], [sflag:$0x2] =	stream.indirect_vreg.gather [hbm4b:s10+s3], $0x80, v18, vm0, $0xb8;
	[tilespmem:$0x1E080] =	vst v63  }
0x9f6: {  	v17 =	vadd.s32 v3, v17;
	s6 =	simm.s32 $0xA500  }
0x9f7: {  	[tilespmem:s6], [sflag:$0x2] =	stream.indirect_vreg.gather [hbm4b:s10+s3], $0x80, v19, vm0, $0xb8;
	[tilespmem:$0x1E080] =	vst v63  }
0x9f8: {  	s6 =	simm.s32 $0xA580  }
0x9f9: {  	[tilespmem:s6], [sflag:$0x2] =	stream.indirect_vreg.gather [hbm4b:s10+s3], $0x80, v63, vm0, $0xb8;
	[tilespmem:$0x1E080] =	vst v63  }
0x9fa: {  	s6 =	simm.s32 $0xA600  }
0x9fb: {  	[tilespmem:s6], [sflag:$0x2] =	stream.indirect_vreg.gather [hbm4b:s10+s3], $0x80, v17, vm0, $0xb8;
	[tilespmem:$0x1E080] =	vst v63  }
0x9fc: {  	s4 =	sadd.s32 $0x400, s4;
	_ =	swait.ge [sflag:s12], $0x3E80  }
0x9fd: {  	p3 =	sne.s32 s4, $0x4C00;
	[sflag:s12] =	ssyncset.done $0x0  }
.Ltmp3:
0x9fe: {  	s16 =	sadd.s32 $0x1500, s16;
	[sflag:s12] =	ssyncadd.s32 $0xFFFFC180;
	(pc) =	sbr.rel @p3 .LBB2_4-.Ltmp3, $4  }
0x9ff: {  	[spmem:s2] =	stream.indirect.scatter.add.f32 [tilespmem:s20], [sflag:$0x3], $0x80, s16, s18, $0xb8;
	[tilespmem:$0x1E080] =	vst v63  }
0xa00: {  	_ =	swait.ge [sflag:s17], $0x3E80  }
0xa01: {  	[sflag:s17] =	ssyncset.done $0x0  }
0xa02: {  	s6 =	simm.s32 $0x2880;
	[sflag:s17] =	ssyncadd.s32 $0xFFFFC180  }
0xa03: {  	_ =	swait.ge [sflag:s19], $0x3E80  }
0xa04: {  	s4 =	sshra.s32 s4, $0x2;
	[sflag:s19] =	ssyncset.done $0x0  }
0xa05: {  	s4 =	sadd.s32 $0x1480, s4;
	[sflag:s19] =	ssyncadd.s32 $0xFFFFC180  }
0xa06: {  	[spmem:s2] =	stream.indirect.scatter.add.f32 [tilespmem:s15], [sflag:$0x3], $0x80, s4, s18, $0xb8;
	[tilespmem:$0x1E080] =	vst v63  }
.Ltmp4:
0xa07: {  	_ =	swait.ge [sflag:s17], $0x3E80;
	(pc) =	sbr.rel @!p1 .LBB2_6-.Ltmp4, $4  }
0xa08: {  	[sflag:s17] =	ssyncset.done $0x0  }
0xa09: {  	[sflag:s17] =	ssyncadd.s32 $0xFFFFC180  }
0xa0a: {  	[bflag:$0x0] =	sbarrier.arrive $0xFFFF  }
0xa0b: {  	s16 =	rddreg [dreg:$0x7]  }
0xa0c: {  	s4 =	rddreg [dreg:$0xe]  }
0xa0d: {  	s6 =	rddreg [dreg:$0x10]  }
0xa0e: {  	[hbm:s4], [sflag:s16] =	dma.local [spmem:s6], $0x2700  }
.Ltmp5:
0xa0f: {  	_ = 	snop;
	(pc) =	sbr.rel @p0 .LBB2_9-.Ltmp5, $4  }
.Ltmp6:
0xa10: {  	_ = 	snop;
	(pc) =	sbr.rel @!p0 .LBB2_8-.Ltmp6, $4  }
0xa11: {  	_ =	swait.ge [sflag:s17], $0x2700  }
0xa12: {  	[sflag:s17] =	ssyncset.done $0x0;
	s4 =	rddreg [dreg:$0x6]  }
0xa13: {  	s0 =	rddreg [dreg:$0x12];
	[sflag:s17] =	ssyncadd.s32 $0xFFFFD900  }
0xa14: {  	_ = 	snop  }
.LBB2_6:
0xa15: {  	s4 =	rddreg [dreg:$0xd]  }
0xa16: {  	s6 =	rddreg [dreg:$0x10]  }
0xa17: {  	[hbm:s4], [sflag:s16] =	dma.local [spmem:s6], $0x2700  }
.Ltmp7:
0xa18: {  	_ = 	snop;
	(pc) =	sbr.rel @!p2 .LBB2_9-.Ltmp7, $4  }
.Ltmp8:
0xa19: {  	_ =	swait.ge [sflag:s17], $0x2700;
	(pc) =	sbr.rel @p2 .LBB2_8-.Ltmp8, $4  }
0xa1a: {  	[sflag:s17] =	ssyncset.done $0x0  }
0xa1b: {  	s0 =	rddreg [dreg:$0x12];
	[sflag:s17] =	ssyncadd.s32 $0xFFFFD900  }
0xa1c: {  	s4 =	rddreg [dreg:$0x2]  }
0xa1d: {  	_ = 	snop  }
.LBB2_10:
0xa1e: {  	_ =	sfence.sel $0x180000  }
0xa1f: {  	[bflag:$0x0] =	sbarrier.arrive $0xFFFF  }
0xa20: {  	_ =	strace $0x90000047  }
0xa21: {  	[bflag:$0x2] =	sbarrier.arrive $0xFFFF  }
0xa22: {  	s0 =	rddreg [dreg:$0x4]  }
0xa23: {  	s0 =	sadd.s32 @!p0 $0x100000, s0  }
0xa24: {  	[sflag:s0] =	ssyncadd.tile.s32 @!p0 $0x1;
	_ =	shalt  }
.Lfunc_end2:
_tile_overlayer_lowered:
.L_overlay_start_2:
0xa25: {  	(tag) =	ssettag $0x2  }
0xa26: {  	s0 =	rddreg [dreg:$0x0];
	s2 =	stileid.u32  }
0xa27: {  	s1 =	rddreg [dreg:$0x1];
	p0 =	sne.s32 s2, $0x0  }
0xa28: {  	s3 =	rddreg [dreg:$0x2];
	[bflag:$0x3] =	sbarrier.arrive $0xFFFF;
	s2 =	simm.s32 @!p0 $0x1C03  }
0xa29: {  	[timem:s3], [sflag:s2] =	dma.local @!p0 [hbm:s0], s1  }
0xa2a: {  	s0 =	simm.s32 @!p0 $0x3  }
0xa2b: {  	_ =	swait.ge @!p0 [sflag:s0], s1  }
0xa2c: {  	s1 =	ssub.s32 @!p0 $0x0, s1;
	[sflag:s0] =	ssyncset.done @!p0 $0x0  }
0xa2d: {  	[sflag:s0] =	ssyncadd.s32 @!p0 s1  }
0xa2e: {  	[bflag:$0x3] =	sbarrier.arrive $0xFFFF  }
0xa2f: {  	_ =	shalt  }

</sc_bundles>
